<compile_context>
chip_gen: v7x
topology: tpu7x:2x2x1
jax: 0.10.2.dev20260603
libtpu: 0.0.44.dev20260713+nightly
codegen_flags: <defaults>
</compile_context>

<pallas_src>
import jax
import jax.numpy as jnp
import numpy as np
from jax import lax
from jax.experimental import pallas as pl
from jax.experimental.pallas import tpu as pltpu
from jax.experimental.pallas import tpu_sc as plsc

N = 131072
U = 64
NCORES = 2
NSUB = 16
NWORKERS = NCORES * NSUB
HALF = N // 2
TASKS_PER_WORKER = U * 2 // NWORKERS
ICHUNK = 16384
NICHUNK = N // ICHUNK
_ROWS = 2048
_HALF_U32 = np.uint32(HALF)


def _sc_body(idx_hbm, mt_hbm, dbuf, ibuf0, ibuf1, sems):
    w = lax.axis_index("s") * NCORES + lax.axis_index("c")
    zeros16 = jnp.zeros((16,), jnp.float32)
    ones16 = jnp.full((16,), 1.0, jnp.float32)
    ibufs = [ibuf0, ibuf1]

    def _sub_task(j, half):
        lo = half * HALF

        @plsc.parallel_loop(0, (HALF + 16) // 16, unroll=8)
        def _fill(i):
            dbuf[pl.ds(i * 16, 16)] = ones16

        h = pltpu.async_copy(idx_hbm.at[j, pl.ds(0, ICHUNK)], ibufs[0],
                             sems.at[0])
        handles = [h, None]
        for k in range(NICHUNK):
            if k + 1 < NICHUNK:
                handles[(k + 1) % 2] = pltpu.async_copy(
                    idx_hbm.at[j, pl.ds((k + 1) * ICHUNK, ICHUNK)],
                    ibufs[(k + 1) % 2], sems.at[(k + 1) % 2])
            handles[k % 2].wait()
            ibuf = ibufs[k % 2]

            @plsc.parallel_loop(0, ICHUNK // 16, unroll=8)
            def _scan(i):
                r = ibuf[pl.ds(i * 16, 16)]
                local = plsc.bitcast(r - lo, jnp.uint32)
                a = plsc.bitcast(jnp.minimum(local, _HALF_U32), jnp.int32)
                plsc.store_scatter(dbuf, [a], zeros16)

        pltpu.sync_copy(dbuf.at[pl.ds(0, HALF)], mt_hbm.at[j, pl.ds(lo, HALF)])

    for p in range(TASKS_PER_WORKER):
        t = w * TASKS_PER_WORKER + p
        _sub_task(t // 2, t % 2)


@jax.jit
def _sc_mask(idxt):
    return pl.kernel(
        _sc_body,
        mesh=plsc.VectorSubcoreMesh(core_axis_name="c", subcore_axis_name="s"),
        out_type=jax.ShapeDtypeStruct((U, N), jnp.float32),
        scratch_types=[
            pltpu.VMEM((HALF + 16,), jnp.float32),
            pltpu.VMEM((ICHUNK,), jnp.int32),
            pltpu.VMEM((ICHUNK,), jnp.int32),
            pltpu.SemaphoreType.DMA((2,)),
        ],
        compiler_params=pltpu.CompilerParams(
            needs_layout_passes=False, use_tc_tiling_on_sc=True),
    )(idxt)


def _tc_post_body(d_ref, m1t_ref, m2t_ref, out1_ref):
    d = d_ref[...]
    out1_ref[...] = (d[:, :U] * m1t_ref[...].T
                     + d[:, U:2 * U] * m2t_ref[...].T)


@jax.jit
def _tc_post(deltas, m1t, m2t):
    grid = (N // _ROWS,)
    return pl.pallas_call(
        _tc_post_body,
        grid=grid,
        in_specs=[
            pl.BlockSpec((_ROWS, 3 * U), lambda i: (i, 0)),
            pl.BlockSpec((U, _ROWS), lambda i: (0, i)),
            pl.BlockSpec((U, _ROWS), lambda i: (0, i)),
        ],
        out_specs=pl.BlockSpec((_ROWS, U), lambda i: (i, 0)),
        out_shape=jax.ShapeDtypeStruct((N, U), jnp.float32),
        compiler_params=pltpu.CompilerParams(
            dimension_semantics=("arbitrary",),
        ),
    )(deltas, m1t, m2t)


def kernel(unary, deltas, index1, index2):
    b = lax.slice(deltas, (0, 2 * U), (N, 3 * U))
    i1t = jnp.transpose(index1)
    m1t = _sc_mask(i1t)
    i2t = jnp.transpose(index2)
    m2t = _sc_mask(i2t)
    out1 = _tc_post(deltas, m1t, m2t)
    return (out1, b)

# --- scband reference (transcript-rebuilt; emitter-appended) ---
"""Pipeline reference for scband-group-by-16217796510107 (READ-ONLY COPY).

The authoritative reference and input builder live on the scoring server;
editing this copy changes nothing except your own understanding.
"""

import jax, jax.numpy as jnp
import numpy as np

N_UNARY = 64


def setup_inputs(seed: int = 0) -> dict:
    key = jax.random.key(seed)
    k1, k2, k3, k4 = jax.random.split(key, 4)
    n = 131072
    u = 64
    b = 64
    unary = jax.random.normal(k1, (n, u), dtype=jnp.float32)
    deltas = jax.random.normal(k2, (n, 2 * u + b), dtype=jnp.float32)
    index1 = jax.random.randint(k3, (n, u), 0, n, dtype=jnp.int32)
    index2 = jax.random.randint(k4, (n, u), 0, n, dtype=jnp.int32)
    return {"unary": unary, "deltas": deltas, "index1": index1, "index2": index2}


def _scatter_dim0_set(inp, index, src):
    # torch.scatter(inp, 0, index, src): out[index[i,j], j] = src[i,j]
    cols = jnp.broadcast_to(jnp.arange(inp.shape[1], dtype=index.dtype), index.shape)
    return inp.at[index, cols].set(src)


def reference(unary, deltas, index1, index2):
    n_unary = N_UNARY
    ux = deltas[:, :n_unary]
    uy = deltas[:, n_unary:2 * n_unary]
    b = deltas[:, 2 * n_unary:]
    zeros = jnp.zeros(unary.shape, dtype=unary.dtype)
    out1 = _scatter_dim0_set(ux, index1, zeros) + _scatter_dim0_set(uy, index2, zeros)
    return (out1, b)

if __name__ == "__main__":
    import jax
    _d = setup_inputs()
    print(jax.jit(kernel)(*tuple(_d.values())))

</pallas_src>

<mosaic_0001>
#map = affine_map<(d0, d1) -> (0, 0)>
module attributes {stable_mosaic.version = 14 : i64} {
  func.func @_sc_body(%arg0: i32, %arg1: i32, %arg2: memref<64x131072xi32, #tpu.memory_space<hbm>>, %arg3: memref<64x131072xf32, #tpu.memory_space<hbm>>, %arg4: memref<65552xf32, #tpu.memory_space<vmem>>, %arg5: memref<16384xi32, #tpu.memory_space<vmem>>, %arg6: memref<16384xi32, #tpu.memory_space<vmem>>, %arg7: memref<2x!tpu.dma_semaphore, #tpu.memory_space<semaphore_mem>>) attributes {dimension_semantics = [#tpu.dimension_semantics<core_parallel>, #tpu.dimension_semantics<subcore_parallel>], iteration_bounds = array<i64: 2, 16>, scalar_prefetch = 0 : i64, scratch_operands = 4 : i64, tpu.core_type = #tpu.core_type<sc_vector_subcore>, window_params = [{transform_indices = #map}, {transform_indices = #map}]} {
    %mul3A = arith.constant 2 : i32
    %mul3A_0 = arith.muli %arg1, %mul3A : i32
    %add3A = arith.addi %mul3A_0, %arg0 : i32
    %broadcast_in_dim3A = arith.constant 0.000000e+00 : f32
    %broadcast_in_dim3A_1 = vector.broadcast %broadcast_in_dim3A : f32 to vector<16xf32>
    %broadcast_in_dim3A_2 = arith.constant 1.000000e+00 : f32
    %broadcast_in_dim3A_3 = vector.broadcast %broadcast_in_dim3A_2 : f32 to vector<16xf32>
    %mul3A_4 = arith.constant 4 : i32
    %mul3A_5 = arith.muli %add3A, %mul3A_4 : i32
    %add3A_6 = arith.constant 0 : i32
    %add3A_7 = arith.addi %mul3A_5, %add3A_6 : i32
    %jit3A = arith.constant 2 : i32
    %div3A = arith.divsi %add3A_7, %jit3A : i32
    %sign3A = arith.constant 0 : i32
    %sign3A_8 = arith.cmpi sgt, %add3A_7, %sign3A : i32
    %sign3A_9 = arith.extui %sign3A_8 : i1 to i32
    %sign3A_10 = arith.constant 0 : i32
    %sign3A_11 = arith.cmpi slt, %add3A_7, %sign3A_10 : i32
    %sign3A_12 = arith.extui %sign3A_11 : i1 to i32
    %sign3A_13 = arith.subi %sign3A_9, %sign3A_12 : i32
    %sign3A_14 = arith.constant 0 : i32
    %sign3A_15 = arith.cmpi sgt, %jit3A, %sign3A_14 : i32
    %sign3A_16 = arith.extui %sign3A_15 : i1 to i32
    %sign3A_17 = arith.constant 0 : i32
    %sign3A_18 = arith.cmpi slt, %jit3A, %sign3A_17 : i32
    %sign3A_19 = arith.extui %sign3A_18 : i1 to i32
    %sign3A_20 = arith.subi %sign3A_16, %sign3A_19 : i32
    %ne3A = arith.cmpi ne, %sign3A_13, %sign3A_20 : i32
    %rem3A = arith.remsi %add3A_7, %jit3A : i32
    %ne3A_21 = arith.constant 0 : i32
    %ne3A_22 = arith.cmpi ne, %rem3A, %ne3A_21 : i32
    %and3A = arith.andi %ne3A, %ne3A_22 : i1
    %sub3A = arith.constant 1 : i32
    %sub3A_23 = arith.subi %div3A, %sub3A : i32
    %select_n3A = arith.select %and3A, %sub3A_23, %div3A : i32
    %jit3A_24 = arith.constant 2 : i32
    %eq3A = arith.constant 0 : i32
    %eq3A_25 = arith.cmpi eq, %jit3A_24, %eq3A : i32
    %jit3A_26 = arith.constant 1 : i32
    %select_n3A_27 = arith.select %eq3A_25, %jit3A_26, %jit3A_24 : i32
    %rem3A_28 = arith.remsi %add3A_7, %select_n3A_27 : i32
    %ne3A_29 = arith.constant 0 : i32
    %ne3A_30 = arith.cmpi ne, %rem3A_28, %ne3A_29 : i32
    %lt3A = arith.constant 0 : i32
    %lt3A_31 = arith.cmpi slt, %rem3A_28, %lt3A : i32
    %lt3A_32 = arith.constant 0 : i32
    %lt3A_33 = arith.cmpi slt, %select_n3A_27, %lt3A_32 : i32
    %ne3A_34 = arith.xori %lt3A_31, %lt3A_33 : i1
    %and3A_35 = arith.andi %ne3A_34, %ne3A_30 : i1
    %add3A_36 = arith.addi %rem3A_28, %select_n3A_27 : i32
    %select_n3A_37 = arith.select %and3A_35, %add3A_36, %rem3A_28 : i32
    %mul3A_38 = arith.constant 65536 : i32
    %mul3A_39 = arith.muli %select_n3A_37, %mul3A_38 : i32
    %parallel_loop3A = arith.constant 0 : i32
    %parallel_loop3A_40 = arith.constant 4097 : i32
    %parallel_loop3A_41 = arith.constant 1 : i32
    scf.for %parallel_loop3A_859 = %parallel_loop3A to %parallel_loop3A_40 step %parallel_loop3A_41  : i32 {
      %parallel_loop3A_860 = arith.constant 16 : i32
      %parallel_loop3A_861 = arith.muli %parallel_loop3A_859, %parallel_loop3A_860 : i32
      %parallel_loop3A_862 = arith.index_cast %parallel_loop3A_861 : i32 to index
      %parallel_loop3A_863 = tpu.vector_load %arg4[%parallel_loop3A_862] {strides = array<i32>} : memref<65552xf32, #tpu.memory_space<vmem>>, vector<16xf32>,
      tpu.vector_store %arg4[%parallel_loop3A_862], %broadcast_in_dim3A_3 {strides = array<i32>} : memref<65552xf32, #tpu.memory_space<vmem>>, vector<16xf32>,
    } {sc.loop_unroll_factor = 8 : i64, sc.parallel_access}
    %dma_start3A = arith.constant 0 : i32
    %dma_start3A_42 = arith.constant 0 : i32
    %dma_start3A_43 = tpu.memref_slice %arg2[%select_n3A, %dma_start3A_42] : memref<64x131072xi32, #tpu.memory_space<hbm>> -> memref<1x16384xi32, #tpu.memory_space<hbm>>
    %dma_start3A_44 = tpu.memref_squeeze %dma_start3A_43 : memref<1x16384xi32, #tpu.memory_space<hbm>> -> memref<16384xi32, #tpu.memory_space<hbm>>
    %dma_start3A_45 = tpu.memref_slice %arg7[%dma_start3A] : memref<2x!tpu.dma_semaphore, #tpu.memory_space<semaphore_mem>> -> memref<1x!tpu.dma_semaphore, #tpu.memory_space<semaphore_mem>>
    %dma_start3A_46 = tpu.memref_squeeze %dma_start3A_45 : memref<1x!tpu.dma_semaphore, #tpu.memory_space<semaphore_mem>> -> memref<!tpu.dma_semaphore, #tpu.memory_space<semaphore_mem>>
    %dma_start3A_47 = arith.constant 0 : i32
    %dma_start3A_48 = tpu.memref_slice %arg2[%select_n3A, %dma_start3A_47] : memref<64x131072xi32, #tpu.memory_space<hbm>> -> memref<1x16384xi32, #tpu.memory_space<hbm>>
    %dma_start3A_49 = tpu.memref_squeeze %dma_start3A_48 : memref<1x16384xi32, #tpu.memory_space<hbm>> -> memref<16384xi32, #tpu.memory_space<hbm>>
    tpu.enqueue_dma source(%dma_start3A_49 : memref<16384xi32, #tpu.memory_space<hbm>>) target(%arg5 : memref<16384xi32, #tpu.memory_space<vmem>>) target_semaphore(%dma_start3A_46 : memref<!tpu.dma_semaphore, #tpu.memory_space<semaphore_mem>>)
    %dma_start3A_50 = arith.constant 1 : i32
    %dma_start3A_51 = arith.constant 16384 : i32
    %dma_start3A_52 = tpu.memref_slice %arg2[%select_n3A, %dma_start3A_51] : memref<64x131072xi32, #tpu.memory_space<hbm>> -> memref<1x16384xi32, #tpu.memory_space<hbm>>
    %dma_start3A_53 = tpu.memref_squeeze %dma_start3A_52 : memref<1x16384xi32, #tpu.memory_space<hbm>> -> memref<16384xi32, #tpu.memory_space<hbm>>
    %dma_start3A_54 = tpu.memref_slice %arg7[%dma_start3A_50] : memref<2x!tpu.dma_semaphore, #tpu.memory_space<semaphore_mem>> -> memref<1x!tpu.dma_semaphore, #tpu.memory_space<semaphore_mem>>
    %dma_start3A_55 = tpu.memref_squeeze %dma_start3A_54 : memref<1x!tpu.dma_semaphore, #tpu.memory_space<semaphore_mem>> -> memref<!tpu.dma_semaphore, #tpu.memory_space<semaphore_mem>>
    %dma_start3A_56 = arith.constant 16384 : i32
    %dma_start3A_57 = tpu.memref_slice %arg2[%select_n3A, %dma_start3A_56] : memref<64x131072xi32, #tpu.memory_space<hbm>> -> memref<1x16384xi32, #tpu.memory_space<hbm>>
    %dma_start3A_58 = tpu.memref_squeeze %dma_start3A_57 : memref<1x16384xi32, #tpu.memory_space<hbm>> -> memref<16384xi32, #tpu.memory_space<hbm>>
    tpu.enqueue_dma source(%dma_start3A_58 : memref<16384xi32, #tpu.memory_space<hbm>>) target(%arg6 : memref<16384xi32, #tpu.memory_space<vmem>>) target_semaphore(%dma_start3A_55 : memref<!tpu.dma_semaphore, #tpu.memory_space<semaphore_mem>>)
    %dma_wait3A = arith.constant 0 : i32
    %dma_wait3A_59 = arith.constant 0 : i32
    %dma_wait3A_60 = tpu.memref_slice %arg2[%select_n3A, %dma_wait3A_59] : memref<64x131072xi32, #tpu.memory_space<hbm>> -> memref<1x16384xi32, #tpu.memory_space<hbm>>
    %dma_wait3A_61 = tpu.memref_squeeze %dma_wait3A_60 : memref<1x16384xi32, #tpu.memory_space<hbm>> -> memref<16384xi32, #tpu.memory_space<hbm>>
    %dma_wait3A_62 = tpu.memref_slice %arg7[%dma_wait3A] : memref<2x!tpu.dma_semaphore, #tpu.memory_space<semaphore_mem>> -> memref<1x!tpu.dma_semaphore, #tpu.memory_space<semaphore_mem>>
    %dma_wait3A_63 = tpu.memref_squeeze %dma_wait3A_62 : memref<1x!tpu.dma_semaphore, #tpu.memory_space<semaphore_mem>> -> memref<!tpu.dma_semaphore, #tpu.memory_space<semaphore_mem>>
    %dma_wait3A_64 = arith.constant 0 : i32
    %dma_wait3A_65 = tpu.memref_slice %arg2[%select_n3A, %dma_wait3A_64] : memref<64x131072xi32, #tpu.memory_space<hbm>> -> memref<1x16384xi32, #tpu.memory_space<hbm>>
    %dma_wait3A_66 = tpu.memref_squeeze %dma_wait3A_65 : memref<1x16384xi32, #tpu.memory_space<hbm>> -> memref<16384xi32, #tpu.memory_space<hbm>>
    tpu.wait_dma2 semaphore(%dma_wait3A_63 : memref<!tpu.dma_semaphore, #tpu.memory_space<semaphore_mem>>) src(%dma_wait3A_66 : memref<16384xi32, #tpu.memory_space<hbm>>) dst(%arg5 : memref<16384xi32, #tpu.memory_space<vmem>>)
    %parallel_loop3A_67 = arith.constant 0 : i32
    %parallel_loop3A_68 = arith.constant 1024 : i32
    %parallel_loop3A_69 = arith.constant 1 : i32
    scf.for %parallel_loop3A_859 = %parallel_loop3A_67 to %parallel_loop3A_68 step %parallel_loop3A_69  : i32 {
      %parallel_loop3A_860 = arith.constant 16 : i32
      %parallel_loop3A_861 = arith.muli %parallel_loop3A_859, %parallel_loop3A_860 : i32
      %parallel_loop3A_862 = arith.index_cast %parallel_loop3A_861 : i32 to index
      %parallel_loop3A_863 = tpu.vector_load %arg5[%parallel_loop3A_862] {strides = array<i32>} : memref<16384xi32, #tpu.memory_space<vmem>>, vector<16xi32>,
      %parallel_loop3A_864 = vector.broadcast %mul3A_39 : i32 to vector<16xi32>
      %parallel_loop3A_865 = arith.subi %parallel_loop3A_863, %parallel_loop3A_864 : vector<16xi32>
      %parallel_loop3A_866 = vector.bitcast %parallel_loop3A_865 : vector<16xi32> to vector<16xi32>
      %parallel_loop3A_867 = arith.constant 65536 : i32
      %parallel_loop3A_868 = vector.broadcast %parallel_loop3A_867 : i32 to vector<16xi32>
      %parallel_loop3A_869 = arith.minui %parallel_loop3A_866, %parallel_loop3A_868 : vector<16xi32>
      %parallel_loop3A_870 = vector.bitcast %parallel_loop3A_869 : vector<16xi32> to vector<16xi32>
      tpu.vector_store_idx %arg4[%parallel_loop3A_870], %broadcast_in_dim3A_1 : memref<65552xf32, #tpu.memory_space<vmem>>[vector<16xi32>], vector<16xf32>,
    } {sc.loop_unroll_factor = 8 : i64, sc.parallel_access}
    %dma_start3A_70 = arith.constant 0 : i32
    %dma_start3A_71 = arith.constant 32768 : i32
    %dma_start3A_72 = tpu.memref_slice %arg2[%select_n3A, %dma_start3A_71] : memref<64x131072xi32, #tpu.memory_space<hbm>> -> memref<1x16384xi32, #tpu.memory_space<hbm>>
    %dma_start3A_73 = tpu.memref_squeeze %dma_start3A_72 : memref<1x16384xi32, #tpu.memory_space<hbm>> -> memref<16384xi32, #tpu.memory_space<hbm>>
    %dma_start3A_74 = tpu.memref_slice %arg7[%dma_start3A_70] : memref<2x!tpu.dma_semaphore, #tpu.memory_space<semaphore_mem>> -> memref<1x!tpu.dma_semaphore, #tpu.memory_space<semaphore_mem>>
    %dma_start3A_75 = tpu.memref_squeeze %dma_start3A_74 : memref<1x!tpu.dma_semaphore, #tpu.memory_space<semaphore_mem>> -> memref<!tpu.dma_semaphore, #tpu.memory_space<semaphore_mem>>
    %dma_start3A_76 = arith.constant 32768 : i32
    %dma_start3A_77 = tpu.memref_slice %arg2[%select_n3A, %dma_start3A_76] : memref<64x131072xi32, #tpu.memory_space<hbm>> -> memref<1x16384xi32, #tpu.memory_space<hbm>>
    %dma_start3A_78 = tpu.memref_squeeze %dma_start3A_77 : memref<1x16384xi32, #tpu.memory_space<hbm>> -> memref<16384xi32, #tpu.memory_space<hbm>>
    tpu.enqueue_dma source(%dma_start3A_78 : memref<16384xi32, #tpu.memory_space<hbm>>) target(%arg5 : memref<16384xi32, #tpu.memory_space<vmem>>) target_semaphore(%dma_start3A_75 : memref<!tpu.dma_semaphore, #tpu.memory_space<semaphore_mem>>)
    %dma_wait3A_79 = arith.constant 1 : i32
    %dma_wait3A_80 = arith.constant 16384 : i32
    %dma_wait3A_81 = tpu.memref_slice %arg2[%select_n3A, %dma_wait3A_80] : memref<64x131072xi32, #tpu.memory_space<hbm>> -> memref<1x16384xi32, #tpu.memory_space<hbm>>
    %dma_wait3A_82 = tpu.memref_squeeze %dma_wait3A_81 : memref<1x16384xi32, #tpu.memory_space<hbm>> -> memref<16384xi32, #tpu.memory_space<hbm>>
    %dma_wait3A_83 = tpu.memref_slice %arg7[%dma_wait3A_79] : memref<2x!tpu.dma_semaphore, #tpu.memory_space<semaphore_mem>> -> memref<1x!tpu.dma_semaphore, #tpu.memory_space<semaphore_mem>>
    %dma_wait3A_84 = tpu.memref_squeeze %dma_wait3A_83 : memref<1x!tpu.dma_semaphore, #tpu.memory_space<semaphore_mem>> -> memref<!tpu.dma_semaphore, #tpu.memory_space<semaphore_mem>>
    %dma_wait3A_85 = arith.constant 16384 : i32
    %dma_wait3A_86 = tpu.memref_slice %arg2[%select_n3A, %dma_wait3A_85] : memref<64x131072xi32, #tpu.memory_space<hbm>> -> memref<1x16384xi32, #tpu.memory_space<hbm>>
    %dma_wait3A_87 = tpu.memref_squeeze %dma_wait3A_86 : memref<1x16384xi32, #tpu.memory_space<hbm>> -> memref<16384xi32, #tpu.memory_space<hbm>>
    tpu.wait_dma2 semaphore(%dma_wait3A_84 : memref<!tpu.dma_semaphore, #tpu.memory_space<semaphore_mem>>) src(%dma_wait3A_87 : memref<16384xi32, #tpu.memory_space<hbm>>) dst(%arg6 : memref<16384xi32, #tpu.memory_space<vmem>>)
    %parallel_loop3A_88 = arith.constant 0 : i32
    %parallel_loop3A_89 = arith.constant 1024 : i32
    %parallel_loop3A_90 = arith.constant 1 : i32
    scf.for %parallel_loop3A_859 = %parallel_loop3A_88 to %parallel_loop3A_89 step %parallel_loop3A_90  : i32 {
      %parallel_loop3A_860 = arith.constant 16 : i32
      %parallel_loop3A_861 = arith.muli %parallel_loop3A_859, %parallel_loop3A_860 : i32
      %parallel_loop3A_862 = arith.index_cast %parallel_loop3A_861 : i32 to index
      %parallel_loop3A_863 = tpu.vector_load %arg6[%parallel_loop3A_862] {strides = array<i32>} : memref<16384xi32, #tpu.memory_space<vmem>>, vector<16xi32>,
      %parallel_loop3A_864 = vector.broadcast %mul3A_39 : i32 to vector<16xi32>
      %parallel_loop3A_865 = arith.subi %parallel_loop3A_863, %parallel_loop3A_864 : vector<16xi32>
      %parallel_loop3A_866 = vector.bitcast %parallel_loop3A_865 : vector<16xi32> to vector<16xi32>
      %parallel_loop3A_867 = arith.constant 65536 : i32
      %parallel_loop3A_868 = vector.broadcast %parallel_loop3A_867 : i32 to vector<16xi32>
      %parallel_loop3A_869 = arith.minui %parallel_loop3A_866, %parallel_loop3A_868 : vector<16xi32>
      %parallel_loop3A_870 = vector.bitcast %parallel_loop3A_869 : vector<16xi32> to vector<16xi32>
      tpu.vector_store_idx %arg4[%parallel_loop3A_870], %broadcast_in_dim3A_1 : memref<65552xf32, #tpu.memory_space<vmem>>[vector<16xi32>], vector<16xf32>,
    } {sc.loop_unroll_factor = 8 : i64, sc.parallel_access}
    %dma_start3A_91 = arith.constant 1 : i32
    %dma_start3A_92 = arith.constant 49152 : i32
    %dma_start3A_93 = tpu.memref_slice %arg2[%select_n3A, %dma_start3A_92] : memref<64x131072xi32, #tpu.memory_space<hbm>> -> memref<1x16384xi32, #tpu.memory_space<hbm>>
    %dma_start3A_94 = tpu.memref_squeeze %dma_start3A_93 : memref<1x16384xi32, #tpu.memory_space<hbm>> -> memref<16384xi32, #tpu.memory_space<hbm>>
    %dma_start3A_95 = tpu.memref_slice %arg7[%dma_start3A_91] : memref<2x!tpu.dma_semaphore, #tpu.memory_space<semaphore_mem>> -> memref<1x!tpu.dma_semaphore, #tpu.memory_space<semaphore_mem>>
    %dma_start3A_96 = tpu.memref_squeeze %dma_start3A_95 : memref<1x!tpu.dma_semaphore, #tpu.memory_space<semaphore_mem>> -> memref<!tpu.dma_semaphore, #tpu.memory_space<semaphore_mem>>
    %dma_start3A_97 = arith.constant 49152 : i32
    %dma_start3A_98 = tpu.memref_slice %arg2[%select_n3A, %dma_start3A_97] : memref<64x131072xi32, #tpu.memory_space<hbm>> -> memref<1x16384xi32, #tpu.memory_space<hbm>>
    %dma_start3A_99 = tpu.memref_squeeze %dma_start3A_98 : memref<1x16384xi32, #tpu.memory_space<hbm>> -> memref<16384xi32, #tpu.memory_space<hbm>>
    tpu.enqueue_dma source(%dma_start3A_99 : memref<16384xi32, #tpu.memory_space<hbm>>) target(%arg6 : memref<16384xi32, #tpu.memory_space<vmem>>) target_semaphore(%dma_start3A_96 : memref<!tpu.dma_semaphore, #tpu.memory_space<semaphore_mem>>)
    %dma_wait3A_100 = arith.constant 0 : i32
    %dma_wait3A_101 = arith.constant 32768 : i32
    %dma_wait3A_102 = tpu.memref_slice %arg2[%select_n3A, %dma_wait3A_101] : memref<64x131072xi32, #tpu.memory_space<hbm>> -> memref<1x16384xi32, #tpu.memory_space<hbm>>
    %dma_wait3A_103 = tpu.memref_squeeze %dma_wait3A_102 : memref<1x16384xi32, #tpu.memory_space<hbm>> -> memref<16384xi32, #tpu.memory_space<hbm>>
    %dma_wait3A_104 = tpu.memref_slice %arg7[%dma_wait3A_100] : memref<2x!tpu.dma_semaphore, #tpu.memory_space<semaphore_mem>> -> memref<1x!tpu.dma_semaphore, #tpu.memory_space<semaphore_mem>>
    %dma_wait3A_105 = tpu.memref_squeeze %dma_wait3A_104 : memref<1x!tpu.dma_semaphore, #tpu.memory_space<semaphore_mem>> -> memref<!tpu.dma_semaphore, #tpu.memory_space<semaphore_mem>>
    %dma_wait3A_106 = arith.constant 32768 : i32
    %dma_wait3A_107 = tpu.memref_slice %arg2[%select_n3A, %dma_wait3A_106] : memref<64x131072xi32, #tpu.memory_space<hbm>> -> memref<1x16384xi32, #tpu.memory_space<hbm>>
    %dma_wait3A_108 = tpu.memref_squeeze %dma_wait3A_107 : memref<1x16384xi32, #tpu.memory_space<hbm>> -> memref<16384xi32, #tpu.memory_space<hbm>>
    tpu.wait_dma2 semaphore(%dma_wait3A_105 : memref<!tpu.dma_semaphore, #tpu.memory_space<semaphore_mem>>) src(%dma_wait3A_108 : memref<16384xi32, #tpu.memory_space<hbm>>) dst(%arg5 : memref<16384xi32, #tpu.memory_space<vmem>>)
    %parallel_loop3A_109 = arith.constant 0 : i32
    %parallel_loop3A_110 = arith.constant 1024 : i32
    %parallel_loop3A_111 = arith.constant 1 : i32
    scf.for %parallel_loop3A_859 = %parallel_loop3A_109 to %parallel_loop3A_110 step %parallel_loop3A_111  : i32 {
      %parallel_loop3A_860 = arith.constant 16 : i32
      %parallel_loop3A_861 = arith.muli %parallel_loop3A_859, %parallel_loop3A_860 : i32
      %parallel_loop3A_862 = arith.index_cast %parallel_loop3A_861 : i32 to index
      %parallel_loop3A_863 = tpu.vector_load %arg5[%parallel_loop3A_862] {strides = array<i32>} : memref<16384xi32, #tpu.memory_space<vmem>>, vector<16xi32>,
      %parallel_loop3A_864 = vector.broadcast %mul3A_39 : i32 to vector<16xi32>
      %parallel_loop3A_865 = arith.subi %parallel_loop3A_863, %parallel_loop3A_864 : vector<16xi32>
      %parallel_loop3A_866 = vector.bitcast %parallel_loop3A_865 : vector<16xi32> to vector<16xi32>
      %parallel_loop3A_867 = arith.constant 65536 : i32
      %parallel_loop3A_868 = vector.broadcast %parallel_loop3A_867 : i32 to vector<16xi32>
      %parallel_loop3A_869 = arith.minui %parallel_loop3A_866, %parallel_loop3A_868 : vector<16xi32>
      %parallel_loop3A_870 = vector.bitcast %parallel_loop3A_869 : vector<16xi32> to vector<16xi32>
      tpu.vector_store_idx %arg4[%parallel_loop3A_870], %broadcast_in_dim3A_1 : memref<65552xf32, #tpu.memory_space<vmem>>[vector<16xi32>], vector<16xf32>,
    } {sc.loop_unroll_factor = 8 : i64, sc.parallel_access}
    %dma_start3A_112 = arith.constant 0 : i32
    %dma_start3A_113 = arith.constant 65536 : i32
    %dma_start3A_114 = tpu.memref_slice %arg2[%select_n3A, %dma_start3A_113] : memref<64x131072xi32, #tpu.memory_space<hbm>> -> memref<1x16384xi32, #tpu.memory_space<hbm>>
    %dma_start3A_115 = tpu.memref_squeeze %dma_start3A_114 : memref<1x16384xi32, #tpu.memory_space<hbm>> -> memref<16384xi32, #tpu.memory_space<hbm>>
    %dma_start3A_116 = tpu.memref_slice %arg7[%dma_start3A_112] : memref<2x!tpu.dma_semaphore, #tpu.memory_space<semaphore_mem>> -> memref<1x!tpu.dma_semaphore, #tpu.memory_space<semaphore_mem>>
    %dma_start3A_117 = tpu.memref_squeeze %dma_start3A_116 : memref<1x!tpu.dma_semaphore, #tpu.memory_space<semaphore_mem>> -> memref<!tpu.dma_semaphore, #tpu.memory_space<semaphore_mem>>
    %dma_start3A_118 = arith.constant 65536 : i32
    %dma_start3A_119 = tpu.memref_slice %arg2[%select_n3A, %dma_start3A_118] : memref<64x131072xi32, #tpu.memory_space<hbm>> -> memref<1x16384xi32, #tpu.memory_space<hbm>>
    %dma_start3A_120 = tpu.memref_squeeze %dma_start3A_119 : memref<1x16384xi32, #tpu.memory_space<hbm>> -> memref<16384xi32, #tpu.memory_space<hbm>>
    tpu.enqueue_dma source(%dma_start3A_120 : memref<16384xi32, #tpu.memory_space<hbm>>) target(%arg5 : memref<16384xi32, #tpu.memory_space<vmem>>) target_semaphore(%dma_start3A_117 : memref<!tpu.dma_semaphore, #tpu.memory_space<semaphore_mem>>)
    %dma_wait3A_121 = arith.constant 1 : i32
    %dma_wait3A_122 = arith.constant 49152 : i32
    %dma_wait3A_123 = tpu.memref_slice %arg2[%select_n3A, %dma_wait3A_122] : memref<64x131072xi32, #tpu.memory_space<hbm>> -> memref<1x16384xi32, #tpu.memory_space<hbm>>
    %dma_wait3A_124 = tpu.memref_squeeze %dma_wait3A_123 : memref<1x16384xi32, #tpu.memory_space<hbm>> -> memref<16384xi32, #tpu.memory_space<hbm>>
    %dma_wait3A_125 = tpu.memref_slice %arg7[%dma_wait3A_121] : memref<2x!tpu.dma_semaphore, #tpu.memory_space<semaphore_mem>> -> memref<1x!tpu.dma_semaphore, #tpu.memory_space<semaphore_mem>>
    %dma_wait3A_126 = tpu.memref_squeeze %dma_wait3A_125 : memref<1x!tpu.dma_semaphore, #tpu.memory_space<semaphore_mem>> -> memref<!tpu.dma_semaphore, #tpu.memory_space<semaphore_mem>>
    %dma_wait3A_127 = arith.constant 49152 : i32
    %dma_wait3A_128 = tpu.memref_slice %arg2[%select_n3A, %dma_wait3A_127] : memref<64x131072xi32, #tpu.memory_space<hbm>> -> memref<1x16384xi32, #tpu.memory_space<hbm>>
    %dma_wait3A_129 = tpu.memref_squeeze %dma_wait3A_128 : memref<1x16384xi32, #tpu.memory_space<hbm>> -> memref<16384xi32, #tpu.memory_space<hbm>>
    tpu.wait_dma2 semaphore(%dma_wait3A_126 : memref<!tpu.dma_semaphore, #tpu.memory_space<semaphore_mem>>) src(%dma_wait3A_129 : memref<16384xi32, #tpu.memory_space<hbm>>) dst(%arg6 : memref<16384xi32, #tpu.memory_space<vmem>>)
    %parallel_loop3A_130 = arith.constant 0 : i32
    %parallel_loop3A_131 = arith.constant 1024 : i32
    %parallel_loop3A_132 = arith.constant 1 : i32
    scf.for %parallel_loop3A_859 = %parallel_loop3A_130 to %parallel_loop3A_131 step %parallel_loop3A_132  : i32 {
      %parallel_loop3A_860 = arith.constant 16 : i32
      %parallel_loop3A_861 = arith.muli %parallel_loop3A_859, %parallel_loop3A_860 : i32
      %parallel_loop3A_862 = arith.index_cast %parallel_loop3A_861 : i32 to index
      %parallel_loop3A_863 = tpu.vector_load %arg6[%parallel_loop3A_862] {strides = array<i32>} : memref<16384xi32, #tpu.memory_space<vmem>>, vector<16xi32>,
      %parallel_loop3A_864 = vector.broadcast %mul3A_39 : i32 to vector<16xi32>
      %parallel_loop3A_865 = arith.subi %parallel_loop3A_863, %parallel_loop3A_864 : vector<16xi32>
      %parallel_loop3A_866 = vector.bitcast %parallel_loop3A_865 : vector<16xi32> to vector<16xi32>
      %parallel_loop3A_867 = arith.constant 65536 : i32
      %parallel_loop3A_868 = vector.broadcast %parallel_loop3A_867 : i32 to vector<16xi32>
      %parallel_loop3A_869 = arith.minui %parallel_loop3A_866, %parallel_loop3A_868 : vector<16xi32>
      %parallel_loop3A_870 = vector.bitcast %parallel_loop3A_869 : vector<16xi32> to vector<16xi32>
      tpu.vector_store_idx %arg4[%parallel_loop3A_870], %broadcast_in_dim3A_1 : memref<65552xf32, #tpu.memory_space<vmem>>[vector<16xi32>], vector<16xf32>,
    } {sc.loop_unroll_factor = 8 : i64, sc.parallel_access}
    %dma_start3A_133 = arith.constant 1 : i32
    %dma_start3A_134 = arith.constant 81920 : i32
    %dma_start3A_135 = tpu.memref_slice %arg2[%select_n3A, %dma_start3A_134] : memref<64x131072xi32, #tpu.memory_space<hbm>> -> memref<1x16384xi32, #tpu.memory_space<hbm>>
    %dma_start3A_136 = tpu.memref_squeeze %dma_start3A_135 : memref<1x16384xi32, #tpu.memory_space<hbm>> -> memref<16384xi32, #tpu.memory_space<hbm>>
    %dma_start3A_137 = tpu.memref_slice %arg7[%dma_start3A_133] : memref<2x!tpu.dma_semaphore, #tpu.memory_space<semaphore_mem>> -> memref<1x!tpu.dma_semaphore, #tpu.memory_space<semaphore_mem>>
    %dma_start3A_138 = tpu.memref_squeeze %dma_start3A_137 : memref<1x!tpu.dma_semaphore, #tpu.memory_space<semaphore_mem>> -> memref<!tpu.dma_semaphore, #tpu.memory_space<semaphore_mem>>
    %dma_start3A_139 = arith.constant 81920 : i32
    %dma_start3A_140 = tpu.memref_slice %arg2[%select_n3A, %dma_start3A_139] : memref<64x131072xi32, #tpu.memory_space<hbm>> -> memref<1x16384xi32, #tpu.memory_space<hbm>>
    %dma_start3A_141 = tpu.memref_squeeze %dma_start3A_140 : memref<1x16384xi32, #tpu.memory_space<hbm>> -> memref<16384xi32, #tpu.memory_space<hbm>>
    tpu.enqueue_dma source(%dma_start3A_141 : memref<16384xi32, #tpu.memory_space<hbm>>) target(%arg6 : memref<16384xi32, #tpu.memory_space<vmem>>) target_semaphore(%dma_start3A_138 : memref<!tpu.dma_semaphore, #tpu.memory_space<semaphore_mem>>)
    %dma_wait3A_142 = arith.constant 0 : i32
    %dma_wait3A_143 = arith.constant 65536 : i32
    %dma_wait3A_144 = tpu.memref_slice %arg2[%select_n3A, %dma_wait3A_143] : memref<64x131072xi32, #tpu.memory_space<hbm>> -> memref<1x16384xi32, #tpu.memory_space<hbm>>
    %dma_wait3A_145 = tpu.memref_squeeze %dma_wait3A_144 : memref<1x16384xi32, #tpu.memory_space<hbm>> -> memref<16384xi32, #tpu.memory_space<hbm>>
    %dma_wait3A_146 = tpu.memref_slice %arg7[%dma_wait3A_142] : memref<2x!tpu.dma_semaphore, #tpu.memory_space<semaphore_mem>> -> memref<1x!tpu.dma_semaphore, #tpu.memory_space<semaphore_mem>>
    %dma_wait3A_147 = tpu.memref_squeeze %dma_wait3A_146 : memref<1x!tpu.dma_semaphore, #tpu.memory_space<semaphore_mem>> -> memref<!tpu.dma_semaphore, #tpu.memory_space<semaphore_mem>>
    %dma_wait3A_148 = arith.constant 65536 : i32
    %dma_wait3A_149 = tpu.memref_slice %arg2[%select_n3A, %dma_wait3A_148] : memref<64x131072xi32, #tpu.memory_space<hbm>> -> memref<1x16384xi32, #tpu.memory_space<hbm>>
    %dma_wait3A_150 = tpu.memref_squeeze %dma_wait3A_149 : memref<1x16384xi32, #tpu.memory_space<hbm>> -> memref<16384xi32, #tpu.memory_space<hbm>>
    tpu.wait_dma2 semaphore(%dma_wait3A_147 : memref<!tpu.dma_semaphore, #tpu.memory_space<semaphore_mem>>) src(%dma_wait3A_150 : memref<16384xi32, #tpu.memory_space<hbm>>) dst(%arg5 : memref<16384xi32, #tpu.memory_space<vmem>>)
    %parallel_loop3A_151 = arith.constant 0 : i32
    %parallel_loop3A_152 = arith.constant 1024 : i32
    %parallel_loop3A_153 = arith.constant 1 : i32
    scf.for %parallel_loop3A_859 = %parallel_loop3A_151 to %parallel_loop3A_152 step %parallel_loop3A_153  : i32 {
      %parallel_loop3A_860 = arith.constant 16 : i32
      %parallel_loop3A_861 = arith.muli %parallel_loop3A_859, %parallel_loop3A_860 : i32
      %parallel_loop3A_862 = arith.index_cast %parallel_loop3A_861 : i32 to index
      %parallel_loop3A_863 = tpu.vector_load %arg5[%parallel_loop3A_862] {strides = array<i32>} : memref<16384xi32, #tpu.memory_space<vmem>>, vector<16xi32>,
      %parallel_loop3A_864 = vector.broadcast %mul3A_39 : i32 to vector<16xi32>
      %parallel_loop3A_865 = arith.subi %parallel_loop3A_863, %parallel_loop3A_864 : vector<16xi32>
      %parallel_loop3A_866 = vector.bitcast %parallel_loop3A_865 : vector<16xi32> to vector<16xi32>
      %parallel_loop3A_867 = arith.constant 65536 : i32
      %parallel_loop3A_868 = vector.broadcast %parallel_loop3A_867 : i32 to vector<16xi32>
      %parallel_loop3A_869 = arith.minui %parallel_loop3A_866, %parallel_loop3A_868 : vector<16xi32>
      %parallel_loop3A_870 = vector.bitcast %parallel_loop3A_869 : vector<16xi32> to vector<16xi32>
      tpu.vector_store_idx %arg4[%parallel_loop3A_870], %broadcast_in_dim3A_1 : memref<65552xf32, #tpu.memory_space<vmem>>[vector<16xi32>], vector<16xf32>,
    } {sc.loop_unroll_factor = 8 : i64, sc.parallel_access}
    %dma_start3A_154 = arith.constant 0 : i32
    %dma_start3A_155 = arith.constant 98304 : i32
    %dma_start3A_156 = tpu.memref_slice %arg2[%select_n3A, %dma_start3A_155] : memref<64x131072xi32, #tpu.memory_space<hbm>> -> memref<1x16384xi32, #tpu.memory_space<hbm>>
    %dma_start3A_157 = tpu.memref_squeeze %dma_start3A_156 : memref<1x16384xi32, #tpu.memory_space<hbm>> -> memref<16384xi32, #tpu.memory_space<hbm>>
    %dma_start3A_158 = tpu.memref_slice %arg7[%dma_start3A_154] : memref<2x!tpu.dma_semaphore, #tpu.memory_space<semaphore_mem>> -> memref<1x!tpu.dma_semaphore, #tpu.memory_space<semaphore_mem>>
    %dma_start3A_159 = tpu.memref_squeeze %dma_start3A_158 : memref<1x!tpu.dma_semaphore, #tpu.memory_space<semaphore_mem>> -> memref<!tpu.dma_semaphore, #tpu.memory_space<semaphore_mem>>
    %dma_start3A_160 = arith.constant 98304 : i32
    %dma_start3A_161 = tpu.memref_slice %arg2[%select_n3A, %dma_start3A_160] : memref<64x131072xi32, #tpu.memory_space<hbm>> -> memref<1x16384xi32, #tpu.memory_space<hbm>>
    %dma_start3A_162 = tpu.memref_squeeze %dma_start3A_161 : memref<1x16384xi32, #tpu.memory_space<hbm>> -> memref<16384xi32, #tpu.memory_space<hbm>>
    tpu.enqueue_dma source(%dma_start3A_162 : memref<16384xi32, #tpu.memory_space<hbm>>) target(%arg5 : memref<16384xi32, #tpu.memory_space<vmem>>) target_semaphore(%dma_start3A_159 : memref<!tpu.dma_semaphore, #tpu.memory_space<semaphore_mem>>)
    %dma_wait3A_163 = arith.constant 1 : i32
    %dma_wait3A_164 = arith.constant 81920 : i32
    %dma_wait3A_165 = tpu.memref_slice %arg2[%select_n3A, %dma_wait3A_164] : memref<64x131072xi32, #tpu.memory_space<hbm>> -> memref<1x16384xi32, #tpu.memory_space<hbm>>
    %dma_wait3A_166 = tpu.memref_squeeze %dma_wait3A_165 : memref<1x16384xi32, #tpu.memory_space<hbm>> -> memref<16384xi32, #tpu.memory_space<hbm>>
    %dma_wait3A_167 = tpu.memref_slice %arg7[%dma_wait3A_163] : memref<2x!tpu.dma_semaphore, #tpu.memory_space<semaphore_mem>> -> memref<1x!tpu.dma_semaphore, #tpu.memory_space<semaphore_mem>>
    %dma_wait3A_168 = tpu.memref_squeeze %dma_wait3A_167 : memref<1x!tpu.dma_semaphore, #tpu.memory_space<semaphore_mem>> -> memref<!tpu.dma_semaphore, #tpu.memory_space<semaphore_mem>>
    %dma_wait3A_169 = arith.constant 81920 : i32
    %dma_wait3A_170 = tpu.memref_slice %arg2[%select_n3A, %dma_wait3A_169] : memref<64x131072xi32, #tpu.memory_space<hbm>> -> memref<1x16384xi32, #tpu.memory_space<hbm>>
    %dma_wait3A_171 = tpu.memref_squeeze %dma_wait3A_170 : memref<1x16384xi32, #tpu.memory_space<hbm>> -> memref<16384xi32, #tpu.memory_space<hbm>>
    tpu.wait_dma2 semaphore(%dma_wait3A_168 : memref<!tpu.dma_semaphore, #tpu.memory_space<semaphore_mem>>) src(%dma_wait3A_171 : memref<16384xi32, #tpu.memory_space<hbm>>) dst(%arg6 : memref<16384xi32, #tpu.memory_space<vmem>>)
    %parallel_loop3A_172 = arith.constant 0 : i32
    %parallel_loop3A_173 = arith.constant 1024 : i32
    %parallel_loop3A_174 = arith.constant 1 : i32
    scf.for %parallel_loop3A_859 = %parallel_loop3A_172 to %parallel_loop3A_173 step %parallel_loop3A_174  : i32 {
      %parallel_loop3A_860 = arith.constant 16 : i32
      %parallel_loop3A_861 = arith.muli %parallel_loop3A_859, %parallel_loop3A_860 : i32
      %parallel_loop3A_862 = arith.index_cast %parallel_loop3A_861 : i32 to index
      %parallel_loop3A_863 = tpu.vector_load %arg6[%parallel_loop3A_862] {strides = array<i32>} : memref<16384xi32, #tpu.memory_space<vmem>>, vector<16xi32>,
      %parallel_loop3A_864 = vector.broadcast %mul3A_39 : i32 to vector<16xi32>
      %parallel_loop3A_865 = arith.subi %parallel_loop3A_863, %parallel_loop3A_864 : vector<16xi32>
      %parallel_loop3A_866 = vector.bitcast %parallel_loop3A_865 : vector<16xi32> to vector<16xi32>
      %parallel_loop3A_867 = arith.constant 65536 : i32
      %parallel_loop3A_868 = vector.broadcast %parallel_loop3A_867 : i32 to vector<16xi32>
      %parallel_loop3A_869 = arith.minui %parallel_loop3A_866, %parallel_loop3A_868 : vector<16xi32>
      %parallel_loop3A_870 = vector.bitcast %parallel_loop3A_869 : vector<16xi32> to vector<16xi32>
      tpu.vector_store_idx %arg4[%parallel_loop3A_870], %broadcast_in_dim3A_1 : memref<65552xf32, #tpu.memory_space<vmem>>[vector<16xi32>], vector<16xf32>,
    } {sc.loop_unroll_factor = 8 : i64, sc.parallel_access}
    %dma_start3A_175 = arith.constant 1 : i32
    %dma_start3A_176 = arith.constant 114688 : i32
    %dma_start3A_177 = tpu.memref_slice %arg2[%select_n3A, %dma_start3A_176] : memref<64x131072xi32, #tpu.memory_space<hbm>> -> memref<1x16384xi32, #tpu.memory_space<hbm>>
    %dma_start3A_178 = tpu.memref_squeeze %dma_start3A_177 : memref<1x16384xi32, #tpu.memory_space<hbm>> -> memref<16384xi32, #tpu.memory_space<hbm>>
    %dma_start3A_179 = tpu.memref_slice %arg7[%dma_start3A_175] : memref<2x!tpu.dma_semaphore, #tpu.memory_space<semaphore_mem>> -> memref<1x!tpu.dma_semaphore, #tpu.memory_space<semaphore_mem>>
    %dma_start3A_180 = tpu.memref_squeeze %dma_start3A_179 : memref<1x!tpu.dma_semaphore, #tpu.memory_space<semaphore_mem>> -> memref<!tpu.dma_semaphore, #tpu.memory_space<semaphore_mem>>
    %dma_start3A_181 = arith.constant 114688 : i32
    %dma_start3A_182 = tpu.memref_slice %arg2[%select_n3A, %dma_start3A_181] : memref<64x131072xi32, #tpu.memory_space<hbm>> -> memref<1x16384xi32, #tpu.memory_space<hbm>>
    %dma_start3A_183 = tpu.memref_squeeze %dma_start3A_182 : memref<1x16384xi32, #tpu.memory_space<hbm>> -> memref<16384xi32, #tpu.memory_space<hbm>>
    tpu.enqueue_dma source(%dma_start3A_183 : memref<16384xi32, #tpu.memory_space<hbm>>) target(%arg6 : memref<16384xi32, #tpu.memory_space<vmem>>) target_semaphore(%dma_start3A_180 : memref<!tpu.dma_semaphore, #tpu.memory_space<semaphore_mem>>)
    %dma_wait3A_184 = arith.constant 0 : i32
    %dma_wait3A_185 = arith.constant 98304 : i32
    %dma_wait3A_186 = tpu.memref_slice %arg2[%select_n3A, %dma_wait3A_185] : memref<64x131072xi32, #tpu.memory_space<hbm>> -> memref<1x16384xi32, #tpu.memory_space<hbm>>
    %dma_wait3A_187 = tpu.memref_squeeze %dma_wait3A_186 : memref<1x16384xi32, #tpu.memory_space<hbm>> -> memref<16384xi32, #tpu.memory_space<hbm>>
    %dma_wait3A_188 = tpu.memref_slice %arg7[%dma_wait3A_184] : memref<2x!tpu.dma_semaphore, #tpu.memory_space<semaphore_mem>> -> memref<1x!tpu.dma_semaphore, #tpu.memory_space<semaphore_mem>>
    %dma_wait3A_189 = tpu.memref_squeeze %dma_wait3A_188 : memref<1x!tpu.dma_semaphore, #tpu.memory_space<semaphore_mem>> -> memref<!tpu.dma_semaphore, #tpu.memory_space<semaphore_mem>>
    %dma_wait3A_190 = arith.constant 98304 : i32
    %dma_wait3A_191 = tpu.memref_slice %arg2[%select_n3A, %dma_wait3A_190] : memref<64x131072xi32, #tpu.memory_space<hbm>> -> memref<1x16384xi32, #tpu.memory_space<hbm>>
    %dma_wait3A_192 = tpu.memref_squeeze %dma_wait3A_191 : memref<1x16384xi32, #tpu.memory_space<hbm>> -> memref<16384xi32, #tpu.memory_space<hbm>>
    tpu.wait_dma2 semaphore(%dma_wait3A_189 : memref<!tpu.dma_semaphore, #tpu.memory_space<semaphore_mem>>) src(%dma_wait3A_192 : memref<16384xi32, #tpu.memory_space<hbm>>) dst(%arg5 : memref<16384xi32, #tpu.memory_space<vmem>>)
    %parallel_loop3A_193 = arith.constant 0 : i32
    %parallel_loop3A_194 = arith.constant 1024 : i32
    %parallel_loop3A_195 = arith.constant 1 : i32
    scf.for %parallel_loop3A_859 = %parallel_loop3A_193 to %parallel_loop3A_194 step %parallel_loop3A_195  : i32 {
      %parallel_loop3A_860 = arith.constant 16 : i32
      %parallel_loop3A_861 = arith.muli %parallel_loop3A_859, %parallel_loop3A_860 : i32
      %parallel_loop3A_862 = arith.index_cast %parallel_loop3A_861 : i32 to index
      %parallel_loop3A_863 = tpu.vector_load %arg5[%parallel_loop3A_862] {strides = array<i32>} : memref<16384xi32, #tpu.memory_space<vmem>>, vector<16xi32>,
      %parallel_loop3A_864 = vector.broadcast %mul3A_39 : i32 to vector<16xi32>
      %parallel_loop3A_865 = arith.subi %parallel_loop3A_863, %parallel_loop3A_864 : vector<16xi32>
      %parallel_loop3A_866 = vector.bitcast %parallel_loop3A_865 : vector<16xi32> to vector<16xi32>
      %parallel_loop3A_867 = arith.constant 65536 : i32
      %parallel_loop3A_868 = vector.broadcast %parallel_loop3A_867 : i32 to vector<16xi32>
      %parallel_loop3A_869 = arith.minui %parallel_loop3A_866, %parallel_loop3A_868 : vector<16xi32>
      %parallel_loop3A_870 = vector.bitcast %parallel_loop3A_869 : vector<16xi32> to vector<16xi32>
      tpu.vector_store_idx %arg4[%parallel_loop3A_870], %broadcast_in_dim3A_1 : memref<65552xf32, #tpu.memory_space<vmem>>[vector<16xi32>], vector<16xf32>,
    } {sc.loop_unroll_factor = 8 : i64, sc.parallel_access}
    %dma_wait3A_196 = arith.constant 1 : i32
    %dma_wait3A_197 = arith.constant 114688 : i32
    %dma_wait3A_198 = tpu.memref_slice %arg2[%select_n3A, %dma_wait3A_197] : memref<64x131072xi32, #tpu.memory_space<hbm>> -> memref<1x16384xi32, #tpu.memory_space<hbm>>
    %dma_wait3A_199 = tpu.memref_squeeze %dma_wait3A_198 : memref<1x16384xi32, #tpu.memory_space<hbm>> -> memref<16384xi32, #tpu.memory_space<hbm>>
    %dma_wait3A_200 = tpu.memref_slice %arg7[%dma_wait3A_196] : memref<2x!tpu.dma_semaphore, #tpu.memory_space<semaphore_mem>> -> memref<1x!tpu.dma_semaphore, #tpu.memory_space<semaphore_mem>>
    %dma_wait3A_201 = tpu.memref_squeeze %dma_wait3A_200 : memref<1x!tpu.dma_semaphore, #tpu.memory_space<semaphore_mem>> -> memref<!tpu.dma_semaphore, #tpu.memory_space<semaphore_mem>>
    %dma_wait3A_202 = arith.constant 114688 : i32
    %dma_wait3A_203 = tpu.memref_slice %arg2[%select_n3A, %dma_wait3A_202] : memref<64x131072xi32, #tpu.memory_space<hbm>> -> memref<1x16384xi32, #tpu.memory_space<hbm>>
    %dma_wait3A_204 = tpu.memref_squeeze %dma_wait3A_203 : memref<1x16384xi32, #tpu.memory_space<hbm>> -> memref<16384xi32, #tpu.memory_space<hbm>>
    tpu.wait_dma2 semaphore(%dma_wait3A_201 : memref<!tpu.dma_semaphore, #tpu.memory_space<semaphore_mem>>) src(%dma_wait3A_204 : memref<16384xi32, #tpu.memory_space<hbm>>) dst(%arg6 : memref<16384xi32, #tpu.memory_space<vmem>>)
    %parallel_loop3A_205 = arith.constant 0 : i32
    %parallel_loop3A_206 = arith.constant 1024 : i32
    %parallel_loop3A_207 = arith.constant 1 : i32
    scf.for %parallel_loop3A_859 = %parallel_loop3A_205 to %parallel_loop3A_206 step %parallel_loop3A_207  : i32 {
      %parallel_loop3A_860 = arith.constant 16 : i32
      %parallel_loop3A_861 = arith.muli %parallel_loop3A_859, %parallel_loop3A_860 : i32
      %parallel_loop3A_862 = arith.index_cast %parallel_loop3A_861 : i32 to index
      %parallel_loop3A_863 = tpu.vector_load %arg6[%parallel_loop3A_862] {strides = array<i32>} : memref<16384xi32, #tpu.memory_space<vmem>>, vector<16xi32>,
      %parallel_loop3A_864 = vector.broadcast %mul3A_39 : i32 to vector<16xi32>
      %parallel_loop3A_865 = arith.subi %parallel_loop3A_863, %parallel_loop3A_864 : vector<16xi32>
      %parallel_loop3A_866 = vector.bitcast %parallel_loop3A_865 : vector<16xi32> to vector<16xi32>
      %parallel_loop3A_867 = arith.constant 65536 : i32
      %parallel_loop3A_868 = vector.broadcast %parallel_loop3A_867 : i32 to vector<16xi32>
      %parallel_loop3A_869 = arith.minui %parallel_loop3A_866, %parallel_loop3A_868 : vector<16xi32>
      %parallel_loop3A_870 = vector.bitcast %parallel_loop3A_869 : vector<16xi32> to vector<16xi32>
      tpu.vector_store_idx %arg4[%parallel_loop3A_870], %broadcast_in_dim3A_1 : memref<65552xf32, #tpu.memory_space<vmem>>[vector<16xi32>], vector<16xf32>,
    } {sc.loop_unroll_factor = 8 : i64, sc.parallel_access}
    "tpu.region"() ({
      %run_scoped3A = tpu.sem_alloc : memref<!tpu.dma_semaphore, #tpu.memory_space<semaphore_mem>>
      %dma_start3A_859 = arith.constant 0 : i32
      %dma_start3A_860 = tpu.memref_slice %arg4[%dma_start3A_859] : memref<65552xf32, #tpu.memory_space<vmem>> -> memref<65536xf32, #tpu.memory_space<vmem>>
      %dma_start3A_861 = tpu.memref_slice %arg3[%select_n3A, %mul3A_39] : memref<64x131072xf32, #tpu.memory_space<hbm>> -> memref<1x65536xf32, #tpu.memory_space<hbm>>
      %dma_start3A_862 = tpu.memref_squeeze %dma_start3A_861 : memref<1x65536xf32, #tpu.memory_space<hbm>> -> memref<65536xf32, #tpu.memory_space<hbm>>
      %dma_start3A_863 = tpu.memref_slice %arg3[%select_n3A, %mul3A_39] : memref<64x131072xf32, #tpu.memory_space<hbm>> -> memref<1x65536xf32, #tpu.memory_space<hbm>>
      %dma_start3A_864 = tpu.memref_squeeze %dma_start3A_863 : memref<1x65536xf32, #tpu.memory_space<hbm>> -> memref<65536xf32, #tpu.memory_space<hbm>>
      %dma_start3A_865 = arith.constant 0 : i32
      %dma_start3A_866 = tpu.memref_slice %arg4[%dma_start3A_865] : memref<65552xf32, #tpu.memory_space<vmem>> -> memref<65536xf32, #tpu.memory_space<vmem>>
      tpu.enqueue_dma source(%dma_start3A_866 : memref<65536xf32, #tpu.memory_space<vmem>>) target(%dma_start3A_864 : memref<65536xf32, #tpu.memory_space<hbm>>) target_semaphore(%run_scoped3A : memref<!tpu.dma_semaphore, #tpu.memory_space<semaphore_mem>>)
      %dma_wait3A_867 = arith.constant 0 : i32
      %dma_wait3A_868 = tpu.memref_slice %arg4[%dma_wait3A_867] : memref<65552xf32, #tpu.memory_space<vmem>> -> memref<65536xf32, #tpu.memory_space<vmem>>
      %dma_wait3A_869 = tpu.memref_slice %arg3[%select_n3A, %mul3A_39] : memref<64x131072xf32, #tpu.memory_space<hbm>> -> memref<1x65536xf32, #tpu.memory_space<hbm>>
      %dma_wait3A_870 = tpu.memref_squeeze %dma_wait3A_869 : memref<1x65536xf32, #tpu.memory_space<hbm>> -> memref<65536xf32, #tpu.memory_space<hbm>>
      %dma_wait3A_871 = tpu.memref_slice %arg3[%select_n3A, %mul3A_39] : memref<64x131072xf32, #tpu.memory_space<hbm>> -> memref<1x65536xf32, #tpu.memory_space<hbm>>
      %dma_wait3A_872 = tpu.memref_squeeze %dma_wait3A_871 : memref<1x65536xf32, #tpu.memory_space<hbm>> -> memref<65536xf32, #tpu.memory_space<hbm>>
      %dma_wait3A_873 = arith.constant 0 : i32
      %dma_wait3A_874 = tpu.memref_slice %arg4[%dma_wait3A_873] : memref<65552xf32, #tpu.memory_space<vmem>> -> memref<65536xf32, #tpu.memory_space<vmem>>
      tpu.wait_dma2 semaphore(%run_scoped3A : memref<!tpu.dma_semaphore, #tpu.memory_space<semaphore_mem>>) src(%dma_wait3A_874 : memref<65536xf32, #tpu.memory_space<vmem>>) dst(%dma_wait3A_872 : memref<65536xf32, #tpu.memory_space<hbm>>)
      tpu.yield
    }) : () -> ()
    %mul3A_208 = arith.constant 4 : i32
    %mul3A_209 = arith.muli %add3A, %mul3A_208 : i32
    %add3A_210 = arith.constant 1 : i32
    %add3A_211 = arith.addi %mul3A_209, %add3A_210 : i32
    %jit3A_212 = arith.constant 2 : i32
    %div3A_213 = arith.divsi %add3A_211, %jit3A_212 : i32
    %sign3A_214 = arith.constant 0 : i32
    %sign3A_215 = arith.cmpi sgt, %add3A_211, %sign3A_214 : i32
    %sign3A_216 = arith.extui %sign3A_215 : i1 to i32
    %sign3A_217 = arith.constant 0 : i32
    %sign3A_218 = arith.cmpi slt, %add3A_211, %sign3A_217 : i32
    %sign3A_219 = arith.extui %sign3A_218 : i1 to i32
    %sign3A_220 = arith.subi %sign3A_216, %sign3A_219 : i32
    %sign3A_221 = arith.constant 0 : i32
    %sign3A_222 = arith.cmpi sgt, %jit3A_212, %sign3A_221 : i32
    %sign3A_223 = arith.extui %sign3A_222 : i1 to i32
    %sign3A_224 = arith.constant 0 : i32
    %sign3A_225 = arith.cmpi slt, %jit3A_212, %sign3A_224 : i32
    %sign3A_226 = arith.extui %sign3A_225 : i1 to i32
    %sign3A_227 = arith.subi %sign3A_223, %sign3A_226 : i32
    %ne3A_228 = arith.cmpi ne, %sign3A_220, %sign3A_227 : i32
    %rem3A_229 = arith.remsi %add3A_211, %jit3A_212 : i32
    %ne3A_230 = arith.constant 0 : i32
    %ne3A_231 = arith.cmpi ne, %rem3A_229, %ne3A_230 : i32
    %and3A_232 = arith.andi %ne3A_228, %ne3A_231 : i1
    %sub3A_233 = arith.constant 1 : i32
    %sub3A_234 = arith.subi %div3A_213, %sub3A_233 : i32
    %select_n3A_235 = arith.select %and3A_232, %sub3A_234, %div3A_213 : i32
    %jit3A_236 = arith.constant 2 : i32
    %eq3A_237 = arith.constant 0 : i32
    %eq3A_238 = arith.cmpi eq, %jit3A_236, %eq3A_237 : i32
    %jit3A_239 = arith.constant 1 : i32
    %select_n3A_240 = arith.select %eq3A_238, %jit3A_239, %jit3A_236 : i32
    %rem3A_241 = arith.remsi %add3A_211, %select_n3A_240 : i32
    %ne3A_242 = arith.constant 0 : i32
    %ne3A_243 = arith.cmpi ne, %rem3A_241, %ne3A_242 : i32
    %lt3A_244 = arith.constant 0 : i32
    %lt3A_245 = arith.cmpi slt, %rem3A_241, %lt3A_244 : i32
    %lt3A_246 = arith.constant 0 : i32
    %lt3A_247 = arith.cmpi slt, %select_n3A_240, %lt3A_246 : i32
    %ne3A_248 = arith.xori %lt3A_245, %lt3A_247 : i1
    %and3A_249 = arith.andi %ne3A_248, %ne3A_243 : i1
    %add3A_250 = arith.addi %rem3A_241, %select_n3A_240 : i32
    %select_n3A_251 = arith.select %and3A_249, %add3A_250, %rem3A_241 : i32
    %mul3A_252 = arith.constant 65536 : i32
    %mul3A_253 = arith.muli %select_n3A_251, %mul3A_252 : i32
    %parallel_loop3A_254 = arith.constant 0 : i32
    %parallel_loop3A_255 = arith.constant 4097 : i32
    %parallel_loop3A_256 = arith.constant 1 : i32
    scf.for %parallel_loop3A_859 = %parallel_loop3A_254 to %parallel_loop3A_255 step %parallel_loop3A_256  : i32 {
      %parallel_loop3A_860 = arith.constant 16 : i32
      %parallel_loop3A_861 = arith.muli %parallel_loop3A_859, %parallel_loop3A_860 : i32
      %parallel_loop3A_862 = arith.index_cast %parallel_loop3A_861 : i32 to index
      %parallel_loop3A_863 = tpu.vector_load %arg4[%parallel_loop3A_862] {strides = array<i32>} : memref<65552xf32, #tpu.memory_space<vmem>>, vector<16xf32>,
      tpu.vector_store %arg4[%parallel_loop3A_862], %broadcast_in_dim3A_3 {strides = array<i32>} : memref<65552xf32, #tpu.memory_space<vmem>>, vector<16xf32>,
    } {sc.loop_unroll_factor = 8 : i64, sc.parallel_access}
    %dma_start3A_257 = arith.constant 0 : i32
    %dma_start3A_258 = arith.constant 0 : i32
    %dma_start3A_259 = tpu.memref_slice %arg2[%select_n3A_235, %dma_start3A_258] : memref<64x131072xi32, #tpu.memory_space<hbm>> -> memref<1x16384xi32, #tpu.memory_space<hbm>>
    %dma_start3A_260 = tpu.memref_squeeze %dma_start3A_259 : memref<1x16384xi32, #tpu.memory_space<hbm>> -> memref<16384xi32, #tpu.memory_space<hbm>>
    %dma_start3A_261 = tpu.memref_slice %arg7[%dma_start3A_257] : memref<2x!tpu.dma_semaphore, #tpu.memory_space<semaphore_mem>> -> memref<1x!tpu.dma_semaphore, #tpu.memory_space<semaphore_mem>>
    %dma_start3A_262 = tpu.memref_squeeze %dma_start3A_261 : memref<1x!tpu.dma_semaphore, #tpu.memory_space<semaphore_mem>> -> memref<!tpu.dma_semaphore, #tpu.memory_space<semaphore_mem>>
    %dma_start3A_263 = arith.constant 0 : i32
    %dma_start3A_264 = tpu.memref_slice %arg2[%select_n3A_235, %dma_start3A_263] : memref<64x131072xi32, #tpu.memory_space<hbm>> -> memref<1x16384xi32, #tpu.memory_space<hbm>>
    %dma_start3A_265 = tpu.memref_squeeze %dma_start3A_264 : memref<1x16384xi32, #tpu.memory_space<hbm>> -> memref<16384xi32, #tpu.memory_space<hbm>>
    tpu.enqueue_dma source(%dma_start3A_265 : memref<16384xi32, #tpu.memory_space<hbm>>) target(%arg5 : memref<16384xi32, #tpu.memory_space<vmem>>) target_semaphore(%dma_start3A_262 : memref<!tpu.dma_semaphore, #tpu.memory_space<semaphore_mem>>)
    %dma_start3A_266 = arith.constant 1 : i32
    %dma_start3A_267 = arith.constant 16384 : i32
    %dma_start3A_268 = tpu.memref_slice %arg2[%select_n3A_235, %dma_start3A_267] : memref<64x131072xi32, #tpu.memory_space<hbm>> -> memref<1x16384xi32, #tpu.memory_space<hbm>>
    %dma_start3A_269 = tpu.memref_squeeze %dma_start3A_268 : memref<1x16384xi32, #tpu.memory_space<hbm>> -> memref<16384xi32, #tpu.memory_space<hbm>>
    %dma_start3A_270 = tpu.memref_slice %arg7[%dma_start3A_266] : memref<2x!tpu.dma_semaphore, #tpu.memory_space<semaphore_mem>> -> memref<1x!tpu.dma_semaphore, #tpu.memory_space<semaphore_mem>>
    %dma_start3A_271 = tpu.memref_squeeze %dma_start3A_270 : memref<1x!tpu.dma_semaphore, #tpu.memory_space<semaphore_mem>> -> memref<!tpu.dma_semaphore, #tpu.memory_space<semaphore_mem>>
    %dma_start3A_272 = arith.constant 16384 : i32
    %dma_start3A_273 = tpu.memref_slice %arg2[%select_n3A_235, %dma_start3A_272] : memref<64x131072xi32, #tpu.memory_space<hbm>> -> memref<1x16384xi32, #tpu.memory_space<hbm>>
    %dma_start3A_274 = tpu.memref_squeeze %dma_start3A_273 : memref<1x16384xi32, #tpu.memory_space<hbm>> -> memref<16384xi32, #tpu.memory_space<hbm>>
    tpu.enqueue_dma source(%dma_start3A_274 : memref<16384xi32, #tpu.memory_space<hbm>>) target(%arg6 : memref<16384xi32, #tpu.memory_space<vmem>>) target_semaphore(%dma_start3A_271 : memref<!tpu.dma_semaphore, #tpu.memory_space<semaphore_mem>>)
    %dma_wait3A_275 = arith.constant 0 : i32
    %dma_wait3A_276 = arith.constant 0 : i32
    %dma_wait3A_277 = tpu.memref_slice %arg2[%select_n3A_235, %dma_wait3A_276] : memref<64x131072xi32, #tpu.memory_space<hbm>> -> memref<1x16384xi32, #tpu.memory_space<hbm>>
    %dma_wait3A_278 = tpu.memref_squeeze %dma_wait3A_277 : memref<1x16384xi32, #tpu.memory_space<hbm>> -> memref<16384xi32, #tpu.memory_space<hbm>>
    %dma_wait3A_279 = tpu.memref_slice %arg7[%dma_wait3A_275] : memref<2x!tpu.dma_semaphore, #tpu.memory_space<semaphore_mem>> -> memref<1x!tpu.dma_semaphore, #tpu.memory_space<semaphore_mem>>
    %dma_wait3A_280 = tpu.memref_squeeze %dma_wait3A_279 : memref<1x!tpu.dma_semaphore, #tpu.memory_space<semaphore_mem>> -> memref<!tpu.dma_semaphore, #tpu.memory_space<semaphore_mem>>
    %dma_wait3A_281 = arith.constant 0 : i32
    %dma_wait3A_282 = tpu.memref_slice %arg2[%select_n3A_235, %dma_wait3A_281] : memref<64x131072xi32, #tpu.memory_space<hbm>> -> memref<1x16384xi32, #tpu.memory_space<hbm>>
    %dma_wait3A_283 = tpu.memref_squeeze %dma_wait3A_282 : memref<1x16384xi32, #tpu.memory_space<hbm>> -> memref<16384xi32, #tpu.memory_space<hbm>>
    tpu.wait_dma2 semaphore(%dma_wait3A_280 : memref<!tpu.dma_semaphore, #tpu.memory_space<semaphore_mem>>) src(%dma_wait3A_283 : memref<16384xi32, #tpu.memory_space<hbm>>) dst(%arg5 : memref<16384xi32, #tpu.memory_space<vmem>>)
    %parallel_loop3A_284 = arith.constant 0 : i32
    %parallel_loop3A_285 = arith.constant 1024 : i32
    %parallel_loop3A_286 = arith.constant 1 : i32
    scf.for %parallel_loop3A_859 = %parallel_loop3A_284 to %parallel_loop3A_285 step %parallel_loop3A_286  : i32 {
      %parallel_loop3A_860 = arith.constant 16 : i32
      %parallel_loop3A_861 = arith.muli %parallel_loop3A_859, %parallel_loop3A_860 : i32
      %parallel_loop3A_862 = arith.index_cast %parallel_loop3A_861 : i32 to index
      %parallel_loop3A_863 = tpu.vector_load %arg5[%parallel_loop3A_862] {strides = array<i32>} : memref<16384xi32, #tpu.memory_space<vmem>>, vector<16xi32>,
      %parallel_loop3A_864 = vector.broadcast %mul3A_253 : i32 to vector<16xi32>
      %parallel_loop3A_865 = arith.subi %parallel_loop3A_863, %parallel_loop3A_864 : vector<16xi32>
      %parallel_loop3A_866 = vector.bitcast %parallel_loop3A_865 : vector<16xi32> to vector<16xi32>
      %parallel_loop3A_867 = arith.constant 65536 : i32
      %parallel_loop3A_868 = vector.broadcast %parallel_loop3A_867 : i32 to vector<16xi32>
      %parallel_loop3A_869 = arith.minui %parallel_loop3A_866, %parallel_loop3A_868 : vector<16xi32>
      %parallel_loop3A_870 = vector.bitcast %parallel_loop3A_869 : vector<16xi32> to vector<16xi32>
      tpu.vector_store_idx %arg4[%parallel_loop3A_870], %broadcast_in_dim3A_1 : memref<65552xf32, #tpu.memory_space<vmem>>[vector<16xi32>], vector<16xf32>,
    } {sc.loop_unroll_factor = 8 : i64, sc.parallel_access}
    %dma_start3A_287 = arith.constant 0 : i32
    %dma_start3A_288 = arith.constant 32768 : i32
    %dma_start3A_289 = tpu.memref_slice %arg2[%select_n3A_235, %dma_start3A_288] : memref<64x131072xi32, #tpu.memory_space<hbm>> -> memref<1x16384xi32, #tpu.memory_space<hbm>>
    %dma_start3A_290 = tpu.memref_squeeze %dma_start3A_289 : memref<1x16384xi32, #tpu.memory_space<hbm>> -> memref<16384xi32, #tpu.memory_space<hbm>>
    %dma_start3A_291 = tpu.memref_slice %arg7[%dma_start3A_287] : memref<2x!tpu.dma_semaphore, #tpu.memory_space<semaphore_mem>> -> memref<1x!tpu.dma_semaphore, #tpu.memory_space<semaphore_mem>>
    %dma_start3A_292 = tpu.memref_squeeze %dma_start3A_291 : memref<1x!tpu.dma_semaphore, #tpu.memory_space<semaphore_mem>> -> memref<!tpu.dma_semaphore, #tpu.memory_space<semaphore_mem>>
    %dma_start3A_293 = arith.constant 32768 : i32
    %dma_start3A_294 = tpu.memref_slice %arg2[%select_n3A_235, %dma_start3A_293] : memref<64x131072xi32, #tpu.memory_space<hbm>> -> memref<1x16384xi32, #tpu.memory_space<hbm>>
    %dma_start3A_295 = tpu.memref_squeeze %dma_start3A_294 : memref<1x16384xi32, #tpu.memory_space<hbm>> -> memref<16384xi32, #tpu.memory_space<hbm>>
    tpu.enqueue_dma source(%dma_start3A_295 : memref<16384xi32, #tpu.memory_space<hbm>>) target(%arg5 : memref<16384xi32, #tpu.memory_space<vmem>>) target_semaphore(%dma_start3A_292 : memref<!tpu.dma_semaphore, #tpu.memory_space<semaphore_mem>>)
    %dma_wait3A_296 = arith.constant 1 : i32
    %dma_wait3A_297 = arith.constant 16384 : i32
    %dma_wait3A_298 = tpu.memref_slice %arg2[%select_n3A_235, %dma_wait3A_297] : memref<64x131072xi32, #tpu.memory_space<hbm>> -> memref<1x16384xi32, #tpu.memory_space<hbm>>
    %dma_wait3A_299 = tpu.memref_squeeze %dma_wait3A_298 : memref<1x16384xi32, #tpu.memory_space<hbm>> -> memref<16384xi32, #tpu.memory_space<hbm>>
    %dma_wait3A_300 = tpu.memref_slice %arg7[%dma_wait3A_296] : memref<2x!tpu.dma_semaphore, #tpu.memory_space<semaphore_mem>> -> memref<1x!tpu.dma_semaphore, #tpu.memory_space<semaphore_mem>>
    %dma_wait3A_301 = tpu.memref_squeeze %dma_wait3A_300 : memref<1x!tpu.dma_semaphore, #tpu.memory_space<semaphore_mem>> -> memref<!tpu.dma_semaphore, #tpu.memory_space<semaphore_mem>>
    %dma_wait3A_302 = arith.constant 16384 : i32
    %dma_wait3A_303 = tpu.memref_slice %arg2[%select_n3A_235, %dma_wait3A_302] : memref<64x131072xi32, #tpu.memory_space<hbm>> -> memref<1x16384xi32, #tpu.memory_space<hbm>>
    %dma_wait3A_304 = tpu.memref_squeeze %dma_wait3A_303 : memref<1x16384xi32, #tpu.memory_space<hbm>> -> memref<16384xi32, #tpu.memory_space<hbm>>
    tpu.wait_dma2 semaphore(%dma_wait3A_301 : memref<!tpu.dma_semaphore, #tpu.memory_space<semaphore_mem>>) src(%dma_wait3A_304 : memref<16384xi32, #tpu.memory_space<hbm>>) dst(%arg6 : memref<16384xi32, #tpu.memory_space<vmem>>)
    %parallel_loop3A_305 = arith.constant 0 : i32
    %parallel_loop3A_306 = arith.constant 1024 : i32
    %parallel_loop3A_307 = arith.constant 1 : i32
    scf.for %parallel_loop3A_859 = %parallel_loop3A_305 to %parallel_loop3A_306 step %parallel_loop3A_307  : i32 {
      %parallel_loop3A_860 = arith.constant 16 : i32
      %parallel_loop3A_861 = arith.muli %parallel_loop3A_859, %parallel_loop3A_860 : i32
      %parallel_loop3A_862 = arith.index_cast %parallel_loop3A_861 : i32 to index
      %parallel_loop3A_863 = tpu.vector_load %arg6[%parallel_loop3A_862] {strides = array<i32>} : memref<16384xi32, #tpu.memory_space<vmem>>, vector<16xi32>,
      %parallel_loop3A_864 = vector.broadcast %mul3A_253 : i32 to vector<16xi32>
      %parallel_loop3A_865 = arith.subi %parallel_loop3A_863, %parallel_loop3A_864 : vector<16xi32>
      %parallel_loop3A_866 = vector.bitcast %parallel_loop3A_865 : vector<16xi32> to vector<16xi32>
      %parallel_loop3A_867 = arith.constant 65536 : i32
      %parallel_loop3A_868 = vector.broadcast %parallel_loop3A_867 : i32 to vector<16xi32>
      %parallel_loop3A_869 = arith.minui %parallel_loop3A_866, %parallel_loop3A_868 : vector<16xi32>
      %parallel_loop3A_870 = vector.bitcast %parallel_loop3A_869 : vector<16xi32> to vector<16xi32>
      tpu.vector_store_idx %arg4[%parallel_loop3A_870], %broadcast_in_dim3A_1 : memref<65552xf32, #tpu.memory_space<vmem>>[vector<16xi32>], vector<16xf32>,
    } {sc.loop_unroll_factor = 8 : i64, sc.parallel_access}
    %dma_start3A_308 = arith.constant 1 : i32
    %dma_start3A_309 = arith.constant 49152 : i32
    %dma_start3A_310 = tpu.memref_slice %arg2[%select_n3A_235, %dma_start3A_309] : memref<64x131072xi32, #tpu.memory_space<hbm>> -> memref<1x16384xi32, #tpu.memory_space<hbm>>
    %dma_start3A_311 = tpu.memref_squeeze %dma_start3A_310 : memref<1x16384xi32, #tpu.memory_space<hbm>> -> memref<16384xi32, #tpu.memory_space<hbm>>
    %dma_start3A_312 = tpu.memref_slice %arg7[%dma_start3A_308] : memref<2x!tpu.dma_semaphore, #tpu.memory_space<semaphore_mem>> -> memref<1x!tpu.dma_semaphore, #tpu.memory_space<semaphore_mem>>
    %dma_start3A_313 = tpu.memref_squeeze %dma_start3A_312 : memref<1x!tpu.dma_semaphore, #tpu.memory_space<semaphore_mem>> -> memref<!tpu.dma_semaphore, #tpu.memory_space<semaphore_mem>>
    %dma_start3A_314 = arith.constant 49152 : i32
    %dma_start3A_315 = tpu.memref_slice %arg2[%select_n3A_235, %dma_start3A_314] : memref<64x131072xi32, #tpu.memory_space<hbm>> -> memref<1x16384xi32, #tpu.memory_space<hbm>>
    %dma_start3A_316 = tpu.memref_squeeze %dma_start3A_315 : memref<1x16384xi32, #tpu.memory_space<hbm>> -> memref<16384xi32, #tpu.memory_space<hbm>>
    tpu.enqueue_dma source(%dma_start3A_316 : memref<16384xi32, #tpu.memory_space<hbm>>) target(%arg6 : memref<16384xi32, #tpu.memory_space<vmem>>) target_semaphore(%dma_start3A_313 : memref<!tpu.dma_semaphore, #tpu.memory_space<semaphore_mem>>)
    %dma_wait3A_317 = arith.constant 0 : i32
    %dma_wait3A_318 = arith.constant 32768 : i32
    %dma_wait3A_319 = tpu.memref_slice %arg2[%select_n3A_235, %dma_wait3A_318] : memref<64x131072xi32, #tpu.memory_space<hbm>> -> memref<1x16384xi32, #tpu.memory_space<hbm>>
    %dma_wait3A_320 = tpu.memref_squeeze %dma_wait3A_319 : memref<1x16384xi32, #tpu.memory_space<hbm>> -> memref<16384xi32, #tpu.memory_space<hbm>>
    %dma_wait3A_321 = tpu.memref_slice %arg7[%dma_wait3A_317] : memref<2x!tpu.dma_semaphore, #tpu.memory_space<semaphore_mem>> -> memref<1x!tpu.dma_semaphore, #tpu.memory_space<semaphore_mem>>
    %dma_wait3A_322 = tpu.memref_squeeze %dma_wait3A_321 : memref<1x!tpu.dma_semaphore, #tpu.memory_space<semaphore_mem>> -> memref<!tpu.dma_semaphore, #tpu.memory_space<semaphore_mem>>
    %dma_wait3A_323 = arith.constant 32768 : i32
    %dma_wait3A_324 = tpu.memref_slice %arg2[%select_n3A_235, %dma_wait3A_323] : memref<64x131072xi32, #tpu.memory_space<hbm>> -> memref<1x16384xi32, #tpu.memory_space<hbm>>
    %dma_wait3A_325 = tpu.memref_squeeze %dma_wait3A_324 : memref<1x16384xi32, #tpu.memory_space<hbm>> -> memref<16384xi32, #tpu.memory_space<hbm>>
    tpu.wait_dma2 semaphore(%dma_wait3A_322 : memref<!tpu.dma_semaphore, #tpu.memory_space<semaphore_mem>>) src(%dma_wait3A_325 : memref<16384xi32, #tpu.memory_space<hbm>>) dst(%arg5 : memref<16384xi32, #tpu.memory_space<vmem>>)
    %parallel_loop3A_326 = arith.constant 0 : i32
    %parallel_loop3A_327 = arith.constant 1024 : i32
    %parallel_loop3A_328 = arith.constant 1 : i32
    scf.for %parallel_loop3A_859 = %parallel_loop3A_326 to %parallel_loop3A_327 step %parallel_loop3A_328  : i32 {
      %parallel_loop3A_860 = arith.constant 16 : i32
      %parallel_loop3A_861 = arith.muli %parallel_loop3A_859, %parallel_loop3A_860 : i32
      %parallel_loop3A_862 = arith.index_cast %parallel_loop3A_861 : i32 to index
      %parallel_loop3A_863 = tpu.vector_load %arg5[%parallel_loop3A_862] {strides = array<i32>} : memref<16384xi32, #tpu.memory_space<vmem>>, vector<16xi32>,
      %parallel_loop3A_864 = vector.broadcast %mul3A_253 : i32 to vector<16xi32>
      %parallel_loop3A_865 = arith.subi %parallel_loop3A_863, %parallel_loop3A_864 : vector<16xi32>
      %parallel_loop3A_866 = vector.bitcast %parallel_loop3A_865 : vector<16xi32> to vector<16xi32>
      %parallel_loop3A_867 = arith.constant 65536 : i32
      %parallel_loop3A_868 = vector.broadcast %parallel_loop3A_867 : i32 to vector<16xi32>
      %parallel_loop3A_869 = arith.minui %parallel_loop3A_866, %parallel_loop3A_868 : vector<16xi32>
      %parallel_loop3A_870 = vector.bitcast %parallel_loop3A_869 : vector<16xi32> to vector<16xi32>
      tpu.vector_store_idx %arg4[%parallel_loop3A_870], %broadcast_in_dim3A_1 : memref<65552xf32, #tpu.memory_space<vmem>>[vector<16xi32>], vector<16xf32>,
    } {sc.loop_unroll_factor = 8 : i64, sc.parallel_access}
    %dma_start3A_329 = arith.constant 0 : i32
    %dma_start3A_330 = arith.constant 65536 : i32
    %dma_start3A_331 = tpu.memref_slice %arg2[%select_n3A_235, %dma_start3A_330] : memref<64x131072xi32, #tpu.memory_space<hbm>> -> memref<1x16384xi32, #tpu.memory_space<hbm>>
    %dma_start3A_332 = tpu.memref_squeeze %dma_start3A_331 : memref<1x16384xi32, #tpu.memory_space<hbm>> -> memref<16384xi32, #tpu.memory_space<hbm>>
    %dma_start3A_333 = tpu.memref_slice %arg7[%dma_start3A_329] : memref<2x!tpu.dma_semaphore, #tpu.memory_space<semaphore_mem>> -> memref<1x!tpu.dma_semaphore, #tpu.memory_space<semaphore_mem>>
    %dma_start3A_334 = tpu.memref_squeeze %dma_start3A_333 : memref<1x!tpu.dma_semaphore, #tpu.memory_space<semaphore_mem>> -> memref<!tpu.dma_semaphore, #tpu.memory_space<semaphore_mem>>
    %dma_start3A_335 = arith.constant 65536 : i32
    %dma_start3A_336 = tpu.memref_slice %arg2[%select_n3A_235, %dma_start3A_335] : memref<64x131072xi32, #tpu.memory_space<hbm>> -> memref<1x16384xi32, #tpu.memory_space<hbm>>
    %dma_start3A_337 = tpu.memref_squeeze %dma_start3A_336 : memref<1x16384xi32, #tpu.memory_space<hbm>> -> memref<16384xi32, #tpu.memory_space<hbm>>
    tpu.enqueue_dma source(%dma_start3A_337 : memref<16384xi32, #tpu.memory_space<hbm>>) target(%arg5 : memref<16384xi32, #tpu.memory_space<vmem>>) target_semaphore(%dma_start3A_334 : memref<!tpu.dma_semaphore, #tpu.memory_space<semaphore_mem>>)
    %dma_wait3A_338 = arith.constant 1 : i32
    %dma_wait3A_339 = arith.constant 49152 : i32
    %dma_wait3A_340 = tpu.memref_slice %arg2[%select_n3A_235, %dma_wait3A_339] : memref<64x131072xi32, #tpu.memory_space<hbm>> -> memref<1x16384xi32, #tpu.memory_space<hbm>>
    %dma_wait3A_341 = tpu.memref_squeeze %dma_wait3A_340 : memref<1x16384xi32, #tpu.memory_space<hbm>> -> memref<16384xi32, #tpu.memory_space<hbm>>
    %dma_wait3A_342 = tpu.memref_slice %arg7[%dma_wait3A_338] : memref<2x!tpu.dma_semaphore, #tpu.memory_space<semaphore_mem>> -> memref<1x!tpu.dma_semaphore, #tpu.memory_space<semaphore_mem>>
    %dma_wait3A_343 = tpu.memref_squeeze %dma_wait3A_342 : memref<1x!tpu.dma_semaphore, #tpu.memory_space<semaphore_mem>> -> memref<!tpu.dma_semaphore, #tpu.memory_space<semaphore_mem>>
    %dma_wait3A_344 = arith.constant 49152 : i32
    %dma_wait3A_345 = tpu.memref_slice %arg2[%select_n3A_235, %dma_wait3A_344] : memref<64x131072xi32, #tpu.memory_space<hbm>> -> memref<1x16384xi32, #tpu.memory_space<hbm>>
    %dma_wait3A_346 = tpu.memref_squeeze %dma_wait3A_345 : memref<1x16384xi32, #tpu.memory_space<hbm>> -> memref<16384xi32, #tpu.memory_space<hbm>>
    tpu.wait_dma2 semaphore(%dma_wait3A_343 : memref<!tpu.dma_semaphore, #tpu.memory_space<semaphore_mem>>) src(%dma_wait3A_346 : memref<16384xi32, #tpu.memory_space<hbm>>) dst(%arg6 : memref<16384xi32, #tpu.memory_space<vmem>>)
    %parallel_loop3A_347 = arith.constant 0 : i32
    %parallel_loop3A_348 = arith.constant 1024 : i32
    %parallel_loop3A_349 = arith.constant 1 : i32
    scf.for %parallel_loop3A_859 = %parallel_loop3A_347 to %parallel_loop3A_348 step %parallel_loop3A_349  : i32 {
      %parallel_loop3A_860 = arith.constant 16 : i32
      %parallel_loop3A_861 = arith.muli %parallel_loop3A_859, %parallel_loop3A_860 : i32
      %parallel_loop3A_862 = arith.index_cast %parallel_loop3A_861 : i32 to index
      %parallel_loop3A_863 = tpu.vector_load %arg6[%parallel_loop3A_862] {strides = array<i32>} : memref<16384xi32, #tpu.memory_space<vmem>>, vector<16xi32>,
      %parallel_loop3A_864 = vector.broadcast %mul3A_253 : i32 to vector<16xi32>
      %parallel_loop3A_865 = arith.subi %parallel_loop3A_863, %parallel_loop3A_864 : vector<16xi32>
      %parallel_loop3A_866 = vector.bitcast %parallel_loop3A_865 : vector<16xi32> to vector<16xi32>
      %parallel_loop3A_867 = arith.constant 65536 : i32
      %parallel_loop3A_868 = vector.broadcast %parallel_loop3A_867 : i32 to vector<16xi32>
      %parallel_loop3A_869 = arith.minui %parallel_loop3A_866, %parallel_loop3A_868 : vector<16xi32>
      %parallel_loop3A_870 = vector.bitcast %parallel_loop3A_869 : vector<16xi32> to vector<16xi32>
      tpu.vector_store_idx %arg4[%parallel_loop3A_870], %broadcast_in_dim3A_1 : memref<65552xf32, #tpu.memory_space<vmem>>[vector<16xi32>], vector<16xf32>,
    } {sc.loop_unroll_factor = 8 : i64, sc.parallel_access}
    %dma_start3A_350 = arith.constant 1 : i32
    %dma_start3A_351 = arith.constant 81920 : i32
    %dma_start3A_352 = tpu.memref_slice %arg2[%select_n3A_235, %dma_start3A_351] : memref<64x131072xi32, #tpu.memory_space<hbm>> -> memref<1x16384xi32, #tpu.memory_space<hbm>>
    %dma_start3A_353 = tpu.memref_squeeze %dma_start3A_352 : memref<1x16384xi32, #tpu.memory_space<hbm>> -> memref<16384xi32, #tpu.memory_space<hbm>>
    %dma_start3A_354 = tpu.memref_slice %arg7[%dma_start3A_350] : memref<2x!tpu.dma_semaphore, #tpu.memory_space<semaphore_mem>> -> memref<1x!tpu.dma_semaphore, #tpu.memory_space<semaphore_mem>>
    %dma_start3A_355 = tpu.memref_squeeze %dma_start3A_354 : memref<1x!tpu.dma_semaphore, #tpu.memory_space<semaphore_mem>> -> memref<!tpu.dma_semaphore, #tpu.memory_space<semaphore_mem>>
    %dma_start3A_356 = arith.constant 81920 : i32
    %dma_start3A_357 = tpu.memref_slice %arg2[%select_n3A_235, %dma_start3A_356] : memref<64x131072xi32, #tpu.memory_space<hbm>> -> memref<1x16384xi32, #tpu.memory_space<hbm>>
    %dma_start3A_358 = tpu.memref_squeeze %dma_start3A_357 : memref<1x16384xi32, #tpu.memory_space<hbm>> -> memref<16384xi32, #tpu.memory_space<hbm>>
    tpu.enqueue_dma source(%dma_start3A_358 : memref<16384xi32, #tpu.memory_space<hbm>>) target(%arg6 : memref<16384xi32, #tpu.memory_space<vmem>>) target_semaphore(%dma_start3A_355 : memref<!tpu.dma_semaphore, #tpu.memory_space<semaphore_mem>>)
    %dma_wait3A_359 = arith.constant 0 : i32
    %dma_wait3A_360 = arith.constant 65536 : i32
    %dma_wait3A_361 = tpu.memref_slice %arg2[%select_n3A_235, %dma_wait3A_360] : memref<64x131072xi32, #tpu.memory_space<hbm>> -> memref<1x16384xi32, #tpu.memory_space<hbm>>
    %dma_wait3A_362 = tpu.memref_squeeze %dma_wait3A_361 : memref<1x16384xi32, #tpu.memory_space<hbm>> -> memref<16384xi32, #tpu.memory_space<hbm>>
    %dma_wait3A_363 = tpu.memref_slice %arg7[%dma_wait3A_359] : memref<2x!tpu.dma_semaphore, #tpu.memory_space<semaphore_mem>> -> memref<1x!tpu.dma_semaphore, #tpu.memory_space<semaphore_mem>>
    %dma_wait3A_364 = tpu.memref_squeeze %dma_wait3A_363 : memref<1x!tpu.dma_semaphore, #tpu.memory_space<semaphore_mem>> -> memref<!tpu.dma_semaphore, #tpu.memory_space<semaphore_mem>>
    %dma_wait3A_365 = arith.constant 65536 : i32
    %dma_wait3A_366 = tpu.memref_slice %arg2[%select_n3A_235, %dma_wait3A_365] : memref<64x131072xi32, #tpu.memory_space<hbm>> -> memref<1x16384xi32, #tpu.memory_space<hbm>>
    %dma_wait3A_367 = tpu.memref_squeeze %dma_wait3A_366 : memref<1x16384xi32, #tpu.memory_space<hbm>> -> memref<16384xi32, #tpu.memory_space<hbm>>
    tpu.wait_dma2 semaphore(%dma_wait3A_364 : memref<!tpu.dma_semaphore, #tpu.memory_space<semaphore_mem>>) src(%dma_wait3A_367 : memref<16384xi32, #tpu.memory_space<hbm>>) dst(%arg5 : memref<16384xi32, #tpu.memory_space<vmem>>)
    %parallel_loop3A_368 = arith.constant 0 : i32
    %parallel_loop3A_369 = arith.constant 1024 : i32
    %parallel_loop3A_370 = arith.constant 1 : i32
    scf.for %parallel_loop3A_859 = %parallel_loop3A_368 to %parallel_loop3A_369 step %parallel_loop3A_370  : i32 {
      %parallel_loop3A_860 = arith.constant 16 : i32
      %parallel_loop3A_861 = arith.muli %parallel_loop3A_859, %parallel_loop3A_860 : i32
      %parallel_loop3A_862 = arith.index_cast %parallel_loop3A_861 : i32 to index
      %parallel_loop3A_863 = tpu.vector_load %arg5[%parallel_loop3A_862] {strides = array<i32>} : memref<16384xi32, #tpu.memory_space<vmem>>, vector<16xi32>,
      %parallel_loop3A_864 = vector.broadcast %mul3A_253 : i32 to vector<16xi32>
      %parallel_loop3A_865 = arith.subi %parallel_loop3A_863, %parallel_loop3A_864 : vector<16xi32>
      %parallel_loop3A_866 = vector.bitcast %parallel_loop3A_865 : vector<16xi32> to vector<16xi32>
      %parallel_loop3A_867 = arith.constant 65536 : i32
      %parallel_loop3A_868 = vector.broadcast %parallel_loop3A_867 : i32 to vector<16xi32>
      %parallel_loop3A_869 = arith.minui %parallel_loop3A_866, %parallel_loop3A_868 : vector<16xi32>
      %parallel_loop3A_870 = vector.bitcast %parallel_loop3A_869 : vector<16xi32> to vector<16xi32>
      tpu.vector_store_idx %arg4[%parallel_loop3A_870], %broadcast_in_dim3A_1 : memref<65552xf32, #tpu.memory_space<vmem>>[vector<16xi32>], vector<16xf32>,
    } {sc.loop_unroll_factor = 8 : i64, sc.parallel_access}
    %dma_start3A_371 = arith.constant 0 : i32
    %dma_start3A_372 = arith.constant 98304 : i32
    %dma_start3A_373 = tpu.memref_slice %arg2[%select_n3A_235, %dma_start3A_372] : memref<64x131072xi32, #tpu.memory_space<hbm>> -> memref<1x16384xi32, #tpu.memory_space<hbm>>
    %dma_start3A_374 = tpu.memref_squeeze %dma_start3A_373 : memref<1x16384xi32, #tpu.memory_space<hbm>> -> memref<16384xi32, #tpu.memory_space<hbm>>
    %dma_start3A_375 = tpu.memref_slice %arg7[%dma_start3A_371] : memref<2x!tpu.dma_semaphore, #tpu.memory_space<semaphore_mem>> -> memref<1x!tpu.dma_semaphore, #tpu.memory_space<semaphore_mem>>
    %dma_start3A_376 = tpu.memref_squeeze %dma_start3A_375 : memref<1x!tpu.dma_semaphore, #tpu.memory_space<semaphore_mem>> -> memref<!tpu.dma_semaphore, #tpu.memory_space<semaphore_mem>>
    %dma_start3A_377 = arith.constant 98304 : i32
    %dma_start3A_378 = tpu.memref_slice %arg2[%select_n3A_235, %dma_start3A_377] : memref<64x131072xi32, #tpu.memory_space<hbm>> -> memref<1x16384xi32, #tpu.memory_space<hbm>>
    %dma_start3A_379 = tpu.memref_squeeze %dma_start3A_378 : memref<1x16384xi32, #tpu.memory_space<hbm>> -> memref<16384xi32, #tpu.memory_space<hbm>>
    tpu.enqueue_dma source(%dma_start3A_379 : memref<16384xi32, #tpu.memory_space<hbm>>) target(%arg5 : memref<16384xi32, #tpu.memory_space<vmem>>) target_semaphore(%dma_start3A_376 : memref<!tpu.dma_semaphore, #tpu.memory_space<semaphore_mem>>)
    %dma_wait3A_380 = arith.constant 1 : i32
    %dma_wait3A_381 = arith.constant 81920 : i32
    %dma_wait3A_382 = tpu.memref_slice %arg2[%select_n3A_235, %dma_wait3A_381] : memref<64x131072xi32, #tpu.memory_space<hbm>> -> memref<1x16384xi32, #tpu.memory_space<hbm>>
    %dma_wait3A_383 = tpu.memref_squeeze %dma_wait3A_382 : memref<1x16384xi32, #tpu.memory_space<hbm>> -> memref<16384xi32, #tpu.memory_space<hbm>>
    %dma_wait3A_384 = tpu.memref_slice %arg7[%dma_wait3A_380] : memref<2x!tpu.dma_semaphore, #tpu.memory_space<semaphore_mem>> -> memref<1x!tpu.dma_semaphore, #tpu.memory_space<semaphore_mem>>
    %dma_wait3A_385 = tpu.memref_squeeze %dma_wait3A_384 : memref<1x!tpu.dma_semaphore, #tpu.memory_space<semaphore_mem>> -> memref<!tpu.dma_semaphore, #tpu.memory_space<semaphore_mem>>
    %dma_wait3A_386 = arith.constant 81920 : i32
    %dma_wait3A_387 = tpu.memref_slice %arg2[%select_n3A_235, %dma_wait3A_386] : memref<64x131072xi32, #tpu.memory_space<hbm>> -> memref<1x16384xi32, #tpu.memory_space<hbm>>
    %dma_wait3A_388 = tpu.memref_squeeze %dma_wait3A_387 : memref<1x16384xi32, #tpu.memory_space<hbm>> -> memref<16384xi32, #tpu.memory_space<hbm>>
    tpu.wait_dma2 semaphore(%dma_wait3A_385 : memref<!tpu.dma_semaphore, #tpu.memory_space<semaphore_mem>>) src(%dma_wait3A_388 : memref<16384xi32, #tpu.memory_space<hbm>>) dst(%arg6 : memref<16384xi32, #tpu.memory_space<vmem>>)
    %parallel_loop3A_389 = arith.constant 0 : i32
    %parallel_loop3A_390 = arith.constant 1024 : i32
    %parallel_loop3A_391 = arith.constant 1 : i32
    scf.for %parallel_loop3A_859 = %parallel_loop3A_389 to %parallel_loop3A_390 step %parallel_loop3A_391  : i32 {
      %parallel_loop3A_860 = arith.constant 16 : i32
      %parallel_loop3A_861 = arith.muli %parallel_loop3A_859, %parallel_loop3A_860 : i32
      %parallel_loop3A_862 = arith.index_cast %parallel_loop3A_861 : i32 to index
      %parallel_loop3A_863 = tpu.vector_load %arg6[%parallel_loop3A_862] {strides = array<i32>} : memref<16384xi32, #tpu.memory_space<vmem>>, vector<16xi32>,
      %parallel_loop3A_864 = vector.broadcast %mul3A_253 : i32 to vector<16xi32>
      %parallel_loop3A_865 = arith.subi %parallel_loop3A_863, %parallel_loop3A_864 : vector<16xi32>
      %parallel_loop3A_866 = vector.bitcast %parallel_loop3A_865 : vector<16xi32> to vector<16xi32>
      %parallel_loop3A_867 = arith.constant 65536 : i32
      %parallel_loop3A_868 = vector.broadcast %parallel_loop3A_867 : i32 to vector<16xi32>
      %parallel_loop3A_869 = arith.minui %parallel_loop3A_866, %parallel_loop3A_868 : vector<16xi32>
      %parallel_loop3A_870 = vector.bitcast %parallel_loop3A_869 : vector<16xi32> to vector<16xi32>
      tpu.vector_store_idx %arg4[%parallel_loop3A_870], %broadcast_in_dim3A_1 : memref<65552xf32, #tpu.memory_space<vmem>>[vector<16xi32>], vector<16xf32>,
    } {sc.loop_unroll_factor = 8 : i64, sc.parallel_access}
    %dma_start3A_392 = arith.constant 1 : i32
    %dma_start3A_393 = arith.constant 114688 : i32
    %dma_start3A_394 = tpu.memref_slice %arg2[%select_n3A_235, %dma_start3A_393] : memref<64x131072xi32, #tpu.memory_space<hbm>> -> memref<1x16384xi32, #tpu.memory_space<hbm>>
    %dma_start3A_395 = tpu.memref_squeeze %dma_start3A_394 : memref<1x16384xi32, #tpu.memory_space<hbm>> -> memref<16384xi32, #tpu.memory_space<hbm>>
    %dma_start3A_396 = tpu.memref_slice %arg7[%dma_start3A_392] : memref<2x!tpu.dma_semaphore, #tpu.memory_space<semaphore_mem>> -> memref<1x!tpu.dma_semaphore, #tpu.memory_space<semaphore_mem>>
    %dma_start3A_397 = tpu.memref_squeeze %dma_start3A_396 : memref<1x!tpu.dma_semaphore, #tpu.memory_space<semaphore_mem>> -> memref<!tpu.dma_semaphore, #tpu.memory_space<semaphore_mem>>
    %dma_start3A_398 = arith.constant 114688 : i32
    %dma_start3A_399 = tpu.memref_slice %arg2[%select_n3A_235, %dma_start3A_398] : memref<64x131072xi32, #tpu.memory_space<hbm>> -> memref<1x16384xi32, #tpu.memory_space<hbm>>
    %dma_start3A_400 = tpu.memref_squeeze %dma_start3A_399 : memref<1x16384xi32, #tpu.memory_space<hbm>> -> memref<16384xi32, #tpu.memory_space<hbm>>
    tpu.enqueue_dma source(%dma_start3A_400 : memref<16384xi32, #tpu.memory_space<hbm>>) target(%arg6 : memref<16384xi32, #tpu.memory_space<vmem>>) target_semaphore(%dma_start3A_397 : memref<!tpu.dma_semaphore, #tpu.memory_space<semaphore_mem>>)
    %dma_wait3A_401 = arith.constant 0 : i32
    %dma_wait3A_402 = arith.constant 98304 : i32
    %dma_wait3A_403 = tpu.memref_slice %arg2[%select_n3A_235, %dma_wait3A_402] : memref<64x131072xi32, #tpu.memory_space<hbm>> -> memref<1x16384xi32, #tpu.memory_space<hbm>>
    %dma_wait3A_404 = tpu.memref_squeeze %dma_wait3A_403 : memref<1x16384xi32, #tpu.memory_space<hbm>> -> memref<16384xi32, #tpu.memory_space<hbm>>
    %dma_wait3A_405 = tpu.memref_slice %arg7[%dma_wait3A_401] : memref<2x!tpu.dma_semaphore, #tpu.memory_space<semaphore_mem>> -> memref<1x!tpu.dma_semaphore, #tpu.memory_space<semaphore_mem>>
    %dma_wait3A_406 = tpu.memref_squeeze %dma_wait3A_405 : memref<1x!tpu.dma_semaphore, #tpu.memory_space<semaphore_mem>> -> memref<!tpu.dma_semaphore, #tpu.memory_space<semaphore_mem>>
    %dma_wait3A_407 = arith.constant 98304 : i32
    %dma_wait3A_408 = tpu.memref_slice %arg2[%select_n3A_235, %dma_wait3A_407] : memref<64x131072xi32, #tpu.memory_space<hbm>> -> memref<1x16384xi32, #tpu.memory_space<hbm>>
    %dma_wait3A_409 = tpu.memref_squeeze %dma_wait3A_408 : memref<1x16384xi32, #tpu.memory_space<hbm>> -> memref<16384xi32, #tpu.memory_space<hbm>>
    tpu.wait_dma2 semaphore(%dma_wait3A_406 : memref<!tpu.dma_semaphore, #tpu.memory_space<semaphore_mem>>) src(%dma_wait3A_409 : memref<16384xi32, #tpu.memory_space<hbm>>) dst(%arg5 : memref<16384xi32, #tpu.memory_space<vmem>>)
    %parallel_loop3A_410 = arith.constant 0 : i32
    %parallel_loop3A_411 = arith.constant 1024 : i32
    %parallel_loop3A_412 = arith.constant 1 : i32
    scf.for %parallel_loop3A_859 = %parallel_loop3A_410 to %parallel_loop3A_411 step %parallel_loop3A_412  : i32 {
      %parallel_loop3A_860 = arith.constant 16 : i32
      %parallel_loop3A_861 = arith.muli %parallel_loop3A_859, %parallel_loop3A_860 : i32
      %parallel_loop3A_862 = arith.index_cast %parallel_loop3A_861 : i32 to index
      %parallel_loop3A_863 = tpu.vector_load %arg5[%parallel_loop3A_862] {strides = array<i32>} : memref<16384xi32, #tpu.memory_space<vmem>>, vector<16xi32>,
      %parallel_loop3A_864 = vector.broadcast %mul3A_253 : i32 to vector<16xi32>
      %parallel_loop3A_865 = arith.subi %parallel_loop3A_863, %parallel_loop3A_864 : vector<16xi32>
      %parallel_loop3A_866 = vector.bitcast %parallel_loop3A_865 : vector<16xi32> to vector<16xi32>
      %parallel_loop3A_867 = arith.constant 65536 : i32
      %parallel_loop3A_868 = vector.broadcast %parallel_loop3A_867 : i32 to vector<16xi32>
      %parallel_loop3A_869 = arith.minui %parallel_loop3A_866, %parallel_loop3A_868 : vector<16xi32>
      %parallel_loop3A_870 = vector.bitcast %parallel_loop3A_869 : vector<16xi32> to vector<16xi32>
      tpu.vector_store_idx %arg4[%parallel_loop3A_870], %broadcast_in_dim3A_1 : memref<65552xf32, #tpu.memory_space<vmem>>[vector<16xi32>], vector<16xf32>,
    } {sc.loop_unroll_factor = 8 : i64, sc.parallel_access}
    %dma_wait3A_413 = arith.constant 1 : i32
    %dma_wait3A_414 = arith.constant 114688 : i32
    %dma_wait3A_415 = tpu.memref_slice %arg2[%select_n3A_235, %dma_wait3A_414] : memref<64x131072xi32, #tpu.memory_space<hbm>> -> memref<1x16384xi32, #tpu.memory_space<hbm>>
    %dma_wait3A_416 = tpu.memref_squeeze %dma_wait3A_415 : memref<1x16384xi32, #tpu.memory_space<hbm>> -> memref<16384xi32, #tpu.memory_space<hbm>>
    %dma_wait3A_417 = tpu.memref_slice %arg7[%dma_wait3A_413] : memref<2x!tpu.dma_semaphore, #tpu.memory_space<semaphore_mem>> -> memref<1x!tpu.dma_semaphore, #tpu.memory_space<semaphore_mem>>
    %dma_wait3A_418 = tpu.memref_squeeze %dma_wait3A_417 : memref<1x!tpu.dma_semaphore, #tpu.memory_space<semaphore_mem>> -> memref<!tpu.dma_semaphore, #tpu.memory_space<semaphore_mem>>
    %dma_wait3A_419 = arith.constant 114688 : i32
    %dma_wait3A_420 = tpu.memref_slice %arg2[%select_n3A_235, %dma_wait3A_419] : memref<64x131072xi32, #tpu.memory_space<hbm>> -> memref<1x16384xi32, #tpu.memory_space<hbm>>
    %dma_wait3A_421 = tpu.memref_squeeze %dma_wait3A_420 : memref<1x16384xi32, #tpu.memory_space<hbm>> -> memref<16384xi32, #tpu.memory_space<hbm>>
    tpu.wait_dma2 semaphore(%dma_wait3A_418 : memref<!tpu.dma_semaphore, #tpu.memory_space<semaphore_mem>>) src(%dma_wait3A_421 : memref<16384xi32, #tpu.memory_space<hbm>>) dst(%arg6 : memref<16384xi32, #tpu.memory_space<vmem>>)
    %parallel_loop3A_422 = arith.constant 0 : i32
    %parallel_loop3A_423 = arith.constant 1024 : i32
    %parallel_loop3A_424 = arith.constant 1 : i32
    scf.for %parallel_loop3A_859 = %parallel_loop3A_422 to %parallel_loop3A_423 step %parallel_loop3A_424  : i32 {
      %parallel_loop3A_860 = arith.constant 16 : i32
      %parallel_loop3A_861 = arith.muli %parallel_loop3A_859, %parallel_loop3A_860 : i32
      %parallel_loop3A_862 = arith.index_cast %parallel_loop3A_861 : i32 to index
      %parallel_loop3A_863 = tpu.vector_load %arg6[%parallel_loop3A_862] {strides = array<i32>} : memref<16384xi32, #tpu.memory_space<vmem>>, vector<16xi32>,
      %parallel_loop3A_864 = vector.broadcast %mul3A_253 : i32 to vector<16xi32>
      %parallel_loop3A_865 = arith.subi %parallel_loop3A_863, %parallel_loop3A_864 : vector<16xi32>
      %parallel_loop3A_866 = vector.bitcast %parallel_loop3A_865 : vector<16xi32> to vector<16xi32>
      %parallel_loop3A_867 = arith.constant 65536 : i32
      %parallel_loop3A_868 = vector.broadcast %parallel_loop3A_867 : i32 to vector<16xi32>
      %parallel_loop3A_869 = arith.minui %parallel_loop3A_866, %parallel_loop3A_868 : vector<16xi32>
      %parallel_loop3A_870 = vector.bitcast %parallel_loop3A_869 : vector<16xi32> to vector<16xi32>
      tpu.vector_store_idx %arg4[%parallel_loop3A_870], %broadcast_in_dim3A_1 : memref<65552xf32, #tpu.memory_space<vmem>>[vector<16xi32>], vector<16xf32>,
    } {sc.loop_unroll_factor = 8 : i64, sc.parallel_access}
    "tpu.region"() ({
      %run_scoped3A = tpu.sem_alloc : memref<!tpu.dma_semaphore, #tpu.memory_space<semaphore_mem>>
      %dma_start3A_859 = arith.constant 0 : i32
      %dma_start3A_860 = tpu.memref_slice %arg4[%dma_start3A_859] : memref<65552xf32, #tpu.memory_space<vmem>> -> memref<65536xf32, #tpu.memory_space<vmem>>
      %dma_start3A_861 = tpu.memref_slice %arg3[%select_n3A_235, %mul3A_253] : memref<64x131072xf32, #tpu.memory_space<hbm>> -> memref<1x65536xf32, #tpu.memory_space<hbm>>
      %dma_start3A_862 = tpu.memref_squeeze %dma_start3A_861 : memref<1x65536xf32, #tpu.memory_space<hbm>> -> memref<65536xf32, #tpu.memory_space<hbm>>
      %dma_start3A_863 = tpu.memref_slice %arg3[%select_n3A_235, %mul3A_253] : memref<64x131072xf32, #tpu.memory_space<hbm>> -> memref<1x65536xf32, #tpu.memory_space<hbm>>
      %dma_start3A_864 = tpu.memref_squeeze %dma_start3A_863 : memref<1x65536xf32, #tpu.memory_space<hbm>> -> memref<65536xf32, #tpu.memory_space<hbm>>
      %dma_start3A_865 = arith.constant 0 : i32
      %dma_start3A_866 = tpu.memref_slice %arg4[%dma_start3A_865] : memref<65552xf32, #tpu.memory_space<vmem>> -> memref<65536xf32, #tpu.memory_space<vmem>>
      tpu.enqueue_dma source(%dma_start3A_866 : memref<65536xf32, #tpu.memory_space<vmem>>) target(%dma_start3A_864 : memref<65536xf32, #tpu.memory_space<hbm>>) target_semaphore(%run_scoped3A : memref<!tpu.dma_semaphore, #tpu.memory_space<semaphore_mem>>)
      %dma_wait3A_867 = arith.constant 0 : i32
      %dma_wait3A_868 = tpu.memref_slice %arg4[%dma_wait3A_867] : memref<65552xf32, #tpu.memory_space<vmem>> -> memref<65536xf32, #tpu.memory_space<vmem>>
      %dma_wait3A_869 = tpu.memref_slice %arg3[%select_n3A_235, %mul3A_253] : memref<64x131072xf32, #tpu.memory_space<hbm>> -> memref<1x65536xf32, #tpu.memory_space<hbm>>
      %dma_wait3A_870 = tpu.memref_squeeze %dma_wait3A_869 : memref<1x65536xf32, #tpu.memory_space<hbm>> -> memref<65536xf32, #tpu.memory_space<hbm>>
      %dma_wait3A_871 = tpu.memref_slice %arg3[%select_n3A_235, %mul3A_253] : memref<64x131072xf32, #tpu.memory_space<hbm>> -> memref<1x65536xf32, #tpu.memory_space<hbm>>
      %dma_wait3A_872 = tpu.memref_squeeze %dma_wait3A_871 : memref<1x65536xf32, #tpu.memory_space<hbm>> -> memref<65536xf32, #tpu.memory_space<hbm>>
      %dma_wait3A_873 = arith.constant 0 : i32
      %dma_wait3A_874 = tpu.memref_slice %arg4[%dma_wait3A_873] : memref<65552xf32, #tpu.memory_space<vmem>> -> memref<65536xf32, #tpu.memory_space<vmem>>
      tpu.wait_dma2 semaphore(%run_scoped3A : memref<!tpu.dma_semaphore, #tpu.memory_space<semaphore_mem>>) src(%dma_wait3A_874 : memref<65536xf32, #tpu.memory_space<vmem>>) dst(%dma_wait3A_872 : memref<65536xf32, #tpu.memory_space<hbm>>)
      tpu.yield
    }) : () -> ()
    %mul3A_425 = arith.constant 4 : i32
    %mul3A_426 = arith.muli %add3A, %mul3A_425 : i32
    %add3A_427 = arith.constant 2 : i32
    %add3A_428 = arith.addi %mul3A_426, %add3A_427 : i32
    %jit3A_429 = arith.constant 2 : i32
    %div3A_430 = arith.divsi %add3A_428, %jit3A_429 : i32
    %sign3A_431 = arith.constant 0 : i32
    %sign3A_432 = arith.cmpi sgt, %add3A_428, %sign3A_431 : i32
    %sign3A_433 = arith.extui %sign3A_432 : i1 to i32
    %sign3A_434 = arith.constant 0 : i32
    %sign3A_435 = arith.cmpi slt, %add3A_428, %sign3A_434 : i32
    %sign3A_436 = arith.extui %sign3A_435 : i1 to i32
    %sign3A_437 = arith.subi %sign3A_433, %sign3A_436 : i32
    %sign3A_438 = arith.constant 0 : i32
    %sign3A_439 = arith.cmpi sgt, %jit3A_429, %sign3A_438 : i32
    %sign3A_440 = arith.extui %sign3A_439 : i1 to i32
    %sign3A_441 = arith.constant 0 : i32
    %sign3A_442 = arith.cmpi slt, %jit3A_429, %sign3A_441 : i32
    %sign3A_443 = arith.extui %sign3A_442 : i1 to i32
    %sign3A_444 = arith.subi %sign3A_440, %sign3A_443 : i32
    %ne3A_445 = arith.cmpi ne, %sign3A_437, %sign3A_444 : i32
    %rem3A_446 = arith.remsi %add3A_428, %jit3A_429 : i32
    %ne3A_447 = arith.constant 0 : i32
    %ne3A_448 = arith.cmpi ne, %rem3A_446, %ne3A_447 : i32
    %and3A_449 = arith.andi %ne3A_445, %ne3A_448 : i1
    %sub3A_450 = arith.constant 1 : i32
    %sub3A_451 = arith.subi %div3A_430, %sub3A_450 : i32
    %select_n3A_452 = arith.select %and3A_449, %sub3A_451, %div3A_430 : i32
    %jit3A_453 = arith.constant 2 : i32
    %eq3A_454 = arith.constant 0 : i32
    %eq3A_455 = arith.cmpi eq, %jit3A_453, %eq3A_454 : i32
    %jit3A_456 = arith.constant 1 : i32
    %select_n3A_457 = arith.select %eq3A_455, %jit3A_456, %jit3A_453 : i32
    %rem3A_458 = arith.remsi %add3A_428, %select_n3A_457 : i32
    %ne3A_459 = arith.constant 0 : i32
    %ne3A_460 = arith.cmpi ne, %rem3A_458, %ne3A_459 : i32
    %lt3A_461 = arith.constant 0 : i32
    %lt3A_462 = arith.cmpi slt, %rem3A_458, %lt3A_461 : i32
    %lt3A_463 = arith.constant 0 : i32
    %lt3A_464 = arith.cmpi slt, %select_n3A_457, %lt3A_463 : i32
    %ne3A_465 = arith.xori %lt3A_462, %lt3A_464 : i1
    %and3A_466 = arith.andi %ne3A_465, %ne3A_460 : i1
    %add3A_467 = arith.addi %rem3A_458, %select_n3A_457 : i32
    %select_n3A_468 = arith.select %and3A_466, %add3A_467, %rem3A_458 : i32
    %mul3A_469 = arith.constant 65536 : i32
    %mul3A_470 = arith.muli %select_n3A_468, %mul3A_469 : i32
    %parallel_loop3A_471 = arith.constant 0 : i32
    %parallel_loop3A_472 = arith.constant 4097 : i32
    %parallel_loop3A_473 = arith.constant 1 : i32
    scf.for %parallel_loop3A_859 = %parallel_loop3A_471 to %parallel_loop3A_472 step %parallel_loop3A_473  : i32 {
      %parallel_loop3A_860 = arith.constant 16 : i32
      %parallel_loop3A_861 = arith.muli %parallel_loop3A_859, %parallel_loop3A_860 : i32
      %parallel_loop3A_862 = arith.index_cast %parallel_loop3A_861 : i32 to index
      %parallel_loop3A_863 = tpu.vector_load %arg4[%parallel_loop3A_862] {strides = array<i32>} : memref<65552xf32, #tpu.memory_space<vmem>>, vector<16xf32>,
      tpu.vector_store %arg4[%parallel_loop3A_862], %broadcast_in_dim3A_3 {strides = array<i32>} : memref<65552xf32, #tpu.memory_space<vmem>>, vector<16xf32>,
    } {sc.loop_unroll_factor = 8 : i64, sc.parallel_access}
    %dma_start3A_474 = arith.constant 0 : i32
    %dma_start3A_475 = arith.constant 0 : i32
    %dma_start3A_476 = tpu.memref_slice %arg2[%select_n3A_452, %dma_start3A_475] : memref<64x131072xi32, #tpu.memory_space<hbm>> -> memref<1x16384xi32, #tpu.memory_space<hbm>>
    %dma_start3A_477 = tpu.memref_squeeze %dma_start3A_476 : memref<1x16384xi32, #tpu.memory_space<hbm>> -> memref<16384xi32, #tpu.memory_space<hbm>>
    %dma_start3A_478 = tpu.memref_slice %arg7[%dma_start3A_474] : memref<2x!tpu.dma_semaphore, #tpu.memory_space<semaphore_mem>> -> memref<1x!tpu.dma_semaphore, #tpu.memory_space<semaphore_mem>>
    %dma_start3A_479 = tpu.memref_squeeze %dma_start3A_478 : memref<1x!tpu.dma_semaphore, #tpu.memory_space<semaphore_mem>> -> memref<!tpu.dma_semaphore, #tpu.memory_space<semaphore_mem>>
    %dma_start3A_480 = arith.constant 0 : i32
    %dma_start3A_481 = tpu.memref_slice %arg2[%select_n3A_452, %dma_start3A_480] : memref<64x131072xi32, #tpu.memory_space<hbm>> -> memref<1x16384xi32, #tpu.memory_space<hbm>>
    %dma_start3A_482 = tpu.memref_squeeze %dma_start3A_481 : memref<1x16384xi32, #tpu.memory_space<hbm>> -> memref<16384xi32, #tpu.memory_space<hbm>>
    tpu.enqueue_dma source(%dma_start3A_482 : memref<16384xi32, #tpu.memory_space<hbm>>) target(%arg5 : memref<16384xi32, #tpu.memory_space<vmem>>) target_semaphore(%dma_start3A_479 : memref<!tpu.dma_semaphore, #tpu.memory_space<semaphore_mem>>)
    %dma_start3A_483 = arith.constant 1 : i32
    %dma_start3A_484 = arith.constant 16384 : i32
    %dma_start3A_485 = tpu.memref_slice %arg2[%select_n3A_452, %dma_start3A_484] : memref<64x131072xi32, #tpu.memory_space<hbm>> -> memref<1x16384xi32, #tpu.memory_space<hbm>>
    %dma_start3A_486 = tpu.memref_squeeze %dma_start3A_485 : memref<1x16384xi32, #tpu.memory_space<hbm>> -> memref<16384xi32, #tpu.memory_space<hbm>>
    %dma_start3A_487 = tpu.memref_slice %arg7[%dma_start3A_483] : memref<2x!tpu.dma_semaphore, #tpu.memory_space<semaphore_mem>> -> memref<1x!tpu.dma_semaphore, #tpu.memory_space<semaphore_mem>>
    %dma_start3A_488 = tpu.memref_squeeze %dma_start3A_487 : memref<1x!tpu.dma_semaphore, #tpu.memory_space<semaphore_mem>> -> memref<!tpu.dma_semaphore, #tpu.memory_space<semaphore_mem>>
    %dma_start3A_489 = arith.constant 16384 : i32
    %dma_start3A_490 = tpu.memref_slice %arg2[%select_n3A_452, %dma_start3A_489] : memref<64x131072xi32, #tpu.memory_space<hbm>> -> memref<1x16384xi32, #tpu.memory_space<hbm>>
    %dma_start3A_491 = tpu.memref_squeeze %dma_start3A_490 : memref<1x16384xi32, #tpu.memory_space<hbm>> -> memref<16384xi32, #tpu.memory_space<hbm>>
    tpu.enqueue_dma source(%dma_start3A_491 : memref<16384xi32, #tpu.memory_space<hbm>>) target(%arg6 : memref<16384xi32, #tpu.memory_space<vmem>>) target_semaphore(%dma_start3A_488 : memref<!tpu.dma_semaphore, #tpu.memory_space<semaphore_mem>>)
    %dma_wait3A_492 = arith.constant 0 : i32
    %dma_wait3A_493 = arith.constant 0 : i32
    %dma_wait3A_494 = tpu.memref_slice %arg2[%select_n3A_452, %dma_wait3A_493] : memref<64x131072xi32, #tpu.memory_space<hbm>> -> memref<1x16384xi32, #tpu.memory_space<hbm>>
    %dma_wait3A_495 = tpu.memref_squeeze %dma_wait3A_494 : memref<1x16384xi32, #tpu.memory_space<hbm>> -> memref<16384xi32, #tpu.memory_space<hbm>>
    %dma_wait3A_496 = tpu.memref_slice %arg7[%dma_wait3A_492] : memref<2x!tpu.dma_semaphore, #tpu.memory_space<semaphore_mem>> -> memref<1x!tpu.dma_semaphore, #tpu.memory_space<semaphore_mem>>
    %dma_wait3A_497 = tpu.memref_squeeze %dma_wait3A_496 : memref<1x!tpu.dma_semaphore, #tpu.memory_space<semaphore_mem>> -> memref<!tpu.dma_semaphore, #tpu.memory_space<semaphore_mem>>
    %dma_wait3A_498 = arith.constant 0 : i32
    %dma_wait3A_499 = tpu.memref_slice %arg2[%select_n3A_452, %dma_wait3A_498] : memref<64x131072xi32, #tpu.memory_space<hbm>> -> memref<1x16384xi32, #tpu.memory_space<hbm>>
    %dma_wait3A_500 = tpu.memref_squeeze %dma_wait3A_499 : memref<1x16384xi32, #tpu.memory_space<hbm>> -> memref<16384xi32, #tpu.memory_space<hbm>>
    tpu.wait_dma2 semaphore(%dma_wait3A_497 : memref<!tpu.dma_semaphore, #tpu.memory_space<semaphore_mem>>) src(%dma_wait3A_500 : memref<16384xi32, #tpu.memory_space<hbm>>) dst(%arg5 : memref<16384xi32, #tpu.memory_space<vmem>>)
    %parallel_loop3A_501 = arith.constant 0 : i32
    %parallel_loop3A_502 = arith.constant 1024 : i32
    %parallel_loop3A_503 = arith.constant 1 : i32
    scf.for %parallel_loop3A_859 = %parallel_loop3A_501 to %parallel_loop3A_502 step %parallel_loop3A_503  : i32 {
      %parallel_loop3A_860 = arith.constant 16 : i32
      %parallel_loop3A_861 = arith.muli %parallel_loop3A_859, %parallel_loop3A_860 : i32
      %parallel_loop3A_862 = arith.index_cast %parallel_loop3A_861 : i32 to index
      %parallel_loop3A_863 = tpu.vector_load %arg5[%parallel_loop3A_862] {strides = array<i32>} : memref<16384xi32, #tpu.memory_space<vmem>>, vector<16xi32>,
      %parallel_loop3A_864 = vector.broadcast %mul3A_470 : i32 to vector<16xi32>
      %parallel_loop3A_865 = arith.subi %parallel_loop3A_863, %parallel_loop3A_864 : vector<16xi32>
      %parallel_loop3A_866 = vector.bitcast %parallel_loop3A_865 : vector<16xi32> to vector<16xi32>
      %parallel_loop3A_867 = arith.constant 65536 : i32
      %parallel_loop3A_868 = vector.broadcast %parallel_loop3A_867 : i32 to vector<16xi32>
      %parallel_loop3A_869 = arith.minui %parallel_loop3A_866, %parallel_loop3A_868 : vector<16xi32>
      %parallel_loop3A_870 = vector.bitcast %parallel_loop3A_869 : vector<16xi32> to vector<16xi32>
      tpu.vector_store_idx %arg4[%parallel_loop3A_870], %broadcast_in_dim3A_1 : memref<65552xf32, #tpu.memory_space<vmem>>[vector<16xi32>], vector<16xf32>,
    } {sc.loop_unroll_factor = 8 : i64, sc.parallel_access}
    %dma_start3A_504 = arith.constant 0 : i32
    %dma_start3A_505 = arith.constant 32768 : i32
    %dma_start3A_506 = tpu.memref_slice %arg2[%select_n3A_452, %dma_start3A_505] : memref<64x131072xi32, #tpu.memory_space<hbm>> -> memref<1x16384xi32, #tpu.memory_space<hbm>>
    %dma_start3A_507 = tpu.memref_squeeze %dma_start3A_506 : memref<1x16384xi32, #tpu.memory_space<hbm>> -> memref<16384xi32, #tpu.memory_space<hbm>>
    %dma_start3A_508 = tpu.memref_slice %arg7[%dma_start3A_504] : memref<2x!tpu.dma_semaphore, #tpu.memory_space<semaphore_mem>> -> memref<1x!tpu.dma_semaphore, #tpu.memory_space<semaphore_mem>>
    %dma_start3A_509 = tpu.memref_squeeze %dma_start3A_508 : memref<1x!tpu.dma_semaphore, #tpu.memory_space<semaphore_mem>> -> memref<!tpu.dma_semaphore, #tpu.memory_space<semaphore_mem>>
    %dma_start3A_510 = arith.constant 32768 : i32
    %dma_start3A_511 = tpu.memref_slice %arg2[%select_n3A_452, %dma_start3A_510] : memref<64x131072xi32, #tpu.memory_space<hbm>> -> memref<1x16384xi32, #tpu.memory_space<hbm>>
    %dma_start3A_512 = tpu.memref_squeeze %dma_start3A_511 : memref<1x16384xi32, #tpu.memory_space<hbm>> -> memref<16384xi32, #tpu.memory_space<hbm>>
    tpu.enqueue_dma source(%dma_start3A_512 : memref<16384xi32, #tpu.memory_space<hbm>>) target(%arg5 : memref<16384xi32, #tpu.memory_space<vmem>>) target_semaphore(%dma_start3A_509 : memref<!tpu.dma_semaphore, #tpu.memory_space<semaphore_mem>>)
    %dma_wait3A_513 = arith.constant 1 : i32
    %dma_wait3A_514 = arith.constant 16384 : i32
    %dma_wait3A_515 = tpu.memref_slice %arg2[%select_n3A_452, %dma_wait3A_514] : memref<64x131072xi32, #tpu.memory_space<hbm>> -> memref<1x16384xi32, #tpu.memory_space<hbm>>
    %dma_wait3A_516 = tpu.memref_squeeze %dma_wait3A_515 : memref<1x16384xi32, #tpu.memory_space<hbm>> -> memref<16384xi32, #tpu.memory_space<hbm>>
    %dma_wait3A_517 = tpu.memref_slice %arg7[%dma_wait3A_513] : memref<2x!tpu.dma_semaphore, #tpu.memory_space<semaphore_mem>> -> memref<1x!tpu.dma_semaphore, #tpu.memory_space<semaphore_mem>>
    %dma_wait3A_518 = tpu.memref_squeeze %dma_wait3A_517 : memref<1x!tpu.dma_semaphore, #tpu.memory_space<semaphore_mem>> -> memref<!tpu.dma_semaphore, #tpu.memory_space<semaphore_mem>>
    %dma_wait3A_519 = arith.constant 16384 : i32
    %dma_wait3A_520 = tpu.memref_slice %arg2[%select_n3A_452, %dma_wait3A_519] : memref<64x131072xi32, #tpu.memory_space<hbm>> -> memref<1x16384xi32, #tpu.memory_space<hbm>>
    %dma_wait3A_521 = tpu.memref_squeeze %dma_wait3A_520 : memref<1x16384xi32, #tpu.memory_space<hbm>> -> memref<16384xi32, #tpu.memory_space<hbm>>
    tpu.wait_dma2 semaphore(%dma_wait3A_518 : memref<!tpu.dma_semaphore, #tpu.memory_space<semaphore_mem>>) src(%dma_wait3A_521 : memref<16384xi32, #tpu.memory_space<hbm>>) dst(%arg6 : memref<16384xi32, #tpu.memory_space<vmem>>)
    %parallel_loop3A_522 = arith.constant 0 : i32
    %parallel_loop3A_523 = arith.constant 1024 : i32
    %parallel_loop3A_524 = arith.constant 1 : i32
    scf.for %parallel_loop3A_859 = %parallel_loop3A_522 to %parallel_loop3A_523 step %parallel_loop3A_524  : i32 {
      %parallel_loop3A_860 = arith.constant 16 : i32
      %parallel_loop3A_861 = arith.muli %parallel_loop3A_859, %parallel_loop3A_860 : i32
      %parallel_loop3A_862 = arith.index_cast %parallel_loop3A_861 : i32 to index
      %parallel_loop3A_863 = tpu.vector_load %arg6[%parallel_loop3A_862] {strides = array<i32>} : memref<16384xi32, #tpu.memory_space<vmem>>, vector<16xi32>,
      %parallel_loop3A_864 = vector.broadcast %mul3A_470 : i32 to vector<16xi32>
      %parallel_loop3A_865 = arith.subi %parallel_loop3A_863, %parallel_loop3A_864 : vector<16xi32>
      %parallel_loop3A_866 = vector.bitcast %parallel_loop3A_865 : vector<16xi32> to vector<16xi32>
      %parallel_loop3A_867 = arith.constant 65536 : i32
      %parallel_loop3A_868 = vector.broadcast %parallel_loop3A_867 : i32 to vector<16xi32>
      %parallel_loop3A_869 = arith.minui %parallel_loop3A_866, %parallel_loop3A_868 : vector<16xi32>
      %parallel_loop3A_870 = vector.bitcast %parallel_loop3A_869 : vector<16xi32> to vector<16xi32>
      tpu.vector_store_idx %arg4[%parallel_loop3A_870], %broadcast_in_dim3A_1 : memref<65552xf32, #tpu.memory_space<vmem>>[vector<16xi32>], vector<16xf32>,
    } {sc.loop_unroll_factor = 8 : i64, sc.parallel_access}
    %dma_start3A_525 = arith.constant 1 : i32
    %dma_start3A_526 = arith.constant 49152 : i32
    %dma_start3A_527 = tpu.memref_slice %arg2[%select_n3A_452, %dma_start3A_526] : memref<64x131072xi32, #tpu.memory_space<hbm>> -> memref<1x16384xi32, #tpu.memory_space<hbm>>
    %dma_start3A_528 = tpu.memref_squeeze %dma_start3A_527 : memref<1x16384xi32, #tpu.memory_space<hbm>> -> memref<16384xi32, #tpu.memory_space<hbm>>
    %dma_start3A_529 = tpu.memref_slice %arg7[%dma_start3A_525] : memref<2x!tpu.dma_semaphore, #tpu.memory_space<semaphore_mem>> -> memref<1x!tpu.dma_semaphore, #tpu.memory_space<semaphore_mem>>
    %dma_start3A_530 = tpu.memref_squeeze %dma_start3A_529 : memref<1x!tpu.dma_semaphore, #tpu.memory_space<semaphore_mem>> -> memref<!tpu.dma_semaphore, #tpu.memory_space<semaphore_mem>>
    %dma_start3A_531 = arith.constant 49152 : i32
    %dma_start3A_532 = tpu.memref_slice %arg2[%select_n3A_452, %dma_start3A_531] : memref<64x131072xi32, #tpu.memory_space<hbm>> -> memref<1x16384xi32, #tpu.memory_space<hbm>>
    %dma_start3A_533 = tpu.memref_squeeze %dma_start3A_532 : memref<1x16384xi32, #tpu.memory_space<hbm>> -> memref<16384xi32, #tpu.memory_space<hbm>>
    tpu.enqueue_dma source(%dma_start3A_533 : memref<16384xi32, #tpu.memory_space<hbm>>) target(%arg6 : memref<16384xi32, #tpu.memory_space<vmem>>) target_semaphore(%dma_start3A_530 : memref<!tpu.dma_semaphore, #tpu.memory_space<semaphore_mem>>)
    %dma_wait3A_534 = arith.constant 0 : i32
    %dma_wait3A_535 = arith.constant 32768 : i32
    %dma_wait3A_536 = tpu.memref_slice %arg2[%select_n3A_452, %dma_wait3A_535] : memref<64x131072xi32, #tpu.memory_space<hbm>> -> memref<1x16384xi32, #tpu.memory_space<hbm>>
    %dma_wait3A_537 = tpu.memref_squeeze %dma_wait3A_536 : memref<1x16384xi32, #tpu.memory_space<hbm>> -> memref<16384xi32, #tpu.memory_space<hbm>>
    %dma_wait3A_538 = tpu.memref_slice %arg7[%dma_wait3A_534] : memref<2x!tpu.dma_semaphore, #tpu.memory_space<semaphore_mem>> -> memref<1x!tpu.dma_semaphore, #tpu.memory_space<semaphore_mem>>
    %dma_wait3A_539 = tpu.memref_squeeze %dma_wait3A_538 : memref<1x!tpu.dma_semaphore, #tpu.memory_space<semaphore_mem>> -> memref<!tpu.dma_semaphore, #tpu.memory_space<semaphore_mem>>
    %dma_wait3A_540 = arith.constant 32768 : i32
    %dma_wait3A_541 = tpu.memref_slice %arg2[%select_n3A_452, %dma_wait3A_540] : memref<64x131072xi32, #tpu.memory_space<hbm>> -> memref<1x16384xi32, #tpu.memory_space<hbm>>
    %dma_wait3A_542 = tpu.memref_squeeze %dma_wait3A_541 : memref<1x16384xi32, #tpu.memory_space<hbm>> -> memref<16384xi32, #tpu.memory_space<hbm>>
    tpu.wait_dma2 semaphore(%dma_wait3A_539 : memref<!tpu.dma_semaphore, #tpu.memory_space<semaphore_mem>>) src(%dma_wait3A_542 : memref<16384xi32, #tpu.memory_space<hbm>>) dst(%arg5 : memref<16384xi32, #tpu.memory_space<vmem>>)
    %parallel_loop3A_543 = arith.constant 0 : i32
    %parallel_loop3A_544 = arith.constant 1024 : i32
    %parallel_loop3A_545 = arith.constant 1 : i32
    scf.for %parallel_loop3A_859 = %parallel_loop3A_543 to %parallel_loop3A_544 step %parallel_loop3A_545  : i32 {
      %parallel_loop3A_860 = arith.constant 16 : i32
      %parallel_loop3A_861 = arith.muli %parallel_loop3A_859, %parallel_loop3A_860 : i32
      %parallel_loop3A_862 = arith.index_cast %parallel_loop3A_861 : i32 to index
      %parallel_loop3A_863 = tpu.vector_load %arg5[%parallel_loop3A_862] {strides = array<i32>} : memref<16384xi32, #tpu.memory_space<vmem>>, vector<16xi32>,
      %parallel_loop3A_864 = vector.broadcast %mul3A_470 : i32 to vector<16xi32>
      %parallel_loop3A_865 = arith.subi %parallel_loop3A_863, %parallel_loop3A_864 : vector<16xi32>
      %parallel_loop3A_866 = vector.bitcast %parallel_loop3A_865 : vector<16xi32> to vector<16xi32>
      %parallel_loop3A_867 = arith.constant 65536 : i32
      %parallel_loop3A_868 = vector.broadcast %parallel_loop3A_867 : i32 to vector<16xi32>
      %parallel_loop3A_869 = arith.minui %parallel_loop3A_866, %parallel_loop3A_868 : vector<16xi32>
      %parallel_loop3A_870 = vector.bitcast %parallel_loop3A_869 : vector<16xi32> to vector<16xi32>
      tpu.vector_store_idx %arg4[%parallel_loop3A_870], %broadcast_in_dim3A_1 : memref<65552xf32, #tpu.memory_space<vmem>>[vector<16xi32>], vector<16xf32>,
    } {sc.loop_unroll_factor = 8 : i64, sc.parallel_access}
    %dma_start3A_546 = arith.constant 0 : i32
    %dma_start3A_547 = arith.constant 65536 : i32
    %dma_start3A_548 = tpu.memref_slice %arg2[%select_n3A_452, %dma_start3A_547] : memref<64x131072xi32, #tpu.memory_space<hbm>> -> memref<1x16384xi32, #tpu.memory_space<hbm>>
    %dma_start3A_549 = tpu.memref_squeeze %dma_start3A_548 : memref<1x16384xi32, #tpu.memory_space<hbm>> -> memref<16384xi32, #tpu.memory_space<hbm>>
    %dma_start3A_550 = tpu.memref_slice %arg7[%dma_start3A_546] : memref<2x!tpu.dma_semaphore, #tpu.memory_space<semaphore_mem>> -> memref<1x!tpu.dma_semaphore, #tpu.memory_space<semaphore_mem>>
    %dma_start3A_551 = tpu.memref_squeeze %dma_start3A_550 : memref<1x!tpu.dma_semaphore, #tpu.memory_space<semaphore_mem>> -> memref<!tpu.dma_semaphore, #tpu.memory_space<semaphore_mem>>
    %dma_start3A_552 = arith.constant 65536 : i32
    %dma_start3A_553 = tpu.memref_slice %arg2[%select_n3A_452, %dma_start3A_552] : memref<64x131072xi32, #tpu.memory_space<hbm>> -> memref<1x16384xi32, #tpu.memory_space<hbm>>
    %dma_start3A_554 = tpu.memref_squeeze %dma_start3A_553 : memref<1x16384xi32, #tpu.memory_space<hbm>> -> memref<16384xi32, #tpu.memory_space<hbm>>
    tpu.enqueue_dma source(%dma_start3A_554 : memref<16384xi32, #tpu.memory_space<hbm>>) target(%arg5 : memref<16384xi32, #tpu.memory_space<vmem>>) target_semaphore(%dma_start3A_551 : memref<!tpu.dma_semaphore, #tpu.memory_space<semaphore_mem>>)
    %dma_wait3A_555 = arith.constant 1 : i32
    %dma_wait3A_556 = arith.constant 49152 : i32
    %dma_wait3A_557 = tpu.memref_slice %arg2[%select_n3A_452, %dma_wait3A_556] : memref<64x131072xi32, #tpu.memory_space<hbm>> -> memref<1x16384xi32, #tpu.memory_space<hbm>>
    %dma_wait3A_558 = tpu.memref_squeeze %dma_wait3A_557 : memref<1x16384xi32, #tpu.memory_space<hbm>> -> memref<16384xi32, #tpu.memory_space<hbm>>
    %dma_wait3A_559 = tpu.memref_slice %arg7[%dma_wait3A_555] : memref<2x!tpu.dma_semaphore, #tpu.memory_space<semaphore_mem>> -> memref<1x!tpu.dma_semaphore, #tpu.memory_space<semaphore_mem>>
    %dma_wait3A_560 = tpu.memref_squeeze %dma_wait3A_559 : memref<1x!tpu.dma_semaphore, #tpu.memory_space<semaphore_mem>> -> memref<!tpu.dma_semaphore, #tpu.memory_space<semaphore_mem>>
    %dma_wait3A_561 = arith.constant 49152 : i32
    %dma_wait3A_562 = tpu.memref_slice %arg2[%select_n3A_452, %dma_wait3A_561] : memref<64x131072xi32, #tpu.memory_space<hbm>> -> memref<1x16384xi32, #tpu.memory_space<hbm>>
    %dma_wait3A_563 = tpu.memref_squeeze %dma_wait3A_562 : memref<1x16384xi32, #tpu.memory_space<hbm>> -> memref<16384xi32, #tpu.memory_space<hbm>>
    tpu.wait_dma2 semaphore(%dma_wait3A_560 : memref<!tpu.dma_semaphore, #tpu.memory_space<semaphore_mem>>) src(%dma_wait3A_563 : memref<16384xi32, #tpu.memory_space<hbm>>) dst(%arg6 : memref<16384xi32, #tpu.memory_space<vmem>>)
    %parallel_loop3A_564 = arith.constant 0 : i32
    %parallel_loop3A_565 = arith.constant 1024 : i32
    %parallel_loop3A_566 = arith.constant 1 : i32
    scf.for %parallel_loop3A_859 = %parallel_loop3A_564 to %parallel_loop3A_565 step %parallel_loop3A_566  : i32 {
      %parallel_loop3A_860 = arith.constant 16 : i32
      %parallel_loop3A_861 = arith.muli %parallel_loop3A_859, %parallel_loop3A_860 : i32
      %parallel_loop3A_862 = arith.index_cast %parallel_loop3A_861 : i32 to index
      %parallel_loop3A_863 = tpu.vector_load %arg6[%parallel_loop3A_862] {strides = array<i32>} : memref<16384xi32, #tpu.memory_space<vmem>>, vector<16xi32>,
      %parallel_loop3A_864 = vector.broadcast %mul3A_470 : i32 to vector<16xi32>
      %parallel_loop3A_865 = arith.subi %parallel_loop3A_863, %parallel_loop3A_864 : vector<16xi32>
      %parallel_loop3A_866 = vector.bitcast %parallel_loop3A_865 : vector<16xi32> to vector<16xi32>
      %parallel_loop3A_867 = arith.constant 65536 : i32
      %parallel_loop3A_868 = vector.broadcast %parallel_loop3A_867 : i32 to vector<16xi32>
      %parallel_loop3A_869 = arith.minui %parallel_loop3A_866, %parallel_loop3A_868 : vector<16xi32>
      %parallel_loop3A_870 = vector.bitcast %parallel_loop3A_869 : vector<16xi32> to vector<16xi32>
      tpu.vector_store_idx %arg4[%parallel_loop3A_870], %broadcast_in_dim3A_1 : memref<65552xf32, #tpu.memory_space<vmem>>[vector<16xi32>], vector<16xf32>,
    } {sc.loop_unroll_factor = 8 : i64, sc.parallel_access}
    %dma_start3A_567 = arith.constant 1 : i32
    %dma_start3A_568 = arith.constant 81920 : i32
    %dma_start3A_569 = tpu.memref_slice %arg2[%select_n3A_452, %dma_start3A_568] : memref<64x131072xi32, #tpu.memory_space<hbm>> -> memref<1x16384xi32, #tpu.memory_space<hbm>>
    %dma_start3A_570 = tpu.memref_squeeze %dma_start3A_569 : memref<1x16384xi32, #tpu.memory_space<hbm>> -> memref<16384xi32, #tpu.memory_space<hbm>>
    %dma_start3A_571 = tpu.memref_slice %arg7[%dma_start3A_567] : memref<2x!tpu.dma_semaphore, #tpu.memory_space<semaphore_mem>> -> memref<1x!tpu.dma_semaphore, #tpu.memory_space<semaphore_mem>>
    %dma_start3A_572 = tpu.memref_squeeze %dma_start3A_571 : memref<1x!tpu.dma_semaphore, #tpu.memory_space<semaphore_mem>> -> memref<!tpu.dma_semaphore, #tpu.memory_space<semaphore_mem>>
    %dma_start3A_573 = arith.constant 81920 : i32
    %dma_start3A_574 = tpu.memref_slice %arg2[%select_n3A_452, %dma_start3A_573] : memref<64x131072xi32, #tpu.memory_space<hbm>> -> memref<1x16384xi32, #tpu.memory_space<hbm>>
    %dma_start3A_575 = tpu.memref_squeeze %dma_start3A_574 : memref<1x16384xi32, #tpu.memory_space<hbm>> -> memref<16384xi32, #tpu.memory_space<hbm>>
    tpu.enqueue_dma source(%dma_start3A_575 : memref<16384xi32, #tpu.memory_space<hbm>>) target(%arg6 : memref<16384xi32, #tpu.memory_space<vmem>>) target_semaphore(%dma_start3A_572 : memref<!tpu.dma_semaphore, #tpu.memory_space<semaphore_mem>>)
    %dma_wait3A_576 = arith.constant 0 : i32
    %dma_wait3A_577 = arith.constant 65536 : i32
    %dma_wait3A_578 = tpu.memref_slice %arg2[%select_n3A_452, %dma_wait3A_577] : memref<64x131072xi32, #tpu.memory_space<hbm>> -> memref<1x16384xi32, #tpu.memory_space<hbm>>
    %dma_wait3A_579 = tpu.memref_squeeze %dma_wait3A_578 : memref<1x16384xi32, #tpu.memory_space<hbm>> -> memref<16384xi32, #tpu.memory_space<hbm>>
    %dma_wait3A_580 = tpu.memref_slice %arg7[%dma_wait3A_576] : memref<2x!tpu.dma_semaphore, #tpu.memory_space<semaphore_mem>> -> memref<1x!tpu.dma_semaphore, #tpu.memory_space<semaphore_mem>>
    %dma_wait3A_581 = tpu.memref_squeeze %dma_wait3A_580 : memref<1x!tpu.dma_semaphore, #tpu.memory_space<semaphore_mem>> -> memref<!tpu.dma_semaphore, #tpu.memory_space<semaphore_mem>>
    %dma_wait3A_582 = arith.constant 65536 : i32
    %dma_wait3A_583 = tpu.memref_slice %arg2[%select_n3A_452, %dma_wait3A_582] : memref<64x131072xi32, #tpu.memory_space<hbm>> -> memref<1x16384xi32, #tpu.memory_space<hbm>>
    %dma_wait3A_584 = tpu.memref_squeeze %dma_wait3A_583 : memref<1x16384xi32, #tpu.memory_space<hbm>> -> memref<16384xi32, #tpu.memory_space<hbm>>
    tpu.wait_dma2 semaphore(%dma_wait3A_581 : memref<!tpu.dma_semaphore, #tpu.memory_space<semaphore_mem>>) src(%dma_wait3A_584 : memref<16384xi32, #tpu.memory_space<hbm>>) dst(%arg5 : memref<16384xi32, #tpu.memory_space<vmem>>)
    %parallel_loop3A_585 = arith.constant 0 : i32
    %parallel_loop3A_586 = arith.constant 1024 : i32
    %parallel_loop3A_587 = arith.constant 1 : i32
    scf.for %parallel_loop3A_859 = %parallel_loop3A_585 to %parallel_loop3A_586 step %parallel_loop3A_587  : i32 {
      %parallel_loop3A_860 = arith.constant 16 : i32
      %parallel_loop3A_861 = arith.muli %parallel_loop3A_859, %parallel_loop3A_860 : i32
      %parallel_loop3A_862 = arith.index_cast %parallel_loop3A_861 : i32 to index
      %parallel_loop3A_863 = tpu.vector_load %arg5[%parallel_loop3A_862] {strides = array<i32>} : memref<16384xi32, #tpu.memory_space<vmem>>, vector<16xi32>,
      %parallel_loop3A_864 = vector.broadcast %mul3A_470 : i32 to vector<16xi32>
      %parallel_loop3A_865 = arith.subi %parallel_loop3A_863, %parallel_loop3A_864 : vector<16xi32>
      %parallel_loop3A_866 = vector.bitcast %parallel_loop3A_865 : vector<16xi32> to vector<16xi32>
      %parallel_loop3A_867 = arith.constant 65536 : i32
      %parallel_loop3A_868 = vector.broadcast %parallel_loop3A_867 : i32 to vector<16xi32>
      %parallel_loop3A_869 = arith.minui %parallel_loop3A_866, %parallel_loop3A_868 : vector<16xi32>
      %parallel_loop3A_870 = vector.bitcast %parallel_loop3A_869 : vector<16xi32> to vector<16xi32>
      tpu.vector_store_idx %arg4[%parallel_loop3A_870], %broadcast_in_dim3A_1 : memref<65552xf32, #tpu.memory_space<vmem>>[vector<16xi32>], vector<16xf32>,
    } {sc.loop_unroll_factor = 8 : i64, sc.parallel_access}
    %dma_start3A_588 = arith.constant 0 : i32
    %dma_start3A_589 = arith.constant 98304 : i32
    %dma_start3A_590 = tpu.memref_slice %arg2[%select_n3A_452, %dma_start3A_589] : memref<64x131072xi32, #tpu.memory_space<hbm>> -> memref<1x16384xi32, #tpu.memory_space<hbm>>
    %dma_start3A_591 = tpu.memref_squeeze %dma_start3A_590 : memref<1x16384xi32, #tpu.memory_space<hbm>> -> memref<16384xi32, #tpu.memory_space<hbm>>
    %dma_start3A_592 = tpu.memref_slice %arg7[%dma_start3A_588] : memref<2x!tpu.dma_semaphore, #tpu.memory_space<semaphore_mem>> -> memref<1x!tpu.dma_semaphore, #tpu.memory_space<semaphore_mem>>
    %dma_start3A_593 = tpu.memref_squeeze %dma_start3A_592 : memref<1x!tpu.dma_semaphore, #tpu.memory_space<semaphore_mem>> -> memref<!tpu.dma_semaphore, #tpu.memory_space<semaphore_mem>>
    %dma_start3A_594 = arith.constant 98304 : i32
    %dma_start3A_595 = tpu.memref_slice %arg2[%select_n3A_452, %dma_start3A_594] : memref<64x131072xi32, #tpu.memory_space<hbm>> -> memref<1x16384xi32, #tpu.memory_space<hbm>>
    %dma_start3A_596 = tpu.memref_squeeze %dma_start3A_595 : memref<1x16384xi32, #tpu.memory_space<hbm>> -> memref<16384xi32, #tpu.memory_space<hbm>>
    tpu.enqueue_dma source(%dma_start3A_596 : memref<16384xi32, #tpu.memory_space<hbm>>) target(%arg5 : memref<16384xi32, #tpu.memory_space<vmem>>) target_semaphore(%dma_start3A_593 : memref<!tpu.dma_semaphore, #tpu.memory_space<semaphore_mem>>)
    %dma_wait3A_597 = arith.constant 1 : i32
    %dma_wait3A_598 = arith.constant 81920 : i32
    %dma_wait3A_599 = tpu.memref_slice %arg2[%select_n3A_452, %dma_wait3A_598] : memref<64x131072xi32, #tpu.memory_space<hbm>> -> memref<1x16384xi32, #tpu.memory_space<hbm>>
    %dma_wait3A_600 = tpu.memref_squeeze %dma_wait3A_599 : memref<1x16384xi32, #tpu.memory_space<hbm>> -> memref<16384xi32, #tpu.memory_space<hbm>>
    %dma_wait3A_601 = tpu.memref_slice %arg7[%dma_wait3A_597] : memref<2x!tpu.dma_semaphore, #tpu.memory_space<semaphore_mem>> -> memref<1x!tpu.dma_semaphore, #tpu.memory_space<semaphore_mem>>
    %dma_wait3A_602 = tpu.memref_squeeze %dma_wait3A_601 : memref<1x!tpu.dma_semaphore, #tpu.memory_space<semaphore_mem>> -> memref<!tpu.dma_semaphore, #tpu.memory_space<semaphore_mem>>
    %dma_wait3A_603 = arith.constant 81920 : i32
    %dma_wait3A_604 = tpu.memref_slice %arg2[%select_n3A_452, %dma_wait3A_603] : memref<64x131072xi32, #tpu.memory_space<hbm>> -> memref<1x16384xi32, #tpu.memory_space<hbm>>
    %dma_wait3A_605 = tpu.memref_squeeze %dma_wait3A_604 : memref<1x16384xi32, #tpu.memory_space<hbm>> -> memref<16384xi32, #tpu.memory_space<hbm>>
    tpu.wait_dma2 semaphore(%dma_wait3A_602 : memref<!tpu.dma_semaphore, #tpu.memory_space<semaphore_mem>>) src(%dma_wait3A_605 : memref<16384xi32, #tpu.memory_space<hbm>>) dst(%arg6 : memref<16384xi32, #tpu.memory_space<vmem>>)
    %parallel_loop3A_606 = arith.constant 0 : i32
    %parallel_loop3A_607 = arith.constant 1024 : i32
    %parallel_loop3A_608 = arith.constant 1 : i32
    scf.for %parallel_loop3A_859 = %parallel_loop3A_606 to %parallel_loop3A_607 step %parallel_loop3A_608  : i32 {
      %parallel_loop3A_860 = arith.constant 16 : i32
      %parallel_loop3A_861 = arith.muli %parallel_loop3A_859, %parallel_loop3A_860 : i32
      %parallel_loop3A_862 = arith.index_cast %parallel_loop3A_861 : i32 to index
      %parallel_loop3A_863 = tpu.vector_load %arg6[%parallel_loop3A_862] {strides = array<i32>} : memref<16384xi32, #tpu.memory_space<vmem>>, vector<16xi32>,
      %parallel_loop3A_864 = vector.broadcast %mul3A_470 : i32 to vector<16xi32>
      %parallel_loop3A_865 = arith.subi %parallel_loop3A_863, %parallel_loop3A_864 : vector<16xi32>
      %parallel_loop3A_866 = vector.bitcast %parallel_loop3A_865 : vector<16xi32> to vector<16xi32>
      %parallel_loop3A_867 = arith.constant 65536 : i32
      %parallel_loop3A_868 = vector.broadcast %parallel_loop3A_867 : i32 to vector<16xi32>
      %parallel_loop3A_869 = arith.minui %parallel_loop3A_866, %parallel_loop3A_868 : vector<16xi32>
      %parallel_loop3A_870 = vector.bitcast %parallel_loop3A_869 : vector<16xi32> to vector<16xi32>
      tpu.vector_store_idx %arg4[%parallel_loop3A_870], %broadcast_in_dim3A_1 : memref<65552xf32, #tpu.memory_space<vmem>>[vector<16xi32>], vector<16xf32>,
    } {sc.loop_unroll_factor = 8 : i64, sc.parallel_access}
    %dma_start3A_609 = arith.constant 1 : i32
    %dma_start3A_610 = arith.constant 114688 : i32
    %dma_start3A_611 = tpu.memref_slice %arg2[%select_n3A_452, %dma_start3A_610] : memref<64x131072xi32, #tpu.memory_space<hbm>> -> memref<1x16384xi32, #tpu.memory_space<hbm>>
    %dma_start3A_612 = tpu.memref_squeeze %dma_start3A_611 : memref<1x16384xi32, #tpu.memory_space<hbm>> -> memref<16384xi32, #tpu.memory_space<hbm>>
    %dma_start3A_613 = tpu.memref_slice %arg7[%dma_start3A_609] : memref<2x!tpu.dma_semaphore, #tpu.memory_space<semaphore_mem>> -> memref<1x!tpu.dma_semaphore, #tpu.memory_space<semaphore_mem>>
    %dma_start3A_614 = tpu.memref_squeeze %dma_start3A_613 : memref<1x!tpu.dma_semaphore, #tpu.memory_space<semaphore_mem>> -> memref<!tpu.dma_semaphore, #tpu.memory_space<semaphore_mem>>
    %dma_start3A_615 = arith.constant 114688 : i32
    %dma_start3A_616 = tpu.memref_slice %arg2[%select_n3A_452, %dma_start3A_615] : memref<64x131072xi32, #tpu.memory_space<hbm>> -> memref<1x16384xi32, #tpu.memory_space<hbm>>
    %dma_start3A_617 = tpu.memref_squeeze %dma_start3A_616 : memref<1x16384xi32, #tpu.memory_space<hbm>> -> memref<16384xi32, #tpu.memory_space<hbm>>
    tpu.enqueue_dma source(%dma_start3A_617 : memref<16384xi32, #tpu.memory_space<hbm>>) target(%arg6 : memref<16384xi32, #tpu.memory_space<vmem>>) target_semaphore(%dma_start3A_614 : memref<!tpu.dma_semaphore, #tpu.memory_space<semaphore_mem>>)
    %dma_wait3A_618 = arith.constant 0 : i32
    %dma_wait3A_619 = arith.constant 98304 : i32
    %dma_wait3A_620 = tpu.memref_slice %arg2[%select_n3A_452, %dma_wait3A_619] : memref<64x131072xi32, #tpu.memory_space<hbm>> -> memref<1x16384xi32, #tpu.memory_space<hbm>>
    %dma_wait3A_621 = tpu.memref_squeeze %dma_wait3A_620 : memref<1x16384xi32, #tpu.memory_space<hbm>> -> memref<16384xi32, #tpu.memory_space<hbm>>
    %dma_wait3A_622 = tpu.memref_slice %arg7[%dma_wait3A_618] : memref<2x!tpu.dma_semaphore, #tpu.memory_space<semaphore_mem>> -> memref<1x!tpu.dma_semaphore, #tpu.memory_space<semaphore_mem>>
    %dma_wait3A_623 = tpu.memref_squeeze %dma_wait3A_622 : memref<1x!tpu.dma_semaphore, #tpu.memory_space<semaphore_mem>> -> memref<!tpu.dma_semaphore, #tpu.memory_space<semaphore_mem>>
    %dma_wait3A_624 = arith.constant 98304 : i32
    %dma_wait3A_625 = tpu.memref_slice %arg2[%select_n3A_452, %dma_wait3A_624] : memref<64x131072xi32, #tpu.memory_space<hbm>> -> memref<1x16384xi32, #tpu.memory_space<hbm>>
    %dma_wait3A_626 = tpu.memref_squeeze %dma_wait3A_625 : memref<1x16384xi32, #tpu.memory_space<hbm>> -> memref<16384xi32, #tpu.memory_space<hbm>>
    tpu.wait_dma2 semaphore(%dma_wait3A_623 : memref<!tpu.dma_semaphore, #tpu.memory_space<semaphore_mem>>) src(%dma_wait3A_626 : memref<16384xi32, #tpu.memory_space<hbm>>) dst(%arg5 : memref<16384xi32, #tpu.memory_space<vmem>>)
    %parallel_loop3A_627 = arith.constant 0 : i32
    %parallel_loop3A_628 = arith.constant 1024 : i32
    %parallel_loop3A_629 = arith.constant 1 : i32
    scf.for %parallel_loop3A_859 = %parallel_loop3A_627 to %parallel_loop3A_628 step %parallel_loop3A_629  : i32 {
      %parallel_loop3A_860 = arith.constant 16 : i32
      %parallel_loop3A_861 = arith.muli %parallel_loop3A_859, %parallel_loop3A_860 : i32
      %parallel_loop3A_862 = arith.index_cast %parallel_loop3A_861 : i32 to index
      %parallel_loop3A_863 = tpu.vector_load %arg5[%parallel_loop3A_862] {strides = array<i32>} : memref<16384xi32, #tpu.memory_space<vmem>>, vector<16xi32>,
      %parallel_loop3A_864 = vector.broadcast %mul3A_470 : i32 to vector<16xi32>
      %parallel_loop3A_865 = arith.subi %parallel_loop3A_863, %parallel_loop3A_864 : vector<16xi32>
      %parallel_loop3A_866 = vector.bitcast %parallel_loop3A_865 : vector<16xi32> to vector<16xi32>
      %parallel_loop3A_867 = arith.constant 65536 : i32
      %parallel_loop3A_868 = vector.broadcast %parallel_loop3A_867 : i32 to vector<16xi32>
      %parallel_loop3A_869 = arith.minui %parallel_loop3A_866, %parallel_loop3A_868 : vector<16xi32>
      %parallel_loop3A_870 = vector.bitcast %parallel_loop3A_869 : vector<16xi32> to vector<16xi32>
      tpu.vector_store_idx %arg4[%parallel_loop3A_870], %broadcast_in_dim3A_1 : memref<65552xf32, #tpu.memory_space<vmem>>[vector<16xi32>], vector<16xf32>,
    } {sc.loop_unroll_factor = 8 : i64, sc.parallel_access}
    %dma_wait3A_630 = arith.constant 1 : i32
    %dma_wait3A_631 = arith.constant 114688 : i32
    %dma_wait3A_632 = tpu.memref_slice %arg2[%select_n3A_452, %dma_wait3A_631] : memref<64x131072xi32, #tpu.memory_space<hbm>> -> memref<1x16384xi32, #tpu.memory_space<hbm>>
    %dma_wait3A_633 = tpu.memref_squeeze %dma_wait3A_632 : memref<1x16384xi32, #tpu.memory_space<hbm>> -> memref<16384xi32, #tpu.memory_space<hbm>>
    %dma_wait3A_634 = tpu.memref_slice %arg7[%dma_wait3A_630] : memref<2x!tpu.dma_semaphore, #tpu.memory_space<semaphore_mem>> -> memref<1x!tpu.dma_semaphore, #tpu.memory_space<semaphore_mem>>
    %dma_wait3A_635 = tpu.memref_squeeze %dma_wait3A_634 : memref<1x!tpu.dma_semaphore, #tpu.memory_space<semaphore_mem>> -> memref<!tpu.dma_semaphore, #tpu.memory_space<semaphore_mem>>
    %dma_wait3A_636 = arith.constant 114688 : i32
    %dma_wait3A_637 = tpu.memref_slice %arg2[%select_n3A_452, %dma_wait3A_636] : memref<64x131072xi32, #tpu.memory_space<hbm>> -> memref<1x16384xi32, #tpu.memory_space<hbm>>
    %dma_wait3A_638 = tpu.memref_squeeze %dma_wait3A_637 : memref<1x16384xi32, #tpu.memory_space<hbm>> -> memref<16384xi32, #tpu.memory_space<hbm>>
    tpu.wait_dma2 semaphore(%dma_wait3A_635 : memref<!tpu.dma_semaphore, #tpu.memory_space<semaphore_mem>>) src(%dma_wait3A_638 : memref<16384xi32, #tpu.memory_space<hbm>>) dst(%arg6 : memref<16384xi32, #tpu.memory_space<vmem>>)
    %parallel_loop3A_639 = arith.constant 0 : i32
    %parallel_loop3A_640 = arith.constant 1024 : i32
    %parallel_loop3A_641 = arith.constant 1 : i32
    scf.for %parallel_loop3A_859 = %parallel_loop3A_639 to %parallel_loop3A_640 step %parallel_loop3A_641  : i32 {
      %parallel_loop3A_860 = arith.constant 16 : i32
      %parallel_loop3A_861 = arith.muli %parallel_loop3A_859, %parallel_loop3A_860 : i32
      %parallel_loop3A_862 = arith.index_cast %parallel_loop3A_861 : i32 to index
      %parallel_loop3A_863 = tpu.vector_load %arg6[%parallel_loop3A_862] {strides = array<i32>} : memref<16384xi32, #tpu.memory_space<vmem>>, vector<16xi32>,
      %parallel_loop3A_864 = vector.broadcast %mul3A_470 : i32 to vector<16xi32>
      %parallel_loop3A_865 = arith.subi %parallel_loop3A_863, %parallel_loop3A_864 : vector<16xi32>
      %parallel_loop3A_866 = vector.bitcast %parallel_loop3A_865 : vector<16xi32> to vector<16xi32>
      %parallel_loop3A_867 = arith.constant 65536 : i32
      %parallel_loop3A_868 = vector.broadcast %parallel_loop3A_867 : i32 to vector<16xi32>
      %parallel_loop3A_869 = arith.minui %parallel_loop3A_866, %parallel_loop3A_868 : vector<16xi32>
      %parallel_loop3A_870 = vector.bitcast %parallel_loop3A_869 : vector<16xi32> to vector<16xi32>
      tpu.vector_store_idx %arg4[%parallel_loop3A_870], %broadcast_in_dim3A_1 : memref<65552xf32, #tpu.memory_space<vmem>>[vector<16xi32>], vector<16xf32>,
    } {sc.loop_unroll_factor = 8 : i64, sc.parallel_access}
    "tpu.region"() ({
      %run_scoped3A = tpu.sem_alloc : memref<!tpu.dma_semaphore, #tpu.memory_space<semaphore_mem>>
      %dma_start3A_859 = arith.constant 0 : i32
      %dma_start3A_860 = tpu.memref_slice %arg4[%dma_start3A_859] : memref<65552xf32, #tpu.memory_space<vmem>> -> memref<65536xf32, #tpu.memory_space<vmem>>
      %dma_start3A_861 = tpu.memref_slice %arg3[%select_n3A_452, %mul3A_470] : memref<64x131072xf32, #tpu.memory_space<hbm>> -> memref<1x65536xf32, #tpu.memory_space<hbm>>
      %dma_start3A_862 = tpu.memref_squeeze %dma_start3A_861 : memref<1x65536xf32, #tpu.memory_space<hbm>> -> memref<65536xf32, #tpu.memory_space<hbm>>
      %dma_start3A_863 = tpu.memref_slice %arg3[%select_n3A_452, %mul3A_470] : memref<64x131072xf32, #tpu.memory_space<hbm>> -> memref<1x65536xf32, #tpu.memory_space<hbm>>
      %dma_start3A_864 = tpu.memref_squeeze %dma_start3A_863 : memref<1x65536xf32, #tpu.memory_space<hbm>> -> memref<65536xf32, #tpu.memory_space<hbm>>
      %dma_start3A_865 = arith.constant 0 : i32
      %dma_start3A_866 = tpu.memref_slice %arg4[%dma_start3A_865] : memref<65552xf32, #tpu.memory_space<vmem>> -> memref<65536xf32, #tpu.memory_space<vmem>>
      tpu.enqueue_dma source(%dma_start3A_866 : memref<65536xf32, #tpu.memory_space<vmem>>) target(%dma_start3A_864 : memref<65536xf32, #tpu.memory_space<hbm>>) target_semaphore(%run_scoped3A : memref<!tpu.dma_semaphore, #tpu.memory_space<semaphore_mem>>)
      %dma_wait3A_867 = arith.constant 0 : i32
      %dma_wait3A_868 = tpu.memref_slice %arg4[%dma_wait3A_867] : memref<65552xf32, #tpu.memory_space<vmem>> -> memref<65536xf32, #tpu.memory_space<vmem>>
      %dma_wait3A_869 = tpu.memref_slice %arg3[%select_n3A_452, %mul3A_470] : memref<64x131072xf32, #tpu.memory_space<hbm>> -> memref<1x65536xf32, #tpu.memory_space<hbm>>
      %dma_wait3A_870 = tpu.memref_squeeze %dma_wait3A_869 : memref<1x65536xf32, #tpu.memory_space<hbm>> -> memref<65536xf32, #tpu.memory_space<hbm>>
      %dma_wait3A_871 = tpu.memref_slice %arg3[%select_n3A_452, %mul3A_470] : memref<64x131072xf32, #tpu.memory_space<hbm>> -> memref<1x65536xf32, #tpu.memory_space<hbm>>
      %dma_wait3A_872 = tpu.memref_squeeze %dma_wait3A_871 : memref<1x65536xf32, #tpu.memory_space<hbm>> -> memref<65536xf32, #tpu.memory_space<hbm>>
      %dma_wait3A_873 = arith.constant 0 : i32
      %dma_wait3A_874 = tpu.memref_slice %arg4[%dma_wait3A_873] : memref<65552xf32, #tpu.memory_space<vmem>> -> memref<65536xf32, #tpu.memory_space<vmem>>
      tpu.wait_dma2 semaphore(%run_scoped3A : memref<!tpu.dma_semaphore, #tpu.memory_space<semaphore_mem>>) src(%dma_wait3A_874 : memref<65536xf32, #tpu.memory_space<vmem>>) dst(%dma_wait3A_872 : memref<65536xf32, #tpu.memory_space<hbm>>)
      tpu.yield
    }) : () -> ()
    %mul3A_642 = arith.constant 4 : i32
    %mul3A_643 = arith.muli %add3A, %mul3A_642 : i32
    %add3A_644 = arith.constant 3 : i32
    %add3A_645 = arith.addi %mul3A_643, %add3A_644 : i32
    %jit3A_646 = arith.constant 2 : i32
    %div3A_647 = arith.divsi %add3A_645, %jit3A_646 : i32
    %sign3A_648 = arith.constant 0 : i32
    %sign3A_649 = arith.cmpi sgt, %add3A_645, %sign3A_648 : i32
    %sign3A_650 = arith.extui %sign3A_649 : i1 to i32
    %sign3A_651 = arith.constant 0 : i32
    %sign3A_652 = arith.cmpi slt, %add3A_645, %sign3A_651 : i32
    %sign3A_653 = arith.extui %sign3A_652 : i1 to i32
    %sign3A_654 = arith.subi %sign3A_650, %sign3A_653 : i32
    %sign3A_655 = arith.constant 0 : i32
    %sign3A_656 = arith.cmpi sgt, %jit3A_646, %sign3A_655 : i32
    %sign3A_657 = arith.extui %sign3A_656 : i1 to i32
    %sign3A_658 = arith.constant 0 : i32
    %sign3A_659 = arith.cmpi slt, %jit3A_646, %sign3A_658 : i32
    %sign3A_660 = arith.extui %sign3A_659 : i1 to i32
    %sign3A_661 = arith.subi %sign3A_657, %sign3A_660 : i32
    %ne3A_662 = arith.cmpi ne, %sign3A_654, %sign3A_661 : i32
    %rem3A_663 = arith.remsi %add3A_645, %jit3A_646 : i32
    %ne3A_664 = arith.constant 0 : i32
    %ne3A_665 = arith.cmpi ne, %rem3A_663, %ne3A_664 : i32
    %and3A_666 = arith.andi %ne3A_662, %ne3A_665 : i1
    %sub3A_667 = arith.constant 1 : i32
    %sub3A_668 = arith.subi %div3A_647, %sub3A_667 : i32
    %select_n3A_669 = arith.select %and3A_666, %sub3A_668, %div3A_647 : i32
    %jit3A_670 = arith.constant 2 : i32
    %eq3A_671 = arith.constant 0 : i32
    %eq3A_672 = arith.cmpi eq, %jit3A_670, %eq3A_671 : i32
    %jit3A_673 = arith.constant 1 : i32
    %select_n3A_674 = arith.select %eq3A_672, %jit3A_673, %jit3A_670 : i32
    %rem3A_675 = arith.remsi %add3A_645, %select_n3A_674 : i32
    %ne3A_676 = arith.constant 0 : i32
    %ne3A_677 = arith.cmpi ne, %rem3A_675, %ne3A_676 : i32
    %lt3A_678 = arith.constant 0 : i32
    %lt3A_679 = arith.cmpi slt, %rem3A_675, %lt3A_678 : i32
    %lt3A_680 = arith.constant 0 : i32
    %lt3A_681 = arith.cmpi slt, %select_n3A_674, %lt3A_680 : i32
    %ne3A_682 = arith.xori %lt3A_679, %lt3A_681 : i1
    %and3A_683 = arith.andi %ne3A_682, %ne3A_677 : i1
    %add3A_684 = arith.addi %rem3A_675, %select_n3A_674 : i32
    %select_n3A_685 = arith.select %and3A_683, %add3A_684, %rem3A_675 : i32
    %mul3A_686 = arith.constant 65536 : i32
    %mul3A_687 = arith.muli %select_n3A_685, %mul3A_686 : i32
    %parallel_loop3A_688 = arith.constant 0 : i32
    %parallel_loop3A_689 = arith.constant 4097 : i32
    %parallel_loop3A_690 = arith.constant 1 : i32
    scf.for %parallel_loop3A_859 = %parallel_loop3A_688 to %parallel_loop3A_689 step %parallel_loop3A_690  : i32 {
      %parallel_loop3A_860 = arith.constant 16 : i32
      %parallel_loop3A_861 = arith.muli %parallel_loop3A_859, %parallel_loop3A_860 : i32
      %parallel_loop3A_862 = arith.index_cast %parallel_loop3A_861 : i32 to index
      %parallel_loop3A_863 = tpu.vector_load %arg4[%parallel_loop3A_862] {strides = array<i32>} : memref<65552xf32, #tpu.memory_space<vmem>>, vector<16xf32>,
      tpu.vector_store %arg4[%parallel_loop3A_862], %broadcast_in_dim3A_3 {strides = array<i32>} : memref<65552xf32, #tpu.memory_space<vmem>>, vector<16xf32>,
    } {sc.loop_unroll_factor = 8 : i64, sc.parallel_access}
    %dma_start3A_691 = arith.constant 0 : i32
    %dma_start3A_692 = arith.constant 0 : i32
    %dma_start3A_693 = tpu.memref_slice %arg2[%select_n3A_669, %dma_start3A_692] : memref<64x131072xi32, #tpu.memory_space<hbm>> -> memref<1x16384xi32, #tpu.memory_space<hbm>>
    %dma_start3A_694 = tpu.memref_squeeze %dma_start3A_693 : memref<1x16384xi32, #tpu.memory_space<hbm>> -> memref<16384xi32, #tpu.memory_space<hbm>>
    %dma_start3A_695 = tpu.memref_slice %arg7[%dma_start3A_691] : memref<2x!tpu.dma_semaphore, #tpu.memory_space<semaphore_mem>> -> memref<1x!tpu.dma_semaphore, #tpu.memory_space<semaphore_mem>>
    %dma_start3A_696 = tpu.memref_squeeze %dma_start3A_695 : memref<1x!tpu.dma_semaphore, #tpu.memory_space<semaphore_mem>> -> memref<!tpu.dma_semaphore, #tpu.memory_space<semaphore_mem>>
    %dma_start3A_697 = arith.constant 0 : i32
    %dma_start3A_698 = tpu.memref_slice %arg2[%select_n3A_669, %dma_start3A_697] : memref<64x131072xi32, #tpu.memory_space<hbm>> -> memref<1x16384xi32, #tpu.memory_space<hbm>>
    %dma_start3A_699 = tpu.memref_squeeze %dma_start3A_698 : memref<1x16384xi32, #tpu.memory_space<hbm>> -> memref<16384xi32, #tpu.memory_space<hbm>>
    tpu.enqueue_dma source(%dma_start3A_699 : memref<16384xi32, #tpu.memory_space<hbm>>) target(%arg5 : memref<16384xi32, #tpu.memory_space<vmem>>) target_semaphore(%dma_start3A_696 : memref<!tpu.dma_semaphore, #tpu.memory_space<semaphore_mem>>)
    %dma_start3A_700 = arith.constant 1 : i32
    %dma_start3A_701 = arith.constant 16384 : i32
    %dma_start3A_702 = tpu.memref_slice %arg2[%select_n3A_669, %dma_start3A_701] : memref<64x131072xi32, #tpu.memory_space<hbm>> -> memref<1x16384xi32, #tpu.memory_space<hbm>>
    %dma_start3A_703 = tpu.memref_squeeze %dma_start3A_702 : memref<1x16384xi32, #tpu.memory_space<hbm>> -> memref<16384xi32, #tpu.memory_space<hbm>>
    %dma_start3A_704 = tpu.memref_slice %arg7[%dma_start3A_700] : memref<2x!tpu.dma_semaphore, #tpu.memory_space<semaphore_mem>> -> memref<1x!tpu.dma_semaphore, #tpu.memory_space<semaphore_mem>>
    %dma_start3A_705 = tpu.memref_squeeze %dma_start3A_704 : memref<1x!tpu.dma_semaphore, #tpu.memory_space<semaphore_mem>> -> memref<!tpu.dma_semaphore, #tpu.memory_space<semaphore_mem>>
    %dma_start3A_706 = arith.constant 16384 : i32
    %dma_start3A_707 = tpu.memref_slice %arg2[%select_n3A_669, %dma_start3A_706] : memref<64x131072xi32, #tpu.memory_space<hbm>> -> memref<1x16384xi32, #tpu.memory_space<hbm>>
    %dma_start3A_708 = tpu.memref_squeeze %dma_start3A_707 : memref<1x16384xi32, #tpu.memory_space<hbm>> -> memref<16384xi32, #tpu.memory_space<hbm>>
    tpu.enqueue_dma source(%dma_start3A_708 : memref<16384xi32, #tpu.memory_space<hbm>>) target(%arg6 : memref<16384xi32, #tpu.memory_space<vmem>>) target_semaphore(%dma_start3A_705 : memref<!tpu.dma_semaphore, #tpu.memory_space<semaphore_mem>>)
    %dma_wait3A_709 = arith.constant 0 : i32
    %dma_wait3A_710 = arith.constant 0 : i32
    %dma_wait3A_711 = tpu.memref_slice %arg2[%select_n3A_669, %dma_wait3A_710] : memref<64x131072xi32, #tpu.memory_space<hbm>> -> memref<1x16384xi32, #tpu.memory_space<hbm>>
    %dma_wait3A_712 = tpu.memref_squeeze %dma_wait3A_711 : memref<1x16384xi32, #tpu.memory_space<hbm>> -> memref<16384xi32, #tpu.memory_space<hbm>>
    %dma_wait3A_713 = tpu.memref_slice %arg7[%dma_wait3A_709] : memref<2x!tpu.dma_semaphore, #tpu.memory_space<semaphore_mem>> -> memref<1x!tpu.dma_semaphore, #tpu.memory_space<semaphore_mem>>
    %dma_wait3A_714 = tpu.memref_squeeze %dma_wait3A_713 : memref<1x!tpu.dma_semaphore, #tpu.memory_space<semaphore_mem>> -> memref<!tpu.dma_semaphore, #tpu.memory_space<semaphore_mem>>
    %dma_wait3A_715 = arith.constant 0 : i32
    %dma_wait3A_716 = tpu.memref_slice %arg2[%select_n3A_669, %dma_wait3A_715] : memref<64x131072xi32, #tpu.memory_space<hbm>> -> memref<1x16384xi32, #tpu.memory_space<hbm>>
    %dma_wait3A_717 = tpu.memref_squeeze %dma_wait3A_716 : memref<1x16384xi32, #tpu.memory_space<hbm>> -> memref<16384xi32, #tpu.memory_space<hbm>>
    tpu.wait_dma2 semaphore(%dma_wait3A_714 : memref<!tpu.dma_semaphore, #tpu.memory_space<semaphore_mem>>) src(%dma_wait3A_717 : memref<16384xi32, #tpu.memory_space<hbm>>) dst(%arg5 : memref<16384xi32, #tpu.memory_space<vmem>>)
    %parallel_loop3A_718 = arith.constant 0 : i32
    %parallel_loop3A_719 = arith.constant 1024 : i32
    %parallel_loop3A_720 = arith.constant 1 : i32
    scf.for %parallel_loop3A_859 = %parallel_loop3A_718 to %parallel_loop3A_719 step %parallel_loop3A_720  : i32 {
      %parallel_loop3A_860 = arith.constant 16 : i32
      %parallel_loop3A_861 = arith.muli %parallel_loop3A_859, %parallel_loop3A_860 : i32
      %parallel_loop3A_862 = arith.index_cast %parallel_loop3A_861 : i32 to index
      %parallel_loop3A_863 = tpu.vector_load %arg5[%parallel_loop3A_862] {strides = array<i32>} : memref<16384xi32, #tpu.memory_space<vmem>>, vector<16xi32>,
      %parallel_loop3A_864 = vector.broadcast %mul3A_687 : i32 to vector<16xi32>
      %parallel_loop3A_865 = arith.subi %parallel_loop3A_863, %parallel_loop3A_864 : vector<16xi32>
      %parallel_loop3A_866 = vector.bitcast %parallel_loop3A_865 : vector<16xi32> to vector<16xi32>
      %parallel_loop3A_867 = arith.constant 65536 : i32
      %parallel_loop3A_868 = vector.broadcast %parallel_loop3A_867 : i32 to vector<16xi32>
      %parallel_loop3A_869 = arith.minui %parallel_loop3A_866, %parallel_loop3A_868 : vector<16xi32>
      %parallel_loop3A_870 = vector.bitcast %parallel_loop3A_869 : vector<16xi32> to vector<16xi32>
      tpu.vector_store_idx %arg4[%parallel_loop3A_870], %broadcast_in_dim3A_1 : memref<65552xf32, #tpu.memory_space<vmem>>[vector<16xi32>], vector<16xf32>,
    } {sc.loop_unroll_factor = 8 : i64, sc.parallel_access}
    %dma_start3A_721 = arith.constant 0 : i32
    %dma_start3A_722 = arith.constant 32768 : i32
    %dma_start3A_723 = tpu.memref_slice %arg2[%select_n3A_669, %dma_start3A_722] : memref<64x131072xi32, #tpu.memory_space<hbm>> -> memref<1x16384xi32, #tpu.memory_space<hbm>>
    %dma_start3A_724 = tpu.memref_squeeze %dma_start3A_723 : memref<1x16384xi32, #tpu.memory_space<hbm>> -> memref<16384xi32, #tpu.memory_space<hbm>>
    %dma_start3A_725 = tpu.memref_slice %arg7[%dma_start3A_721] : memref<2x!tpu.dma_semaphore, #tpu.memory_space<semaphore_mem>> -> memref<1x!tpu.dma_semaphore, #tpu.memory_space<semaphore_mem>>
    %dma_start3A_726 = tpu.memref_squeeze %dma_start3A_725 : memref<1x!tpu.dma_semaphore, #tpu.memory_space<semaphore_mem>> -> memref<!tpu.dma_semaphore, #tpu.memory_space<semaphore_mem>>
    %dma_start3A_727 = arith.constant 32768 : i32
    %dma_start3A_728 = tpu.memref_slice %arg2[%select_n3A_669, %dma_start3A_727] : memref<64x131072xi32, #tpu.memory_space<hbm>> -> memref<1x16384xi32, #tpu.memory_space<hbm>>
    %dma_start3A_729 = tpu.memref_squeeze %dma_start3A_728 : memref<1x16384xi32, #tpu.memory_space<hbm>> -> memref<16384xi32, #tpu.memory_space<hbm>>
    tpu.enqueue_dma source(%dma_start3A_729 : memref<16384xi32, #tpu.memory_space<hbm>>) target(%arg5 : memref<16384xi32, #tpu.memory_space<vmem>>) target_semaphore(%dma_start3A_726 : memref<!tpu.dma_semaphore, #tpu.memory_space<semaphore_mem>>)
    %dma_wait3A_730 = arith.constant 1 : i32
    %dma_wait3A_731 = arith.constant 16384 : i32
    %dma_wait3A_732 = tpu.memref_slice %arg2[%select_n3A_669, %dma_wait3A_731] : memref<64x131072xi32, #tpu.memory_space<hbm>> -> memref<1x16384xi32, #tpu.memory_space<hbm>>
    %dma_wait3A_733 = tpu.memref_squeeze %dma_wait3A_732 : memref<1x16384xi32, #tpu.memory_space<hbm>> -> memref<16384xi32, #tpu.memory_space<hbm>>
    %dma_wait3A_734 = tpu.memref_slice %arg7[%dma_wait3A_730] : memref<2x!tpu.dma_semaphore, #tpu.memory_space<semaphore_mem>> -> memref<1x!tpu.dma_semaphore, #tpu.memory_space<semaphore_mem>>
    %dma_wait3A_735 = tpu.memref_squeeze %dma_wait3A_734 : memref<1x!tpu.dma_semaphore, #tpu.memory_space<semaphore_mem>> -> memref<!tpu.dma_semaphore, #tpu.memory_space<semaphore_mem>>
    %dma_wait3A_736 = arith.constant 16384 : i32
    %dma_wait3A_737 = tpu.memref_slice %arg2[%select_n3A_669, %dma_wait3A_736] : memref<64x131072xi32, #tpu.memory_space<hbm>> -> memref<1x16384xi32, #tpu.memory_space<hbm>>
    %dma_wait3A_738 = tpu.memref_squeeze %dma_wait3A_737 : memref<1x16384xi32, #tpu.memory_space<hbm>> -> memref<16384xi32, #tpu.memory_space<hbm>>
    tpu.wait_dma2 semaphore(%dma_wait3A_735 : memref<!tpu.dma_semaphore, #tpu.memory_space<semaphore_mem>>) src(%dma_wait3A_738 : memref<16384xi32, #tpu.memory_space<hbm>>) dst(%arg6 : memref<16384xi32, #tpu.memory_space<vmem>>)
    %parallel_loop3A_739 = arith.constant 0 : i32
    %parallel_loop3A_740 = arith.constant 1024 : i32
    %parallel_loop3A_741 = arith.constant 1 : i32
    scf.for %parallel_loop3A_859 = %parallel_loop3A_739 to %parallel_loop3A_740 step %parallel_loop3A_741  : i32 {
      %parallel_loop3A_860 = arith.constant 16 : i32
      %parallel_loop3A_861 = arith.muli %parallel_loop3A_859, %parallel_loop3A_860 : i32
      %parallel_loop3A_862 = arith.index_cast %parallel_loop3A_861 : i32 to index
      %parallel_loop3A_863 = tpu.vector_load %arg6[%parallel_loop3A_862] {strides = array<i32>} : memref<16384xi32, #tpu.memory_space<vmem>>, vector<16xi32>,
      %parallel_loop3A_864 = vector.broadcast %mul3A_687 : i32 to vector<16xi32>
      %parallel_loop3A_865 = arith.subi %parallel_loop3A_863, %parallel_loop3A_864 : vector<16xi32>
      %parallel_loop3A_866 = vector.bitcast %parallel_loop3A_865 : vector<16xi32> to vector<16xi32>
      %parallel_loop3A_867 = arith.constant 65536 : i32
      %parallel_loop3A_868 = vector.broadcast %parallel_loop3A_867 : i32 to vector<16xi32>
      %parallel_loop3A_869 = arith.minui %parallel_loop3A_866, %parallel_loop3A_868 : vector<16xi32>
      %parallel_loop3A_870 = vector.bitcast %parallel_loop3A_869 : vector<16xi32> to vector<16xi32>
      tpu.vector_store_idx %arg4[%parallel_loop3A_870], %broadcast_in_dim3A_1 : memref<65552xf32, #tpu.memory_space<vmem>>[vector<16xi32>], vector<16xf32>,
    } {sc.loop_unroll_factor = 8 : i64, sc.parallel_access}
    %dma_start3A_742 = arith.constant 1 : i32
    %dma_start3A_743 = arith.constant 49152 : i32
    %dma_start3A_744 = tpu.memref_slice %arg2[%select_n3A_669, %dma_start3A_743] : memref<64x131072xi32, #tpu.memory_space<hbm>> -> memref<1x16384xi32, #tpu.memory_space<hbm>>
    %dma_start3A_745 = tpu.memref_squeeze %dma_start3A_744 : memref<1x16384xi32, #tpu.memory_space<hbm>> -> memref<16384xi32, #tpu.memory_space<hbm>>
    %dma_start3A_746 = tpu.memref_slice %arg7[%dma_start3A_742] : memref<2x!tpu.dma_semaphore, #tpu.memory_space<semaphore_mem>> -> memref<1x!tpu.dma_semaphore, #tpu.memory_space<semaphore_mem>>
    %dma_start3A_747 = tpu.memref_squeeze %dma_start3A_746 : memref<1x!tpu.dma_semaphore, #tpu.memory_space<semaphore_mem>> -> memref<!tpu.dma_semaphore, #tpu.memory_space<semaphore_mem>>
    %dma_start3A_748 = arith.constant 49152 : i32
    %dma_start3A_749 = tpu.memref_slice %arg2[%select_n3A_669, %dma_start3A_748] : memref<64x131072xi32, #tpu.memory_space<hbm>> -> memref<1x16384xi32, #tpu.memory_space<hbm>>
    %dma_start3A_750 = tpu.memref_squeeze %dma_start3A_749 : memref<1x16384xi32, #tpu.memory_space<hbm>> -> memref<16384xi32, #tpu.memory_space<hbm>>
    tpu.enqueue_dma source(%dma_start3A_750 : memref<16384xi32, #tpu.memory_space<hbm>>) target(%arg6 : memref<16384xi32, #tpu.memory_space<vmem>>) target_semaphore(%dma_start3A_747 : memref<!tpu.dma_semaphore, #tpu.memory_space<semaphore_mem>>)
    %dma_wait3A_751 = arith.constant 0 : i32
    %dma_wait3A_752 = arith.constant 32768 : i32
    %dma_wait3A_753 = tpu.memref_slice %arg2[%select_n3A_669, %dma_wait3A_752] : memref<64x131072xi32, #tpu.memory_space<hbm>> -> memref<1x16384xi32, #tpu.memory_space<hbm>>
    %dma_wait3A_754 = tpu.memref_squeeze %dma_wait3A_753 : memref<1x16384xi32, #tpu.memory_space<hbm>> -> memref<16384xi32, #tpu.memory_space<hbm>>
    %dma_wait3A_755 = tpu.memref_slice %arg7[%dma_wait3A_751] : memref<2x!tpu.dma_semaphore, #tpu.memory_space<semaphore_mem>> -> memref<1x!tpu.dma_semaphore, #tpu.memory_space<semaphore_mem>>
    %dma_wait3A_756 = tpu.memref_squeeze %dma_wait3A_755 : memref<1x!tpu.dma_semaphore, #tpu.memory_space<semaphore_mem>> -> memref<!tpu.dma_semaphore, #tpu.memory_space<semaphore_mem>>
    %dma_wait3A_757 = arith.constant 32768 : i32
    %dma_wait3A_758 = tpu.memref_slice %arg2[%select_n3A_669, %dma_wait3A_757] : memref<64x131072xi32, #tpu.memory_space<hbm>> -> memref<1x16384xi32, #tpu.memory_space<hbm>>
    %dma_wait3A_759 = tpu.memref_squeeze %dma_wait3A_758 : memref<1x16384xi32, #tpu.memory_space<hbm>> -> memref<16384xi32, #tpu.memory_space<hbm>>
    tpu.wait_dma2 semaphore(%dma_wait3A_756 : memref<!tpu.dma_semaphore, #tpu.memory_space<semaphore_mem>>) src(%dma_wait3A_759 : memref<16384xi32, #tpu.memory_space<hbm>>) dst(%arg5 : memref<16384xi32, #tpu.memory_space<vmem>>)
    %parallel_loop3A_760 = arith.constant 0 : i32
    %parallel_loop3A_761 = arith.constant 1024 : i32
    %parallel_loop3A_762 = arith.constant 1 : i32
    scf.for %parallel_loop3A_859 = %parallel_loop3A_760 to %parallel_loop3A_761 step %parallel_loop3A_762  : i32 {
      %parallel_loop3A_860 = arith.constant 16 : i32
      %parallel_loop3A_861 = arith.muli %parallel_loop3A_859, %parallel_loop3A_860 : i32
      %parallel_loop3A_862 = arith.index_cast %parallel_loop3A_861 : i32 to index
      %parallel_loop3A_863 = tpu.vector_load %arg5[%parallel_loop3A_862] {strides = array<i32>} : memref<16384xi32, #tpu.memory_space<vmem>>, vector<16xi32>,
      %parallel_loop3A_864 = vector.broadcast %mul3A_687 : i32 to vector<16xi32>
      %parallel_loop3A_865 = arith.subi %parallel_loop3A_863, %parallel_loop3A_864 : vector<16xi32>
      %parallel_loop3A_866 = vector.bitcast %parallel_loop3A_865 : vector<16xi32> to vector<16xi32>
      %parallel_loop3A_867 = arith.constant 65536 : i32
      %parallel_loop3A_868 = vector.broadcast %parallel_loop3A_867 : i32 to vector<16xi32>
      %parallel_loop3A_869 = arith.minui %parallel_loop3A_866, %parallel_loop3A_868 : vector<16xi32>
      %parallel_loop3A_870 = vector.bitcast %parallel_loop3A_869 : vector<16xi32> to vector<16xi32>
      tpu.vector_store_idx %arg4[%parallel_loop3A_870], %broadcast_in_dim3A_1 : memref<65552xf32, #tpu.memory_space<vmem>>[vector<16xi32>], vector<16xf32>,
    } {sc.loop_unroll_factor = 8 : i64, sc.parallel_access}
    %dma_start3A_763 = arith.constant 0 : i32
    %dma_start3A_764 = arith.constant 65536 : i32
    %dma_start3A_765 = tpu.memref_slice %arg2[%select_n3A_669, %dma_start3A_764] : memref<64x131072xi32, #tpu.memory_space<hbm>> -> memref<1x16384xi32, #tpu.memory_space<hbm>>
    %dma_start3A_766 = tpu.memref_squeeze %dma_start3A_765 : memref<1x16384xi32, #tpu.memory_space<hbm>> -> memref<16384xi32, #tpu.memory_space<hbm>>
    %dma_start3A_767 = tpu.memref_slice %arg7[%dma_start3A_763] : memref<2x!tpu.dma_semaphore, #tpu.memory_space<semaphore_mem>> -> memref<1x!tpu.dma_semaphore, #tpu.memory_space<semaphore_mem>>
    %dma_start3A_768 = tpu.memref_squeeze %dma_start3A_767 : memref<1x!tpu.dma_semaphore, #tpu.memory_space<semaphore_mem>> -> memref<!tpu.dma_semaphore, #tpu.memory_space<semaphore_mem>>
    %dma_start3A_769 = arith.constant 65536 : i32
    %dma_start3A_770 = tpu.memref_slice %arg2[%select_n3A_669, %dma_start3A_769] : memref<64x131072xi32, #tpu.memory_space<hbm>> -> memref<1x16384xi32, #tpu.memory_space<hbm>>
    %dma_start3A_771 = tpu.memref_squeeze %dma_start3A_770 : memref<1x16384xi32, #tpu.memory_space<hbm>> -> memref<16384xi32, #tpu.memory_space<hbm>>
    tpu.enqueue_dma source(%dma_start3A_771 : memref<16384xi32, #tpu.memory_space<hbm>>) target(%arg5 : memref<16384xi32, #tpu.memory_space<vmem>>) target_semaphore(%dma_start3A_768 : memref<!tpu.dma_semaphore, #tpu.memory_space<semaphore_mem>>)
    %dma_wait3A_772 = arith.constant 1 : i32
    %dma_wait3A_773 = arith.constant 49152 : i32
    %dma_wait3A_774 = tpu.memref_slice %arg2[%select_n3A_669, %dma_wait3A_773] : memref<64x131072xi32, #tpu.memory_space<hbm>> -> memref<1x16384xi32, #tpu.memory_space<hbm>>
    %dma_wait3A_775 = tpu.memref_squeeze %dma_wait3A_774 : memref<1x16384xi32, #tpu.memory_space<hbm>> -> memref<16384xi32, #tpu.memory_space<hbm>>
    %dma_wait3A_776 = tpu.memref_slice %arg7[%dma_wait3A_772] : memref<2x!tpu.dma_semaphore, #tpu.memory_space<semaphore_mem>> -> memref<1x!tpu.dma_semaphore, #tpu.memory_space<semaphore_mem>>
    %dma_wait3A_777 = tpu.memref_squeeze %dma_wait3A_776 : memref<1x!tpu.dma_semaphore, #tpu.memory_space<semaphore_mem>> -> memref<!tpu.dma_semaphore, #tpu.memory_space<semaphore_mem>>
    %dma_wait3A_778 = arith.constant 49152 : i32
    %dma_wait3A_779 = tpu.memref_slice %arg2[%select_n3A_669, %dma_wait3A_778] : memref<64x131072xi32, #tpu.memory_space<hbm>> -> memref<1x16384xi32, #tpu.memory_space<hbm>>
    %dma_wait3A_780 = tpu.memref_squeeze %dma_wait3A_779 : memref<1x16384xi32, #tpu.memory_space<hbm>> -> memref<16384xi32, #tpu.memory_space<hbm>>
    tpu.wait_dma2 semaphore(%dma_wait3A_777 : memref<!tpu.dma_semaphore, #tpu.memory_space<semaphore_mem>>) src(%dma_wait3A_780 : memref<16384xi32, #tpu.memory_space<hbm>>) dst(%arg6 : memref<16384xi32, #tpu.memory_space<vmem>>)
    %parallel_loop3A_781 = arith.constant 0 : i32
    %parallel_loop3A_782 = arith.constant 1024 : i32
    %parallel_loop3A_783 = arith.constant 1 : i32
    scf.for %parallel_loop3A_859 = %parallel_loop3A_781 to %parallel_loop3A_782 step %parallel_loop3A_783  : i32 {
      %parallel_loop3A_860 = arith.constant 16 : i32
      %parallel_loop3A_861 = arith.muli %parallel_loop3A_859, %parallel_loop3A_860 : i32
      %parallel_loop3A_862 = arith.index_cast %parallel_loop3A_861 : i32 to index
      %parallel_loop3A_863 = tpu.vector_load %arg6[%parallel_loop3A_862] {strides = array<i32>} : memref<16384xi32, #tpu.memory_space<vmem>>, vector<16xi32>,
      %parallel_loop3A_864 = vector.broadcast %mul3A_687 : i32 to vector<16xi32>
      %parallel_loop3A_865 = arith.subi %parallel_loop3A_863, %parallel_loop3A_864 : vector<16xi32>
      %parallel_loop3A_866 = vector.bitcast %parallel_loop3A_865 : vector<16xi32> to vector<16xi32>
      %parallel_loop3A_867 = arith.constant 65536 : i32
      %parallel_loop3A_868 = vector.broadcast %parallel_loop3A_867 : i32 to vector<16xi32>
      %parallel_loop3A_869 = arith.minui %parallel_loop3A_866, %parallel_loop3A_868 : vector<16xi32>
      %parallel_loop3A_870 = vector.bitcast %parallel_loop3A_869 : vector<16xi32> to vector<16xi32>
      tpu.vector_store_idx %arg4[%parallel_loop3A_870], %broadcast_in_dim3A_1 : memref<65552xf32, #tpu.memory_space<vmem>>[vector<16xi32>], vector<16xf32>,
    } {sc.loop_unroll_factor = 8 : i64, sc.parallel_access}
    %dma_start3A_784 = arith.constant 1 : i32
    %dma_start3A_785 = arith.constant 81920 : i32
    %dma_start3A_786 = tpu.memref_slice %arg2[%select_n3A_669, %dma_start3A_785] : memref<64x131072xi32, #tpu.memory_space<hbm>> -> memref<1x16384xi32, #tpu.memory_space<hbm>>
    %dma_start3A_787 = tpu.memref_squeeze %dma_start3A_786 : memref<1x16384xi32, #tpu.memory_space<hbm>> -> memref<16384xi32, #tpu.memory_space<hbm>>
    %dma_start3A_788 = tpu.memref_slice %arg7[%dma_start3A_784] : memref<2x!tpu.dma_semaphore, #tpu.memory_space<semaphore_mem>> -> memref<1x!tpu.dma_semaphore, #tpu.memory_space<semaphore_mem>>
    %dma_start3A_789 = tpu.memref_squeeze %dma_start3A_788 : memref<1x!tpu.dma_semaphore, #tpu.memory_space<semaphore_mem>> -> memref<!tpu.dma_semaphore, #tpu.memory_space<semaphore_mem>>
    %dma_start3A_790 = arith.constant 81920 : i32
    %dma_start3A_791 = tpu.memref_slice %arg2[%select_n3A_669, %dma_start3A_790] : memref<64x131072xi32, #tpu.memory_space<hbm>> -> memref<1x16384xi32, #tpu.memory_space<hbm>>
    %dma_start3A_792 = tpu.memref_squeeze %dma_start3A_791 : memref<1x16384xi32, #tpu.memory_space<hbm>> -> memref<16384xi32, #tpu.memory_space<hbm>>
    tpu.enqueue_dma source(%dma_start3A_792 : memref<16384xi32, #tpu.memory_space<hbm>>) target(%arg6 : memref<16384xi32, #tpu.memory_space<vmem>>) target_semaphore(%dma_start3A_789 : memref<!tpu.dma_semaphore, #tpu.memory_space<semaphore_mem>>)
    %dma_wait3A_793 = arith.constant 0 : i32
    %dma_wait3A_794 = arith.constant 65536 : i32
    %dma_wait3A_795 = tpu.memref_slice %arg2[%select_n3A_669, %dma_wait3A_794] : memref<64x131072xi32, #tpu.memory_space<hbm>> -> memref<1x16384xi32, #tpu.memory_space<hbm>>
    %dma_wait3A_796 = tpu.memref_squeeze %dma_wait3A_795 : memref<1x16384xi32, #tpu.memory_space<hbm>> -> memref<16384xi32, #tpu.memory_space<hbm>>
    %dma_wait3A_797 = tpu.memref_slice %arg7[%dma_wait3A_793] : memref<2x!tpu.dma_semaphore, #tpu.memory_space<semaphore_mem>> -> memref<1x!tpu.dma_semaphore, #tpu.memory_space<semaphore_mem>>
    %dma_wait3A_798 = tpu.memref_squeeze %dma_wait3A_797 : memref<1x!tpu.dma_semaphore, #tpu.memory_space<semaphore_mem>> -> memref<!tpu.dma_semaphore, #tpu.memory_space<semaphore_mem>>
    %dma_wait3A_799 = arith.constant 65536 : i32
    %dma_wait3A_800 = tpu.memref_slice %arg2[%select_n3A_669, %dma_wait3A_799] : memref<64x131072xi32, #tpu.memory_space<hbm>> -> memref<1x16384xi32, #tpu.memory_space<hbm>>
    %dma_wait3A_801 = tpu.memref_squeeze %dma_wait3A_800 : memref<1x16384xi32, #tpu.memory_space<hbm>> -> memref<16384xi32, #tpu.memory_space<hbm>>
    tpu.wait_dma2 semaphore(%dma_wait3A_798 : memref<!tpu.dma_semaphore, #tpu.memory_space<semaphore_mem>>) src(%dma_wait3A_801 : memref<16384xi32, #tpu.memory_space<hbm>>) dst(%arg5 : memref<16384xi32, #tpu.memory_space<vmem>>)
    %parallel_loop3A_802 = arith.constant 0 : i32
    %parallel_loop3A_803 = arith.constant 1024 : i32
    %parallel_loop3A_804 = arith.constant 1 : i32
    scf.for %parallel_loop3A_859 = %parallel_loop3A_802 to %parallel_loop3A_803 step %parallel_loop3A_804  : i32 {
      %parallel_loop3A_860 = arith.constant 16 : i32
      %parallel_loop3A_861 = arith.muli %parallel_loop3A_859, %parallel_loop3A_860 : i32
      %parallel_loop3A_862 = arith.index_cast %parallel_loop3A_861 : i32 to index
      %parallel_loop3A_863 = tpu.vector_load %arg5[%parallel_loop3A_862] {strides = array<i32>} : memref<16384xi32, #tpu.memory_space<vmem>>, vector<16xi32>,
      %parallel_loop3A_864 = vector.broadcast %mul3A_687 : i32 to vector<16xi32>
      %parallel_loop3A_865 = arith.subi %parallel_loop3A_863, %parallel_loop3A_864 : vector<16xi32>
      %parallel_loop3A_866 = vector.bitcast %parallel_loop3A_865 : vector<16xi32> to vector<16xi32>
      %parallel_loop3A_867 = arith.constant 65536 : i32
      %parallel_loop3A_868 = vector.broadcast %parallel_loop3A_867 : i32 to vector<16xi32>
      %parallel_loop3A_869 = arith.minui %parallel_loop3A_866, %parallel_loop3A_868 : vector<16xi32>
      %parallel_loop3A_870 = vector.bitcast %parallel_loop3A_869 : vector<16xi32> to vector<16xi32>
      tpu.vector_store_idx %arg4[%parallel_loop3A_870], %broadcast_in_dim3A_1 : memref<65552xf32, #tpu.memory_space<vmem>>[vector<16xi32>], vector<16xf32>,
    } {sc.loop_unroll_factor = 8 : i64, sc.parallel_access}
    %dma_start3A_805 = arith.constant 0 : i32
    %dma_start3A_806 = arith.constant 98304 : i32
    %dma_start3A_807 = tpu.memref_slice %arg2[%select_n3A_669, %dma_start3A_806] : memref<64x131072xi32, #tpu.memory_space<hbm>> -> memref<1x16384xi32, #tpu.memory_space<hbm>>
    %dma_start3A_808 = tpu.memref_squeeze %dma_start3A_807 : memref<1x16384xi32, #tpu.memory_space<hbm>> -> memref<16384xi32, #tpu.memory_space<hbm>>
    %dma_start3A_809 = tpu.memref_slice %arg7[%dma_start3A_805] : memref<2x!tpu.dma_semaphore, #tpu.memory_space<semaphore_mem>> -> memref<1x!tpu.dma_semaphore, #tpu.memory_space<semaphore_mem>>
    %dma_start3A_810 = tpu.memref_squeeze %dma_start3A_809 : memref<1x!tpu.dma_semaphore, #tpu.memory_space<semaphore_mem>> -> memref<!tpu.dma_semaphore, #tpu.memory_space<semaphore_mem>>
    %dma_start3A_811 = arith.constant 98304 : i32
    %dma_start3A_812 = tpu.memref_slice %arg2[%select_n3A_669, %dma_start3A_811] : memref<64x131072xi32, #tpu.memory_space<hbm>> -> memref<1x16384xi32, #tpu.memory_space<hbm>>
    %dma_start3A_813 = tpu.memref_squeeze %dma_start3A_812 : memref<1x16384xi32, #tpu.memory_space<hbm>> -> memref<16384xi32, #tpu.memory_space<hbm>>
    tpu.enqueue_dma source(%dma_start3A_813 : memref<16384xi32, #tpu.memory_space<hbm>>) target(%arg5 : memref<16384xi32, #tpu.memory_space<vmem>>) target_semaphore(%dma_start3A_810 : memref<!tpu.dma_semaphore, #tpu.memory_space<semaphore_mem>>)
    %dma_wait3A_814 = arith.constant 1 : i32
    %dma_wait3A_815 = arith.constant 81920 : i32
    %dma_wait3A_816 = tpu.memref_slice %arg2[%select_n3A_669, %dma_wait3A_815] : memref<64x131072xi32, #tpu.memory_space<hbm>> -> memref<1x16384xi32, #tpu.memory_space<hbm>>
    %dma_wait3A_817 = tpu.memref_squeeze %dma_wait3A_816 : memref<1x16384xi32, #tpu.memory_space<hbm>> -> memref<16384xi32, #tpu.memory_space<hbm>>
    %dma_wait3A_818 = tpu.memref_slice %arg7[%dma_wait3A_814] : memref<2x!tpu.dma_semaphore, #tpu.memory_space<semaphore_mem>> -> memref<1x!tpu.dma_semaphore, #tpu.memory_space<semaphore_mem>>
    %dma_wait3A_819 = tpu.memref_squeeze %dma_wait3A_818 : memref<1x!tpu.dma_semaphore, #tpu.memory_space<semaphore_mem>> -> memref<!tpu.dma_semaphore, #tpu.memory_space<semaphore_mem>>
    %dma_wait3A_820 = arith.constant 81920 : i32
    %dma_wait3A_821 = tpu.memref_slice %arg2[%select_n3A_669, %dma_wait3A_820] : memref<64x131072xi32, #tpu.memory_space<hbm>> -> memref<1x16384xi32, #tpu.memory_space<hbm>>
    %dma_wait3A_822 = tpu.memref_squeeze %dma_wait3A_821 : memref<1x16384xi32, #tpu.memory_space<hbm>> -> memref<16384xi32, #tpu.memory_space<hbm>>
    tpu.wait_dma2 semaphore(%dma_wait3A_819 : memref<!tpu.dma_semaphore, #tpu.memory_space<semaphore_mem>>) src(%dma_wait3A_822 : memref<16384xi32, #tpu.memory_space<hbm>>) dst(%arg6 : memref<16384xi32, #tpu.memory_space<vmem>>)
    %parallel_loop3A_823 = arith.constant 0 : i32
    %parallel_loop3A_824 = arith.constant 1024 : i32
    %parallel_loop3A_825 = arith.constant 1 : i32
    scf.for %parallel_loop3A_859 = %parallel_loop3A_823 to %parallel_loop3A_824 step %parallel_loop3A_825  : i32 {
      %parallel_loop3A_860 = arith.constant 16 : i32
      %parallel_loop3A_861 = arith.muli %parallel_loop3A_859, %parallel_loop3A_860 : i32
      %parallel_loop3A_862 = arith.index_cast %parallel_loop3A_861 : i32 to index
      %parallel_loop3A_863 = tpu.vector_load %arg6[%parallel_loop3A_862] {strides = array<i32>} : memref<16384xi32, #tpu.memory_space<vmem>>, vector<16xi32>,
      %parallel_loop3A_864 = vector.broadcast %mul3A_687 : i32 to vector<16xi32>
      %parallel_loop3A_865 = arith.subi %parallel_loop3A_863, %parallel_loop3A_864 : vector<16xi32>
      %parallel_loop3A_866 = vector.bitcast %parallel_loop3A_865 : vector<16xi32> to vector<16xi32>
      %parallel_loop3A_867 = arith.constant 65536 : i32
      %parallel_loop3A_868 = vector.broadcast %parallel_loop3A_867 : i32 to vector<16xi32>
      %parallel_loop3A_869 = arith.minui %parallel_loop3A_866, %parallel_loop3A_868 : vector<16xi32>
      %parallel_loop3A_870 = vector.bitcast %parallel_loop3A_869 : vector<16xi32> to vector<16xi32>
      tpu.vector_store_idx %arg4[%parallel_loop3A_870], %broadcast_in_dim3A_1 : memref<65552xf32, #tpu.memory_space<vmem>>[vector<16xi32>], vector<16xf32>,
    } {sc.loop_unroll_factor = 8 : i64, sc.parallel_access}
    %dma_start3A_826 = arith.constant 1 : i32
    %dma_start3A_827 = arith.constant 114688 : i32
    %dma_start3A_828 = tpu.memref_slice %arg2[%select_n3A_669, %dma_start3A_827] : memref<64x131072xi32, #tpu.memory_space<hbm>> -> memref<1x16384xi32, #tpu.memory_space<hbm>>
    %dma_start3A_829 = tpu.memref_squeeze %dma_start3A_828 : memref<1x16384xi32, #tpu.memory_space<hbm>> -> memref<16384xi32, #tpu.memory_space<hbm>>
    %dma_start3A_830 = tpu.memref_slice %arg7[%dma_start3A_826] : memref<2x!tpu.dma_semaphore, #tpu.memory_space<semaphore_mem>> -> memref<1x!tpu.dma_semaphore, #tpu.memory_space<semaphore_mem>>
    %dma_start3A_831 = tpu.memref_squeeze %dma_start3A_830 : memref<1x!tpu.dma_semaphore, #tpu.memory_space<semaphore_mem>> -> memref<!tpu.dma_semaphore, #tpu.memory_space<semaphore_mem>>
    %dma_start3A_832 = arith.constant 114688 : i32
    %dma_start3A_833 = tpu.memref_slice %arg2[%select_n3A_669, %dma_start3A_832] : memref<64x131072xi32, #tpu.memory_space<hbm>> -> memref<1x16384xi32, #tpu.memory_space<hbm>>
    %dma_start3A_834 = tpu.memref_squeeze %dma_start3A_833 : memref<1x16384xi32, #tpu.memory_space<hbm>> -> memref<16384xi32, #tpu.memory_space<hbm>>
    tpu.enqueue_dma source(%dma_start3A_834 : memref<16384xi32, #tpu.memory_space<hbm>>) target(%arg6 : memref<16384xi32, #tpu.memory_space<vmem>>) target_semaphore(%dma_start3A_831 : memref<!tpu.dma_semaphore, #tpu.memory_space<semaphore_mem>>)
    %dma_wait3A_835 = arith.constant 0 : i32
    %dma_wait3A_836 = arith.constant 98304 : i32
    %dma_wait3A_837 = tpu.memref_slice %arg2[%select_n3A_669, %dma_wait3A_836] : memref<64x131072xi32, #tpu.memory_space<hbm>> -> memref<1x16384xi32, #tpu.memory_space<hbm>>
    %dma_wait3A_838 = tpu.memref_squeeze %dma_wait3A_837 : memref<1x16384xi32, #tpu.memory_space<hbm>> -> memref<16384xi32, #tpu.memory_space<hbm>>
    %dma_wait3A_839 = tpu.memref_slice %arg7[%dma_wait3A_835] : memref<2x!tpu.dma_semaphore, #tpu.memory_space<semaphore_mem>> -> memref<1x!tpu.dma_semaphore, #tpu.memory_space<semaphore_mem>>
    %dma_wait3A_840 = tpu.memref_squeeze %dma_wait3A_839 : memref<1x!tpu.dma_semaphore, #tpu.memory_space<semaphore_mem>> -> memref<!tpu.dma_semaphore, #tpu.memory_space<semaphore_mem>>
    %dma_wait3A_841 = arith.constant 98304 : i32
    %dma_wait3A_842 = tpu.memref_slice %arg2[%select_n3A_669, %dma_wait3A_841] : memref<64x131072xi32, #tpu.memory_space<hbm>> -> memref<1x16384xi32, #tpu.memory_space<hbm>>
    %dma_wait3A_843 = tpu.memref_squeeze %dma_wait3A_842 : memref<1x16384xi32, #tpu.memory_space<hbm>> -> memref<16384xi32, #tpu.memory_space<hbm>>
    tpu.wait_dma2 semaphore(%dma_wait3A_840 : memref<!tpu.dma_semaphore, #tpu.memory_space<semaphore_mem>>) src(%dma_wait3A_843 : memref<16384xi32, #tpu.memory_space<hbm>>) dst(%arg5 : memref<16384xi32, #tpu.memory_space<vmem>>)
    %parallel_loop3A_844 = arith.constant 0 : i32
    %parallel_loop3A_845 = arith.constant 1024 : i32
    %parallel_loop3A_846 = arith.constant 1 : i32
    scf.for %parallel_loop3A_859 = %parallel_loop3A_844 to %parallel_loop3A_845 step %parallel_loop3A_846  : i32 {
      %parallel_loop3A_860 = arith.constant 16 : i32
      %parallel_loop3A_861 = arith.muli %parallel_loop3A_859, %parallel_loop3A_860 : i32
      %parallel_loop3A_862 = arith.index_cast %parallel_loop3A_861 : i32 to index
      %parallel_loop3A_863 = tpu.vector_load %arg5[%parallel_loop3A_862] {strides = array<i32>} : memref<16384xi32, #tpu.memory_space<vmem>>, vector<16xi32>,
      %parallel_loop3A_864 = vector.broadcast %mul3A_687 : i32 to vector<16xi32>
      %parallel_loop3A_865 = arith.subi %parallel_loop3A_863, %parallel_loop3A_864 : vector<16xi32>
      %parallel_loop3A_866 = vector.bitcast %parallel_loop3A_865 : vector<16xi32> to vector<16xi32>
      %parallel_loop3A_867 = arith.constant 65536 : i32
      %parallel_loop3A_868 = vector.broadcast %parallel_loop3A_867 : i32 to vector<16xi32>
      %parallel_loop3A_869 = arith.minui %parallel_loop3A_866, %parallel_loop3A_868 : vector<16xi32>
      %parallel_loop3A_870 = vector.bitcast %parallel_loop3A_869 : vector<16xi32> to vector<16xi32>
      tpu.vector_store_idx %arg4[%parallel_loop3A_870], %broadcast_in_dim3A_1 : memref<65552xf32, #tpu.memory_space<vmem>>[vector<16xi32>], vector<16xf32>,
    } {sc.loop_unroll_factor = 8 : i64, sc.parallel_access}
    %dma_wait3A_847 = arith.constant 1 : i32
    %dma_wait3A_848 = arith.constant 114688 : i32
    %dma_wait3A_849 = tpu.memref_slice %arg2[%select_n3A_669, %dma_wait3A_848] : memref<64x131072xi32, #tpu.memory_space<hbm>> -> memref<1x16384xi32, #tpu.memory_space<hbm>>
    %dma_wait3A_850 = tpu.memref_squeeze %dma_wait3A_849 : memref<1x16384xi32, #tpu.memory_space<hbm>> -> memref<16384xi32, #tpu.memory_space<hbm>>
    %dma_wait3A_851 = tpu.memref_slice %arg7[%dma_wait3A_847] : memref<2x!tpu.dma_semaphore, #tpu.memory_space<semaphore_mem>> -> memref<1x!tpu.dma_semaphore, #tpu.memory_space<semaphore_mem>>
    %dma_wait3A_852 = tpu.memref_squeeze %dma_wait3A_851 : memref<1x!tpu.dma_semaphore, #tpu.memory_space<semaphore_mem>> -> memref<!tpu.dma_semaphore, #tpu.memory_space<semaphore_mem>>
    %dma_wait3A_853 = arith.constant 114688 : i32
    %dma_wait3A_854 = tpu.memref_slice %arg2[%select_n3A_669, %dma_wait3A_853] : memref<64x131072xi32, #tpu.memory_space<hbm>> -> memref<1x16384xi32, #tpu.memory_space<hbm>>
    %dma_wait3A_855 = tpu.memref_squeeze %dma_wait3A_854 : memref<1x16384xi32, #tpu.memory_space<hbm>> -> memref<16384xi32, #tpu.memory_space<hbm>>
    tpu.wait_dma2 semaphore(%dma_wait3A_852 : memref<!tpu.dma_semaphore, #tpu.memory_space<semaphore_mem>>) src(%dma_wait3A_855 : memref<16384xi32, #tpu.memory_space<hbm>>) dst(%arg6 : memref<16384xi32, #tpu.memory_space<vmem>>)
    %parallel_loop3A_856 = arith.constant 0 : i32
    %parallel_loop3A_857 = arith.constant 1024 : i32
    %parallel_loop3A_858 = arith.constant 1 : i32
    scf.for %parallel_loop3A_859 = %parallel_loop3A_856 to %parallel_loop3A_857 step %parallel_loop3A_858  : i32 {
      %parallel_loop3A_860 = arith.constant 16 : i32
      %parallel_loop3A_861 = arith.muli %parallel_loop3A_859, %parallel_loop3A_860 : i32
      %parallel_loop3A_862 = arith.index_cast %parallel_loop3A_861 : i32 to index
      %parallel_loop3A_863 = tpu.vector_load %arg6[%parallel_loop3A_862] {strides = array<i32>} : memref<16384xi32, #tpu.memory_space<vmem>>, vector<16xi32>,
      %parallel_loop3A_864 = vector.broadcast %mul3A_687 : i32 to vector<16xi32>
      %parallel_loop3A_865 = arith.subi %parallel_loop3A_863, %parallel_loop3A_864 : vector<16xi32>
      %parallel_loop3A_866 = vector.bitcast %parallel_loop3A_865 : vector<16xi32> to vector<16xi32>
      %parallel_loop3A_867 = arith.constant 65536 : i32
      %parallel_loop3A_868 = vector.broadcast %parallel_loop3A_867 : i32 to vector<16xi32>
      %parallel_loop3A_869 = arith.minui %parallel_loop3A_866, %parallel_loop3A_868 : vector<16xi32>
      %parallel_loop3A_870 = vector.bitcast %parallel_loop3A_869 : vector<16xi32> to vector<16xi32>
      tpu.vector_store_idx %arg4[%parallel_loop3A_870], %broadcast_in_dim3A_1 : memref<65552xf32, #tpu.memory_space<vmem>>[vector<16xi32>], vector<16xf32>,
    } {sc.loop_unroll_factor = 8 : i64, sc.parallel_access}
    "tpu.region"() ({
      %run_scoped3A = tpu.sem_alloc : memref<!tpu.dma_semaphore, #tpu.memory_space<semaphore_mem>>
      %dma_start3A_859 = arith.constant 0 : i32
      %dma_start3A_860 = tpu.memref_slice %arg4[%dma_start3A_859] : memref<65552xf32, #tpu.memory_space<vmem>> -> memref<65536xf32, #tpu.memory_space<vmem>>
      %dma_start3A_861 = tpu.memref_slice %arg3[%select_n3A_669, %mul3A_687] : memref<64x131072xf32, #tpu.memory_space<hbm>> -> memref<1x65536xf32, #tpu.memory_space<hbm>>
      %dma_start3A_862 = tpu.memref_squeeze %dma_start3A_861 : memref<1x65536xf32, #tpu.memory_space<hbm>> -> memref<65536xf32, #tpu.memory_space<hbm>>
      %dma_start3A_863 = tpu.memref_slice %arg3[%select_n3A_669, %mul3A_687] : memref<64x131072xf32, #tpu.memory_space<hbm>> -> memref<1x65536xf32, #tpu.memory_space<hbm>>
      %dma_start3A_864 = tpu.memref_squeeze %dma_start3A_863 : memref<1x65536xf32, #tpu.memory_space<hbm>> -> memref<65536xf32, #tpu.memory_space<hbm>>
      %dma_start3A_865 = arith.constant 0 : i32
      %dma_start3A_866 = tpu.memref_slice %arg4[%dma_start3A_865] : memref<65552xf32, #tpu.memory_space<vmem>> -> memref<65536xf32, #tpu.memory_space<vmem>>
      tpu.enqueue_dma source(%dma_start3A_866 : memref<65536xf32, #tpu.memory_space<vmem>>) target(%dma_start3A_864 : memref<65536xf32, #tpu.memory_space<hbm>>) target_semaphore(%run_scoped3A : memref<!tpu.dma_semaphore, #tpu.memory_space<semaphore_mem>>)
      %dma_wait3A_867 = arith.constant 0 : i32
      %dma_wait3A_868 = tpu.memref_slice %arg4[%dma_wait3A_867] : memref<65552xf32, #tpu.memory_space<vmem>> -> memref<65536xf32, #tpu.memory_space<vmem>>
      %dma_wait3A_869 = tpu.memref_slice %arg3[%select_n3A_669, %mul3A_687] : memref<64x131072xf32, #tpu.memory_space<hbm>> -> memref<1x65536xf32, #tpu.memory_space<hbm>>
      %dma_wait3A_870 = tpu.memref_squeeze %dma_wait3A_869 : memref<1x65536xf32, #tpu.memory_space<hbm>> -> memref<65536xf32, #tpu.memory_space<hbm>>
      %dma_wait3A_871 = tpu.memref_slice %arg3[%select_n3A_669, %mul3A_687] : memref<64x131072xf32, #tpu.memory_space<hbm>> -> memref<1x65536xf32, #tpu.memory_space<hbm>>
      %dma_wait3A_872 = tpu.memref_squeeze %dma_wait3A_871 : memref<1x65536xf32, #tpu.memory_space<hbm>> -> memref<65536xf32, #tpu.memory_space<hbm>>
      %dma_wait3A_873 = arith.constant 0 : i32
      %dma_wait3A_874 = tpu.memref_slice %arg4[%dma_wait3A_873] : memref<65552xf32, #tpu.memory_space<vmem>> -> memref<65536xf32, #tpu.memory_space<vmem>>
      tpu.wait_dma2 semaphore(%run_scoped3A : memref<!tpu.dma_semaphore, #tpu.memory_space<semaphore_mem>>) src(%dma_wait3A_874 : memref<65536xf32, #tpu.memory_space<vmem>>) dst(%dma_wait3A_872 : memref<65536xf32, #tpu.memory_space<hbm>>)
      tpu.yield
    }) : () -> ()
    return
  }
}

</mosaic_0001>

<sc_bundles>
// kernel: _sc_mask.3.cloned.1.call-start
scs
__scs_entry_jumppad:
0x0: {  	(pc) =	sbr.rel $0x88, $3  }
0x1: {  	(tag) =	ssettag $0x0;
	lr =	simm.s32 $0x1  }
0x2: {  	[smem:$0x3FA0] =	sst lr;
	_ =	strace $0xD0000000  }
0x3: {  	_ = 	snop  }
0x4: {  	_ = 	snop  }
0x5: {  	_ = 	snop  }
0x6: {  	_ = 	snop  }
0x7: {  	_ = 	snop  }
__scs_overlays_trampoline_lowered:
0x8: {  	[smem:$0x3FAF] =	sst s0  }
0x9: {  	[smem:$0x3FB0] =	sst s1  }
0xa: {  	[smem:$0x3FB1] =	sst s2  }
0xb: {  	[smem:$0x3FB2] =	sst s3  }
0xc: {  	[smem:$0x3FB3] =	sst s4  }
0xd: {  	[smem:$0x3FB4] =	sst s5  }
0xe: {  	[smem:$0x3FB5] =	sst s6  }
0xf: {  	[smem:$0x3FB6] =	sst s7  }
0x10: {  	[smem:$0x3FB7] =	sst s8  }
0x11: {  	[smem:$0x3FB8] =	sst s9;
	s0 =	simm.s32 @!p0 $0x0  }
0x12: {  	s1 =	sld [smem:$0x3F9E];
	s0 =	simm.s32 @p0 $0x1  }
0x13: {  	[smem:$0x3FB9] =	sst s0;
	s0 =	simm.s32 @!p1 $0x0  }
0x14: {  	s2 =	sld [smem:$0x3F9D];
	s0 =	simm.s32 @p1 $0x1  }
0x15: {  	[smem:$0x3FBA] =	sst s0;
	s0 =	simm.s32 @!p2 $0x0  }
0x16: {  	s3 =	sld [smem:$0x3FDB];
	s0 =	simm.s32 @p2 $0x1  }
0x17: {  	s4 =	simm.s32 $0x1BF5;
	[smem:$0x3FBC] =	sst s0  }
0x18: {  	s0 =	sld [smem:$0x3F9F];
	_ =	swait.ge [sflag:s4], $0x0  }
0x19: {  	s7 =	sld [smem:$0x3FA0]  }
0x1a: {  	s8 =	sadd.s32 $0xFFFFE003, lr  }
0x1b: {  	s9 =	sadd.s32 $0xFFFFFEF7, lr;
	s5 =	simm.s32 $0xFFFFFFFF;
	p2 =	slt.u32 s8, $0xFFFFF086  }
0x1c: {  	p1 =	slt.u32 s9, $0xF7A;
	s5 =	simm.s32 @!p2 $0x0  }
0x1d: {  	s5 =	simm.s32 @p1 $0x1;
	p0 =	seq.s32 s7, s2  }
0x1e: {  	s7 =	smul.u32 @!p0 $0xF7A, s2;
	p2 =	seq.s32 @!p0 s5, $0x0  }
0x1f: {  	s9 =	smul.u32 $0xF7A, s1;
	s8 =	simm.s32 @!p0 $0x1BF5;
	p2 =	por !p2, p0  }
0x20: {  	[sflag:s8] =	ssyncset.s32 @!p0 $0xFFFFF086;
	s6 =	sadd.s32 @!p0 s3, s7;
	s7 =	simm.s32 @!p0 $0x108  }
0x21: {  	s3 =	sadd.s32 s3, s9;
	s6 =	sadd.s32 @!p0 $0x88, s6;
	s7 =	simm.s32 @p2 $0x1082  }
0x22: {  	[simem:s7], [sflag:s8] =	dma.local @!p0 [hbm:s6], $0xF7A  }
0x23: {  	s9 =	sor.u32 $0xD0000000, s2;
	s6 =	simm.s32 $0x108;
	_ =	swait.ge @!p0 [sflag:s8], $0x0  }
0x24: {  	s3 =	sadd.s32 $0x88, s3;
	s6 =	simm.s32 @!p1 $0x1082;
	[sflag:s4] =	ssyncset.s32 $0xFFFFF086  }
0x25: {  	[simem:s6], [sflag:s4] =	dma.local [hbm:s3], $0xF7A  }
0x26: {  	[smem:$0x3FA0] =	sst s1;
	(tag) =	ssettag s2;
	_ =	strace s9  }
0x27: {  	s1 =	sld [smem:$0x3FB0]  }
0x28: {  	s2 =	sld [smem:$0x3FB1]  }
0x29: {  	s4 =	sld [smem:$0x3FB3]  }
0x2a: {  	p0 =	seq.s32 s5, $0x0;
	s5 =	sld [smem:$0x3FB4]  }
0x2b: {  	s6 =	sld [smem:$0x3FB5]  }
0x2c: {  	s7 =	sld [smem:$0x3FB6]  }
0x2d: {  	s3 =	simm.s32 $0x108;
	s8 =	sld [smem:$0x3FB7]  }
0x2e: {  	s3 =	simm.s32 @!p0 $0x1082;
	s9 =	sld [smem:$0x3FB8]  }
0x2f: {  	lr =	sadd.s32 s0, s3;
	s0 =	sld [smem:$0x3FAF]  }
0x30: {  	s3 =	sld [smem:$0x3FB2]  }
0x31: {  	[smem:$0x3FBB] =	sst s10  }
0x32: {  	s10 =	sld [smem:$0x3FB9];
	_ =	sdelay $0x3  }
0x33: {  	p0 =	seq.s32 s10, $0x1;
	s10 =	sld [smem:$0x3FBB];
	_ =	sdelay $0x3  }
0x34: {  	[smem:$0x3FBB] =	sst s10  }
0x35: {  	s10 =	sld [smem:$0x3FBA];
	_ =	sdelay $0x3  }
0x36: {  	p1 =	seq.s32 s10, $0x1;
	s10 =	sld [smem:$0x3FBB];
	_ =	sdelay $0x3  }
0x37: {  	[smem:$0x3FBB] =	sst s10  }
0x38: {  	s10 =	sld [smem:$0x3FBC]  }
0x39: {  	_ = 	snop;
	(pc) =	sbr.ind lr, $3  }
0x3a: {  	_ = 	snop  }
0x3b: {  	_ = 	snop  }
0x3c: {  	p2 =	seq.s32 s10, $0x1;
	s10 =	sld [smem:$0x3FBB]  }
0x3d: {  	_ =	shalt  }
0x3e: {  	_ =	shalt  }
0x3f: {  	_ =	shalt  }
0x40: {  	_ =	shalt  }
0x41: {  	_ =	shalt  }
0x42: {  	_ =	shalt  }
0x43: {  	_ =	shalt  }
0x44: {  	_ =	shalt  }
0x45: {  	_ =	shalt  }
0x46: {  	_ =	shalt  }
0x47: {  	_ =	shalt  }
0x48: {  	_ =	shalt  }
0x49: {  	_ =	shalt  }
0x4a: {  	_ =	shalt  }
0x4b: {  	_ =	shalt  }
0x4c: {  	_ =	shalt  }
0x4d: {  	_ =	shalt  }
0x4e: {  	_ =	shalt  }
0x4f: {  	_ =	shalt  }
0x50: {  	_ =	shalt  }
0x51: {  	_ =	shalt  }
0x52: {  	_ =	shalt  }
0x53: {  	_ =	shalt  }
0x54: {  	_ =	shalt  }
0x55: {  	_ =	shalt  }
0x56: {  	_ =	shalt  }
0x57: {  	_ =	shalt  }
0x58: {  	_ =	shalt  }
0x59: {  	_ =	shalt  }
0x5a: {  	_ =	shalt  }
0x5b: {  	_ =	shalt  }
0x5c: {  	_ =	shalt  }
0x5d: {  	_ =	shalt  }
0x5e: {  	_ =	shalt  }
0x5f: {  	_ =	shalt  }
0x60: {  	_ =	shalt  }
0x61: {  	_ =	shalt  }
0x62: {  	_ =	shalt  }
0x63: {  	_ =	shalt  }
0x64: {  	_ =	shalt  }
0x65: {  	_ =	shalt  }
0x66: {  	_ =	shalt  }
0x67: {  	_ =	shalt  }
0x68: {  	_ =	shalt  }
0x69: {  	_ =	shalt  }
0x6a: {  	_ =	shalt  }
0x6b: {  	_ =	shalt  }
0x6c: {  	_ =	shalt  }
0x6d: {  	_ =	shalt  }
0x6e: {  	_ =	shalt  }
0x6f: {  	_ =	shalt  }
0x70: {  	_ =	shalt  }
0x71: {  	_ =	shalt  }
0x72: {  	_ =	shalt  }
0x73: {  	_ =	shalt  }
0x74: {  	_ =	shalt  }
0x75: {  	_ =	shalt  }
0x76: {  	_ =	shalt  }
0x77: {  	_ =	shalt  }
0x78: {  	_ =	shalt  }
0x79: {  	_ =	shalt  }
0x7a: {  	_ =	shalt  }
0x7b: {  	_ =	shalt  }
0x7c: {  	_ =	shalt  }
0x7d: {  	_ =	shalt  }
0x7e: {  	_ =	shalt  }
0x7f: {  	_ =	shalt  }
0x80: {  	_ =	shalt  }
0x81: {  	_ =	shalt  }
0x82: {  	_ =	shalt  }
0x83: {  	_ =	shalt  }
0x84: {  	_ =	shalt  }
0x85: {  	_ =	shalt  }
0x86: {  	_ =	shalt  }
0x87: {  	_ =	shalt  }
.Lfunc_end0:
.L_simem_size_0:
called_computation_lowered:
.L_overlay_start_0:
0x88: {  	s2 =	sld [smem:$0x3FD9]  }
0x89: {  	s3 =	sld [smem:$0x3FFE];
	_ =	sdelay $0x1  }
0x8a: {  	s1 =	srdreg.scid  }
0x8b: {  	s0 =	sand.u32 $0x1, s1  }
0x8c: {  	s18 =	sshll.u32 s0, $0xA;
	s2 =	sadd.s32 s3, s2  }
0x8d: {  	s2 =	sadd.s32 s2, s18  }
0x8e: {  	[smem:$0x3FC7] =	sst s2  }
0x8f: {  	_ = 	snop  }
0x90: {  	s2 =	sld [smem:$0x3FC9]  }
0x91: {  	s19 =	sld [smem:$0x3FD0];
	(tm) =	ssettm $0x1  }
0x92: {  	s4 =	sld [smem:$0x3FFB];
	_ =	sdelay $0x3  }
0x93: {  	_ =	strace s4  }
0x94: {  	s4 =	sld [smem:$0x3FFC];
	_ =	sdelay $0x3  }
0x95: {  	_ =	strace s4  }
0x96: {  	s4 =	sld [smem:$0x3FFD];
	_ =	sdelay $0x3  }
0x97: {  	_ =	strace s4  }
0x98: {  	_ =	strace $0x8FFFFFFF  }
0x99: {  	s20 =	sld [smem:$0x3FDB];
	_ =	sdelay $0x1  }
0x9a: {  	s5 =	simm.s32 $_scs_section_size  }
0x9b: {  	s6 =	simm.s32 $_size__tile_overlayer_lowered;
	s7 =	simm.s32 $_tile_overlayer_lowered  }
0x9c: {  	s23 =	simm.s32 $0x1BFF;
	s22 =	sshll.u32 s7, $0x1;
	s4 =	sadd.s32 s5, s20  }
0x9d: {  	s8 =	simm.s32 $0x0;
	s21 =	sshll.u32 s6, $0x1;
	s6 =	sadd.s32 s22, s4  }
0x9e: {  	[timem:s8], [sflag:s23] =	dma.local [hbm:s6], s21  }
0x9f: {  	_ =	swait.ge [sflag:s23], s21  }
0xa0: {  	s5 =	ssub.s32 $0x0, s21;
	[sflag:s23] =	ssyncset.done $0x0  }
0xa1: {  	[sflag:s23] =	ssyncadd.s32 s5;
	_ =	sdelay $0x1  }
0xa2: {  	s24 =	simm.s32 $0x1B8B  }
0xa3: {  	_ =	swait.ge [sflag:s24], $0x1  }
0xa4: {  	[sflag:s24] =	ssyncset.done $0x0  }
0xa5: {  	s25 =	simm.s32 $0x1B8E;
	[sflag:s24] =	ssyncadd.s32 $0xFFFFFFFF  }
0xa6: {  	s26 =	simm.s32 $execute0_lowered;
	[smem:$0x3FD2] =	sst s25  }
0xa7: {  	s5 =	sshll.u32 s26, $0x1;
	_ =	strace $0x80000046;
	[dreg:$0x1] =	wrdreg $0xFFFFFFFF  }
0xa8: {  	s28 =	simm.s32 $_size_execute0_lowered;
	s4 =	sadd.s32 s4, s5;
	[dreg:$0x0] =	wrdreg $0x0  }
0xa9: {  	s5 =	sshll.u32 s28, $0x1;
	[dreg:$0x2] =	wrdreg s4  }
0xaa: {  	[dreg:$0x3] =	wrdreg s5  }
0xab: {  	[dreg:$0x4] =	wrdreg $0xC0  }
0xac: {  	_ =	task [dreg:s8], $0x5FFFF  }
0xad: {  	[dreg:$0x1] =	wrdreg $0xFFFFFFFF  }
0xae: {  	[dreg:$0x0] =	wrdreg $0x60  }
0xaf: {  	[dreg:$0x2] =	wrdreg s2  }
0xb0: {  	[dreg:$0x3] =	wrdreg s19  }
0xb1: {  	[dreg:$0x4] =	wrdreg $0x9  }
0xb2: {  	_ =	task.clear_ibuf [dreg:s8], $0x5FFFF;
	_ =	strace $0x90000046  }
0xb3: {  	s29 =	simm.s32 $0x9;
	_ =	strace $0x80000048  }
0xb4: {  	_ =	swait.ge [sflag:s29], $0x1  }
0xb5: {  	[sflag:s29] =	ssyncadd.s32 $0xFFFFFFFF  }
0xb6: {  	_ =	strace $0x90000048  }
0xb7: {  	_ =	sfence  }
0xb8: {  	s30 =	sld [smem:$0x0];
	_ =	sdelay $0x2  }
0xb9: {  	s31 =	sshll.u32 s1, $0xD;
	s1 =	sshrl.u32 s1, $0x2  }
0xba: {  	s3 =	sand.u32 $0x4000, s31;
	s1 =	sadd.s32 s1, s30  }
0xbb: {  	s0 =	sor.u32 s3, s0;
	s1 =	sshll.u32 s1, $0x11  }
0xbc: {  	s0 =	sor.u32 s1, s0  }
0xbd: {  	s0 =	sadd.s32 $0x8F2B, s0  }
0xbe: {  	[sflag:s0] =	ssyncadd.remote.s32 $0x1  }
0xbf: {  	_ =	sfence.sel $0xFFFF  }
0xc0: {  	[dreg:$0x0] =	wrdreg $0xFFFFFFFF;
	(pc) =	sbr.abs _section_cstart, $3  }
0xc1: {  	[dreg:$0x1] =	wrdreg $0xFFFFFFFF  }
0xc2: {  	_ =	task.clear_ibuf [dreg:s8], $0x2FFFF;
	_ =	strace $0x9FFFFFFF  }
0xc3: {  	(tm) =	ssettm $0x7FFFFFFF  }
tec
execute0_lowered:
.L_overlay_start_1:
0x0: {  	(tag) =	ssettag $0x1  }
0x1: {  	s0 =	srdreg.scid  }
0x2: {  	s2 =	stileid.u32;
	s8 =	rddreg [dreg:$0x1];
	s1 =	sand.u32 $0x1, s0  }
0x3: {  	s2 =	sshll.u32 s2, $0x3;
	s0 =	rddreg [dreg:$0x0];
	s3 =	sshll.u32 s1, $0x2  }
0x4: {  	s24 =	ssub.s32 $0x2, s1;
	s1 =	simm.s32 $0x0;
	s16 =	sadd.s32 $0x4000, s0  }
0x5: {  	s17 =	sadd.s32 $0x8000, s0;
	s18 =	sadd.s32 $0xC000, s0;
	s10 =	sor.u32 s3, s2  }
0x6: {  	s25 =	sshrl.u32 s24, $0x1;
	[smem:$0x7FF] =	sst s1;
	s11 =	sshll.u32 s10, $0x10  }
0x7: {  	s2 =	sshll.u32 s10, $0x6;
	s14 =	ssub.s32 s24, s25;
	s24 =	sadd.s32 $0x14000, s0  }
0x8: {  	s10 =	sshrl.u32 s10, $0x1;
	s12 =	sand.u32 $0x700000, s11;
	s13 =	sand.u32 $0x300, s2  }
0x9: {  	s25 =	sadd.s32 $0x18000, s0;
	s10 =	sor.u32 $0x1, s10;
	s4 =	sor.u32 s13, s12  }
0xa: {  	s7 =	sor.u32 s11, s13;
	s13 =	sor.u32 $0x80, s13;
	s22 =	sshll.u32 s10, $0x7  }
0xb: {  	s10 =	sshll.u32 s10, $0x11;
	s15 =	sshrl.u32 s4, $0x3;
	s9 =	sshrl.u32 s7, $0x3  }
0xc: {  	s12 =	sor.u32 s12, s13;
	s11 =	sor.u32 s11, s13;
	s23 =	sand.u32 $0x380, s22  }
0xd: {  	s13 =	sor.u32 s22, s10;
	s2 =	sadd.s32 s0, s15;
	s3 =	sadd.s32 s15, s16  }
0xe: {  	s4 =	sadd.s32 s15, s17;
	s5 =	sadd.s32 s15, s18;
	s19 =	sor.u32 $0x10000, s15  }
0xf: {  	s7 =	sadd.s32 s15, s24;
	s20 =	sor.u32 $0x18000, s9;
	s9 =	sor.u32 $0x1C000, s9  }
0x10: {  	s26 =	sadd.s32 s8, s15;
	s15 =	sadd.s32 s15, s25;
	s11 =	sshrl.u32 s11, $0x3  }
0x11: {  	s10 =	sor.u32 s10, s23;
	s12 =	sshrl.u32 s12, $0x3;
	[dreg:$0x4] =	wrdreg s26  }
0x12: {  	s6 =	sadd.s32 s0, s19;
	s20 =	sadd.s32 s0, s20;
	[dreg:$0x5] =	wrdreg s15  }
0x13: {  	s9 =	sadd.s32 s0, s9;
	s21 =	sadd.s32 s8, s19;
	[dreg:$0x3] =	wrdreg s20  }
0x14: {  	s26 =	sor.u32 $0x18000, s11;
	s22 =	sadd.s32 s12, s17;
	[dreg:$0x6] =	wrdreg s21  }
0x15: {  	s11 =	sor.u32 $0x1C000, s11;
	s23 =	sadd.s32 s12, s18;
	[dreg:$0xa] =	wrdreg s22  }
0x16: {  	s19 =	sand.u32 $0x7FF00380, s13;
	s15 =	sadd.s32 s0, s26;
	[dreg:$0xb] =	wrdreg s23  }
0x17: {  	s10 =	sshrl.u32 s10, $0x3;
	s11 =	sadd.s32 s0, s11;
	[dreg:$0x7] =	wrdreg s15  }
0x18: {  	s13 =	simm.s32 $0x1;
	s21 =	sadd.s32 s12, s16;
	[dreg:$0x8] =	wrdreg s11  }
0x19: {  	s26 =	sadd.s32 s12, s24;
	s20 =	sadd.s32 s8, s12;
	[dreg:$0x9] =	wrdreg s21  }
0x1a: {  	s10 =	sor.u32 $0x1C000, s10;
	s15 =	sadd.s32 s0, s12;
	[dreg:$0xc] =	wrdreg s26  }
0x1b: {  	s11 =	sshrl.u32 s19, $0x3;
	s29 =	sadd.s32 s0, s10;
	s26 =	smax.u32 s14, $0x1  }
0x1c: {  	s10 =	simm.s32 $0x400;
	s12 =	simm.s32 $0x14080;
	s14 =	simm.s32 $0x2  }
0x1d: {  	s21 =	sadd.s32 s11, s16;
	s22 =	sadd.s32 s11, s17;
	s23 =	sadd.s32 s11, s18  }
0x1e: {  	s24 =	sadd.s32 s11, s24;
	s25 =	sadd.s32 s11, s25;
	s28 =	sadd.s32 s0, s11  }
0x1f: {  	s11 =	sor.u32 $0x10000, s11;
	_ =	strace $0x80000047;
	s16 =	simm.s32 $0x3  }
0x20: {  	s17 =	simm.s32 $0x0;
	s30 =	sadd.s32 s0, s11;
	s31 =	sadd.s32 s8, s11  }
0x21: {  	v0 =	vimm.f32 $1.000000000e+00;
	v1 =	vimm.f32 $0.0e+00;
	s0 =	sadd.s32 $0x10000, s15;
	s8 =	simm.s32 $0x80;
	s11 =	simm.s32 $0x10080  }
.LBB2_1:
0x22: {  	s18 =	simm.s32 $0x40  }
0x23: {  	[tilespmem:s18+$0xFFFFFFC0] =	vst v0  }
0x24: {  	[tilespmem:s18+$0x30] =	vst v0  }
0x25: {  	[tilespmem:s18+$0x20] =	vst v0  }
0x26: {  	[tilespmem:s18+$0x10] =	vst v0  }
0x27: {  	[tilespmem:s18+$0x0] =	vst v0  }
0x28: {  	[tilespmem:s18+$0xFFFFFFF0] =	vst v0  }
0x29: {  	s19 =	simm.s32 $0x0;
	[tilespmem:s18+$0xFFFFFFE0] =	vst v0  }
.LBB2_2:
0x2a: {  	s19 =	sadd.s32 $0x8, s19;
	[tilespmem:s18+$0xFFFFFFD0] =	vst v0;
	s18 =	sadd.s32 $0x80, s18  }
0x2b: {  	[tilespmem:s18+$0xFFFFFFC0] =	vst v0;
	p0 =	slt.u32 s19, $0xFF8  }
0x2c: {  	[tilespmem:s18+$0x30] =	vst v0  }
.Ltmp0:
0x2d: {  	[tilespmem:s18+$0x20] =	vst v0;
	(pc) =	sbr.rel @p0 .LBB2_2-.Ltmp0, $4  }
0x2e: {  	[tilespmem:s18+$0x10] =	vst v0  }
0x2f: {  	[tilespmem:s18+$0x0] =	vst v0  }
0x30: {  	[tilespmem:s18+$0xFFFFFFF0] =	vst v0  }
0x31: {  	[tilespmem:s18+$0xFFFFFFE0] =	vst v0  }
0x32: {  	[tilespmem:s18+$0xFFFFFFD0] =	vst v0  }
0x33: {  	[tilespmem:$0x10000] =	vst v0  }
0x34: {  	[tilespmem:s11], [sflag:$0x1] =	stream.strided.gather [hbm4b:s2+s8], $0x4000, s10, s8, $0x38;
	[tilespmem:$0x18080] =	vst v63  }
0x35: {  	_ = 	snop  }
0x36: {  	[tilespmem:s12], [sflag:$0x2] =	stream.strided.gather [hbm4b:s3+s8], $0x4000, s10, s8, $0x38;
	[tilespmem:$0x18080] =	vst v63  }
0x37: {  	_ =	swait.ge [sflag:s13], $0x4000  }
0x38: {  	[sflag:s13] =	ssyncset.done $0x0  }
0x39: {  	s19 =	simm.s32 $0x100C0;
	[sflag:s13] =	ssyncadd.s32 $0xFFFFC000  }
0x3a: {  	v2 =	vld [tilespmem:s19+$0x30]  }
0x3b: {  	v3 =	vld [tilespmem:s19+$0xFFFFFFD0]  }
0x3c: {  	v4 =	vld [tilespmem:s19+$0xFFFFFFE0]  }
0x3d: {  	v5 =	vld [tilespmem:s19+$0xFFFFFFF0]  }
0x3e: {  	v6 =	vld [tilespmem:s19+$0x0]  }
0x3f: {  	v7 =	vld [tilespmem:s19+$0x10];
	v2 =	vmin.u32 v2, $0x10000  }
0x40: {  	v8 =	vld [tilespmem:s19+$0x20];
	v3 =	vmin.u32 v3, $0x10000  }
0x41: {  	v9 =	vld [tilespmem:s19+$0xFFFFFFC0];
	s19 =	simm.s32 $0x10140;
	v10 =	vmin.u32 v4, $0x10000  }
0x42: {  	v12 =	vld [tilespmem:s19+$0x30];
	v5 =	vmin.u32 v5, $0x10000  }
0x43: {  	v13 =	vld [tilespmem:s19+$0xFFFFFFD0];
	v14 =	vmin.u32 v6, $0x10000  }
0x44: {  	v15 =	vld [tilespmem:s19+$0xFFFFFFE0];
	v16 =	vmin.u32 v7, $0x10000;
	[tilespmem:v2+s1+$0x0] =	vst.idx.msk $0xffff, v1  }
0x45: {  	v4 =	vld [tilespmem:s19+$0xFFFFFFF0];
	v11 =	vmin.u32 v8, $0x10000;
	[tilespmem:v3+s1+$0x0] =	vst.idx.msk $0xffff, v1  }
0x46: {  	v6 =	vmin.u32 v9, $0x10000;
	v2 =	vld [tilespmem:s19+$0x0];
	[tilespmem:v10+s1+$0x0] =	vst.idx.msk $0xffff, v1  }
0x47: {  	v9 =	vmin.u32 v12, $0x10000;
	v3 =	vld [tilespmem:s19+$0x10];
	[tilespmem:v5+s1+$0x0] =	vst.idx.msk $0xffff, v1  }
0x48: {  	v5 =	vld [tilespmem:s19+$0x20];
	[tilespmem:v14+s1+$0x0] =	vst.idx.msk $0xffff, v1;
	v10 =	vmin.u32 v13, $0x10000  }
0x49: {  	s18 =	simm.s32 $0x8;
	v7 =	vld [tilespmem:s19+$0xFFFFFFC0];
	v8 =	vmin.u32 v15, $0x10000;
	s19 =	simm.s32 $0x101C0;
	[tilespmem:v16+s1+$0x0] =	vst.idx.msk $0xffff, v1  }
.LBB2_4:
0x4a: {  	v12 =	vld [tilespmem:s19+$0x30];
	s18 =	sadd.s32 $0x8, s18;
	v13 =	vmin.u32 v4, $0x10000;
	[tilespmem:v11+s1+$0x0] =	vst.idx.msk $0xffff, v1  }
0x4b: {  	v14 =	vld [tilespmem:s19+$0xFFFFFFD0];
	p0 =	slt.u32 s18, $0x3F8;
	v15 =	vmin.u32 v2, $0x10000;
	[tilespmem:v6+s1+$0x0] =	vst.idx.msk $0xffff, v1  }
0x4c: {  	v16 =	vld [tilespmem:s19+$0xFFFFFFE0];
	v17 =	vmin.u32 v3, $0x10000;
	[tilespmem:v9+s1+$0x0] =	vst.idx.msk $0xffff, v1  }
.Ltmp1:
0x4d: {  	v4 =	vld [tilespmem:s19+$0xFFFFFFF0];
	[tilespmem:v10+s1+$0x0] =	vst.idx.msk $0xffff, v1;
	v11 =	vmin.u32 v5, $0x10000;
	(pc) =	sbr.rel @p0 .LBB2_4-.Ltmp1, $4  }
0x4e: {  	v2 =	vld [tilespmem:s19+$0x0];
	v6 =	vmin.u32 v7, $0x10000;
	[tilespmem:v8+s1+$0x0] =	vst.idx.msk $0xffff, v1  }
0x4f: {  	v3 =	vld [tilespmem:s19+$0x10];
	v9 =	vmin.u32 v12, $0x10000;
	[tilespmem:v13+s1+$0x0] =	vst.idx.msk $0xffff, v1  }
0x50: {  	v10 =	vmin.u32 v14, $0x10000;
	v5 =	vld [tilespmem:s19+$0x20];
	[tilespmem:v15+s1+$0x0] =	vst.idx.msk $0xffff, v1  }
0x51: {  	v7 =	vld [tilespmem:s19+$0xFFFFFFC0];
	v8 =	vmin.u32 v16, $0x10000;
	s19 =	sadd.s32 $0x80, s19;
	[tilespmem:v17+s1+$0x0] =	vst.idx.msk $0xffff, v1  }
0x52: {  	_ =	sdelay $0x3  }
0x53: {  	v4 =	vmin.u32 v4, $0x10000;
	[tilespmem:v11+s1+$0x0] =	vst.idx.msk $0xffff, v1  }
0x54: {  	[tilespmem:v6+s1+$0x0] =	vst.idx.msk $0xffff, v1;
	v2 =	vmin.u32 v2, $0x10000  }
0x55: {  	[tilespmem:v9+s1+$0x0] =	vst.idx.msk $0xffff, v1;
	v3 =	vmin.u32 v3, $0x10000  }
0x56: {  	[tilespmem:v10+s1+$0x0] =	vst.idx.msk $0xffff, v1;
	v5 =	vmin.u32 v5, $0x10000  }
0x57: {  	[tilespmem:v8+s1+$0x0] =	vst.idx.msk $0xffff, v1;
	v6 =	vmin.u32 v7, $0x10000  }
0x58: {  	[tilespmem:v4+s1+$0x0] =	vst.idx.msk $0xffff, v1  }
0x59: {  	[tilespmem:v2+s1+$0x0] =	vst.idx.msk $0xffff, v1  }
0x5a: {  	[tilespmem:v3+s1+$0x0] =	vst.idx.msk $0xffff, v1  }
0x5b: {  	[tilespmem:v5+s1+$0x0] =	vst.idx.msk $0xffff, v1  }
0x5c: {  	[tilespmem:v6+s1+$0x0] =	vst.idx.msk $0xffff, v1  }
0x5d: {  	[tilespmem:s11], [sflag:$0x1] =	stream.strided.gather [hbm4b:s4+s8], $0x4000, s10, s8, $0x38;
	[tilespmem:$0x18080] =	vst v63  }
0x5e: {  	_ =	swait.ge [sflag:s14], $0x4000  }
0x5f: {  	[sflag:s14] =	ssyncset.done $0x0  }
0x60: {  	s18 =	simm.s32 $0x140C0;
	[sflag:s14] =	ssyncadd.s32 $0xFFFFC000  }
0x61: {  	v2 =	vld [tilespmem:s18+$0x30]  }
0x62: {  	v3 =	vld [tilespmem:s18+$0xFFFFFFD0]  }
0x63: {  	v4 =	vld [tilespmem:s18+$0xFFFFFFE0]  }
0x64: {  	v5 =	vld [tilespmem:s18+$0xFFFFFFF0]  }
0x65: {  	v6 =	vld [tilespmem:s18+$0x0]  }
0x66: {  	v7 =	vld [tilespmem:s18+$0x10];
	v2 =	vmin.u32 v2, $0x10000  }
0x67: {  	v8 =	vld [tilespmem:s18+$0x20];
	v3 =	vmin.u32 v3, $0x10000  }
0x68: {  	s19 =	simm.s32 $0x14140;
	v9 =	vld [tilespmem:s18+$0xFFFFFFC0];
	v10 =	vmin.u32 v4, $0x10000  }
0x69: {  	v12 =	vld [tilespmem:s19+$0x30];
	v5 =	vmin.u32 v5, $0x10000  }
0x6a: {  	v13 =	vld [tilespmem:s19+$0xFFFFFFD0];
	v14 =	vmin.u32 v6, $0x10000  }
0x6b: {  	v15 =	vld [tilespmem:s19+$0xFFFFFFE0];
	v16 =	vmin.u32 v7, $0x10000;
	[tilespmem:v2+s1+$0x0] =	vst.idx.msk $0xffff, v1  }
0x6c: {  	v4 =	vld [tilespmem:s19+$0xFFFFFFF0];
	v11 =	vmin.u32 v8, $0x10000;
	[tilespmem:v3+s1+$0x0] =	vst.idx.msk $0xffff, v1  }
0x6d: {  	v6 =	vmin.u32 v9, $0x10000;
	v2 =	vld [tilespmem:s19+$0x0];
	[tilespmem:v10+s1+$0x0] =	vst.idx.msk $0xffff, v1  }
0x6e: {  	v9 =	vmin.u32 v12, $0x10000;
	v3 =	vld [tilespmem:s19+$0x10];
	[tilespmem:v5+s1+$0x0] =	vst.idx.msk $0xffff, v1  }
0x6f: {  	v5 =	vld [tilespmem:s19+$0x20];
	[tilespmem:v14+s1+$0x0] =	vst.idx.msk $0xffff, v1;
	v10 =	vmin.u32 v13, $0x10000  }
0x70: {  	s18 =	simm.s32 $0x8;
	v7 =	vld [tilespmem:s19+$0xFFFFFFC0];
	v8 =	vmin.u32 v15, $0x10000;
	s19 =	simm.s32 $0x141C0;
	[tilespmem:v16+s1+$0x0] =	vst.idx.msk $0xffff, v1  }
.LBB2_6:
0x71: {  	v12 =	vld [tilespmem:s19+$0x30];
	s18 =	sadd.s32 $0x8, s18;
	v13 =	vmin.u32 v4, $0x10000;
	[tilespmem:v11+s1+$0x0] =	vst.idx.msk $0xffff, v1  }
0x72: {  	v14 =	vld [tilespmem:s19+$0xFFFFFFD0];
	p0 =	slt.u32 s18, $0x3F8;
	v15 =	vmin.u32 v2, $0x10000;
	[tilespmem:v6+s1+$0x0] =	vst.idx.msk $0xffff, v1  }
0x73: {  	v16 =	vld [tilespmem:s19+$0xFFFFFFE0];
	v17 =	vmin.u32 v3, $0x10000;
	[tilespmem:v9+s1+$0x0] =	vst.idx.msk $0xffff, v1  }
.Ltmp2:
0x74: {  	v4 =	vld [tilespmem:s19+$0xFFFFFFF0];
	[tilespmem:v10+s1+$0x0] =	vst.idx.msk $0xffff, v1;
	v11 =	vmin.u32 v5, $0x10000;
	(pc) =	sbr.rel @p0 .LBB2_6-.Ltmp2, $4  }
0x75: {  	v2 =	vld [tilespmem:s19+$0x0];
	v6 =	vmin.u32 v7, $0x10000;
	[tilespmem:v8+s1+$0x0] =	vst.idx.msk $0xffff, v1  }
0x76: {  	v3 =	vld [tilespmem:s19+$0x10];
	v9 =	vmin.u32 v12, $0x10000;
	[tilespmem:v13+s1+$0x0] =	vst.idx.msk $0xffff, v1  }
0x77: {  	v10 =	vmin.u32 v14, $0x10000;
	v5 =	vld [tilespmem:s19+$0x20];
	[tilespmem:v15+s1+$0x0] =	vst.idx.msk $0xffff, v1  }
0x78: {  	v7 =	vld [tilespmem:s19+$0xFFFFFFC0];
	v8 =	vmin.u32 v16, $0x10000;
	s19 =	sadd.s32 $0x80, s19;
	[tilespmem:v17+s1+$0x0] =	vst.idx.msk $0xffff, v1  }
0x79: {  	_ =	sdelay $0x3  }
0x7a: {  	v4 =	vmin.u32 v4, $0x10000;
	[tilespmem:v11+s1+$0x0] =	vst.idx.msk $0xffff, v1  }
0x7b: {  	[tilespmem:v6+s1+$0x0] =	vst.idx.msk $0xffff, v1;
	v2 =	vmin.u32 v2, $0x10000  }
0x7c: {  	[tilespmem:v9+s1+$0x0] =	vst.idx.msk $0xffff, v1;
	v3 =	vmin.u32 v3, $0x10000  }
0x7d: {  	[tilespmem:v10+s1+$0x0] =	vst.idx.msk $0xffff, v1;
	v5 =	vmin.u32 v5, $0x10000  }
0x7e: {  	[tilespmem:v8+s1+$0x0] =	vst.idx.msk $0xffff, v1;
	v6 =	vmin.u32 v7, $0x10000  }
0x7f: {  	[tilespmem:v4+s1+$0x0] =	vst.idx.msk $0xffff, v1  }
0x80: {  	[tilespmem:v2+s1+$0x0] =	vst.idx.msk $0xffff, v1  }
0x81: {  	[tilespmem:v3+s1+$0x0] =	vst.idx.msk $0xffff, v1  }
0x82: {  	[tilespmem:v5+s1+$0x0] =	vst.idx.msk $0xffff, v1  }
0x83: {  	[tilespmem:v6+s1+$0x0] =	vst.idx.msk $0xffff, v1  }
0x84: {  	[tilespmem:s12], [sflag:$0x2] =	stream.strided.gather [hbm4b:s5+s8], $0x4000, s10, s8, $0x38;
	[tilespmem:$0x18080] =	vst v63  }
0x85: {  	_ =	swait.ge [sflag:s13], $0x4000  }
0x86: {  	[sflag:s13] =	ssyncset.done $0x0  }
0x87: {  	s18 =	simm.s32 $0x100C0;
	[sflag:s13] =	ssyncadd.s32 $0xFFFFC000  }
0x88: {  	v2 =	vld [tilespmem:s18+$0x30]  }
0x89: {  	v3 =	vld [tilespmem:s18+$0xFFFFFFD0]  }
0x8a: {  	v4 =	vld [tilespmem:s18+$0xFFFFFFE0]  }
0x8b: {  	v5 =	vld [tilespmem:s18+$0xFFFFFFF0]  }
0x8c: {  	v6 =	vld [tilespmem:s18+$0x0]  }
0x8d: {  	v7 =	vld [tilespmem:s18+$0x10];
	v2 =	vmin.u32 v2, $0x10000  }
0x8e: {  	v8 =	vld [tilespmem:s18+$0x20];
	v3 =	vmin.u32 v3, $0x10000  }
0x8f: {  	s19 =	simm.s32 $0x10140;
	v9 =	vld [tilespmem:s18+$0xFFFFFFC0];
	v10 =	vmin.u32 v4, $0x10000  }
0x90: {  	v12 =	vld [tilespmem:s19+$0x30];
	v5 =	vmin.u32 v5, $0x10000  }
0x91: {  	v13 =	vld [tilespmem:s19+$0xFFFFFFD0];
	v14 =	vmin.u32 v6, $0x10000  }
0x92: {  	v15 =	vld [tilespmem:s19+$0xFFFFFFE0];
	v16 =	vmin.u32 v7, $0x10000;
	[tilespmem:v2+s1+$0x0] =	vst.idx.msk $0xffff, v1  }
0x93: {  	v4 =	vld [tilespmem:s19+$0xFFFFFFF0];
	v11 =	vmin.u32 v8, $0x10000;
	[tilespmem:v3+s1+$0x0] =	vst.idx.msk $0xffff, v1  }
0x94: {  	v6 =	vmin.u32 v9, $0x10000;
	v2 =	vld [tilespmem:s19+$0x0];
	[tilespmem:v10+s1+$0x0] =	vst.idx.msk $0xffff, v1  }
0x95: {  	v9 =	vmin.u32 v12, $0x10000;
	v3 =	vld [tilespmem:s19+$0x10];
	[tilespmem:v5+s1+$0x0] =	vst.idx.msk $0xffff, v1  }
0x96: {  	v5 =	vld [tilespmem:s19+$0x20];
	[tilespmem:v14+s1+$0x0] =	vst.idx.msk $0xffff, v1;
	v10 =	vmin.u32 v13, $0x10000  }
0x97: {  	s18 =	simm.s32 $0x8;
	v7 =	vld [tilespmem:s19+$0xFFFFFFC0];
	v8 =	vmin.u32 v15, $0x10000;
	s19 =	simm.s32 $0x101C0;
	[tilespmem:v16+s1+$0x0] =	vst.idx.msk $0xffff, v1  }
.LBB2_8:
0x98: {  	v12 =	vld [tilespmem:s19+$0x30];
	s18 =	sadd.s32 $0x8, s18;
	v13 =	vmin.u32 v4, $0x10000;
	[tilespmem:v11+s1+$0x0] =	vst.idx.msk $0xffff, v1  }
0x99: {  	v14 =	vld [tilespmem:s19+$0xFFFFFFD0];
	p0 =	slt.u32 s18, $0x3F8;
	v15 =	vmin.u32 v2, $0x10000;
	[tilespmem:v6+s1+$0x0] =	vst.idx.msk $0xffff, v1  }
0x9a: {  	v16 =	vld [tilespmem:s19+$0xFFFFFFE0];
	v17 =	vmin.u32 v3, $0x10000;
	[tilespmem:v9+s1+$0x0] =	vst.idx.msk $0xffff, v1  }
.Ltmp3:
0x9b: {  	v4 =	vld [tilespmem:s19+$0xFFFFFFF0];
	[tilespmem:v10+s1+$0x0] =	vst.idx.msk $0xffff, v1;
	v11 =	vmin.u32 v5, $0x10000;
	(pc) =	sbr.rel @p0 .LBB2_8-.Ltmp3, $4  }
0x9c: {  	v2 =	vld [tilespmem:s19+$0x0];
	v6 =	vmin.u32 v7, $0x10000;
	[tilespmem:v8+s1+$0x0] =	vst.idx.msk $0xffff, v1  }
0x9d: {  	v3 =	vld [tilespmem:s19+$0x10];
	v9 =	vmin.u32 v12, $0x10000;
	[tilespmem:v13+s1+$0x0] =	vst.idx.msk $0xffff, v1  }
0x9e: {  	v10 =	vmin.u32 v14, $0x10000;
	v5 =	vld [tilespmem:s19+$0x20];
	[tilespmem:v15+s1+$0x0] =	vst.idx.msk $0xffff, v1  }
0x9f: {  	v7 =	vld [tilespmem:s19+$0xFFFFFFC0];
	v8 =	vmin.u32 v16, $0x10000;
	s19 =	sadd.s32 $0x80, s19;
	[tilespmem:v17+s1+$0x0] =	vst.idx.msk $0xffff, v1  }
0xa0: {  	_ =	sdelay $0x3  }
0xa1: {  	v4 =	vmin.u32 v4, $0x10000;
	[tilespmem:v11+s1+$0x0] =	vst.idx.msk $0xffff, v1  }
0xa2: {  	[tilespmem:v6+s1+$0x0] =	vst.idx.msk $0xffff, v1;
	v2 =	vmin.u32 v2, $0x10000  }
0xa3: {  	[tilespmem:v9+s1+$0x0] =	vst.idx.msk $0xffff, v1;
	v3 =	vmin.u32 v3, $0x10000  }
0xa4: {  	[tilespmem:v10+s1+$0x0] =	vst.idx.msk $0xffff, v1;
	v5 =	vmin.u32 v5, $0x10000  }
0xa5: {  	[tilespmem:v8+s1+$0x0] =	vst.idx.msk $0xffff, v1;
	v6 =	vmin.u32 v7, $0x10000  }
0xa6: {  	[tilespmem:v4+s1+$0x0] =	vst.idx.msk $0xffff, v1  }
0xa7: {  	[tilespmem:v2+s1+$0x0] =	vst.idx.msk $0xffff, v1  }
0xa8: {  	[tilespmem:v3+s1+$0x0] =	vst.idx.msk $0xffff, v1  }
0xa9: {  	[tilespmem:v5+s1+$0x0] =	vst.idx.msk $0xffff, v1  }
0xaa: {  	[tilespmem:v6+s1+$0x0] =	vst.idx.msk $0xffff, v1  }
0xab: {  	[tilespmem:s11], [sflag:$0x1] =	stream.strided.gather [hbm4b:s6+s8], $0x4000, s10, s8, $0x38;
	[tilespmem:$0x18080] =	vst v63  }
0xac: {  	_ =	swait.ge [sflag:s14], $0x4000  }
0xad: {  	[sflag:s14] =	ssyncset.done $0x0  }
0xae: {  	s18 =	simm.s32 $0x140C0;
	[sflag:s14] =	ssyncadd.s32 $0xFFFFC000  }
0xaf: {  	v2 =	vld [tilespmem:s18+$0x30]  }
0xb0: {  	v3 =	vld [tilespmem:s18+$0xFFFFFFD0]  }
0xb1: {  	v4 =	vld [tilespmem:s18+$0xFFFFFFE0]  }
0xb2: {  	v5 =	vld [tilespmem:s18+$0xFFFFFFF0]  }
0xb3: {  	v6 =	vld [tilespmem:s18+$0x0]  }
0xb4: {  	v7 =	vld [tilespmem:s18+$0x10];
	v2 =	vmin.u32 v2, $0x10000  }
0xb5: {  	v8 =	vld [tilespmem:s18+$0x20];
	v3 =	vmin.u32 v3, $0x10000  }
0xb6: {  	s19 =	simm.s32 $0x14140;
	v9 =	vld [tilespmem:s18+$0xFFFFFFC0];
	v10 =	vmin.u32 v4, $0x10000  }
0xb7: {  	v12 =	vld [tilespmem:s19+$0x30];
	v5 =	vmin.u32 v5, $0x10000  }
0xb8: {  	v13 =	vld [tilespmem:s19+$0xFFFFFFD0];
	v14 =	vmin.u32 v6, $0x10000  }
0xb9: {  	v15 =	vld [tilespmem:s19+$0xFFFFFFE0];
	v16 =	vmin.u32 v7, $0x10000;
	[tilespmem:v2+s1+$0x0] =	vst.idx.msk $0xffff, v1  }
0xba: {  	v4 =	vld [tilespmem:s19+$0xFFFFFFF0];
	v11 =	vmin.u32 v8, $0x10000;
	[tilespmem:v3+s1+$0x0] =	vst.idx.msk $0xffff, v1  }
0xbb: {  	v6 =	vmin.u32 v9, $0x10000;
	v2 =	vld [tilespmem:s19+$0x0];
	[tilespmem:v10+s1+$0x0] =	vst.idx.msk $0xffff, v1  }
0xbc: {  	v9 =	vmin.u32 v12, $0x10000;
	v3 =	vld [tilespmem:s19+$0x10];
	[tilespmem:v5+s1+$0x0] =	vst.idx.msk $0xffff, v1  }
0xbd: {  	v5 =	vld [tilespmem:s19+$0x20];
	[tilespmem:v14+s1+$0x0] =	vst.idx.msk $0xffff, v1;
	v10 =	vmin.u32 v13, $0x10000  }
0xbe: {  	s18 =	simm.s32 $0x8;
	v7 =	vld [tilespmem:s19+$0xFFFFFFC0];
	v8 =	vmin.u32 v15, $0x10000;
	s19 =	simm.s32 $0x141C0;
	[tilespmem:v16+s1+$0x0] =	vst.idx.msk $0xffff, v1  }
.LBB2_10:
0xbf: {  	v12 =	vld [tilespmem:s19+$0x30];
	s18 =	sadd.s32 $0x8, s18;
	v13 =	vmin.u32 v4, $0x10000;
	[tilespmem:v11+s1+$0x0] =	vst.idx.msk $0xffff, v1  }
0xc0: {  	v14 =	vld [tilespmem:s19+$0xFFFFFFD0];
	p0 =	slt.u32 s18, $0x3F8;
	v15 =	vmin.u32 v2, $0x10000;
	[tilespmem:v6+s1+$0x0] =	vst.idx.msk $0xffff, v1  }
0xc1: {  	v16 =	vld [tilespmem:s19+$0xFFFFFFE0];
	v17 =	vmin.u32 v3, $0x10000;
	[tilespmem:v9+s1+$0x0] =	vst.idx.msk $0xffff, v1  }
.Ltmp4:
0xc2: {  	v4 =	vld [tilespmem:s19+$0xFFFFFFF0];
	[tilespmem:v10+s1+$0x0] =	vst.idx.msk $0xffff, v1;
	v11 =	vmin.u32 v5, $0x10000;
	(pc) =	sbr.rel @p0 .LBB2_10-.Ltmp4, $4  }
0xc3: {  	v2 =	vld [tilespmem:s19+$0x0];
	v6 =	vmin.u32 v7, $0x10000;
	[tilespmem:v8+s1+$0x0] =	vst.idx.msk $0xffff, v1  }
0xc4: {  	v3 =	vld [tilespmem:s19+$0x10];
	v9 =	vmin.u32 v12, $0x10000;
	[tilespmem:v13+s1+$0x0] =	vst.idx.msk $0xffff, v1  }
0xc5: {  	v10 =	vmin.u32 v14, $0x10000;
	v5 =	vld [tilespmem:s19+$0x20];
	[tilespmem:v15+s1+$0x0] =	vst.idx.msk $0xffff, v1  }
0xc6: {  	v7 =	vld [tilespmem:s19+$0xFFFFFFC0];
	v8 =	vmin.u32 v16, $0x10000;
	s19 =	sadd.s32 $0x80, s19;
	[tilespmem:v17+s1+$0x0] =	vst.idx.msk $0xffff, v1  }
0xc7: {  	_ =	sdelay $0x3  }
0xc8: {  	v4 =	vmin.u32 v4, $0x10000;
	[tilespmem:v11+s1+$0x0] =	vst.idx.msk $0xffff, v1  }
0xc9: {  	[tilespmem:v6+s1+$0x0] =	vst.idx.msk $0xffff, v1;
	v2 =	vmin.u32 v2, $0x10000  }
0xca: {  	[tilespmem:v9+s1+$0x0] =	vst.idx.msk $0xffff, v1;
	v3 =	vmin.u32 v3, $0x10000  }
0xcb: {  	[tilespmem:v10+s1+$0x0] =	vst.idx.msk $0xffff, v1;
	v5 =	vmin.u32 v5, $0x10000  }
0xcc: {  	[tilespmem:v8+s1+$0x0] =	vst.idx.msk $0xffff, v1;
	v6 =	vmin.u32 v7, $0x10000  }
0xcd: {  	[tilespmem:v4+s1+$0x0] =	vst.idx.msk $0xffff, v1  }
0xce: {  	[tilespmem:v2+s1+$0x0] =	vst.idx.msk $0xffff, v1  }
0xcf: {  	[tilespmem:v3+s1+$0x0] =	vst.idx.msk $0xffff, v1  }
0xd0: {  	[tilespmem:v5+s1+$0x0] =	vst.idx.msk $0xffff, v1  }
0xd1: {  	[tilespmem:v6+s1+$0x0] =	vst.idx.msk $0xffff, v1  }
0xd2: {  	[tilespmem:s12], [sflag:$0x2] =	stream.strided.gather [hbm4b:s7+s8], $0x4000, s10, s8, $0x38;
	[tilespmem:$0x18080] =	vst v63  }
0xd3: {  	_ =	swait.ge [sflag:s13], $0x4000  }
0xd4: {  	[sflag:s13] =	ssyncset.done $0x0  }
0xd5: {  	s18 =	simm.s32 $0x100C0;
	[sflag:s13] =	ssyncadd.s32 $0xFFFFC000  }
0xd6: {  	v2 =	vld [tilespmem:s18+$0x30]  }
0xd7: {  	v3 =	vld [tilespmem:s18+$0xFFFFFFD0]  }
0xd8: {  	v4 =	vld [tilespmem:s18+$0xFFFFFFE0]  }
0xd9: {  	v5 =	vld [tilespmem:s18+$0xFFFFFFF0]  }
0xda: {  	v6 =	vld [tilespmem:s18+$0x0]  }
0xdb: {  	v7 =	vld [tilespmem:s18+$0x10];
	v2 =	vmin.u32 v2, $0x10000  }
0xdc: {  	v8 =	vld [tilespmem:s18+$0x20];
	v3 =	vmin.u32 v3, $0x10000  }
0xdd: {  	s19 =	simm.s32 $0x10140;
	v9 =	vld [tilespmem:s18+$0xFFFFFFC0];
	v10 =	vmin.u32 v4, $0x10000  }
0xde: {  	v12 =	vld [tilespmem:s19+$0x30];
	v5 =	vmin.u32 v5, $0x10000  }
0xdf: {  	v13 =	vld [tilespmem:s19+$0xFFFFFFD0];
	v14 =	vmin.u32 v6, $0x10000  }
0xe0: {  	v15 =	vld [tilespmem:s19+$0xFFFFFFE0];
	v16 =	vmin.u32 v7, $0x10000;
	[tilespmem:v2+s1+$0x0] =	vst.idx.msk $0xffff, v1  }
0xe1: {  	v4 =	vld [tilespmem:s19+$0xFFFFFFF0];
	v11 =	vmin.u32 v8, $0x10000;
	[tilespmem:v3+s1+$0x0] =	vst.idx.msk $0xffff, v1  }
0xe2: {  	v6 =	vmin.u32 v9, $0x10000;
	v2 =	vld [tilespmem:s19+$0x0];
	[tilespmem:v10+s1+$0x0] =	vst.idx.msk $0xffff, v1  }
0xe3: {  	v9 =	vmin.u32 v12, $0x10000;
	v3 =	vld [tilespmem:s19+$0x10];
	[tilespmem:v5+s1+$0x0] =	vst.idx.msk $0xffff, v1  }
0xe4: {  	v5 =	vld [tilespmem:s19+$0x20];
	[tilespmem:v14+s1+$0x0] =	vst.idx.msk $0xffff, v1;
	v10 =	vmin.u32 v13, $0x10000  }
0xe5: {  	s18 =	simm.s32 $0x8;
	v7 =	vld [tilespmem:s19+$0xFFFFFFC0];
	v8 =	vmin.u32 v15, $0x10000;
	s19 =	simm.s32 $0x101C0;
	[tilespmem:v16+s1+$0x0] =	vst.idx.msk $0xffff, v1  }
.LBB2_12:
0xe6: {  	v12 =	vld [tilespmem:s19+$0x30];
	s18 =	sadd.s32 $0x8, s18;
	v13 =	vmin.u32 v4, $0x10000;
	[tilespmem:v11+s1+$0x0] =	vst.idx.msk $0xffff, v1  }
0xe7: {  	v14 =	vld [tilespmem:s19+$0xFFFFFFD0];
	p0 =	slt.u32 s18, $0x3F8;
	v15 =	vmin.u32 v2, $0x10000;
	[tilespmem:v6+s1+$0x0] =	vst.idx.msk $0xffff, v1  }
0xe8: {  	v16 =	vld [tilespmem:s19+$0xFFFFFFE0];
	v17 =	vmin.u32 v3, $0x10000;
	[tilespmem:v9+s1+$0x0] =	vst.idx.msk $0xffff, v1  }
.Ltmp5:
0xe9: {  	v4 =	vld [tilespmem:s19+$0xFFFFFFF0];
	[tilespmem:v10+s1+$0x0] =	vst.idx.msk $0xffff, v1;
	v11 =	vmin.u32 v5, $0x10000;
	(pc) =	sbr.rel @p0 .LBB2_12-.Ltmp5, $4  }
0xea: {  	v2 =	vld [tilespmem:s19+$0x0];
	v6 =	vmin.u32 v7, $0x10000;
	[tilespmem:v8+s1+$0x0] =	vst.idx.msk $0xffff, v1  }
0xeb: {  	v3 =	vld [tilespmem:s19+$0x10];
	v9 =	vmin.u32 v12, $0x10000;
	[tilespmem:v13+s1+$0x0] =	vst.idx.msk $0xffff, v1  }
0xec: {  	v10 =	vmin.u32 v14, $0x10000;
	v5 =	vld [tilespmem:s19+$0x20];
	[tilespmem:v15+s1+$0x0] =	vst.idx.msk $0xffff, v1  }
0xed: {  	v7 =	vld [tilespmem:s19+$0xFFFFFFC0];
	v8 =	vmin.u32 v16, $0x10000;
	s19 =	sadd.s32 $0x80, s19;
	[tilespmem:v17+s1+$0x0] =	vst.idx.msk $0xffff, v1  }
0xee: {  	_ =	sdelay $0x3  }
0xef: {  	v4 =	vmin.u32 v4, $0x10000;
	[tilespmem:v11+s1+$0x0] =	vst.idx.msk $0xffff, v1  }
0xf0: {  	[tilespmem:v6+s1+$0x0] =	vst.idx.msk $0xffff, v1;
	v2 =	vmin.u32 v2, $0x10000  }
0xf1: {  	[tilespmem:v9+s1+$0x0] =	vst.idx.msk $0xffff, v1;
	v3 =	vmin.u32 v3, $0x10000  }
0xf2: {  	[tilespmem:v10+s1+$0x0] =	vst.idx.msk $0xffff, v1;
	v5 =	vmin.u32 v5, $0x10000  }
0xf3: {  	[tilespmem:v8+s1+$0x0] =	vst.idx.msk $0xffff, v1;
	v6 =	vmin.u32 v7, $0x10000  }
0xf4: {  	[tilespmem:v4+s1+$0x0] =	vst.idx.msk $0xffff, v1  }
0xf5: {  	[tilespmem:v2+s1+$0x0] =	vst.idx.msk $0xffff, v1  }
0xf6: {  	[tilespmem:v3+s1+$0x0] =	vst.idx.msk $0xffff, v1  }
0xf7: {  	[tilespmem:v5+s1+$0x0] =	vst.idx.msk $0xffff, v1  }
0xf8: {  	[tilespmem:v6+s1+$0x0] =	vst.idx.msk $0xffff, v1  }
0xf9: {  	s18 =	rddreg [dreg:$0x3]  }
0xfa: {  	[tilespmem:s11], [sflag:$0x1] =	stream.strided.gather [hbm4b:s18+s8], $0x4000, s10, s8, $0x38;
	[tilespmem:$0x18080] =	vst v63  }
0xfb: {  	_ =	swait.ge [sflag:s14], $0x4000  }
0xfc: {  	[sflag:s14] =	ssyncset.done $0x0  }
0xfd: {  	s19 =	simm.s32 $0x140C0;
	[sflag:s14] =	ssyncadd.s32 $0xFFFFC000  }
0xfe: {  	v2 =	vld [tilespmem:s19+$0x30]  }
0xff: {  	v3 =	vld [tilespmem:s19+$0xFFFFFFD0]  }
0x100: {  	v4 =	vld [tilespmem:s19+$0xFFFFFFE0]  }
0x101: {  	v5 =	vld [tilespmem:s19+$0xFFFFFFF0]  }
0x102: {  	v6 =	vld [tilespmem:s19+$0x0]  }
0x103: {  	v7 =	vld [tilespmem:s19+$0x10];
	v2 =	vmin.u32 v2, $0x10000  }
0x104: {  	v8 =	vld [tilespmem:s19+$0x20];
	v3 =	vmin.u32 v3, $0x10000  }
0x105: {  	v9 =	vld [tilespmem:s19+$0xFFFFFFC0];
	s19 =	simm.s32 $0x14140;
	v10 =	vmin.u32 v4, $0x10000  }
0x106: {  	v12 =	vld [tilespmem:s19+$0x30];
	v5 =	vmin.u32 v5, $0x10000  }
0x107: {  	v13 =	vld [tilespmem:s19+$0xFFFFFFD0];
	v14 =	vmin.u32 v6, $0x10000  }
0x108: {  	v15 =	vld [tilespmem:s19+$0xFFFFFFE0];
	v16 =	vmin.u32 v7, $0x10000;
	[tilespmem:v2+s1+$0x0] =	vst.idx.msk $0xffff, v1  }
0x109: {  	v4 =	vld [tilespmem:s19+$0xFFFFFFF0];
	v11 =	vmin.u32 v8, $0x10000;
	[tilespmem:v3+s1+$0x0] =	vst.idx.msk $0xffff, v1  }
0x10a: {  	v6 =	vmin.u32 v9, $0x10000;
	v2 =	vld [tilespmem:s19+$0x0];
	[tilespmem:v10+s1+$0x0] =	vst.idx.msk $0xffff, v1  }
0x10b: {  	v9 =	vmin.u32 v12, $0x10000;
	v3 =	vld [tilespmem:s19+$0x10];
	[tilespmem:v5+s1+$0x0] =	vst.idx.msk $0xffff, v1  }
0x10c: {  	v5 =	vld [tilespmem:s19+$0x20];
	[tilespmem:v14+s1+$0x0] =	vst.idx.msk $0xffff, v1;
	v10 =	vmin.u32 v13, $0x10000  }
0x10d: {  	s18 =	simm.s32 $0x8;
	v7 =	vld [tilespmem:s19+$0xFFFFFFC0];
	v8 =	vmin.u32 v15, $0x10000;
	s19 =	simm.s32 $0x141C0;
	[tilespmem:v16+s1+$0x0] =	vst.idx.msk $0xffff, v1  }
.LBB2_14:
0x10e: {  	v12 =	vld [tilespmem:s19+$0x30];
	s18 =	sadd.s32 $0x8, s18;
	v13 =	vmin.u32 v4, $0x10000;
	[tilespmem:v11+s1+$0x0] =	vst.idx.msk $0xffff, v1  }
0x10f: {  	v14 =	vld [tilespmem:s19+$0xFFFFFFD0];
	p0 =	slt.u32 s18, $0x3F8;
	v15 =	vmin.u32 v2, $0x10000;
	[tilespmem:v6+s1+$0x0] =	vst.idx.msk $0xffff, v1  }
0x110: {  	v16 =	vld [tilespmem:s19+$0xFFFFFFE0];
	v17 =	vmin.u32 v3, $0x10000;
	[tilespmem:v9+s1+$0x0] =	vst.idx.msk $0xffff, v1  }
.Ltmp6:
0x111: {  	v4 =	vld [tilespmem:s19+$0xFFFFFFF0];
	[tilespmem:v10+s1+$0x0] =	vst.idx.msk $0xffff, v1;
	v11 =	vmin.u32 v5, $0x10000;
	(pc) =	sbr.rel @p0 .LBB2_14-.Ltmp6, $4  }
0x112: {  	v2 =	vld [tilespmem:s19+$0x0];
	v6 =	vmin.u32 v7, $0x10000;
	[tilespmem:v8+s1+$0x0] =	vst.idx.msk $0xffff, v1  }
0x113: {  	v3 =	vld [tilespmem:s19+$0x10];
	v9 =	vmin.u32 v12, $0x10000;
	[tilespmem:v13+s1+$0x0] =	vst.idx.msk $0xffff, v1  }
0x114: {  	v10 =	vmin.u32 v14, $0x10000;
	v5 =	vld [tilespmem:s19+$0x20];
	[tilespmem:v15+s1+$0x0] =	vst.idx.msk $0xffff, v1  }
0x115: {  	v7 =	vld [tilespmem:s19+$0xFFFFFFC0];
	v8 =	vmin.u32 v16, $0x10000;
	s19 =	sadd.s32 $0x80, s19;
	[tilespmem:v17+s1+$0x0] =	vst.idx.msk $0xffff, v1  }
0x116: {  	_ =	sdelay $0x3  }
0x117: {  	v4 =	vmin.u32 v4, $0x10000;
	[tilespmem:v11+s1+$0x0] =	vst.idx.msk $0xffff, v1  }
0x118: {  	[tilespmem:v6+s1+$0x0] =	vst.idx.msk $0xffff, v1;
	v2 =	vmin.u32 v2, $0x10000  }
0x119: {  	[tilespmem:v9+s1+$0x0] =	vst.idx.msk $0xffff, v1;
	v3 =	vmin.u32 v3, $0x10000  }
0x11a: {  	[tilespmem:v10+s1+$0x0] =	vst.idx.msk $0xffff, v1;
	v5 =	vmin.u32 v5, $0x10000  }
0x11b: {  	[tilespmem:v8+s1+$0x0] =	vst.idx.msk $0xffff, v1;
	v6 =	vmin.u32 v7, $0x10000  }
0x11c: {  	[tilespmem:v4+s1+$0x0] =	vst.idx.msk $0xffff, v1  }
0x11d: {  	[tilespmem:v2+s1+$0x0] =	vst.idx.msk $0xffff, v1  }
0x11e: {  	[tilespmem:v3+s1+$0x0] =	vst.idx.msk $0xffff, v1  }
0x11f: {  	[tilespmem:v5+s1+$0x0] =	vst.idx.msk $0xffff, v1  }
0x120: {  	[tilespmem:v6+s1+$0x0] =	vst.idx.msk $0xffff, v1  }
0x121: {  	[tilespmem:s12], [sflag:$0x2] =	stream.strided.gather [hbm4b:s9+s8], $0x4000, s10, s8, $0x38;
	[tilespmem:$0x18080] =	vst v63  }
0x122: {  	_ =	swait.ge [sflag:s13], $0x4000  }
0x123: {  	[sflag:s13] =	ssyncset.done $0x0  }
0x124: {  	s18 =	simm.s32 $0x100C0;
	[sflag:s13] =	ssyncadd.s32 $0xFFFFC000  }
0x125: {  	v2 =	vld [tilespmem:s18+$0x30]  }
0x126: {  	v3 =	vld [tilespmem:s18+$0xFFFFFFD0]  }
0x127: {  	v4 =	vld [tilespmem:s18+$0xFFFFFFE0]  }
0x128: {  	v5 =	vld [tilespmem:s18+$0xFFFFFFF0]  }
0x129: {  	v6 =	vld [tilespmem:s18+$0x0]  }
0x12a: {  	v7 =	vld [tilespmem:s18+$0x10];
	v2 =	vmin.u32 v2, $0x10000  }
0x12b: {  	v8 =	vld [tilespmem:s18+$0x20];
	v3 =	vmin.u32 v3, $0x10000  }
0x12c: {  	s19 =	simm.s32 $0x10140;
	v9 =	vld [tilespmem:s18+$0xFFFFFFC0];
	v10 =	vmin.u32 v4, $0x10000  }
0x12d: {  	v12 =	vld [tilespmem:s19+$0x30];
	v5 =	vmin.u32 v5, $0x10000  }
0x12e: {  	v13 =	vld [tilespmem:s19+$0xFFFFFFD0];
	v14 =	vmin.u32 v6, $0x10000  }
0x12f: {  	v15 =	vld [tilespmem:s19+$0xFFFFFFE0];
	v16 =	vmin.u32 v7, $0x10000;
	[tilespmem:v2+s1+$0x0] =	vst.idx.msk $0xffff, v1  }
0x130: {  	v4 =	vld [tilespmem:s19+$0xFFFFFFF0];
	v11 =	vmin.u32 v8, $0x10000;
	[tilespmem:v3+s1+$0x0] =	vst.idx.msk $0xffff, v1  }
0x131: {  	v6 =	vmin.u32 v9, $0x10000;
	v2 =	vld [tilespmem:s19+$0x0];
	[tilespmem:v10+s1+$0x0] =	vst.idx.msk $0xffff, v1  }
0x132: {  	v9 =	vmin.u32 v12, $0x10000;
	v3 =	vld [tilespmem:s19+$0x10];
	[tilespmem:v5+s1+$0x0] =	vst.idx.msk $0xffff, v1  }
0x133: {  	v5 =	vld [tilespmem:s19+$0x20];
	[tilespmem:v14+s1+$0x0] =	vst.idx.msk $0xffff, v1;
	v10 =	vmin.u32 v13, $0x10000  }
0x134: {  	s18 =	simm.s32 $0x8;
	v7 =	vld [tilespmem:s19+$0xFFFFFFC0];
	v8 =	vmin.u32 v15, $0x10000;
	s19 =	simm.s32 $0x101C0;
	[tilespmem:v16+s1+$0x0] =	vst.idx.msk $0xffff, v1  }
.LBB2_16:
0x135: {  	v12 =	vld [tilespmem:s19+$0x30];
	s18 =	sadd.s32 $0x8, s18;
	v13 =	vmin.u32 v4, $0x10000;
	[tilespmem:v11+s1+$0x0] =	vst.idx.msk $0xffff, v1  }
0x136: {  	v14 =	vld [tilespmem:s19+$0xFFFFFFD0];
	p0 =	slt.u32 s18, $0x3F8;
	v15 =	vmin.u32 v2, $0x10000;
	[tilespmem:v6+s1+$0x0] =	vst.idx.msk $0xffff, v1  }
0x137: {  	v16 =	vld [tilespmem:s19+$0xFFFFFFE0];
	v17 =	vmin.u32 v3, $0x10000;
	[tilespmem:v9+s1+$0x0] =	vst.idx.msk $0xffff, v1  }
.Ltmp7:
0x138: {  	v4 =	vld [tilespmem:s19+$0xFFFFFFF0];
	[tilespmem:v10+s1+$0x0] =	vst.idx.msk $0xffff, v1;
	v11 =	vmin.u32 v5, $0x10000;
	(pc) =	sbr.rel @p0 .LBB2_16-.Ltmp7, $4  }
0x139: {  	v2 =	vld [tilespmem:s19+$0x0];
	v6 =	vmin.u32 v7, $0x10000;
	[tilespmem:v8+s1+$0x0] =	vst.idx.msk $0xffff, v1  }
0x13a: {  	v3 =	vld [tilespmem:s19+$0x10];
	v9 =	vmin.u32 v12, $0x10000;
	[tilespmem:v13+s1+$0x0] =	vst.idx.msk $0xffff, v1  }
0x13b: {  	v10 =	vmin.u32 v14, $0x10000;
	v5 =	vld [tilespmem:s19+$0x20];
	[tilespmem:v15+s1+$0x0] =	vst.idx.msk $0xffff, v1  }
0x13c: {  	v7 =	vld [tilespmem:s19+$0xFFFFFFC0];
	v8 =	vmin.u32 v16, $0x10000;
	s19 =	sadd.s32 $0x80, s19;
	[tilespmem:v17+s1+$0x0] =	vst.idx.msk $0xffff, v1  }
0x13d: {  	_ =	sdelay $0x3  }
0x13e: {  	v4 =	vmin.u32 v4, $0x10000;
	[tilespmem:v11+s1+$0x0] =	vst.idx.msk $0xffff, v1  }
0x13f: {  	[tilespmem:v6+s1+$0x0] =	vst.idx.msk $0xffff, v1;
	v2 =	vmin.u32 v2, $0x10000  }
0x140: {  	[tilespmem:v9+s1+$0x0] =	vst.idx.msk $0xffff, v1;
	v3 =	vmin.u32 v3, $0x10000  }
0x141: {  	[tilespmem:v10+s1+$0x0] =	vst.idx.msk $0xffff, v1;
	v5 =	vmin.u32 v5, $0x10000  }
0x142: {  	[tilespmem:v8+s1+$0x0] =	vst.idx.msk $0xffff, v1;
	v6 =	vmin.u32 v7, $0x10000  }
0x143: {  	[tilespmem:v4+s1+$0x0] =	vst.idx.msk $0xffff, v1  }
0x144: {  	[tilespmem:v2+s1+$0x0] =	vst.idx.msk $0xffff, v1  }
0x145: {  	[tilespmem:v3+s1+$0x0] =	vst.idx.msk $0xffff, v1  }
0x146: {  	[tilespmem:v5+s1+$0x0] =	vst.idx.msk $0xffff, v1  }
0x147: {  	[tilespmem:v6+s1+$0x0] =	vst.idx.msk $0xffff, v1  }
0x148: {  	_ =	swait.ge [sflag:s14], $0x4000  }
0x149: {  	[sflag:s14] =	ssyncset.done $0x0  }
0x14a: {  	s18 =	simm.s32 $0x140C0;
	[sflag:s14] =	ssyncadd.s32 $0xFFFFC000  }
0x14b: {  	v2 =	vld [tilespmem:s18+$0x30]  }
0x14c: {  	v3 =	vld [tilespmem:s18+$0xFFFFFFD0]  }
0x14d: {  	v4 =	vld [tilespmem:s18+$0xFFFFFFE0]  }
0x14e: {  	v5 =	vld [tilespmem:s18+$0xFFFFFFF0]  }
0x14f: {  	v6 =	vld [tilespmem:s18+$0x0]  }
0x150: {  	v7 =	vld [tilespmem:s18+$0x10];
	v2 =	vmin.u32 v2, $0x10000  }
0x151: {  	v8 =	vld [tilespmem:s18+$0x20];
	v3 =	vmin.u32 v3, $0x10000  }
0x152: {  	s19 =	simm.s32 $0x14140;
	v9 =	vld [tilespmem:s18+$0xFFFFFFC0];
	v10 =	vmin.u32 v4, $0x10000  }
0x153: {  	v12 =	vld [tilespmem:s19+$0x30];
	v5 =	vmin.u32 v5, $0x10000  }
0x154: {  	v13 =	vld [tilespmem:s19+$0xFFFFFFD0];
	v14 =	vmin.u32 v6, $0x10000  }
0x155: {  	v15 =	vld [tilespmem:s19+$0xFFFFFFE0];
	v16 =	vmin.u32 v7, $0x10000;
	[tilespmem:v2+s1+$0x0] =	vst.idx.msk $0xffff, v1  }
0x156: {  	v4 =	vld [tilespmem:s19+$0xFFFFFFF0];
	v11 =	vmin.u32 v8, $0x10000;
	[tilespmem:v3+s1+$0x0] =	vst.idx.msk $0xffff, v1  }
0x157: {  	v6 =	vmin.u32 v9, $0x10000;
	v2 =	vld [tilespmem:s19+$0x0];
	[tilespmem:v10+s1+$0x0] =	vst.idx.msk $0xffff, v1  }
0x158: {  	v9 =	vmin.u32 v12, $0x10000;
	v3 =	vld [tilespmem:s19+$0x10];
	[tilespmem:v5+s1+$0x0] =	vst.idx.msk $0xffff, v1  }
0x159: {  	v5 =	vld [tilespmem:s19+$0x20];
	[tilespmem:v14+s1+$0x0] =	vst.idx.msk $0xffff, v1;
	v10 =	vmin.u32 v13, $0x10000  }
0x15a: {  	s18 =	simm.s32 $0x8;
	v7 =	vld [tilespmem:s19+$0xFFFFFFC0];
	v8 =	vmin.u32 v15, $0x10000;
	s19 =	simm.s32 $0x141C0;
	[tilespmem:v16+s1+$0x0] =	vst.idx.msk $0xffff, v1  }
.LBB2_18:
0x15b: {  	v12 =	vld [tilespmem:s19+$0x30];
	s18 =	sadd.s32 $0x8, s18;
	v13 =	vmin.u32 v4, $0x10000;
	[tilespmem:v11+s1+$0x0] =	vst.idx.msk $0xffff, v1  }
0x15c: {  	v14 =	vld [tilespmem:s19+$0xFFFFFFD0];
	p0 =	slt.u32 s18, $0x3F8;
	v15 =	vmin.u32 v2, $0x10000;
	[tilespmem:v6+s1+$0x0] =	vst.idx.msk $0xffff, v1  }
0x15d: {  	v16 =	vld [tilespmem:s19+$0xFFFFFFE0];
	v17 =	vmin.u32 v3, $0x10000;
	[tilespmem:v9+s1+$0x0] =	vst.idx.msk $0xffff, v1  }
.Ltmp8:
0x15e: {  	v4 =	vld [tilespmem:s19+$0xFFFFFFF0];
	[tilespmem:v10+s1+$0x0] =	vst.idx.msk $0xffff, v1;
	v11 =	vmin.u32 v5, $0x10000;
	(pc) =	sbr.rel @p0 .LBB2_18-.Ltmp8, $4  }
0x15f: {  	v2 =	vld [tilespmem:s19+$0x0];
	v6 =	vmin.u32 v7, $0x10000;
	[tilespmem:v8+s1+$0x0] =	vst.idx.msk $0xffff, v1  }
0x160: {  	v3 =	vld [tilespmem:s19+$0x10];
	v9 =	vmin.u32 v12, $0x10000;
	[tilespmem:v13+s1+$0x0] =	vst.idx.msk $0xffff, v1  }
0x161: {  	v10 =	vmin.u32 v14, $0x10000;
	v5 =	vld [tilespmem:s19+$0x20];
	[tilespmem:v15+s1+$0x0] =	vst.idx.msk $0xffff, v1  }
0x162: {  	v7 =	vld [tilespmem:s19+$0xFFFFFFC0];
	v8 =	vmin.u32 v16, $0x10000;
	s19 =	sadd.s32 $0x80, s19;
	[tilespmem:v17+s1+$0x0] =	vst.idx.msk $0xffff, v1  }
0x163: {  	_ =	sdelay $0x3  }
0x164: {  	v4 =	vmin.u32 v4, $0x10000;
	[tilespmem:v11+s1+$0x0] =	vst.idx.msk $0xffff, v1  }
0x165: {  	[tilespmem:v6+s1+$0x0] =	vst.idx.msk $0xffff, v1;
	v2 =	vmin.u32 v2, $0x10000  }
0x166: {  	[tilespmem:v9+s1+$0x0] =	vst.idx.msk $0xffff, v1;
	v3 =	vmin.u32 v3, $0x10000  }
0x167: {  	[tilespmem:v10+s1+$0x0] =	vst.idx.msk $0xffff, v1;
	v5 =	vmin.u32 v5, $0x10000  }
0x168: {  	[tilespmem:v8+s1+$0x0] =	vst.idx.msk $0xffff, v1;
	v63 =	vmin.u32 v7, $0x10000  }
0x169: {  	[tilespmem:v4+s1+$0x0] =	vst.idx.msk $0xffff, v1  }
0x16a: {  	[tilespmem:v2+s1+$0x0] =	vst.idx.msk $0xffff, v1  }
0x16b: {  	[tilespmem:v3+s1+$0x0] =	vst.idx.msk $0xffff, v1  }
0x16c: {  	[tilespmem:v5+s1+$0x0] =	vst.idx.msk $0xffff, v1  }
0x16d: {  	[tilespmem:v63+s1+$0x0] =	vst.idx.msk $0xffff, v1  }
0x16e: {  	s18 =	rddreg [dreg:$0x4]  }
0x16f: {  	[hbm4b:s18+s8] =	stream.strided.scatter [tilespmem:s1], [sflag:$0x3], $0x10000, s10, s8, $0x38;
	[tilespmem:$0x18080] =	vst v63  }
0x170: {  	_ =	swait.ge [sflag:s16], $0x10000  }
0x171: {  	[sflag:s16] =	ssyncset.done $0x0  }
0x172: {  	s18 =	simm.s32 $0x40;
	[sflag:s16] =	ssyncadd.s32 $0xFFFF0000  }
0x173: {  	[tilespmem:s18+$0xFFFFFFC0] =	vst v0  }
0x174: {  	[tilespmem:s18+$0x30] =	vst v0  }
0x175: {  	[tilespmem:s18+$0x20] =	vst v0  }
0x176: {  	[tilespmem:s18+$0x10] =	vst v0  }
0x177: {  	[tilespmem:s18+$0x0] =	vst v0  }
0x178: {  	[tilespmem:s18+$0xFFFFFFF0] =	vst v0  }
0x179: {  	s19 =	simm.s32 $0x0;
	[tilespmem:s18+$0xFFFFFFE0] =	vst v0  }
.LBB2_20:
0x17a: {  	s19 =	sadd.s32 $0x8, s19;
	[tilespmem:s18+$0xFFFFFFD0] =	vst v0;
	s18 =	sadd.s32 $0x80, s18  }
0x17b: {  	[tilespmem:s18+$0xFFFFFFC0] =	vst v0;
	p0 =	slt.u32 s19, $0xFF8  }
0x17c: {  	[tilespmem:s18+$0x30] =	vst v0  }
.Ltmp9:
0x17d: {  	[tilespmem:s18+$0x20] =	vst v0;
	(pc) =	sbr.rel @p0 .LBB2_20-.Ltmp9, $4  }
0x17e: {  	[tilespmem:s18+$0x10] =	vst v0  }
0x17f: {  	[tilespmem:s18+$0x0] =	vst v0  }
0x180: {  	[tilespmem:s18+$0xFFFFFFF0] =	vst v0  }
0x181: {  	[tilespmem:s18+$0xFFFFFFE0] =	vst v0  }
0x182: {  	[tilespmem:s18+$0xFFFFFFD0] =	vst v0  }
0x183: {  	[tilespmem:$0x10000] =	vst v0  }
0x184: {  	[tilespmem:s11], [sflag:$0x1] =	stream.strided.gather [hbm4b:s2+s8], $0x4000, s10, s8, $0x38;
	[tilespmem:$0x18080] =	vst v63  }
0x185: {  	_ = 	snop  }
0x186: {  	[tilespmem:s12], [sflag:$0x2] =	stream.strided.gather [hbm4b:s3+s8], $0x4000, s10, s8, $0x38;
	[tilespmem:$0x18080] =	vst v63  }
0x187: {  	_ =	swait.ge [sflag:s13], $0x4000  }
0x188: {  	[sflag:s13] =	ssyncset.done $0x0  }
0x189: {  	s19 =	simm.s32 $0x100C0;
	[sflag:s13] =	ssyncadd.s32 $0xFFFFC000  }
0x18a: {  	v2 =	vld [tilespmem:s19+$0x30]  }
0x18b: {  	v3 =	vld [tilespmem:s19+$0xFFFFFFD0]  }
0x18c: {  	v4 =	vld [tilespmem:s19+$0xFFFFFFE0]  }
0x18d: {  	v5 =	vld [tilespmem:s19+$0xFFFFFFF0]  }
0x18e: {  	v6 =	vld [tilespmem:s19+$0x0]  }
0x18f: {  	v7 =	vld [tilespmem:s19+$0x10];
	v2 =	vadd.s32 $0xFFFF0000, v2  }
0x190: {  	v8 =	vld [tilespmem:s19+$0x20];
	v3 =	vadd.s32 $0xFFFF0000, v3;
	v9 =	vmin.u32 v2, $0x10000  }
0x191: {  	v10 =	vld [tilespmem:s19+$0xFFFFFFC0];
	s19 =	simm.s32 $0x10140;
	v11 =	vmin.u32 v3, $0x10000;
	v2 =	vadd.s32 $0xFFFF0000, v4  }
0x192: {  	v12 =	vld [tilespmem:s19+$0x30];
	v13 =	vmin.u32 v2, $0x10000;
	v2 =	vadd.s32 $0xFFFF0000, v5  }
0x193: {  	v14 =	vld [tilespmem:s19+$0xFFFFFFD0];
	v15 =	vmin.u32 v2, $0x10000;
	v2 =	vadd.s32 $0xFFFF0000, v6  }
0x194: {  	v16 =	vld [tilespmem:s19+$0xFFFFFFE0];
	v4 =	vadd.s32 $0xFFFF0000, v7;
	v17 =	vmin.u32 v2, $0x10000  }
0x195: {  	v5 =	vmin.u32 v4, $0x10000;
	v6 =	vadd.s32 $0xFFFF0000, v8;
	v2 =	vld [tilespmem:s19+$0xFFFFFFF0];
	[tilespmem:v9+s1+$0x0] =	vst.idx.msk $0xffff, v1  }
0x196: {  	v3 =	vld [tilespmem:s19+$0x0];
	v7 =	vadd.s32 $0xFFFF0000, v10;
	v6 =	vmin.u32 v6, $0x10000;
	[tilespmem:v11+s1+$0x0] =	vst.idx.msk $0xffff, v1  }
0x197: {  	v4 =	vld [tilespmem:s19+$0x10];
	v7 =	vmin.u32 v7, $0x10000;
	v9 =	vadd.s32 $0xFFFF0000, v12;
	[tilespmem:v13+s1+$0x0] =	vst.idx.msk $0xffff, v1  }
0x198: {  	v8 =	vld [tilespmem:s19+$0x20];
	v11 =	vadd.s32 $0xFFFF0000, v14;
	v9 =	vmin.u32 v9, $0x10000;
	[tilespmem:v15+s1+$0x0] =	vst.idx.msk $0xffff, v1  }
0x199: {  	s18 =	simm.s32 $0x8;
	v10 =	vld [tilespmem:s19+$0xFFFFFFC0];
	s19 =	simm.s32 $0x101C0;
	v12 =	vadd.s32 $0xFFFF0000, v16;
	v11 =	vmin.u32 v11, $0x10000;
	[tilespmem:v17+s1+$0x0] =	vst.idx.msk $0xffff, v1  }
.LBB2_22:
0x19a: {  	v13 =	vld [tilespmem:s19+$0x30];
	s18 =	sadd.s32 $0x8, s18;
	v12 =	vmin.u32 v12, $0x10000;
	v2 =	vadd.s32 $0xFFFF0000, v2;
	[tilespmem:v5+s1+$0x0] =	vst.idx.msk $0xffff, v1  }
0x19b: {  	v14 =	vld [tilespmem:s19+$0xFFFFFFD0];
	p0 =	slt.u32 s18, $0x3F8;
	v15 =	vmin.u32 v2, $0x10000;
	v2 =	vadd.s32 $0xFFFF0000, v3;
	[tilespmem:v6+s1+$0x0] =	vst.idx.msk $0xffff, v1  }
0x19c: {  	v16 =	vld [tilespmem:s19+$0xFFFFFFE0];
	v17 =	vmin.u32 v2, $0x10000;
	v3 =	vadd.s32 $0xFFFF0000, v4;
	[tilespmem:v7+s1+$0x0] =	vst.idx.msk $0xffff, v1  }
.Ltmp10:
0x19d: {  	v2 =	vld [tilespmem:s19+$0xFFFFFFF0];
	v5 =	vmin.u32 v3, $0x10000;
	v4 =	vadd.s32 $0xFFFF0000, v8;
	[tilespmem:v9+s1+$0x0] =	vst.idx.msk $0xffff, v1;
	(pc) =	sbr.rel @p0 .LBB2_22-.Ltmp10, $4  }
0x19e: {  	v3 =	vld [tilespmem:s19+$0x0];
	v7 =	vadd.s32 $0xFFFF0000, v10;
	[tilespmem:v11+s1+$0x0] =	vst.idx.msk $0xffff, v1;
	v6 =	vmin.u32 v4, $0x10000  }
0x19f: {  	v4 =	vld [tilespmem:s19+$0x10];
	v9 =	vadd.s32 $0xFFFF0000, v13;
	v7 =	vmin.u32 v7, $0x10000;
	[tilespmem:v12+s1+$0x0] =	vst.idx.msk $0xffff, v1  }
0x1a0: {  	v11 =	vadd.s32 $0xFFFF0000, v14;
	v8 =	vld [tilespmem:s19+$0x20];
	v9 =	vmin.u32 v9, $0x10000;
	[tilespmem:v15+s1+$0x0] =	vst.idx.msk $0xffff, v1  }
0x1a1: {  	v10 =	vld [tilespmem:s19+$0xFFFFFFC0];
	v11 =	vmin.u32 v11, $0x10000;
	v12 =	vadd.s32 $0xFFFF0000, v16;
	s19 =	sadd.s32 $0x80, s19;
	[tilespmem:v17+s1+$0x0] =	vst.idx.msk $0xffff, v1  }
0x1a2: {  	_ =	sdelay $0x3  }
0x1a3: {  	v12 =	vmin.u32 v12, $0x10000;
	v2 =	vadd.s32 $0xFFFF0000, v2;
	[tilespmem:v5+s1+$0x0] =	vst.idx.msk $0xffff, v1  }
0x1a4: {  	[tilespmem:v6+s1+$0x0] =	vst.idx.msk $0xffff, v1;
	v2 =	vmin.u32 v2, $0x10000;
	v3 =	vadd.s32 $0xFFFF0000, v3  }
0x1a5: {  	[tilespmem:v7+s1+$0x0] =	vst.idx.msk $0xffff, v1;
	v3 =	vmin.u32 v3, $0x10000;
	v4 =	vadd.s32 $0xFFFF0000, v4  }
0x1a6: {  	[tilespmem:v9+s1+$0x0] =	vst.idx.msk $0xffff, v1;
	v4 =	vmin.u32 v4, $0x10000;
	v5 =	vadd.s32 $0xFFFF0000, v8  }
0x1a7: {  	[tilespmem:v11+s1+$0x0] =	vst.idx.msk $0xffff, v1;
	v6 =	vadd.s32 $0xFFFF0000, v10;
	v5 =	vmin.u32 v5, $0x10000  }
0x1a8: {  	v6 =	vmin.u32 v6, $0x10000;
	[tilespmem:v12+s1+$0x0] =	vst.idx.msk $0xffff, v1  }
0x1a9: {  	[tilespmem:v2+s1+$0x0] =	vst.idx.msk $0xffff, v1  }
0x1aa: {  	[tilespmem:v3+s1+$0x0] =	vst.idx.msk $0xffff, v1  }
0x1ab: {  	[tilespmem:v4+s1+$0x0] =	vst.idx.msk $0xffff, v1  }
0x1ac: {  	[tilespmem:v5+s1+$0x0] =	vst.idx.msk $0xffff, v1  }
0x1ad: {  	[tilespmem:v6+s1+$0x0] =	vst.idx.msk $0xffff, v1  }
0x1ae: {  	[tilespmem:s11], [sflag:$0x1] =	stream.strided.gather [hbm4b:s4+s8], $0x4000, s10, s8, $0x38;
	[tilespmem:$0x18080] =	vst v63  }
0x1af: {  	_ =	swait.ge [sflag:s14], $0x4000  }
0x1b0: {  	[sflag:s14] =	ssyncset.done $0x0  }
0x1b1: {  	s18 =	simm.s32 $0x140C0;
	[sflag:s14] =	ssyncadd.s32 $0xFFFFC000  }
0x1b2: {  	v2 =	vld [tilespmem:s18+$0x30]  }
0x1b3: {  	v3 =	vld [tilespmem:s18+$0xFFFFFFD0]  }
0x1b4: {  	v4 =	vld [tilespmem:s18+$0xFFFFFFE0]  }
0x1b5: {  	v5 =	vld [tilespmem:s18+$0xFFFFFFF0]  }
0x1b6: {  	v6 =	vld [tilespmem:s18+$0x0]  }
0x1b7: {  	v7 =	vld [tilespmem:s18+$0x10];
	v2 =	vadd.s32 $0xFFFF0000, v2  }
0x1b8: {  	v8 =	vld [tilespmem:s18+$0x20];
	v3 =	vadd.s32 $0xFFFF0000, v3;
	v9 =	vmin.u32 v2, $0x10000  }
0x1b9: {  	s19 =	simm.s32 $0x14140;
	v10 =	vld [tilespmem:s18+$0xFFFFFFC0];
	v11 =	vmin.u32 v3, $0x10000;
	v2 =	vadd.s32 $0xFFFF0000, v4  }
0x1ba: {  	v12 =	vld [tilespmem:s19+$0x30];
	v13 =	vmin.u32 v2, $0x10000;
	v2 =	vadd.s32 $0xFFFF0000, v5  }
0x1bb: {  	v14 =	vld [tilespmem:s19+$0xFFFFFFD0];
	v15 =	vmin.u32 v2, $0x10000;
	v2 =	vadd.s32 $0xFFFF0000, v6  }
0x1bc: {  	v16 =	vld [tilespmem:s19+$0xFFFFFFE0];
	v4 =	vadd.s32 $0xFFFF0000, v7;
	v17 =	vmin.u32 v2, $0x10000  }
0x1bd: {  	v5 =	vmin.u32 v4, $0x10000;
	v6 =	vadd.s32 $0xFFFF0000, v8;
	v2 =	vld [tilespmem:s19+$0xFFFFFFF0];
	[tilespmem:v9+s1+$0x0] =	vst.idx.msk $0xffff, v1  }
0x1be: {  	v3 =	vld [tilespmem:s19+$0x0];
	v7 =	vadd.s32 $0xFFFF0000, v10;
	v6 =	vmin.u32 v6, $0x10000;
	[tilespmem:v11+s1+$0x0] =	vst.idx.msk $0xffff, v1  }
0x1bf: {  	v4 =	vld [tilespmem:s19+$0x10];
	v7 =	vmin.u32 v7, $0x10000;
	v9 =	vadd.s32 $0xFFFF0000, v12;
	[tilespmem:v13+s1+$0x0] =	vst.idx.msk $0xffff, v1  }
0x1c0: {  	v8 =	vld [tilespmem:s19+$0x20];
	v11 =	vadd.s32 $0xFFFF0000, v14;
	v9 =	vmin.u32 v9, $0x10000;
	[tilespmem:v15+s1+$0x0] =	vst.idx.msk $0xffff, v1  }
0x1c1: {  	s18 =	simm.s32 $0x8;
	v10 =	vld [tilespmem:s19+$0xFFFFFFC0];
	s19 =	simm.s32 $0x141C0;
	v12 =	vadd.s32 $0xFFFF0000, v16;
	v11 =	vmin.u32 v11, $0x10000;
	[tilespmem:v17+s1+$0x0] =	vst.idx.msk $0xffff, v1  }
.LBB2_24:
0x1c2: {  	v13 =	vld [tilespmem:s19+$0x30];
	s18 =	sadd.s32 $0x8, s18;
	v12 =	vmin.u32 v12, $0x10000;
	v2 =	vadd.s32 $0xFFFF0000, v2;
	[tilespmem:v5+s1+$0x0] =	vst.idx.msk $0xffff, v1  }
0x1c3: {  	v14 =	vld [tilespmem:s19+$0xFFFFFFD0];
	p0 =	slt.u32 s18, $0x3F8;
	v15 =	vmin.u32 v2, $0x10000;
	v2 =	vadd.s32 $0xFFFF0000, v3;
	[tilespmem:v6+s1+$0x0] =	vst.idx.msk $0xffff, v1  }
0x1c4: {  	v16 =	vld [tilespmem:s19+$0xFFFFFFE0];
	v17 =	vmin.u32 v2, $0x10000;
	v3 =	vadd.s32 $0xFFFF0000, v4;
	[tilespmem:v7+s1+$0x0] =	vst.idx.msk $0xffff, v1  }
.Ltmp11:
0x1c5: {  	v2 =	vld [tilespmem:s19+$0xFFFFFFF0];
	v5 =	vmin.u32 v3, $0x10000;
	v4 =	vadd.s32 $0xFFFF0000, v8;
	[tilespmem:v9+s1+$0x0] =	vst.idx.msk $0xffff, v1;
	(pc) =	sbr.rel @p0 .LBB2_24-.Ltmp11, $4  }
0x1c6: {  	v3 =	vld [tilespmem:s19+$0x0];
	v7 =	vadd.s32 $0xFFFF0000, v10;
	[tilespmem:v11+s1+$0x0] =	vst.idx.msk $0xffff, v1;
	v6 =	vmin.u32 v4, $0x10000  }
0x1c7: {  	v4 =	vld [tilespmem:s19+$0x10];
	v9 =	vadd.s32 $0xFFFF0000, v13;
	v7 =	vmin.u32 v7, $0x10000;
	[tilespmem:v12+s1+$0x0] =	vst.idx.msk $0xffff, v1  }
0x1c8: {  	v11 =	vadd.s32 $0xFFFF0000, v14;
	v8 =	vld [tilespmem:s19+$0x20];
	v9 =	vmin.u32 v9, $0x10000;
	[tilespmem:v15+s1+$0x0] =	vst.idx.msk $0xffff, v1  }
0x1c9: {  	v10 =	vld [tilespmem:s19+$0xFFFFFFC0];
	v11 =	vmin.u32 v11, $0x10000;
	v12 =	vadd.s32 $0xFFFF0000, v16;
	s19 =	sadd.s32 $0x80, s19;
	[tilespmem:v17+s1+$0x0] =	vst.idx.msk $0xffff, v1  }
0x1ca: {  	_ =	sdelay $0x3  }
0x1cb: {  	v12 =	vmin.u32 v12, $0x10000;
	v2 =	vadd.s32 $0xFFFF0000, v2;
	[tilespmem:v5+s1+$0x0] =	vst.idx.msk $0xffff, v1  }
0x1cc: {  	[tilespmem:v6+s1+$0x0] =	vst.idx.msk $0xffff, v1;
	v2 =	vmin.u32 v2, $0x10000;
	v3 =	vadd.s32 $0xFFFF0000, v3  }
0x1cd: {  	[tilespmem:v7+s1+$0x0] =	vst.idx.msk $0xffff, v1;
	v3 =	vmin.u32 v3, $0x10000;
	v4 =	vadd.s32 $0xFFFF0000, v4  }
0x1ce: {  	[tilespmem:v9+s1+$0x0] =	vst.idx.msk $0xffff, v1;
	v4 =	vmin.u32 v4, $0x10000;
	v5 =	vadd.s32 $0xFFFF0000, v8  }
0x1cf: {  	[tilespmem:v11+s1+$0x0] =	vst.idx.msk $0xffff, v1;
	v6 =	vadd.s32 $0xFFFF0000, v10;
	v5 =	vmin.u32 v5, $0x10000  }
0x1d0: {  	v6 =	vmin.u32 v6, $0x10000;
	[tilespmem:v12+s1+$0x0] =	vst.idx.msk $0xffff, v1  }
0x1d1: {  	[tilespmem:v2+s1+$0x0] =	vst.idx.msk $0xffff, v1  }
0x1d2: {  	[tilespmem:v3+s1+$0x0] =	vst.idx.msk $0xffff, v1  }
0x1d3: {  	[tilespmem:v4+s1+$0x0] =	vst.idx.msk $0xffff, v1  }
0x1d4: {  	[tilespmem:v5+s1+$0x0] =	vst.idx.msk $0xffff, v1  }
0x1d5: {  	[tilespmem:v6+s1+$0x0] =	vst.idx.msk $0xffff, v1  }
0x1d6: {  	[tilespmem:s12], [sflag:$0x2] =	stream.strided.gather [hbm4b:s5+s8], $0x4000, s10, s8, $0x38;
	[tilespmem:$0x18080] =	vst v63  }
0x1d7: {  	_ =	swait.ge [sflag:s13], $0x4000  }
0x1d8: {  	[sflag:s13] =	ssyncset.done $0x0  }
0x1d9: {  	s18 =	simm.s32 $0x100C0;
	[sflag:s13] =	ssyncadd.s32 $0xFFFFC000  }
0x1da: {  	v2 =	vld [tilespmem:s18+$0x30]  }
0x1db: {  	v3 =	vld [tilespmem:s18+$0xFFFFFFD0]  }
0x1dc: {  	v4 =	vld [tilespmem:s18+$0xFFFFFFE0]  }
0x1dd: {  	v5 =	vld [tilespmem:s18+$0xFFFFFFF0]  }
0x1de: {  	v6 =	vld [tilespmem:s18+$0x0]  }
0x1df: {  	v7 =	vld [tilespmem:s18+$0x10];
	v2 =	vadd.s32 $0xFFFF0000, v2  }
0x1e0: {  	v8 =	vld [tilespmem:s18+$0x20];
	v3 =	vadd.s32 $0xFFFF0000, v3;
	v9 =	vmin.u32 v2, $0x10000  }
0x1e1: {  	s19 =	simm.s32 $0x10140;
	v10 =	vld [tilespmem:s18+$0xFFFFFFC0];
	v11 =	vmin.u32 v3, $0x10000;
	v2 =	vadd.s32 $0xFFFF0000, v4  }
0x1e2: {  	v12 =	vld [tilespmem:s19+$0x30];
	v13 =	vmin.u32 v2, $0x10000;
	v2 =	vadd.s32 $0xFFFF0000, v5  }
0x1e3: {  	v14 =	vld [tilespmem:s19+$0xFFFFFFD0];
	v15 =	vmin.u32 v2, $0x10000;
	v2 =	vadd.s32 $0xFFFF0000, v6  }
0x1e4: {  	v16 =	vld [tilespmem:s19+$0xFFFFFFE0];
	v4 =	vadd.s32 $0xFFFF0000, v7;
	v17 =	vmin.u32 v2, $0x10000  }
0x1e5: {  	v5 =	vmin.u32 v4, $0x10000;
	v6 =	vadd.s32 $0xFFFF0000, v8;
	v2 =	vld [tilespmem:s19+$0xFFFFFFF0];
	[tilespmem:v9+s1+$0x0] =	vst.idx.msk $0xffff, v1  }
0x1e6: {  	v3 =	vld [tilespmem:s19+$0x0];
	v7 =	vadd.s32 $0xFFFF0000, v10;
	v6 =	vmin.u32 v6, $0x10000;
	[tilespmem:v11+s1+$0x0] =	vst.idx.msk $0xffff, v1  }
0x1e7: {  	v4 =	vld [tilespmem:s19+$0x10];
	v7 =	vmin.u32 v7, $0x10000;
	v9 =	vadd.s32 $0xFFFF0000, v12;
	[tilespmem:v13+s1+$0x0] =	vst.idx.msk $0xffff, v1  }
0x1e8: {  	v8 =	vld [tilespmem:s19+$0x20];
	v11 =	vadd.s32 $0xFFFF0000, v14;
	v9 =	vmin.u32 v9, $0x10000;
	[tilespmem:v15+s1+$0x0] =	vst.idx.msk $0xffff, v1  }
0x1e9: {  	s18 =	simm.s32 $0x8;
	v10 =	vld [tilespmem:s19+$0xFFFFFFC0];
	s19 =	simm.s32 $0x101C0;
	v12 =	vadd.s32 $0xFFFF0000, v16;
	v11 =	vmin.u32 v11, $0x10000;
	[tilespmem:v17+s1+$0x0] =	vst.idx.msk $0xffff, v1  }
.LBB2_26:
0x1ea: {  	v13 =	vld [tilespmem:s19+$0x30];
	s18 =	sadd.s32 $0x8, s18;
	v12 =	vmin.u32 v12, $0x10000;
	v2 =	vadd.s32 $0xFFFF0000, v2;
	[tilespmem:v5+s1+$0x0] =	vst.idx.msk $0xffff, v1  }
0x1eb: {  	v14 =	vld [tilespmem:s19+$0xFFFFFFD0];
	p0 =	slt.u32 s18, $0x3F8;
	v15 =	vmin.u32 v2, $0x10000;
	v2 =	vadd.s32 $0xFFFF0000, v3;
	[tilespmem:v6+s1+$0x0] =	vst.idx.msk $0xffff, v1  }
0x1ec: {  	v16 =	vld [tilespmem:s19+$0xFFFFFFE0];
	v17 =	vmin.u32 v2, $0x10000;
	v3 =	vadd.s32 $0xFFFF0000, v4;
	[tilespmem:v7+s1+$0x0] =	vst.idx.msk $0xffff, v1  }
.Ltmp12:
0x1ed: {  	v2 =	vld [tilespmem:s19+$0xFFFFFFF0];
	v5 =	vmin.u32 v3, $0x10000;
	v4 =	vadd.s32 $0xFFFF0000, v8;
	[tilespmem:v9+s1+$0x0] =	vst.idx.msk $0xffff, v1;
	(pc) =	sbr.rel @p0 .LBB2_26-.Ltmp12, $4  }
0x1ee: {  	v3 =	vld [tilespmem:s19+$0x0];
	v7 =	vadd.s32 $0xFFFF0000, v10;
	[tilespmem:v11+s1+$0x0] =	vst.idx.msk $0xffff, v1;
	v6 =	vmin.u32 v4, $0x10000  }
0x1ef: {  	v4 =	vld [tilespmem:s19+$0x10];
	v9 =	vadd.s32 $0xFFFF0000, v13;
	v7 =	vmin.u32 v7, $0x10000;
	[tilespmem:v12+s1+$0x0] =	vst.idx.msk $0xffff, v1  }
0x1f0: {  	v11 =	vadd.s32 $0xFFFF0000, v14;
	v8 =	vld [tilespmem:s19+$0x20];
	v9 =	vmin.u32 v9, $0x10000;
	[tilespmem:v15+s1+$0x0] =	vst.idx.msk $0xffff, v1  }
0x1f1: {  	v10 =	vld [tilespmem:s19+$0xFFFFFFC0];
	v11 =	vmin.u32 v11, $0x10000;
	v12 =	vadd.s32 $0xFFFF0000, v16;
	s19 =	sadd.s32 $0x80, s19;
	[tilespmem:v17+s1+$0x0] =	vst.idx.msk $0xffff, v1  }
0x1f2: {  	_ =	sdelay $0x3  }
0x1f3: {  	v12 =	vmin.u32 v12, $0x10000;
	v2 =	vadd.s32 $0xFFFF0000, v2;
	[tilespmem:v5+s1+$0x0] =	vst.idx.msk $0xffff, v1  }
0x1f4: {  	[tilespmem:v6+s1+$0x0] =	vst.idx.msk $0xffff, v1;
	v2 =	vmin.u32 v2, $0x10000;
	v3 =	vadd.s32 $0xFFFF0000, v3  }
0x1f5: {  	[tilespmem:v7+s1+$0x0] =	vst.idx.msk $0xffff, v1;
	v3 =	vmin.u32 v3, $0x10000;
	v4 =	vadd.s32 $0xFFFF0000, v4  }
0x1f6: {  	[tilespmem:v9+s1+$0x0] =	vst.idx.msk $0xffff, v1;
	v4 =	vmin.u32 v4, $0x10000;
	v5 =	vadd.s32 $0xFFFF0000, v8  }
0x1f7: {  	[tilespmem:v11+s1+$0x0] =	vst.idx.msk $0xffff, v1;
	v6 =	vadd.s32 $0xFFFF0000, v10;
	v5 =	vmin.u32 v5, $0x10000  }
0x1f8: {  	v6 =	vmin.u32 v6, $0x10000;
	[tilespmem:v12+s1+$0x0] =	vst.idx.msk $0xffff, v1  }
0x1f9: {  	[tilespmem:v2+s1+$0x0] =	vst.idx.msk $0xffff, v1  }
0x1fa: {  	[tilespmem:v3+s1+$0x0] =	vst.idx.msk $0xffff, v1  }
0x1fb: {  	[tilespmem:v4+s1+$0x0] =	vst.idx.msk $0xffff, v1  }
0x1fc: {  	[tilespmem:v5+s1+$0x0] =	vst.idx.msk $0xffff, v1  }
0x1fd: {  	[tilespmem:v6+s1+$0x0] =	vst.idx.msk $0xffff, v1  }
0x1fe: {  	[tilespmem:s11], [sflag:$0x1] =	stream.strided.gather [hbm4b:s6+s8], $0x4000, s10, s8, $0x38;
	[tilespmem:$0x18080] =	vst v63  }
0x1ff: {  	_ =	swait.ge [sflag:s14], $0x4000  }
0x200: {  	[sflag:s14] =	ssyncset.done $0x0  }
0x201: {  	s18 =	simm.s32 $0x140C0;
	[sflag:s14] =	ssyncadd.s32 $0xFFFFC000  }
0x202: {  	v2 =	vld [tilespmem:s18+$0x30]  }
0x203: {  	v3 =	vld [tilespmem:s18+$0xFFFFFFD0]  }
0x204: {  	v4 =	vld [tilespmem:s18+$0xFFFFFFE0]  }
0x205: {  	v5 =	vld [tilespmem:s18+$0xFFFFFFF0]  }
0x206: {  	v6 =	vld [tilespmem:s18+$0x0]  }
0x207: {  	v7 =	vld [tilespmem:s18+$0x10];
	v2 =	vadd.s32 $0xFFFF0000, v2  }
0x208: {  	v8 =	vld [tilespmem:s18+$0x20];
	v3 =	vadd.s32 $0xFFFF0000, v3;
	v9 =	vmin.u32 v2, $0x10000  }
0x209: {  	s19 =	simm.s32 $0x14140;
	v10 =	vld [tilespmem:s18+$0xFFFFFFC0];
	v11 =	vmin.u32 v3, $0x10000;
	v2 =	vadd.s32 $0xFFFF0000, v4  }
0x20a: {  	v12 =	vld [tilespmem:s19+$0x30];
	v13 =	vmin.u32 v2, $0x10000;
	v2 =	vadd.s32 $0xFFFF0000, v5  }
0x20b: {  	v14 =	vld [tilespmem:s19+$0xFFFFFFD0];
	v15 =	vmin.u32 v2, $0x10000;
	v2 =	vadd.s32 $0xFFFF0000, v6  }
0x20c: {  	v16 =	vld [tilespmem:s19+$0xFFFFFFE0];
	v4 =	vadd.s32 $0xFFFF0000, v7;
	v17 =	vmin.u32 v2, $0x10000  }
0x20d: {  	v5 =	vmin.u32 v4, $0x10000;
	v6 =	vadd.s32 $0xFFFF0000, v8;
	v2 =	vld [tilespmem:s19+$0xFFFFFFF0];
	[tilespmem:v9+s1+$0x0] =	vst.idx.msk $0xffff, v1  }
0x20e: {  	v3 =	vld [tilespmem:s19+$0x0];
	v7 =	vadd.s32 $0xFFFF0000, v10;
	v6 =	vmin.u32 v6, $0x10000;
	[tilespmem:v11+s1+$0x0] =	vst.idx.msk $0xffff, v1  }
0x20f: {  	v4 =	vld [tilespmem:s19+$0x10];
	v7 =	vmin.u32 v7, $0x10000;
	v9 =	vadd.s32 $0xFFFF0000, v12;
	[tilespmem:v13+s1+$0x0] =	vst.idx.msk $0xffff, v1  }
0x210: {  	v8 =	vld [tilespmem:s19+$0x20];
	v11 =	vadd.s32 $0xFFFF0000, v14;
	v9 =	vmin.u32 v9, $0x10000;
	[tilespmem:v15+s1+$0x0] =	vst.idx.msk $0xffff, v1  }
0x211: {  	s18 =	simm.s32 $0x8;
	v10 =	vld [tilespmem:s19+$0xFFFFFFC0];
	s19 =	simm.s32 $0x141C0;
	v12 =	vadd.s32 $0xFFFF0000, v16;
	v11 =	vmin.u32 v11, $0x10000;
	[tilespmem:v17+s1+$0x0] =	vst.idx.msk $0xffff, v1  }
.LBB2_28:
0x212: {  	v13 =	vld [tilespmem:s19+$0x30];
	s18 =	sadd.s32 $0x8, s18;
	v12 =	vmin.u32 v12, $0x10000;
	v2 =	vadd.s32 $0xFFFF0000, v2;
	[tilespmem:v5+s1+$0x0] =	vst.idx.msk $0xffff, v1  }
0x213: {  	v14 =	vld [tilespmem:s19+$0xFFFFFFD0];
	p0 =	slt.u32 s18, $0x3F8;
	v15 =	vmin.u32 v2, $0x10000;
	v2 =	vadd.s32 $0xFFFF0000, v3;
	[tilespmem:v6+s1+$0x0] =	vst.idx.msk $0xffff, v1  }
0x214: {  	v16 =	vld [tilespmem:s19+$0xFFFFFFE0];
	v17 =	vmin.u32 v2, $0x10000;
	v3 =	vadd.s32 $0xFFFF0000, v4;
	[tilespmem:v7+s1+$0x0] =	vst.idx.msk $0xffff, v1  }
.Ltmp13:
0x215: {  	v2 =	vld [tilespmem:s19+$0xFFFFFFF0];
	v5 =	vmin.u32 v3, $0x10000;
	v4 =	vadd.s32 $0xFFFF0000, v8;
	[tilespmem:v9+s1+$0x0] =	vst.idx.msk $0xffff, v1;
	(pc) =	sbr.rel @p0 .LBB2_28-.Ltmp13, $4  }
0x216: {  	v3 =	vld [tilespmem:s19+$0x0];
	v7 =	vadd.s32 $0xFFFF0000, v10;
	[tilespmem:v11+s1+$0x0] =	vst.idx.msk $0xffff, v1;
	v6 =	vmin.u32 v4, $0x10000  }
0x217: {  	v4 =	vld [tilespmem:s19+$0x10];
	v9 =	vadd.s32 $0xFFFF0000, v13;
	v7 =	vmin.u32 v7, $0x10000;
	[tilespmem:v12+s1+$0x0] =	vst.idx.msk $0xffff, v1  }
0x218: {  	v11 =	vadd.s32 $0xFFFF0000, v14;
	v8 =	vld [tilespmem:s19+$0x20];
	v9 =	vmin.u32 v9, $0x10000;
	[tilespmem:v15+s1+$0x0] =	vst.idx.msk $0xffff, v1  }
0x219: {  	v10 =	vld [tilespmem:s19+$0xFFFFFFC0];
	v11 =	vmin.u32 v11, $0x10000;
	v12 =	vadd.s32 $0xFFFF0000, v16;
	s19 =	sadd.s32 $0x80, s19;
	[tilespmem:v17+s1+$0x0] =	vst.idx.msk $0xffff, v1  }
0x21a: {  	_ =	sdelay $0x3  }
0x21b: {  	v12 =	vmin.u32 v12, $0x10000;
	v2 =	vadd.s32 $0xFFFF0000, v2;
	[tilespmem:v5+s1+$0x0] =	vst.idx.msk $0xffff, v1  }
0x21c: {  	[tilespmem:v6+s1+$0x0] =	vst.idx.msk $0xffff, v1;
	v2 =	vmin.u32 v2, $0x10000;
	v3 =	vadd.s32 $0xFFFF0000, v3  }
0x21d: {  	[tilespmem:v7+s1+$0x0] =	vst.idx.msk $0xffff, v1;
	v3 =	vmin.u32 v3, $0x10000;
	v4 =	vadd.s32 $0xFFFF0000, v4  }
0x21e: {  	[tilespmem:v9+s1+$0x0] =	vst.idx.msk $0xffff, v1;
	v4 =	vmin.u32 v4, $0x10000;
	v5 =	vadd.s32 $0xFFFF0000, v8  }
0x21f: {  	[tilespmem:v11+s1+$0x0] =	vst.idx.msk $0xffff, v1;
	v6 =	vadd.s32 $0xFFFF0000, v10;
	v5 =	vmin.u32 v5, $0x10000  }
0x220: {  	v6 =	vmin.u32 v6, $0x10000;
	[tilespmem:v12+s1+$0x0] =	vst.idx.msk $0xffff, v1  }
0x221: {  	[tilespmem:v2+s1+$0x0] =	vst.idx.msk $0xffff, v1  }
0x222: {  	[tilespmem:v3+s1+$0x0] =	vst.idx.msk $0xffff, v1  }
0x223: {  	[tilespmem:v4+s1+$0x0] =	vst.idx.msk $0xffff, v1  }
0x224: {  	[tilespmem:v5+s1+$0x0] =	vst.idx.msk $0xffff, v1  }
0x225: {  	[tilespmem:v6+s1+$0x0] =	vst.idx.msk $0xffff, v1  }
0x226: {  	[tilespmem:s12], [sflag:$0x2] =	stream.strided.gather [hbm4b:s7+s8], $0x4000, s10, s8, $0x38;
	[tilespmem:$0x18080] =	vst v63  }
0x227: {  	_ =	swait.ge [sflag:s13], $0x4000  }
0x228: {  	[sflag:s13] =	ssyncset.done $0x0  }
0x229: {  	s18 =	simm.s32 $0x100C0;
	[sflag:s13] =	ssyncadd.s32 $0xFFFFC000  }
0x22a: {  	v2 =	vld [tilespmem:s18+$0x30]  }
0x22b: {  	v3 =	vld [tilespmem:s18+$0xFFFFFFD0]  }
0x22c: {  	v4 =	vld [tilespmem:s18+$0xFFFFFFE0]  }
0x22d: {  	v5 =	vld [tilespmem:s18+$0xFFFFFFF0]  }
0x22e: {  	v6 =	vld [tilespmem:s18+$0x0]  }
0x22f: {  	v7 =	vld [tilespmem:s18+$0x10];
	v2 =	vadd.s32 $0xFFFF0000, v2  }
0x230: {  	v8 =	vld [tilespmem:s18+$0x20];
	v3 =	vadd.s32 $0xFFFF0000, v3;
	v9 =	vmin.u32 v2, $0x10000  }
0x231: {  	s19 =	simm.s32 $0x10140;
	v10 =	vld [tilespmem:s18+$0xFFFFFFC0];
	v11 =	vmin.u32 v3, $0x10000;
	v2 =	vadd.s32 $0xFFFF0000, v4  }
0x232: {  	v12 =	vld [tilespmem:s19+$0x30];
	v13 =	vmin.u32 v2, $0x10000;
	v2 =	vadd.s32 $0xFFFF0000, v5  }
0x233: {  	v14 =	vld [tilespmem:s19+$0xFFFFFFD0];
	v15 =	vmin.u32 v2, $0x10000;
	v2 =	vadd.s32 $0xFFFF0000, v6  }
0x234: {  	v16 =	vld [tilespmem:s19+$0xFFFFFFE0];
	v4 =	vadd.s32 $0xFFFF0000, v7;
	v17 =	vmin.u32 v2, $0x10000  }
0x235: {  	v5 =	vmin.u32 v4, $0x10000;
	v6 =	vadd.s32 $0xFFFF0000, v8;
	v2 =	vld [tilespmem:s19+$0xFFFFFFF0];
	[tilespmem:v9+s1+$0x0] =	vst.idx.msk $0xffff, v1  }
0x236: {  	v3 =	vld [tilespmem:s19+$0x0];
	v7 =	vadd.s32 $0xFFFF0000, v10;
	v6 =	vmin.u32 v6, $0x10000;
	[tilespmem:v11+s1+$0x0] =	vst.idx.msk $0xffff, v1  }
0x237: {  	v4 =	vld [tilespmem:s19+$0x10];
	v7 =	vmin.u32 v7, $0x10000;
	v9 =	vadd.s32 $0xFFFF0000, v12;
	[tilespmem:v13+s1+$0x0] =	vst.idx.msk $0xffff, v1  }
0x238: {  	v8 =	vld [tilespmem:s19+$0x20];
	v11 =	vadd.s32 $0xFFFF0000, v14;
	v9 =	vmin.u32 v9, $0x10000;
	[tilespmem:v15+s1+$0x0] =	vst.idx.msk $0xffff, v1  }
0x239: {  	s18 =	simm.s32 $0x8;
	v10 =	vld [tilespmem:s19+$0xFFFFFFC0];
	s19 =	simm.s32 $0x101C0;
	v12 =	vadd.s32 $0xFFFF0000, v16;
	v11 =	vmin.u32 v11, $0x10000;
	[tilespmem:v17+s1+$0x0] =	vst.idx.msk $0xffff, v1  }
.LBB2_30:
0x23a: {  	v13 =	vld [tilespmem:s19+$0x30];
	s18 =	sadd.s32 $0x8, s18;
	v12 =	vmin.u32 v12, $0x10000;
	v2 =	vadd.s32 $0xFFFF0000, v2;
	[tilespmem:v5+s1+$0x0] =	vst.idx.msk $0xffff, v1  }
0x23b: {  	v14 =	vld [tilespmem:s19+$0xFFFFFFD0];
	p0 =	slt.u32 s18, $0x3F8;
	v15 =	vmin.u32 v2, $0x10000;
	v2 =	vadd.s32 $0xFFFF0000, v3;
	[tilespmem:v6+s1+$0x0] =	vst.idx.msk $0xffff, v1  }
0x23c: {  	v16 =	vld [tilespmem:s19+$0xFFFFFFE0];
	v17 =	vmin.u32 v2, $0x10000;
	v3 =	vadd.s32 $0xFFFF0000, v4;
	[tilespmem:v7+s1+$0x0] =	vst.idx.msk $0xffff, v1  }
.Ltmp14:
0x23d: {  	v2 =	vld [tilespmem:s19+$0xFFFFFFF0];
	v5 =	vmin.u32 v3, $0x10000;
	v4 =	vadd.s32 $0xFFFF0000, v8;
	[tilespmem:v9+s1+$0x0] =	vst.idx.msk $0xffff, v1;
	(pc) =	sbr.rel @p0 .LBB2_30-.Ltmp14, $4  }
0x23e: {  	v3 =	vld [tilespmem:s19+$0x0];
	v7 =	vadd.s32 $0xFFFF0000, v10;
	[tilespmem:v11+s1+$0x0] =	vst.idx.msk $0xffff, v1;
	v6 =	vmin.u32 v4, $0x10000  }
0x23f: {  	v4 =	vld [tilespmem:s19+$0x10];
	v9 =	vadd.s32 $0xFFFF0000, v13;
	v7 =	vmin.u32 v7, $0x10000;
	[tilespmem:v12+s1+$0x0] =	vst.idx.msk $0xffff, v1  }
0x240: {  	v11 =	vadd.s32 $0xFFFF0000, v14;
	v8 =	vld [tilespmem:s19+$0x20];
	v9 =	vmin.u32 v9, $0x10000;
	[tilespmem:v15+s1+$0x0] =	vst.idx.msk $0xffff, v1  }
0x241: {  	v10 =	vld [tilespmem:s19+$0xFFFFFFC0];
	v11 =	vmin.u32 v11, $0x10000;
	v12 =	vadd.s32 $0xFFFF0000, v16;
	s19 =	sadd.s32 $0x80, s19;
	[tilespmem:v17+s1+$0x0] =	vst.idx.msk $0xffff, v1  }
0x242: {  	_ =	sdelay $0x3  }
0x243: {  	v12 =	vmin.u32 v12, $0x10000;
	v2 =	vadd.s32 $0xFFFF0000, v2;
	[tilespmem:v5+s1+$0x0] =	vst.idx.msk $0xffff, v1  }
0x244: {  	[tilespmem:v6+s1+$0x0] =	vst.idx.msk $0xffff, v1;
	v2 =	vmin.u32 v2, $0x10000;
	v3 =	vadd.s32 $0xFFFF0000, v3  }
0x245: {  	[tilespmem:v7+s1+$0x0] =	vst.idx.msk $0xffff, v1;
	v3 =	vmin.u32 v3, $0x10000;
	v4 =	vadd.s32 $0xFFFF0000, v4  }
0x246: {  	[tilespmem:v9+s1+$0x0] =	vst.idx.msk $0xffff, v1;
	v4 =	vmin.u32 v4, $0x10000;
	v5 =	vadd.s32 $0xFFFF0000, v8  }
0x247: {  	[tilespmem:v11+s1+$0x0] =	vst.idx.msk $0xffff, v1;
	v6 =	vadd.s32 $0xFFFF0000, v10;
	v5 =	vmin.u32 v5, $0x10000  }
0x248: {  	v6 =	vmin.u32 v6, $0x10000;
	[tilespmem:v12+s1+$0x0] =	vst.idx.msk $0xffff, v1  }
0x249: {  	[tilespmem:v2+s1+$0x0] =	vst.idx.msk $0xffff, v1  }
0x24a: {  	[tilespmem:v3+s1+$0x0] =	vst.idx.msk $0xffff, v1  }
0x24b: {  	[tilespmem:v4+s1+$0x0] =	vst.idx.msk $0xffff, v1  }
0x24c: {  	[tilespmem:v5+s1+$0x0] =	vst.idx.msk $0xffff, v1  }
0x24d: {  	[tilespmem:v6+s1+$0x0] =	vst.idx.msk $0xffff, v1  }
0x24e: {  	s18 =	rddreg [dreg:$0x5]  }
0x24f: {  	[tilespmem:s11], [sflag:$0x1] =	stream.strided.gather [hbm4b:s18+s8], $0x4000, s10, s8, $0x38;
	[tilespmem:$0x18080] =	vst v63  }
0x250: {  	_ =	swait.ge [sflag:s14], $0x4000  }
0x251: {  	[sflag:s14] =	ssyncset.done $0x0  }
0x252: {  	s19 =	simm.s32 $0x140C0;
	[sflag:s14] =	ssyncadd.s32 $0xFFFFC000  }
0x253: {  	v2 =	vld [tilespmem:s19+$0x30]  }
0x254: {  	v3 =	vld [tilespmem:s19+$0xFFFFFFD0]  }
0x255: {  	v4 =	vld [tilespmem:s19+$0xFFFFFFE0]  }
0x256: {  	v5 =	vld [tilespmem:s19+$0xFFFFFFF0]  }
0x257: {  	v6 =	vld [tilespmem:s19+$0x0]  }
0x258: {  	v7 =	vld [tilespmem:s19+$0x10];
	v2 =	vadd.s32 $0xFFFF0000, v2  }
0x259: {  	v8 =	vld [tilespmem:s19+$0x20];
	v3 =	vadd.s32 $0xFFFF0000, v3;
	v9 =	vmin.u32 v2, $0x10000  }
0x25a: {  	v10 =	vld [tilespmem:s19+$0xFFFFFFC0];
	s19 =	simm.s32 $0x14140;
	v11 =	vmin.u32 v3, $0x10000;
	v2 =	vadd.s32 $0xFFFF0000, v4  }
0x25b: {  	v12 =	vld [tilespmem:s19+$0x30];
	v13 =	vmin.u32 v2, $0x10000;
	v2 =	vadd.s32 $0xFFFF0000, v5  }
0x25c: {  	v14 =	vld [tilespmem:s19+$0xFFFFFFD0];
	v15 =	vmin.u32 v2, $0x10000;
	v2 =	vadd.s32 $0xFFFF0000, v6  }
0x25d: {  	v16 =	vld [tilespmem:s19+$0xFFFFFFE0];
	v4 =	vadd.s32 $0xFFFF0000, v7;
	v17 =	vmin.u32 v2, $0x10000  }
0x25e: {  	v5 =	vmin.u32 v4, $0x10000;
	v6 =	vadd.s32 $0xFFFF0000, v8;
	v2 =	vld [tilespmem:s19+$0xFFFFFFF0];
	[tilespmem:v9+s1+$0x0] =	vst.idx.msk $0xffff, v1  }
0x25f: {  	v3 =	vld [tilespmem:s19+$0x0];
	v7 =	vadd.s32 $0xFFFF0000, v10;
	v6 =	vmin.u32 v6, $0x10000;
	[tilespmem:v11+s1+$0x0] =	vst.idx.msk $0xffff, v1  }
0x260: {  	v4 =	vld [tilespmem:s19+$0x10];
	v7 =	vmin.u32 v7, $0x10000;
	v9 =	vadd.s32 $0xFFFF0000, v12;
	[tilespmem:v13+s1+$0x0] =	vst.idx.msk $0xffff, v1  }
0x261: {  	v8 =	vld [tilespmem:s19+$0x20];
	v11 =	vadd.s32 $0xFFFF0000, v14;
	v9 =	vmin.u32 v9, $0x10000;
	[tilespmem:v15+s1+$0x0] =	vst.idx.msk $0xffff, v1  }
0x262: {  	s18 =	simm.s32 $0x8;
	v10 =	vld [tilespmem:s19+$0xFFFFFFC0];
	s19 =	simm.s32 $0x141C0;
	v12 =	vadd.s32 $0xFFFF0000, v16;
	v11 =	vmin.u32 v11, $0x10000;
	[tilespmem:v17+s1+$0x0] =	vst.idx.msk $0xffff, v1  }
.LBB2_32:
0x263: {  	v13 =	vld [tilespmem:s19+$0x30];
	s18 =	sadd.s32 $0x8, s18;
	v12 =	vmin.u32 v12, $0x10000;
	v2 =	vadd.s32 $0xFFFF0000, v2;
	[tilespmem:v5+s1+$0x0] =	vst.idx.msk $0xffff, v1  }
0x264: {  	v14 =	vld [tilespmem:s19+$0xFFFFFFD0];
	p0 =	slt.u32 s18, $0x3F8;
	v15 =	vmin.u32 v2, $0x10000;
	v2 =	vadd.s32 $0xFFFF0000, v3;
	[tilespmem:v6+s1+$0x0] =	vst.idx.msk $0xffff, v1  }
0x265: {  	v16 =	vld [tilespmem:s19+$0xFFFFFFE0];
	v17 =	vmin.u32 v2, $0x10000;
	v3 =	vadd.s32 $0xFFFF0000, v4;
	[tilespmem:v7+s1+$0x0] =	vst.idx.msk $0xffff, v1  }
.Ltmp15:
0x266: {  	v2 =	vld [tilespmem:s19+$0xFFFFFFF0];
	v5 =	vmin.u32 v3, $0x10000;
	v4 =	vadd.s32 $0xFFFF0000, v8;
	[tilespmem:v9+s1+$0x0] =	vst.idx.msk $0xffff, v1;
	(pc) =	sbr.rel @p0 .LBB2_32-.Ltmp15, $4  }
0x267: {  	v3 =	vld [tilespmem:s19+$0x0];
	v7 =	vadd.s32 $0xFFFF0000, v10;
	[tilespmem:v11+s1+$0x0] =	vst.idx.msk $0xffff, v1;
	v6 =	vmin.u32 v4, $0x10000  }
0x268: {  	v4 =	vld [tilespmem:s19+$0x10];
	v9 =	vadd.s32 $0xFFFF0000, v13;
	v7 =	vmin.u32 v7, $0x10000;
	[tilespmem:v12+s1+$0x0] =	vst.idx.msk $0xffff, v1  }
0x269: {  	v11 =	vadd.s32 $0xFFFF0000, v14;
	v8 =	vld [tilespmem:s19+$0x20];
	v9 =	vmin.u32 v9, $0x10000;
	[tilespmem:v15+s1+$0x0] =	vst.idx.msk $0xffff, v1  }
0x26a: {  	v10 =	vld [tilespmem:s19+$0xFFFFFFC0];
	v11 =	vmin.u32 v11, $0x10000;
	v12 =	vadd.s32 $0xFFFF0000, v16;
	s19 =	sadd.s32 $0x80, s19;
	[tilespmem:v17+s1+$0x0] =	vst.idx.msk $0xffff, v1  }
0x26b: {  	_ =	sdelay $0x3  }
0x26c: {  	v12 =	vmin.u32 v12, $0x10000;
	v2 =	vadd.s32 $0xFFFF0000, v2;
	[tilespmem:v5+s1+$0x0] =	vst.idx.msk $0xffff, v1  }
0x26d: {  	[tilespmem:v6+s1+$0x0] =	vst.idx.msk $0xffff, v1;
	v2 =	vmin.u32 v2, $0x10000;
	v3 =	vadd.s32 $0xFFFF0000, v3  }
0x26e: {  	[tilespmem:v7+s1+$0x0] =	vst.idx.msk $0xffff, v1;
	v3 =	vmin.u32 v3, $0x10000;
	v4 =	vadd.s32 $0xFFFF0000, v4  }
0x26f: {  	[tilespmem:v9+s1+$0x0] =	vst.idx.msk $0xffff, v1;
	v4 =	vmin.u32 v4, $0x10000;
	v5 =	vadd.s32 $0xFFFF0000, v8  }
0x270: {  	[tilespmem:v11+s1+$0x0] =	vst.idx.msk $0xffff, v1;
	v6 =	vadd.s32 $0xFFFF0000, v10;
	v5 =	vmin.u32 v5, $0x10000  }
0x271: {  	v6 =	vmin.u32 v6, $0x10000;
	[tilespmem:v12+s1+$0x0] =	vst.idx.msk $0xffff, v1  }
0x272: {  	[tilespmem:v2+s1+$0x0] =	vst.idx.msk $0xffff, v1  }
0x273: {  	[tilespmem:v3+s1+$0x0] =	vst.idx.msk $0xffff, v1  }
0x274: {  	[tilespmem:v4+s1+$0x0] =	vst.idx.msk $0xffff, v1  }
0x275: {  	[tilespmem:v5+s1+$0x0] =	vst.idx.msk $0xffff, v1  }
0x276: {  	[tilespmem:v6+s1+$0x0] =	vst.idx.msk $0xffff, v1  }
0x277: {  	[tilespmem:s12], [sflag:$0x2] =	stream.strided.gather [hbm4b:s9+s8], $0x4000, s10, s8, $0x38;
	[tilespmem:$0x18080] =	vst v63  }
0x278: {  	_ =	swait.ge [sflag:s13], $0x4000  }
0x279: {  	[sflag:s13] =	ssyncset.done $0x0  }
0x27a: {  	s18 =	simm.s32 $0x100C0;
	[sflag:s13] =	ssyncadd.s32 $0xFFFFC000  }
0x27b: {  	v2 =	vld [tilespmem:s18+$0x30]  }
0x27c: {  	v3 =	vld [tilespmem:s18+$0xFFFFFFD0]  }
0x27d: {  	v4 =	vld [tilespmem:s18+$0xFFFFFFE0]  }
0x27e: {  	v5 =	vld [tilespmem:s18+$0xFFFFFFF0]  }
0x27f: {  	v6 =	vld [tilespmem:s18+$0x0]  }
0x280: {  	v7 =	vld [tilespmem:s18+$0x10];
	v2 =	vadd.s32 $0xFFFF0000, v2  }
0x281: {  	v8 =	vld [tilespmem:s18+$0x20];
	v3 =	vadd.s32 $0xFFFF0000, v3;
	v9 =	vmin.u32 v2, $0x10000  }
0x282: {  	s19 =	simm.s32 $0x10140;
	v10 =	vld [tilespmem:s18+$0xFFFFFFC0];
	v11 =	vmin.u32 v3, $0x10000;
	v2 =	vadd.s32 $0xFFFF0000, v4  }
0x283: {  	v12 =	vld [tilespmem:s19+$0x30];
	v13 =	vmin.u32 v2, $0x10000;
	v2 =	vadd.s32 $0xFFFF0000, v5  }
0x284: {  	v14 =	vld [tilespmem:s19+$0xFFFFFFD0];
	v15 =	vmin.u32 v2, $0x10000;
	v2 =	vadd.s32 $0xFFFF0000, v6  }
0x285: {  	v16 =	vld [tilespmem:s19+$0xFFFFFFE0];
	v4 =	vadd.s32 $0xFFFF0000, v7;
	v17 =	vmin.u32 v2, $0x10000  }
0x286: {  	v5 =	vmin.u32 v4, $0x10000;
	v6 =	vadd.s32 $0xFFFF0000, v8;
	v2 =	vld [tilespmem:s19+$0xFFFFFFF0];
	[tilespmem:v9+s1+$0x0] =	vst.idx.msk $0xffff, v1  }
0x287: {  	v3 =	vld [tilespmem:s19+$0x0];
	v7 =	vadd.s32 $0xFFFF0000, v10;
	v6 =	vmin.u32 v6, $0x10000;
	[tilespmem:v11+s1+$0x0] =	vst.idx.msk $0xffff, v1  }
0x288: {  	v4 =	vld [tilespmem:s19+$0x10];
	v7 =	vmin.u32 v7, $0x10000;
	v9 =	vadd.s32 $0xFFFF0000, v12;
	[tilespmem:v13+s1+$0x0] =	vst.idx.msk $0xffff, v1  }
0x289: {  	v8 =	vld [tilespmem:s19+$0x20];
	v11 =	vadd.s32 $0xFFFF0000, v14;
	v9 =	vmin.u32 v9, $0x10000;
	[tilespmem:v15+s1+$0x0] =	vst.idx.msk $0xffff, v1  }
0x28a: {  	s18 =	simm.s32 $0x8;
	v10 =	vld [tilespmem:s19+$0xFFFFFFC0];
	s19 =	simm.s32 $0x101C0;
	v12 =	vadd.s32 $0xFFFF0000, v16;
	v11 =	vmin.u32 v11, $0x10000;
	[tilespmem:v17+s1+$0x0] =	vst.idx.msk $0xffff, v1  }
.LBB2_34:
0x28b: {  	v13 =	vld [tilespmem:s19+$0x30];
	s18 =	sadd.s32 $0x8, s18;
	v12 =	vmin.u32 v12, $0x10000;
	v2 =	vadd.s32 $0xFFFF0000, v2;
	[tilespmem:v5+s1+$0x0] =	vst.idx.msk $0xffff, v1  }
0x28c: {  	v14 =	vld [tilespmem:s19+$0xFFFFFFD0];
	p0 =	slt.u32 s18, $0x3F8;
	v15 =	vmin.u32 v2, $0x10000;
	v2 =	vadd.s32 $0xFFFF0000, v3;
	[tilespmem:v6+s1+$0x0] =	vst.idx.msk $0xffff, v1  }
0x28d: {  	v16 =	vld [tilespmem:s19+$0xFFFFFFE0];
	v17 =	vmin.u32 v2, $0x10000;
	v3 =	vadd.s32 $0xFFFF0000, v4;
	[tilespmem:v7+s1+$0x0] =	vst.idx.msk $0xffff, v1  }
.Ltmp16:
0x28e: {  	v2 =	vld [tilespmem:s19+$0xFFFFFFF0];
	v5 =	vmin.u32 v3, $0x10000;
	v4 =	vadd.s32 $0xFFFF0000, v8;
	[tilespmem:v9+s1+$0x0] =	vst.idx.msk $0xffff, v1;
	(pc) =	sbr.rel @p0 .LBB2_34-.Ltmp16, $4  }
0x28f: {  	v3 =	vld [tilespmem:s19+$0x0];
	v7 =	vadd.s32 $0xFFFF0000, v10;
	[tilespmem:v11+s1+$0x0] =	vst.idx.msk $0xffff, v1;
	v6 =	vmin.u32 v4, $0x10000  }
0x290: {  	v4 =	vld [tilespmem:s19+$0x10];
	v9 =	vadd.s32 $0xFFFF0000, v13;
	v7 =	vmin.u32 v7, $0x10000;
	[tilespmem:v12+s1+$0x0] =	vst.idx.msk $0xffff, v1  }
0x291: {  	v11 =	vadd.s32 $0xFFFF0000, v14;
	v8 =	vld [tilespmem:s19+$0x20];
	v9 =	vmin.u32 v9, $0x10000;
	[tilespmem:v15+s1+$0x0] =	vst.idx.msk $0xffff, v1  }
0x292: {  	v10 =	vld [tilespmem:s19+$0xFFFFFFC0];
	v11 =	vmin.u32 v11, $0x10000;
	v12 =	vadd.s32 $0xFFFF0000, v16;
	s19 =	sadd.s32 $0x80, s19;
	[tilespmem:v17+s1+$0x0] =	vst.idx.msk $0xffff, v1  }
0x293: {  	_ =	sdelay $0x3  }
0x294: {  	v12 =	vmin.u32 v12, $0x10000;
	v2 =	vadd.s32 $0xFFFF0000, v2;
	[tilespmem:v5+s1+$0x0] =	vst.idx.msk $0xffff, v1  }
0x295: {  	[tilespmem:v6+s1+$0x0] =	vst.idx.msk $0xffff, v1;
	v2 =	vmin.u32 v2, $0x10000;
	v3 =	vadd.s32 $0xFFFF0000, v3  }
0x296: {  	[tilespmem:v7+s1+$0x0] =	vst.idx.msk $0xffff, v1;
	v3 =	vmin.u32 v3, $0x10000;
	v4 =	vadd.s32 $0xFFFF0000, v4  }
0x297: {  	[tilespmem:v9+s1+$0x0] =	vst.idx.msk $0xffff, v1;
	v4 =	vmin.u32 v4, $0x10000;
	v5 =	vadd.s32 $0xFFFF0000, v8  }
0x298: {  	[tilespmem:v11+s1+$0x0] =	vst.idx.msk $0xffff, v1;
	v6 =	vadd.s32 $0xFFFF0000, v10;
	v5 =	vmin.u32 v5, $0x10000  }
0x299: {  	v6 =	vmin.u32 v6, $0x10000;
	[tilespmem:v12+s1+$0x0] =	vst.idx.msk $0xffff, v1  }
0x29a: {  	[tilespmem:v2+s1+$0x0] =	vst.idx.msk $0xffff, v1  }
0x29b: {  	[tilespmem:v3+s1+$0x0] =	vst.idx.msk $0xffff, v1  }
0x29c: {  	[tilespmem:v4+s1+$0x0] =	vst.idx.msk $0xffff, v1  }
0x29d: {  	[tilespmem:v5+s1+$0x0] =	vst.idx.msk $0xffff, v1  }
0x29e: {  	[tilespmem:v6+s1+$0x0] =	vst.idx.msk $0xffff, v1  }
0x29f: {  	_ =	swait.ge [sflag:s14], $0x4000  }
0x2a0: {  	[sflag:s14] =	ssyncset.done $0x0  }
0x2a1: {  	s18 =	simm.s32 $0x140C0;
	[sflag:s14] =	ssyncadd.s32 $0xFFFFC000  }
0x2a2: {  	v2 =	vld [tilespmem:s18+$0x30]  }
0x2a3: {  	v3 =	vld [tilespmem:s18+$0xFFFFFFD0]  }
0x2a4: {  	v4 =	vld [tilespmem:s18+$0xFFFFFFE0]  }
0x2a5: {  	v5 =	vld [tilespmem:s18+$0xFFFFFFF0]  }
0x2a6: {  	v6 =	vld [tilespmem:s18+$0x0]  }
0x2a7: {  	v7 =	vld [tilespmem:s18+$0x10];
	v2 =	vadd.s32 $0xFFFF0000, v2  }
0x2a8: {  	v8 =	vld [tilespmem:s18+$0x20];
	v3 =	vadd.s32 $0xFFFF0000, v3;
	v9 =	vmin.u32 v2, $0x10000  }
0x2a9: {  	s19 =	simm.s32 $0x14140;
	v10 =	vld [tilespmem:s18+$0xFFFFFFC0];
	v11 =	vmin.u32 v3, $0x10000;
	v2 =	vadd.s32 $0xFFFF0000, v4  }
0x2aa: {  	v12 =	vld [tilespmem:s19+$0x30];
	v13 =	vmin.u32 v2, $0x10000;
	v2 =	vadd.s32 $0xFFFF0000, v5  }
0x2ab: {  	v14 =	vld [tilespmem:s19+$0xFFFFFFD0];
	v15 =	vmin.u32 v2, $0x10000;
	v2 =	vadd.s32 $0xFFFF0000, v6  }
0x2ac: {  	v16 =	vld [tilespmem:s19+$0xFFFFFFE0];
	v4 =	vadd.s32 $0xFFFF0000, v7;
	v17 =	vmin.u32 v2, $0x10000  }
0x2ad: {  	v5 =	vmin.u32 v4, $0x10000;
	v6 =	vadd.s32 $0xFFFF0000, v8;
	v2 =	vld [tilespmem:s19+$0xFFFFFFF0];
	[tilespmem:v9+s1+$0x0] =	vst.idx.msk $0xffff, v1  }
0x2ae: {  	v3 =	vld [tilespmem:s19+$0x0];
	v7 =	vadd.s32 $0xFFFF0000, v10;
	v6 =	vmin.u32 v6, $0x10000;
	[tilespmem:v11+s1+$0x0] =	vst.idx.msk $0xffff, v1  }
0x2af: {  	v4 =	vld [tilespmem:s19+$0x10];
	v7 =	vmin.u32 v7, $0x10000;
	v9 =	vadd.s32 $0xFFFF0000, v12;
	[tilespmem:v13+s1+$0x0] =	vst.idx.msk $0xffff, v1  }
0x2b0: {  	v8 =	vld [tilespmem:s19+$0x20];
	v11 =	vadd.s32 $0xFFFF0000, v14;
	v9 =	vmin.u32 v9, $0x10000;
	[tilespmem:v15+s1+$0x0] =	vst.idx.msk $0xffff, v1  }
0x2b1: {  	s18 =	simm.s32 $0x8;
	v10 =	vld [tilespmem:s19+$0xFFFFFFC0];
	s19 =	simm.s32 $0x141C0;
	v12 =	vadd.s32 $0xFFFF0000, v16;
	v11 =	vmin.u32 v11, $0x10000;
	[tilespmem:v17+s1+$0x0] =	vst.idx.msk $0xffff, v1  }
.LBB2_36:
0x2b2: {  	v13 =	vld [tilespmem:s19+$0x30];
	s18 =	sadd.s32 $0x8, s18;
	v12 =	vmin.u32 v12, $0x10000;
	v2 =	vadd.s32 $0xFFFF0000, v2;
	[tilespmem:v5+s1+$0x0] =	vst.idx.msk $0xffff, v1  }
0x2b3: {  	v14 =	vld [tilespmem:s19+$0xFFFFFFD0];
	p0 =	slt.u32 s18, $0x3F8;
	v15 =	vmin.u32 v2, $0x10000;
	v2 =	vadd.s32 $0xFFFF0000, v3;
	[tilespmem:v6+s1+$0x0] =	vst.idx.msk $0xffff, v1  }
0x2b4: {  	v16 =	vld [tilespmem:s19+$0xFFFFFFE0];
	v17 =	vmin.u32 v2, $0x10000;
	v3 =	vadd.s32 $0xFFFF0000, v4;
	[tilespmem:v7+s1+$0x0] =	vst.idx.msk $0xffff, v1  }
.Ltmp17:
0x2b5: {  	v2 =	vld [tilespmem:s19+$0xFFFFFFF0];
	v5 =	vmin.u32 v3, $0x10000;
	v4 =	vadd.s32 $0xFFFF0000, v8;
	[tilespmem:v9+s1+$0x0] =	vst.idx.msk $0xffff, v1;
	(pc) =	sbr.rel @p0 .LBB2_36-.Ltmp17, $4  }
0x2b6: {  	v3 =	vld [tilespmem:s19+$0x0];
	v7 =	vadd.s32 $0xFFFF0000, v10;
	[tilespmem:v11+s1+$0x0] =	vst.idx.msk $0xffff, v1;
	v6 =	vmin.u32 v4, $0x10000  }
0x2b7: {  	v4 =	vld [tilespmem:s19+$0x10];
	v9 =	vadd.s32 $0xFFFF0000, v13;
	v7 =	vmin.u32 v7, $0x10000;
	[tilespmem:v12+s1+$0x0] =	vst.idx.msk $0xffff, v1  }
0x2b8: {  	v11 =	vadd.s32 $0xFFFF0000, v14;
	v8 =	vld [tilespmem:s19+$0x20];
	v9 =	vmin.u32 v9, $0x10000;
	[tilespmem:v15+s1+$0x0] =	vst.idx.msk $0xffff, v1  }
0x2b9: {  	v10 =	vld [tilespmem:s19+$0xFFFFFFC0];
	v11 =	vmin.u32 v11, $0x10000;
	v12 =	vadd.s32 $0xFFFF0000, v16;
	s19 =	sadd.s32 $0x80, s19;
	[tilespmem:v17+s1+$0x0] =	vst.idx.msk $0xffff, v1  }
0x2ba: {  	_ =	sdelay $0x3  }
0x2bb: {  	v12 =	vmin.u32 v12, $0x10000;
	v2 =	vadd.s32 $0xFFFF0000, v2;
	[tilespmem:v5+s1+$0x0] =	vst.idx.msk $0xffff, v1  }
0x2bc: {  	[tilespmem:v6+s1+$0x0] =	vst.idx.msk $0xffff, v1;
	v2 =	vmin.u32 v2, $0x10000;
	v3 =	vadd.s32 $0xFFFF0000, v3  }
0x2bd: {  	[tilespmem:v7+s1+$0x0] =	vst.idx.msk $0xffff, v1;
	v3 =	vmin.u32 v3, $0x10000;
	v4 =	vadd.s32 $0xFFFF0000, v4  }
0x2be: {  	[tilespmem:v9+s1+$0x0] =	vst.idx.msk $0xffff, v1;
	v4 =	vmin.u32 v4, $0x10000;
	v62 =	vadd.s32 $0xFFFF0000, v8  }
0x2bf: {  	[tilespmem:v11+s1+$0x0] =	vst.idx.msk $0xffff, v1;
	v63 =	vadd.s32 $0xFFFF0000, v10;
	v5 =	vmin.u32 v62, $0x10000  }
0x2c0: {  	v6 =	vmin.u32 v63, $0x10000;
	[tilespmem:v12+s1+$0x0] =	vst.idx.msk $0xffff, v1  }
0x2c1: {  	[tilespmem:v2+s1+$0x0] =	vst.idx.msk $0xffff, v1  }
0x2c2: {  	[tilespmem:v3+s1+$0x0] =	vst.idx.msk $0xffff, v1  }
0x2c3: {  	[tilespmem:v4+s1+$0x0] =	vst.idx.msk $0xffff, v1  }
0x2c4: {  	[tilespmem:v5+s1+$0x0] =	vst.idx.msk $0xffff, v1  }
0x2c5: {  	[tilespmem:v6+s1+$0x0] =	vst.idx.msk $0xffff, v1  }
0x2c6: {  	s18 =	rddreg [dreg:$0x6]  }
0x2c7: {  	[hbm4b:s18+s8] =	stream.strided.scatter [tilespmem:s1], [sflag:$0x3], $0x10000, s10, s8, $0x38;
	[tilespmem:$0x18080] =	vst v63  }
0x2c8: {  	_ =	swait.ge [sflag:s16], $0x10000  }
0x2c9: {  	[sflag:s16] =	ssyncset.done $0x0  }
0x2ca: {  	s18 =	simm.s32 $0x40;
	[sflag:s16] =	ssyncadd.s32 $0xFFFF0000  }
0x2cb: {  	[tilespmem:s18+$0xFFFFFFC0] =	vst v0  }
0x2cc: {  	[tilespmem:s18+$0x30] =	vst v0  }
0x2cd: {  	[tilespmem:s18+$0x20] =	vst v0  }
0x2ce: {  	[tilespmem:s18+$0x10] =	vst v0  }
0x2cf: {  	[tilespmem:s18+$0x0] =	vst v0  }
0x2d0: {  	[tilespmem:s18+$0xFFFFFFF0] =	vst v0  }
0x2d1: {  	s19 =	simm.s32 $0x0;
	[tilespmem:s18+$0xFFFFFFE0] =	vst v0  }
.LBB2_38:
0x2d2: {  	s19 =	sadd.s32 $0x8, s19;
	[tilespmem:s18+$0xFFFFFFD0] =	vst v0;
	s18 =	sadd.s32 $0x80, s18  }
0x2d3: {  	[tilespmem:s18+$0xFFFFFFC0] =	vst v0;
	p0 =	slt.u32 s19, $0xFF8  }
0x2d4: {  	[tilespmem:s18+$0x30] =	vst v0  }
.Ltmp18:
0x2d5: {  	[tilespmem:s18+$0x20] =	vst v0;
	(pc) =	sbr.rel @p0 .LBB2_38-.Ltmp18, $4  }
0x2d6: {  	[tilespmem:s18+$0x10] =	vst v0  }
0x2d7: {  	[tilespmem:s18+$0x0] =	vst v0  }
0x2d8: {  	[tilespmem:s18+$0xFFFFFFF0] =	vst v0  }
0x2d9: {  	[tilespmem:s18+$0xFFFFFFE0] =	vst v0  }
0x2da: {  	[tilespmem:s18+$0xFFFFFFD0] =	vst v0  }
0x2db: {  	[tilespmem:$0x10000] =	vst v0  }
0x2dc: {  	[tilespmem:s11], [sflag:$0x1] =	stream.strided.gather [hbm4b:s15+s8], $0x4000, s10, s8, $0x38;
	[tilespmem:$0x18080] =	vst v63  }
0x2dd: {  	s18 =	rddreg [dreg:$0x9]  }
0x2de: {  	[tilespmem:s12], [sflag:$0x2] =	stream.strided.gather [hbm4b:s18+s8], $0x4000, s10, s8, $0x38;
	[tilespmem:$0x18080] =	vst v63  }
0x2df: {  	_ =	swait.ge [sflag:s13], $0x4000  }
0x2e0: {  	[sflag:s13] =	ssyncset.done $0x0  }
0x2e1: {  	s19 =	simm.s32 $0x100C0;
	[sflag:s13] =	ssyncadd.s32 $0xFFFFC000  }
0x2e2: {  	v2 =	vld [tilespmem:s19+$0x30]  }
0x2e3: {  	v3 =	vld [tilespmem:s19+$0xFFFFFFD0]  }
0x2e4: {  	v4 =	vld [tilespmem:s19+$0xFFFFFFE0]  }
0x2e5: {  	v5 =	vld [tilespmem:s19+$0xFFFFFFF0]  }
0x2e6: {  	v6 =	vld [tilespmem:s19+$0x0]  }
0x2e7: {  	v7 =	vld [tilespmem:s19+$0x10];
	v2 =	vmin.u32 v2, $0x10000  }
0x2e8: {  	v8 =	vld [tilespmem:s19+$0x20];
	v3 =	vmin.u32 v3, $0x10000  }
0x2e9: {  	v9 =	vld [tilespmem:s19+$0xFFFFFFC0];
	s19 =	simm.s32 $0x10140;
	v10 =	vmin.u32 v4, $0x10000  }
0x2ea: {  	v12 =	vld [tilespmem:s19+$0x30];
	v5 =	vmin.u32 v5, $0x10000  }
0x2eb: {  	v13 =	vld [tilespmem:s19+$0xFFFFFFD0];
	v14 =	vmin.u32 v6, $0x10000  }
0x2ec: {  	v15 =	vld [tilespmem:s19+$0xFFFFFFE0];
	v16 =	vmin.u32 v7, $0x10000;
	[tilespmem:v2+s1+$0x0] =	vst.idx.msk $0xffff, v1  }
0x2ed: {  	v4 =	vld [tilespmem:s19+$0xFFFFFFF0];
	v11 =	vmin.u32 v8, $0x10000;
	[tilespmem:v3+s1+$0x0] =	vst.idx.msk $0xffff, v1  }
0x2ee: {  	v6 =	vmin.u32 v9, $0x10000;
	v2 =	vld [tilespmem:s19+$0x0];
	[tilespmem:v10+s1+$0x0] =	vst.idx.msk $0xffff, v1  }
0x2ef: {  	v9 =	vmin.u32 v12, $0x10000;
	v3 =	vld [tilespmem:s19+$0x10];
	[tilespmem:v5+s1+$0x0] =	vst.idx.msk $0xffff, v1  }
0x2f0: {  	v5 =	vld [tilespmem:s19+$0x20];
	[tilespmem:v14+s1+$0x0] =	vst.idx.msk $0xffff, v1;
	v10 =	vmin.u32 v13, $0x10000  }
0x2f1: {  	s18 =	simm.s32 $0x8;
	v7 =	vld [tilespmem:s19+$0xFFFFFFC0];
	v8 =	vmin.u32 v15, $0x10000;
	s19 =	simm.s32 $0x101C0;
	[tilespmem:v16+s1+$0x0] =	vst.idx.msk $0xffff, v1  }
.LBB2_40:
0x2f2: {  	v12 =	vld [tilespmem:s19+$0x30];
	s18 =	sadd.s32 $0x8, s18;
	v13 =	vmin.u32 v4, $0x10000;
	[tilespmem:v11+s1+$0x0] =	vst.idx.msk $0xffff, v1  }
0x2f3: {  	v14 =	vld [tilespmem:s19+$0xFFFFFFD0];
	p0 =	slt.u32 s18, $0x3F8;
	v15 =	vmin.u32 v2, $0x10000;
	[tilespmem:v6+s1+$0x0] =	vst.idx.msk $0xffff, v1  }
0x2f4: {  	v16 =	vld [tilespmem:s19+$0xFFFFFFE0];
	v17 =	vmin.u32 v3, $0x10000;
	[tilespmem:v9+s1+$0x0] =	vst.idx.msk $0xffff, v1  }
.Ltmp19:
0x2f5: {  	v4 =	vld [tilespmem:s19+$0xFFFFFFF0];
	[tilespmem:v10+s1+$0x0] =	vst.idx.msk $0xffff, v1;
	v11 =	vmin.u32 v5, $0x10000;
	(pc) =	sbr.rel @p0 .LBB2_40-.Ltmp19, $4  }
0x2f6: {  	v2 =	vld [tilespmem:s19+$0x0];
	v6 =	vmin.u32 v7, $0x10000;
	[tilespmem:v8+s1+$0x0] =	vst.idx.msk $0xffff, v1  }
0x2f7: {  	v3 =	vld [tilespmem:s19+$0x10];
	v9 =	vmin.u32 v12, $0x10000;
	[tilespmem:v13+s1+$0x0] =	vst.idx.msk $0xffff, v1  }
0x2f8: {  	v10 =	vmin.u32 v14, $0x10000;
	v5 =	vld [tilespmem:s19+$0x20];
	[tilespmem:v15+s1+$0x0] =	vst.idx.msk $0xffff, v1  }
0x2f9: {  	v7 =	vld [tilespmem:s19+$0xFFFFFFC0];
	v8 =	vmin.u32 v16, $0x10000;
	s19 =	sadd.s32 $0x80, s19;
	[tilespmem:v17+s1+$0x0] =	vst.idx.msk $0xffff, v1  }
0x2fa: {  	_ =	sdelay $0x3  }
0x2fb: {  	v4 =	vmin.u32 v4, $0x10000;
	[tilespmem:v11+s1+$0x0] =	vst.idx.msk $0xffff, v1  }
0x2fc: {  	[tilespmem:v6+s1+$0x0] =	vst.idx.msk $0xffff, v1;
	v2 =	vmin.u32 v2, $0x10000  }
0x2fd: {  	[tilespmem:v9+s1+$0x0] =	vst.idx.msk $0xffff, v1;
	v3 =	vmin.u32 v3, $0x10000  }
0x2fe: {  	[tilespmem:v10+s1+$0x0] =	vst.idx.msk $0xffff, v1;
	v5 =	vmin.u32 v5, $0x10000  }
0x2ff: {  	[tilespmem:v8+s1+$0x0] =	vst.idx.msk $0xffff, v1;
	v6 =	vmin.u32 v7, $0x10000  }
0x300: {  	[tilespmem:v4+s1+$0x0] =	vst.idx.msk $0xffff, v1  }
0x301: {  	[tilespmem:v2+s1+$0x0] =	vst.idx.msk $0xffff, v1  }
0x302: {  	[tilespmem:v3+s1+$0x0] =	vst.idx.msk $0xffff, v1  }
0x303: {  	[tilespmem:v5+s1+$0x0] =	vst.idx.msk $0xffff, v1  }
0x304: {  	[tilespmem:v6+s1+$0x0] =	vst.idx.msk $0xffff, v1  }
0x305: {  	s18 =	rddreg [dreg:$0xa]  }
0x306: {  	[tilespmem:s11], [sflag:$0x1] =	stream.strided.gather [hbm4b:s18+s8], $0x4000, s10, s8, $0x38;
	[tilespmem:$0x18080] =	vst v63  }
0x307: {  	_ =	swait.ge [sflag:s14], $0x4000  }
0x308: {  	[sflag:s14] =	ssyncset.done $0x0  }
0x309: {  	s19 =	simm.s32 $0x140C0;
	[sflag:s14] =	ssyncadd.s32 $0xFFFFC000  }
0x30a: {  	v2 =	vld [tilespmem:s19+$0x30]  }
0x30b: {  	v3 =	vld [tilespmem:s19+$0xFFFFFFD0]  }
0x30c: {  	v4 =	vld [tilespmem:s19+$0xFFFFFFE0]  }
0x30d: {  	v5 =	vld [tilespmem:s19+$0xFFFFFFF0]  }
0x30e: {  	v6 =	vld [tilespmem:s19+$0x0]  }
0x30f: {  	v7 =	vld [tilespmem:s19+$0x10];
	v2 =	vmin.u32 v2, $0x10000  }
0x310: {  	v8 =	vld [tilespmem:s19+$0x20];
	v3 =	vmin.u32 v3, $0x10000  }
0x311: {  	v9 =	vld [tilespmem:s19+$0xFFFFFFC0];
	s19 =	simm.s32 $0x14140;
	v10 =	vmin.u32 v4, $0x10000  }
0x312: {  	v12 =	vld [tilespmem:s19+$0x30];
	v5 =	vmin.u32 v5, $0x10000  }
0x313: {  	v13 =	vld [tilespmem:s19+$0xFFFFFFD0];
	v14 =	vmin.u32 v6, $0x10000  }
0x314: {  	v15 =	vld [tilespmem:s19+$0xFFFFFFE0];
	v16 =	vmin.u32 v7, $0x10000;
	[tilespmem:v2+s1+$0x0] =	vst.idx.msk $0xffff, v1  }
0x315: {  	v4 =	vld [tilespmem:s19+$0xFFFFFFF0];
	v11 =	vmin.u32 v8, $0x10000;
	[tilespmem:v3+s1+$0x0] =	vst.idx.msk $0xffff, v1  }
0x316: {  	v6 =	vmin.u32 v9, $0x10000;
	v2 =	vld [tilespmem:s19+$0x0];
	[tilespmem:v10+s1+$0x0] =	vst.idx.msk $0xffff, v1  }
0x317: {  	v9 =	vmin.u32 v12, $0x10000;
	v3 =	vld [tilespmem:s19+$0x10];
	[tilespmem:v5+s1+$0x0] =	vst.idx.msk $0xffff, v1  }
0x318: {  	v5 =	vld [tilespmem:s19+$0x20];
	[tilespmem:v14+s1+$0x0] =	vst.idx.msk $0xffff, v1;
	v10 =	vmin.u32 v13, $0x10000  }
0x319: {  	s18 =	simm.s32 $0x8;
	v7 =	vld [tilespmem:s19+$0xFFFFFFC0];
	v8 =	vmin.u32 v15, $0x10000;
	s19 =	simm.s32 $0x141C0;
	[tilespmem:v16+s1+$0x0] =	vst.idx.msk $0xffff, v1  }
.LBB2_42:
0x31a: {  	v12 =	vld [tilespmem:s19+$0x30];
	s18 =	sadd.s32 $0x8, s18;
	v13 =	vmin.u32 v4, $0x10000;
	[tilespmem:v11+s1+$0x0] =	vst.idx.msk $0xffff, v1  }
0x31b: {  	v14 =	vld [tilespmem:s19+$0xFFFFFFD0];
	p0 =	slt.u32 s18, $0x3F8;
	v15 =	vmin.u32 v2, $0x10000;
	[tilespmem:v6+s1+$0x0] =	vst.idx.msk $0xffff, v1  }
0x31c: {  	v16 =	vld [tilespmem:s19+$0xFFFFFFE0];
	v17 =	vmin.u32 v3, $0x10000;
	[tilespmem:v9+s1+$0x0] =	vst.idx.msk $0xffff, v1  }
.Ltmp20:
0x31d: {  	v4 =	vld [tilespmem:s19+$0xFFFFFFF0];
	[tilespmem:v10+s1+$0x0] =	vst.idx.msk $0xffff, v1;
	v11 =	vmin.u32 v5, $0x10000;
	(pc) =	sbr.rel @p0 .LBB2_42-.Ltmp20, $4  }
0x31e: {  	v2 =	vld [tilespmem:s19+$0x0];
	v6 =	vmin.u32 v7, $0x10000;
	[tilespmem:v8+s1+$0x0] =	vst.idx.msk $0xffff, v1  }
0x31f: {  	v3 =	vld [tilespmem:s19+$0x10];
	v9 =	vmin.u32 v12, $0x10000;
	[tilespmem:v13+s1+$0x0] =	vst.idx.msk $0xffff, v1  }
0x320: {  	v10 =	vmin.u32 v14, $0x10000;
	v5 =	vld [tilespmem:s19+$0x20];
	[tilespmem:v15+s1+$0x0] =	vst.idx.msk $0xffff, v1  }
0x321: {  	v7 =	vld [tilespmem:s19+$0xFFFFFFC0];
	v8 =	vmin.u32 v16, $0x10000;
	s19 =	sadd.s32 $0x80, s19;
	[tilespmem:v17+s1+$0x0] =	vst.idx.msk $0xffff, v1  }
0x322: {  	_ =	sdelay $0x3  }
0x323: {  	v4 =	vmin.u32 v4, $0x10000;
	[tilespmem:v11+s1+$0x0] =	vst.idx.msk $0xffff, v1  }
0x324: {  	[tilespmem:v6+s1+$0x0] =	vst.idx.msk $0xffff, v1;
	v2 =	vmin.u32 v2, $0x10000  }
0x325: {  	[tilespmem:v9+s1+$0x0] =	vst.idx.msk $0xffff, v1;
	v3 =	vmin.u32 v3, $0x10000  }
0x326: {  	[tilespmem:v10+s1+$0x0] =	vst.idx.msk $0xffff, v1;
	v5 =	vmin.u32 v5, $0x10000  }
0x327: {  	[tilespmem:v8+s1+$0x0] =	vst.idx.msk $0xffff, v1;
	v6 =	vmin.u32 v7, $0x10000  }
0x328: {  	[tilespmem:v4+s1+$0x0] =	vst.idx.msk $0xffff, v1  }
0x329: {  	[tilespmem:v2+s1+$0x0] =	vst.idx.msk $0xffff, v1  }
0x32a: {  	[tilespmem:v3+s1+$0x0] =	vst.idx.msk $0xffff, v1  }
0x32b: {  	[tilespmem:v5+s1+$0x0] =	vst.idx.msk $0xffff, v1  }
0x32c: {  	[tilespmem:v6+s1+$0x0] =	vst.idx.msk $0xffff, v1  }
0x32d: {  	s18 =	rddreg [dreg:$0xb]  }
0x32e: {  	[tilespmem:s12], [sflag:$0x2] =	stream.strided.gather [hbm4b:s18+s8], $0x4000, s10, s8, $0x38;
	[tilespmem:$0x18080] =	vst v63  }
0x32f: {  	_ =	swait.ge [sflag:s13], $0x4000  }
0x330: {  	[sflag:s13] =	ssyncset.done $0x0  }
0x331: {  	s19 =	simm.s32 $0x100C0;
	[sflag:s13] =	ssyncadd.s32 $0xFFFFC000  }
0x332: {  	v2 =	vld [tilespmem:s19+$0x30]  }
0x333: {  	v3 =	vld [tilespmem:s19+$0xFFFFFFD0]  }
0x334: {  	v4 =	vld [tilespmem:s19+$0xFFFFFFE0]  }
0x335: {  	v5 =	vld [tilespmem:s19+$0xFFFFFFF0]  }
0x336: {  	v6 =	vld [tilespmem:s19+$0x0]  }
0x337: {  	v7 =	vld [tilespmem:s19+$0x10];
	v2 =	vmin.u32 v2, $0x10000  }
0x338: {  	v8 =	vld [tilespmem:s19+$0x20];
	v3 =	vmin.u32 v3, $0x10000  }
0x339: {  	v9 =	vld [tilespmem:s19+$0xFFFFFFC0];
	s19 =	simm.s32 $0x10140;
	v10 =	vmin.u32 v4, $0x10000  }
0x33a: {  	v12 =	vld [tilespmem:s19+$0x30];
	v5 =	vmin.u32 v5, $0x10000  }
0x33b: {  	v13 =	vld [tilespmem:s19+$0xFFFFFFD0];
	v14 =	vmin.u32 v6, $0x10000  }
0x33c: {  	v15 =	vld [tilespmem:s19+$0xFFFFFFE0];
	v16 =	vmin.u32 v7, $0x10000;
	[tilespmem:v2+s1+$0x0] =	vst.idx.msk $0xffff, v1  }
0x33d: {  	v4 =	vld [tilespmem:s19+$0xFFFFFFF0];
	v11 =	vmin.u32 v8, $0x10000;
	[tilespmem:v3+s1+$0x0] =	vst.idx.msk $0xffff, v1  }
0x33e: {  	v6 =	vmin.u32 v9, $0x10000;
	v2 =	vld [tilespmem:s19+$0x0];
	[tilespmem:v10+s1+$0x0] =	vst.idx.msk $0xffff, v1  }
0x33f: {  	v9 =	vmin.u32 v12, $0x10000;
	v3 =	vld [tilespmem:s19+$0x10];
	[tilespmem:v5+s1+$0x0] =	vst.idx.msk $0xffff, v1  }
0x340: {  	v5 =	vld [tilespmem:s19+$0x20];
	[tilespmem:v14+s1+$0x0] =	vst.idx.msk $0xffff, v1;
	v10 =	vmin.u32 v13, $0x10000  }
0x341: {  	s18 =	simm.s32 $0x8;
	v7 =	vld [tilespmem:s19+$0xFFFFFFC0];
	v8 =	vmin.u32 v15, $0x10000;
	s19 =	simm.s32 $0x101C0;
	[tilespmem:v16+s1+$0x0] =	vst.idx.msk $0xffff, v1  }
.LBB2_44:
0x342: {  	v12 =	vld [tilespmem:s19+$0x30];
	s18 =	sadd.s32 $0x8, s18;
	v13 =	vmin.u32 v4, $0x10000;
	[tilespmem:v11+s1+$0x0] =	vst.idx.msk $0xffff, v1  }
0x343: {  	v14 =	vld [tilespmem:s19+$0xFFFFFFD0];
	p0 =	slt.u32 s18, $0x3F8;
	v15 =	vmin.u32 v2, $0x10000;
	[tilespmem:v6+s1+$0x0] =	vst.idx.msk $0xffff, v1  }
0x344: {  	v16 =	vld [tilespmem:s19+$0xFFFFFFE0];
	v17 =	vmin.u32 v3, $0x10000;
	[tilespmem:v9+s1+$0x0] =	vst.idx.msk $0xffff, v1  }
.Ltmp21:
0x345: {  	v4 =	vld [tilespmem:s19+$0xFFFFFFF0];
	[tilespmem:v10+s1+$0x0] =	vst.idx.msk $0xffff, v1;
	v11 =	vmin.u32 v5, $0x10000;
	(pc) =	sbr.rel @p0 .LBB2_44-.Ltmp21, $4  }
0x346: {  	v2 =	vld [tilespmem:s19+$0x0];
	v6 =	vmin.u32 v7, $0x10000;
	[tilespmem:v8+s1+$0x0] =	vst.idx.msk $0xffff, v1  }
0x347: {  	v3 =	vld [tilespmem:s19+$0x10];
	v9 =	vmin.u32 v12, $0x10000;
	[tilespmem:v13+s1+$0x0] =	vst.idx.msk $0xffff, v1  }
0x348: {  	v10 =	vmin.u32 v14, $0x10000;
	v5 =	vld [tilespmem:s19+$0x20];
	[tilespmem:v15+s1+$0x0] =	vst.idx.msk $0xffff, v1  }
0x349: {  	v7 =	vld [tilespmem:s19+$0xFFFFFFC0];
	v8 =	vmin.u32 v16, $0x10000;
	s19 =	sadd.s32 $0x80, s19;
	[tilespmem:v17+s1+$0x0] =	vst.idx.msk $0xffff, v1  }
0x34a: {  	_ =	sdelay $0x3  }
0x34b: {  	v4 =	vmin.u32 v4, $0x10000;
	[tilespmem:v11+s1+$0x0] =	vst.idx.msk $0xffff, v1  }
0x34c: {  	[tilespmem:v6+s1+$0x0] =	vst.idx.msk $0xffff, v1;
	v2 =	vmin.u32 v2, $0x10000  }
0x34d: {  	[tilespmem:v9+s1+$0x0] =	vst.idx.msk $0xffff, v1;
	v3 =	vmin.u32 v3, $0x10000  }
0x34e: {  	[tilespmem:v10+s1+$0x0] =	vst.idx.msk $0xffff, v1;
	v5 =	vmin.u32 v5, $0x10000  }
0x34f: {  	[tilespmem:v8+s1+$0x0] =	vst.idx.msk $0xffff, v1;
	v6 =	vmin.u32 v7, $0x10000  }
0x350: {  	[tilespmem:v4+s1+$0x0] =	vst.idx.msk $0xffff, v1  }
0x351: {  	[tilespmem:v2+s1+$0x0] =	vst.idx.msk $0xffff, v1  }
0x352: {  	[tilespmem:v3+s1+$0x0] =	vst.idx.msk $0xffff, v1  }
0x353: {  	[tilespmem:v5+s1+$0x0] =	vst.idx.msk $0xffff, v1  }
0x354: {  	[tilespmem:v6+s1+$0x0] =	vst.idx.msk $0xffff, v1  }
0x355: {  	[tilespmem:s11], [sflag:$0x1] =	stream.strided.gather [hbm4b:s0+s8], $0x4000, s10, s8, $0x38;
	[tilespmem:$0x18080] =	vst v63  }
0x356: {  	_ =	swait.ge [sflag:s14], $0x4000  }
0x357: {  	[sflag:s14] =	ssyncset.done $0x0  }
0x358: {  	s18 =	simm.s32 $0x140C0;
	[sflag:s14] =	ssyncadd.s32 $0xFFFFC000  }
0x359: {  	v2 =	vld [tilespmem:s18+$0x30]  }
0x35a: {  	v3 =	vld [tilespmem:s18+$0xFFFFFFD0]  }
0x35b: {  	v4 =	vld [tilespmem:s18+$0xFFFFFFE0]  }
0x35c: {  	v5 =	vld [tilespmem:s18+$0xFFFFFFF0]  }
0x35d: {  	v6 =	vld [tilespmem:s18+$0x0]  }
0x35e: {  	v7 =	vld [tilespmem:s18+$0x10];
	v2 =	vmin.u32 v2, $0x10000  }
0x35f: {  	v8 =	vld [tilespmem:s18+$0x20];
	v3 =	vmin.u32 v3, $0x10000  }
0x360: {  	s19 =	simm.s32 $0x14140;
	v9 =	vld [tilespmem:s18+$0xFFFFFFC0];
	v10 =	vmin.u32 v4, $0x10000  }
0x361: {  	v12 =	vld [tilespmem:s19+$0x30];
	v5 =	vmin.u32 v5, $0x10000  }
0x362: {  	v13 =	vld [tilespmem:s19+$0xFFFFFFD0];
	v14 =	vmin.u32 v6, $0x10000  }
0x363: {  	v15 =	vld [tilespmem:s19+$0xFFFFFFE0];
	v16 =	vmin.u32 v7, $0x10000;
	[tilespmem:v2+s1+$0x0] =	vst.idx.msk $0xffff, v1  }
0x364: {  	v4 =	vld [tilespmem:s19+$0xFFFFFFF0];
	v11 =	vmin.u32 v8, $0x10000;
	[tilespmem:v3+s1+$0x0] =	vst.idx.msk $0xffff, v1  }
0x365: {  	v6 =	vmin.u32 v9, $0x10000;
	v2 =	vld [tilespmem:s19+$0x0];
	[tilespmem:v10+s1+$0x0] =	vst.idx.msk $0xffff, v1  }
0x366: {  	v9 =	vmin.u32 v12, $0x10000;
	v3 =	vld [tilespmem:s19+$0x10];
	[tilespmem:v5+s1+$0x0] =	vst.idx.msk $0xffff, v1  }
0x367: {  	v5 =	vld [tilespmem:s19+$0x20];
	[tilespmem:v14+s1+$0x0] =	vst.idx.msk $0xffff, v1;
	v10 =	vmin.u32 v13, $0x10000  }
0x368: {  	s18 =	simm.s32 $0x8;
	v7 =	vld [tilespmem:s19+$0xFFFFFFC0];
	v8 =	vmin.u32 v15, $0x10000;
	s19 =	simm.s32 $0x141C0;
	[tilespmem:v16+s1+$0x0] =	vst.idx.msk $0xffff, v1  }
.LBB2_46:
0x369: {  	v12 =	vld [tilespmem:s19+$0x30];
	s18 =	sadd.s32 $0x8, s18;
	v13 =	vmin.u32 v4, $0x10000;
	[tilespmem:v11+s1+$0x0] =	vst.idx.msk $0xffff, v1  }
0x36a: {  	v14 =	vld [tilespmem:s19+$0xFFFFFFD0];
	p0 =	slt.u32 s18, $0x3F8;
	v15 =	vmin.u32 v2, $0x10000;
	[tilespmem:v6+s1+$0x0] =	vst.idx.msk $0xffff, v1  }
0x36b: {  	v16 =	vld [tilespmem:s19+$0xFFFFFFE0];
	v17 =	vmin.u32 v3, $0x10000;
	[tilespmem:v9+s1+$0x0] =	vst.idx.msk $0xffff, v1  }
.Ltmp22:
0x36c: {  	v4 =	vld [tilespmem:s19+$0xFFFFFFF0];
	[tilespmem:v10+s1+$0x0] =	vst.idx.msk $0xffff, v1;
	v11 =	vmin.u32 v5, $0x10000;
	(pc) =	sbr.rel @p0 .LBB2_46-.Ltmp22, $4  }
0x36d: {  	v2 =	vld [tilespmem:s19+$0x0];
	v6 =	vmin.u32 v7, $0x10000;
	[tilespmem:v8+s1+$0x0] =	vst.idx.msk $0xffff, v1  }
0x36e: {  	v3 =	vld [tilespmem:s19+$0x10];
	v9 =	vmin.u32 v12, $0x10000;
	[tilespmem:v13+s1+$0x0] =	vst.idx.msk $0xffff, v1  }
0x36f: {  	v10 =	vmin.u32 v14, $0x10000;
	v5 =	vld [tilespmem:s19+$0x20];
	[tilespmem:v15+s1+$0x0] =	vst.idx.msk $0xffff, v1  }
0x370: {  	v7 =	vld [tilespmem:s19+$0xFFFFFFC0];
	v8 =	vmin.u32 v16, $0x10000;
	s19 =	sadd.s32 $0x80, s19;
	[tilespmem:v17+s1+$0x0] =	vst.idx.msk $0xffff, v1  }
0x371: {  	_ =	sdelay $0x3  }
0x372: {  	v4 =	vmin.u32 v4, $0x10000;
	[tilespmem:v11+s1+$0x0] =	vst.idx.msk $0xffff, v1  }
0x373: {  	[tilespmem:v6+s1+$0x0] =	vst.idx.msk $0xffff, v1;
	v2 =	vmin.u32 v2, $0x10000  }
0x374: {  	[tilespmem:v9+s1+$0x0] =	vst.idx.msk $0xffff, v1;
	v3 =	vmin.u32 v3, $0x10000  }
0x375: {  	[tilespmem:v10+s1+$0x0] =	vst.idx.msk $0xffff, v1;
	v5 =	vmin.u32 v5, $0x10000  }
0x376: {  	[tilespmem:v8+s1+$0x0] =	vst.idx.msk $0xffff, v1;
	v6 =	vmin.u32 v7, $0x10000  }
0x377: {  	[tilespmem:v4+s1+$0x0] =	vst.idx.msk $0xffff, v1  }
0x378: {  	[tilespmem:v2+s1+$0x0] =	vst.idx.msk $0xffff, v1  }
0x379: {  	[tilespmem:v3+s1+$0x0] =	vst.idx.msk $0xffff, v1  }
0x37a: {  	[tilespmem:v5+s1+$0x0] =	vst.idx.msk $0xffff, v1  }
0x37b: {  	[tilespmem:v6+s1+$0x0] =	vst.idx.msk $0xffff, v1  }
0x37c: {  	s18 =	rddreg [dreg:$0xc]  }
0x37d: {  	[tilespmem:s12], [sflag:$0x2] =	stream.strided.gather [hbm4b:s18+s8], $0x4000, s10, s8, $0x38;
	[tilespmem:$0x18080] =	vst v63  }
0x37e: {  	_ =	swait.ge [sflag:s13], $0x4000  }
0x37f: {  	[sflag:s13] =	ssyncset.done $0x0  }
0x380: {  	s19 =	simm.s32 $0x100C0;
	[sflag:s13] =	ssyncadd.s32 $0xFFFFC000  }
0x381: {  	v2 =	vld [tilespmem:s19+$0x30]  }
0x382: {  	v3 =	vld [tilespmem:s19+$0xFFFFFFD0]  }
0x383: {  	v4 =	vld [tilespmem:s19+$0xFFFFFFE0]  }
0x384: {  	v5 =	vld [tilespmem:s19+$0xFFFFFFF0]  }
0x385: {  	v6 =	vld [tilespmem:s19+$0x0]  }
0x386: {  	v7 =	vld [tilespmem:s19+$0x10];
	v2 =	vmin.u32 v2, $0x10000  }
0x387: {  	v8 =	vld [tilespmem:s19+$0x20];
	v3 =	vmin.u32 v3, $0x10000  }
0x388: {  	v9 =	vld [tilespmem:s19+$0xFFFFFFC0];
	s19 =	simm.s32 $0x10140;
	v10 =	vmin.u32 v4, $0x10000  }
0x389: {  	v12 =	vld [tilespmem:s19+$0x30];
	v5 =	vmin.u32 v5, $0x10000  }
0x38a: {  	v13 =	vld [tilespmem:s19+$0xFFFFFFD0];
	v14 =	vmin.u32 v6, $0x10000  }
0x38b: {  	v15 =	vld [tilespmem:s19+$0xFFFFFFE0];
	v16 =	vmin.u32 v7, $0x10000;
	[tilespmem:v2+s1+$0x0] =	vst.idx.msk $0xffff, v1  }
0x38c: {  	v4 =	vld [tilespmem:s19+$0xFFFFFFF0];
	v11 =	vmin.u32 v8, $0x10000;
	[tilespmem:v3+s1+$0x0] =	vst.idx.msk $0xffff, v1  }
0x38d: {  	v6 =	vmin.u32 v9, $0x10000;
	v2 =	vld [tilespmem:s19+$0x0];
	[tilespmem:v10+s1+$0x0] =	vst.idx.msk $0xffff, v1  }
0x38e: {  	v9 =	vmin.u32 v12, $0x10000;
	v3 =	vld [tilespmem:s19+$0x10];
	[tilespmem:v5+s1+$0x0] =	vst.idx.msk $0xffff, v1  }
0x38f: {  	v5 =	vld [tilespmem:s19+$0x20];
	[tilespmem:v14+s1+$0x0] =	vst.idx.msk $0xffff, v1;
	v10 =	vmin.u32 v13, $0x10000  }
0x390: {  	s18 =	simm.s32 $0x8;
	v7 =	vld [tilespmem:s19+$0xFFFFFFC0];
	v8 =	vmin.u32 v15, $0x10000;
	s19 =	simm.s32 $0x101C0;
	[tilespmem:v16+s1+$0x0] =	vst.idx.msk $0xffff, v1  }
.LBB2_48:
0x391: {  	v12 =	vld [tilespmem:s19+$0x30];
	s18 =	sadd.s32 $0x8, s18;
	v13 =	vmin.u32 v4, $0x10000;
	[tilespmem:v11+s1+$0x0] =	vst.idx.msk $0xffff, v1  }
0x392: {  	v14 =	vld [tilespmem:s19+$0xFFFFFFD0];
	p0 =	slt.u32 s18, $0x3F8;
	v15 =	vmin.u32 v2, $0x10000;
	[tilespmem:v6+s1+$0x0] =	vst.idx.msk $0xffff, v1  }
0x393: {  	v16 =	vld [tilespmem:s19+$0xFFFFFFE0];
	v17 =	vmin.u32 v3, $0x10000;
	[tilespmem:v9+s1+$0x0] =	vst.idx.msk $0xffff, v1  }
.Ltmp23:
0x394: {  	v4 =	vld [tilespmem:s19+$0xFFFFFFF0];
	[tilespmem:v10+s1+$0x0] =	vst.idx.msk $0xffff, v1;
	v11 =	vmin.u32 v5, $0x10000;
	(pc) =	sbr.rel @p0 .LBB2_48-.Ltmp23, $4  }
0x395: {  	v2 =	vld [tilespmem:s19+$0x0];
	v6 =	vmin.u32 v7, $0x10000;
	[tilespmem:v8+s1+$0x0] =	vst.idx.msk $0xffff, v1  }
0x396: {  	v3 =	vld [tilespmem:s19+$0x10];
	v9 =	vmin.u32 v12, $0x10000;
	[tilespmem:v13+s1+$0x0] =	vst.idx.msk $0xffff, v1  }
0x397: {  	v10 =	vmin.u32 v14, $0x10000;
	v5 =	vld [tilespmem:s19+$0x20];
	[tilespmem:v15+s1+$0x0] =	vst.idx.msk $0xffff, v1  }
0x398: {  	v7 =	vld [tilespmem:s19+$0xFFFFFFC0];
	v8 =	vmin.u32 v16, $0x10000;
	s19 =	sadd.s32 $0x80, s19;
	[tilespmem:v17+s1+$0x0] =	vst.idx.msk $0xffff, v1  }
0x399: {  	_ =	sdelay $0x3  }
0x39a: {  	v4 =	vmin.u32 v4, $0x10000;
	[tilespmem:v11+s1+$0x0] =	vst.idx.msk $0xffff, v1  }
0x39b: {  	[tilespmem:v6+s1+$0x0] =	vst.idx.msk $0xffff, v1;
	v2 =	vmin.u32 v2, $0x10000  }
0x39c: {  	[tilespmem:v9+s1+$0x0] =	vst.idx.msk $0xffff, v1;
	v3 =	vmin.u32 v3, $0x10000  }
0x39d: {  	[tilespmem:v10+s1+$0x0] =	vst.idx.msk $0xffff, v1;
	v5 =	vmin.u32 v5, $0x10000  }
0x39e: {  	[tilespmem:v8+s1+$0x0] =	vst.idx.msk $0xffff, v1;
	v6 =	vmin.u32 v7, $0x10000  }
0x39f: {  	[tilespmem:v4+s1+$0x0] =	vst.idx.msk $0xffff, v1  }
0x3a0: {  	[tilespmem:v2+s1+$0x0] =	vst.idx.msk $0xffff, v1  }
0x3a1: {  	[tilespmem:v3+s1+$0x0] =	vst.idx.msk $0xffff, v1  }
0x3a2: {  	[tilespmem:v5+s1+$0x0] =	vst.idx.msk $0xffff, v1  }
0x3a3: {  	[tilespmem:v6+s1+$0x0] =	vst.idx.msk $0xffff, v1  }
0x3a4: {  	s18 =	rddreg [dreg:$0x7]  }
0x3a5: {  	[tilespmem:s11], [sflag:$0x1] =	stream.strided.gather [hbm4b:s18+s8], $0x4000, s10, s8, $0x38;
	[tilespmem:$0x18080] =	vst v63  }
0x3a6: {  	_ =	swait.ge [sflag:s14], $0x4000  }
0x3a7: {  	[sflag:s14] =	ssyncset.done $0x0  }
0x3a8: {  	s19 =	simm.s32 $0x140C0;
	[sflag:s14] =	ssyncadd.s32 $0xFFFFC000  }
0x3a9: {  	v2 =	vld [tilespmem:s19+$0x30]  }
0x3aa: {  	v3 =	vld [tilespmem:s19+$0xFFFFFFD0]  }
0x3ab: {  	v4 =	vld [tilespmem:s19+$0xFFFFFFE0]  }
0x3ac: {  	v5 =	vld [tilespmem:s19+$0xFFFFFFF0]  }
0x3ad: {  	v6 =	vld [tilespmem:s19+$0x0]  }
0x3ae: {  	v7 =	vld [tilespmem:s19+$0x10];
	v2 =	vmin.u32 v2, $0x10000  }
0x3af: {  	v8 =	vld [tilespmem:s19+$0x20];
	v3 =	vmin.u32 v3, $0x10000  }
0x3b0: {  	v9 =	vld [tilespmem:s19+$0xFFFFFFC0];
	s19 =	simm.s32 $0x14140;
	v10 =	vmin.u32 v4, $0x10000  }
0x3b1: {  	v12 =	vld [tilespmem:s19+$0x30];
	v5 =	vmin.u32 v5, $0x10000  }
0x3b2: {  	v13 =	vld [tilespmem:s19+$0xFFFFFFD0];
	v14 =	vmin.u32 v6, $0x10000  }
0x3b3: {  	v15 =	vld [tilespmem:s19+$0xFFFFFFE0];
	v16 =	vmin.u32 v7, $0x10000;
	[tilespmem:v2+s1+$0x0] =	vst.idx.msk $0xffff, v1  }
0x3b4: {  	v4 =	vld [tilespmem:s19+$0xFFFFFFF0];
	v11 =	vmin.u32 v8, $0x10000;
	[tilespmem:v3+s1+$0x0] =	vst.idx.msk $0xffff, v1  }
0x3b5: {  	v6 =	vmin.u32 v9, $0x10000;
	v2 =	vld [tilespmem:s19+$0x0];
	[tilespmem:v10+s1+$0x0] =	vst.idx.msk $0xffff, v1  }
0x3b6: {  	v9 =	vmin.u32 v12, $0x10000;
	v3 =	vld [tilespmem:s19+$0x10];
	[tilespmem:v5+s1+$0x0] =	vst.idx.msk $0xffff, v1  }
0x3b7: {  	v5 =	vld [tilespmem:s19+$0x20];
	[tilespmem:v14+s1+$0x0] =	vst.idx.msk $0xffff, v1;
	v10 =	vmin.u32 v13, $0x10000  }
0x3b8: {  	s18 =	simm.s32 $0x8;
	v7 =	vld [tilespmem:s19+$0xFFFFFFC0];
	v8 =	vmin.u32 v15, $0x10000;
	s19 =	simm.s32 $0x141C0;
	[tilespmem:v16+s1+$0x0] =	vst.idx.msk $0xffff, v1  }
.LBB2_50:
0x3b9: {  	v12 =	vld [tilespmem:s19+$0x30];
	s18 =	sadd.s32 $0x8, s18;
	v13 =	vmin.u32 v4, $0x10000;
	[tilespmem:v11+s1+$0x0] =	vst.idx.msk $0xffff, v1  }
0x3ba: {  	v14 =	vld [tilespmem:s19+$0xFFFFFFD0];
	p0 =	slt.u32 s18, $0x3F8;
	v15 =	vmin.u32 v2, $0x10000;
	[tilespmem:v6+s1+$0x0] =	vst.idx.msk $0xffff, v1  }
0x3bb: {  	v16 =	vld [tilespmem:s19+$0xFFFFFFE0];
	v17 =	vmin.u32 v3, $0x10000;
	[tilespmem:v9+s1+$0x0] =	vst.idx.msk $0xffff, v1  }
.Ltmp24:
0x3bc: {  	v4 =	vld [tilespmem:s19+$0xFFFFFFF0];
	[tilespmem:v10+s1+$0x0] =	vst.idx.msk $0xffff, v1;
	v11 =	vmin.u32 v5, $0x10000;
	(pc) =	sbr.rel @p0 .LBB2_50-.Ltmp24, $4  }
0x3bd: {  	v2 =	vld [tilespmem:s19+$0x0];
	v6 =	vmin.u32 v7, $0x10000;
	[tilespmem:v8+s1+$0x0] =	vst.idx.msk $0xffff, v1  }
0x3be: {  	v3 =	vld [tilespmem:s19+$0x10];
	v9 =	vmin.u32 v12, $0x10000;
	[tilespmem:v13+s1+$0x0] =	vst.idx.msk $0xffff, v1  }
0x3bf: {  	v10 =	vmin.u32 v14, $0x10000;
	v5 =	vld [tilespmem:s19+$0x20];
	[tilespmem:v15+s1+$0x0] =	vst.idx.msk $0xffff, v1  }
0x3c0: {  	v7 =	vld [tilespmem:s19+$0xFFFFFFC0];
	v8 =	vmin.u32 v16, $0x10000;
	s19 =	sadd.s32 $0x80, s19;
	[tilespmem:v17+s1+$0x0] =	vst.idx.msk $0xffff, v1  }
0x3c1: {  	_ =	sdelay $0x3  }
0x3c2: {  	v4 =	vmin.u32 v4, $0x10000;
	[tilespmem:v11+s1+$0x0] =	vst.idx.msk $0xffff, v1  }
0x3c3: {  	[tilespmem:v6+s1+$0x0] =	vst.idx.msk $0xffff, v1;
	v2 =	vmin.u32 v2, $0x10000  }
0x3c4: {  	[tilespmem:v9+s1+$0x0] =	vst.idx.msk $0xffff, v1;
	v3 =	vmin.u32 v3, $0x10000  }
0x3c5: {  	[tilespmem:v10+s1+$0x0] =	vst.idx.msk $0xffff, v1;
	v5 =	vmin.u32 v5, $0x10000  }
0x3c6: {  	[tilespmem:v8+s1+$0x0] =	vst.idx.msk $0xffff, v1;
	v6 =	vmin.u32 v7, $0x10000  }
0x3c7: {  	[tilespmem:v4+s1+$0x0] =	vst.idx.msk $0xffff, v1  }
0x3c8: {  	[tilespmem:v2+s1+$0x0] =	vst.idx.msk $0xffff, v1  }
0x3c9: {  	[tilespmem:v3+s1+$0x0] =	vst.idx.msk $0xffff, v1  }
0x3ca: {  	[tilespmem:v5+s1+$0x0] =	vst.idx.msk $0xffff, v1  }
0x3cb: {  	[tilespmem:v6+s1+$0x0] =	vst.idx.msk $0xffff, v1  }
0x3cc: {  	s18 =	rddreg [dreg:$0x8]  }
0x3cd: {  	[tilespmem:s12], [sflag:$0x2] =	stream.strided.gather [hbm4b:s18+s8], $0x4000, s10, s8, $0x38;
	[tilespmem:$0x18080] =	vst v63  }
0x3ce: {  	_ =	swait.ge [sflag:s13], $0x4000  }
0x3cf: {  	[sflag:s13] =	ssyncset.done $0x0  }
0x3d0: {  	s19 =	simm.s32 $0x100C0;
	[sflag:s13] =	ssyncadd.s32 $0xFFFFC000  }
0x3d1: {  	v2 =	vld [tilespmem:s19+$0x30]  }
0x3d2: {  	v3 =	vld [tilespmem:s19+$0xFFFFFFD0]  }
0x3d3: {  	v4 =	vld [tilespmem:s19+$0xFFFFFFE0]  }
0x3d4: {  	v5 =	vld [tilespmem:s19+$0xFFFFFFF0]  }
0x3d5: {  	v6 =	vld [tilespmem:s19+$0x0]  }
0x3d6: {  	v7 =	vld [tilespmem:s19+$0x10];
	v2 =	vmin.u32 v2, $0x10000  }
0x3d7: {  	v8 =	vld [tilespmem:s19+$0x20];
	v3 =	vmin.u32 v3, $0x10000  }
0x3d8: {  	v9 =	vld [tilespmem:s19+$0xFFFFFFC0];
	s19 =	simm.s32 $0x10140;
	v10 =	vmin.u32 v4, $0x10000  }
0x3d9: {  	v12 =	vld [tilespmem:s19+$0x30];
	v5 =	vmin.u32 v5, $0x10000  }
0x3da: {  	v13 =	vld [tilespmem:s19+$0xFFFFFFD0];
	v14 =	vmin.u32 v6, $0x10000  }
0x3db: {  	v15 =	vld [tilespmem:s19+$0xFFFFFFE0];
	v16 =	vmin.u32 v7, $0x10000;
	[tilespmem:v2+s1+$0x0] =	vst.idx.msk $0xffff, v1  }
0x3dc: {  	v4 =	vld [tilespmem:s19+$0xFFFFFFF0];
	v11 =	vmin.u32 v8, $0x10000;
	[tilespmem:v3+s1+$0x0] =	vst.idx.msk $0xffff, v1  }
0x3dd: {  	v6 =	vmin.u32 v9, $0x10000;
	v2 =	vld [tilespmem:s19+$0x0];
	[tilespmem:v10+s1+$0x0] =	vst.idx.msk $0xffff, v1  }
0x3de: {  	v9 =	vmin.u32 v12, $0x10000;
	v3 =	vld [tilespmem:s19+$0x10];
	[tilespmem:v5+s1+$0x0] =	vst.idx.msk $0xffff, v1  }
0x3df: {  	v5 =	vld [tilespmem:s19+$0x20];
	[tilespmem:v14+s1+$0x0] =	vst.idx.msk $0xffff, v1;
	v10 =	vmin.u32 v13, $0x10000  }
0x3e0: {  	s18 =	simm.s32 $0x8;
	v7 =	vld [tilespmem:s19+$0xFFFFFFC0];
	v8 =	vmin.u32 v15, $0x10000;
	s19 =	simm.s32 $0x101C0;
	[tilespmem:v16+s1+$0x0] =	vst.idx.msk $0xffff, v1  }
.LBB2_52:
0x3e1: {  	v12 =	vld [tilespmem:s19+$0x30];
	s18 =	sadd.s32 $0x8, s18;
	v13 =	vmin.u32 v4, $0x10000;
	[tilespmem:v11+s1+$0x0] =	vst.idx.msk $0xffff, v1  }
0x3e2: {  	v14 =	vld [tilespmem:s19+$0xFFFFFFD0];
	p0 =	slt.u32 s18, $0x3F8;
	v15 =	vmin.u32 v2, $0x10000;
	[tilespmem:v6+s1+$0x0] =	vst.idx.msk $0xffff, v1  }
0x3e3: {  	v16 =	vld [tilespmem:s19+$0xFFFFFFE0];
	v17 =	vmin.u32 v3, $0x10000;
	[tilespmem:v9+s1+$0x0] =	vst.idx.msk $0xffff, v1  }
.Ltmp25:
0x3e4: {  	v4 =	vld [tilespmem:s19+$0xFFFFFFF0];
	[tilespmem:v10+s1+$0x0] =	vst.idx.msk $0xffff, v1;
	v11 =	vmin.u32 v5, $0x10000;
	(pc) =	sbr.rel @p0 .LBB2_52-.Ltmp25, $4  }
0x3e5: {  	v2 =	vld [tilespmem:s19+$0x0];
	v6 =	vmin.u32 v7, $0x10000;
	[tilespmem:v8+s1+$0x0] =	vst.idx.msk $0xffff, v1  }
0x3e6: {  	v3 =	vld [tilespmem:s19+$0x10];
	v9 =	vmin.u32 v12, $0x10000;
	[tilespmem:v13+s1+$0x0] =	vst.idx.msk $0xffff, v1  }
0x3e7: {  	v10 =	vmin.u32 v14, $0x10000;
	v5 =	vld [tilespmem:s19+$0x20];
	[tilespmem:v15+s1+$0x0] =	vst.idx.msk $0xffff, v1  }
0x3e8: {  	v7 =	vld [tilespmem:s19+$0xFFFFFFC0];
	v8 =	vmin.u32 v16, $0x10000;
	s19 =	sadd.s32 $0x80, s19;
	[tilespmem:v17+s1+$0x0] =	vst.idx.msk $0xffff, v1  }
0x3e9: {  	_ =	sdelay $0x3  }
0x3ea: {  	v4 =	vmin.u32 v4, $0x10000;
	[tilespmem:v11+s1+$0x0] =	vst.idx.msk $0xffff, v1  }
0x3eb: {  	[tilespmem:v6+s1+$0x0] =	vst.idx.msk $0xffff, v1;
	v2 =	vmin.u32 v2, $0x10000  }
0x3ec: {  	[tilespmem:v9+s1+$0x0] =	vst.idx.msk $0xffff, v1;
	v3 =	vmin.u32 v3, $0x10000  }
0x3ed: {  	[tilespmem:v10+s1+$0x0] =	vst.idx.msk $0xffff, v1;
	v5 =	vmin.u32 v5, $0x10000  }
0x3ee: {  	[tilespmem:v8+s1+$0x0] =	vst.idx.msk $0xffff, v1;
	v6 =	vmin.u32 v7, $0x10000  }
0x3ef: {  	[tilespmem:v4+s1+$0x0] =	vst.idx.msk $0xffff, v1  }
0x3f0: {  	[tilespmem:v2+s1+$0x0] =	vst.idx.msk $0xffff, v1  }
0x3f1: {  	[tilespmem:v3+s1+$0x0] =	vst.idx.msk $0xffff, v1  }
0x3f2: {  	[tilespmem:v5+s1+$0x0] =	vst.idx.msk $0xffff, v1  }
0x3f3: {  	[tilespmem:v6+s1+$0x0] =	vst.idx.msk $0xffff, v1  }
0x3f4: {  	_ =	swait.ge [sflag:s14], $0x4000  }
0x3f5: {  	[sflag:s14] =	ssyncset.done $0x0  }
0x3f6: {  	s18 =	simm.s32 $0x140C0;
	[sflag:s14] =	ssyncadd.s32 $0xFFFFC000  }
0x3f7: {  	v2 =	vld [tilespmem:s18+$0x30]  }
0x3f8: {  	v3 =	vld [tilespmem:s18+$0xFFFFFFD0]  }
0x3f9: {  	v4 =	vld [tilespmem:s18+$0xFFFFFFE0]  }
0x3fa: {  	v5 =	vld [tilespmem:s18+$0xFFFFFFF0]  }
0x3fb: {  	v6 =	vld [tilespmem:s18+$0x0]  }
0x3fc: {  	v7 =	vld [tilespmem:s18+$0x10];
	v2 =	vmin.u32 v2, $0x10000  }
0x3fd: {  	v8 =	vld [tilespmem:s18+$0x20];
	v3 =	vmin.u32 v3, $0x10000  }
0x3fe: {  	s19 =	simm.s32 $0x14140;
	v9 =	vld [tilespmem:s18+$0xFFFFFFC0];
	v10 =	vmin.u32 v4, $0x10000  }
0x3ff: {  	v12 =	vld [tilespmem:s19+$0x30];
	v5 =	vmin.u32 v5, $0x10000  }
0x400: {  	v13 =	vld [tilespmem:s19+$0xFFFFFFD0];
	v14 =	vmin.u32 v6, $0x10000  }
0x401: {  	v15 =	vld [tilespmem:s19+$0xFFFFFFE0];
	v16 =	vmin.u32 v7, $0x10000;
	[tilespmem:v2+s1+$0x0] =	vst.idx.msk $0xffff, v1  }
0x402: {  	v4 =	vld [tilespmem:s19+$0xFFFFFFF0];
	v11 =	vmin.u32 v8, $0x10000;
	[tilespmem:v3+s1+$0x0] =	vst.idx.msk $0xffff, v1  }
0x403: {  	v6 =	vmin.u32 v9, $0x10000;
	v2 =	vld [tilespmem:s19+$0x0];
	[tilespmem:v10+s1+$0x0] =	vst.idx.msk $0xffff, v1  }
0x404: {  	v9 =	vmin.u32 v12, $0x10000;
	v3 =	vld [tilespmem:s19+$0x10];
	[tilespmem:v5+s1+$0x0] =	vst.idx.msk $0xffff, v1  }
0x405: {  	v5 =	vld [tilespmem:s19+$0x20];
	[tilespmem:v14+s1+$0x0] =	vst.idx.msk $0xffff, v1;
	v10 =	vmin.u32 v13, $0x10000  }
0x406: {  	s18 =	simm.s32 $0x8;
	v7 =	vld [tilespmem:s19+$0xFFFFFFC0];
	v8 =	vmin.u32 v15, $0x10000;
	s19 =	simm.s32 $0x141C0;
	[tilespmem:v16+s1+$0x0] =	vst.idx.msk $0xffff, v1  }
.LBB2_54:
0x407: {  	v12 =	vld [tilespmem:s19+$0x30];
	s18 =	sadd.s32 $0x8, s18;
	v13 =	vmin.u32 v4, $0x10000;
	[tilespmem:v11+s1+$0x0] =	vst.idx.msk $0xffff, v1  }
0x408: {  	v14 =	vld [tilespmem:s19+$0xFFFFFFD0];
	p0 =	slt.u32 s18, $0x3F8;
	v15 =	vmin.u32 v2, $0x10000;
	[tilespmem:v6+s1+$0x0] =	vst.idx.msk $0xffff, v1  }
0x409: {  	v16 =	vld [tilespmem:s19+$0xFFFFFFE0];
	v17 =	vmin.u32 v3, $0x10000;
	[tilespmem:v9+s1+$0x0] =	vst.idx.msk $0xffff, v1  }
.Ltmp26:
0x40a: {  	v4 =	vld [tilespmem:s19+$0xFFFFFFF0];
	[tilespmem:v10+s1+$0x0] =	vst.idx.msk $0xffff, v1;
	v11 =	vmin.u32 v5, $0x10000;
	(pc) =	sbr.rel @p0 .LBB2_54-.Ltmp26, $4  }
0x40b: {  	v2 =	vld [tilespmem:s19+$0x0];
	v6 =	vmin.u32 v7, $0x10000;
	[tilespmem:v8+s1+$0x0] =	vst.idx.msk $0xffff, v1  }
0x40c: {  	v3 =	vld [tilespmem:s19+$0x10];
	v9 =	vmin.u32 v12, $0x10000;
	[tilespmem:v13+s1+$0x0] =	vst.idx.msk $0xffff, v1  }
0x40d: {  	v10 =	vmin.u32 v14, $0x10000;
	v5 =	vld [tilespmem:s19+$0x20];
	[tilespmem:v15+s1+$0x0] =	vst.idx.msk $0xffff, v1  }
0x40e: {  	v7 =	vld [tilespmem:s19+$0xFFFFFFC0];
	v8 =	vmin.u32 v16, $0x10000;
	s19 =	sadd.s32 $0x80, s19;
	[tilespmem:v17+s1+$0x0] =	vst.idx.msk $0xffff, v1  }
0x40f: {  	_ =	sdelay $0x3  }
0x410: {  	v4 =	vmin.u32 v4, $0x10000;
	[tilespmem:v11+s1+$0x0] =	vst.idx.msk $0xffff, v1  }
0x411: {  	[tilespmem:v6+s1+$0x0] =	vst.idx.msk $0xffff, v1;
	v2 =	vmin.u32 v2, $0x10000  }
0x412: {  	[tilespmem:v9+s1+$0x0] =	vst.idx.msk $0xffff, v1;
	v3 =	vmin.u32 v3, $0x10000  }
0x413: {  	[tilespmem:v10+s1+$0x0] =	vst.idx.msk $0xffff, v1;
	v5 =	vmin.u32 v5, $0x10000  }
0x414: {  	[tilespmem:v8+s1+$0x0] =	vst.idx.msk $0xffff, v1;
	v63 =	vmin.u32 v7, $0x10000  }
0x415: {  	[tilespmem:v4+s1+$0x0] =	vst.idx.msk $0xffff, v1  }
0x416: {  	[tilespmem:v2+s1+$0x0] =	vst.idx.msk $0xffff, v1  }
0x417: {  	[tilespmem:v3+s1+$0x0] =	vst.idx.msk $0xffff, v1  }
0x418: {  	[tilespmem:v5+s1+$0x0] =	vst.idx.msk $0xffff, v1  }
0x419: {  	[tilespmem:v63+s1+$0x0] =	vst.idx.msk $0xffff, v1  }
0x41a: {  	[hbm4b:s20+s8] =	stream.strided.scatter [tilespmem:s1], [sflag:$0x3], $0x10000, s10, s8, $0x38;
	[tilespmem:$0x18080] =	vst v63  }
0x41b: {  	_ =	swait.ge [sflag:s16], $0x10000  }
0x41c: {  	[sflag:s16] =	ssyncset.done $0x0  }
0x41d: {  	s18 =	simm.s32 $0x40;
	[sflag:s16] =	ssyncadd.s32 $0xFFFF0000  }
0x41e: {  	[tilespmem:s18+$0xFFFFFFC0] =	vst v0  }
0x41f: {  	[tilespmem:s18+$0x30] =	vst v0  }
0x420: {  	[tilespmem:s18+$0x20] =	vst v0  }
0x421: {  	[tilespmem:s18+$0x10] =	vst v0  }
0x422: {  	[tilespmem:s18+$0x0] =	vst v0  }
0x423: {  	[tilespmem:s18+$0xFFFFFFF0] =	vst v0  }
0x424: {  	s19 =	simm.s32 $0x0;
	[tilespmem:s18+$0xFFFFFFE0] =	vst v0  }
.LBB2_56:
0x425: {  	s19 =	sadd.s32 $0x8, s19;
	[tilespmem:s18+$0xFFFFFFD0] =	vst v0;
	s18 =	sadd.s32 $0x80, s18  }
0x426: {  	[tilespmem:s18+$0xFFFFFFC0] =	vst v0;
	p0 =	slt.u32 s19, $0xFF8  }
0x427: {  	[tilespmem:s18+$0x30] =	vst v0  }
.Ltmp27:
0x428: {  	[tilespmem:s18+$0x20] =	vst v0;
	(pc) =	sbr.rel @p0 .LBB2_56-.Ltmp27, $4  }
0x429: {  	[tilespmem:s18+$0x10] =	vst v0  }
0x42a: {  	[tilespmem:s18+$0x0] =	vst v0  }
0x42b: {  	[tilespmem:s18+$0xFFFFFFF0] =	vst v0  }
0x42c: {  	[tilespmem:s18+$0xFFFFFFE0] =	vst v0  }
0x42d: {  	[tilespmem:s18+$0xFFFFFFD0] =	vst v0  }
0x42e: {  	[tilespmem:$0x10000] =	vst v0  }
0x42f: {  	[tilespmem:s11], [sflag:$0x1] =	stream.strided.gather [hbm4b:s28+s8], $0x4000, s10, s8, $0x38;
	[tilespmem:$0x18080] =	vst v63  }
0x430: {  	_ = 	snop  }
0x431: {  	[tilespmem:s12], [sflag:$0x2] =	stream.strided.gather [hbm4b:s21+s8], $0x4000, s10, s8, $0x38;
	[tilespmem:$0x18080] =	vst v63  }
0x432: {  	_ =	swait.ge [sflag:s13], $0x4000  }
0x433: {  	[sflag:s13] =	ssyncset.done $0x0  }
0x434: {  	s19 =	simm.s32 $0x100C0;
	[sflag:s13] =	ssyncadd.s32 $0xFFFFC000  }
0x435: {  	v2 =	vld [tilespmem:s19+$0x30]  }
0x436: {  	v3 =	vld [tilespmem:s19+$0xFFFFFFD0]  }
0x437: {  	v4 =	vld [tilespmem:s19+$0xFFFFFFE0]  }
0x438: {  	v5 =	vld [tilespmem:s19+$0xFFFFFFF0]  }
0x439: {  	v6 =	vld [tilespmem:s19+$0x0]  }
0x43a: {  	v7 =	vld [tilespmem:s19+$0x10];
	v2 =	vadd.s32 $0xFFFF0000, v2  }
0x43b: {  	v8 =	vld [tilespmem:s19+$0x20];
	v3 =	vadd.s32 $0xFFFF0000, v3;
	v9 =	vmin.u32 v2, $0x10000  }
0x43c: {  	v10 =	vld [tilespmem:s19+$0xFFFFFFC0];
	s19 =	simm.s32 $0x10140;
	v11 =	vmin.u32 v3, $0x10000;
	v2 =	vadd.s32 $0xFFFF0000, v4  }
0x43d: {  	v12 =	vld [tilespmem:s19+$0x30];
	v13 =	vmin.u32 v2, $0x10000;
	v2 =	vadd.s32 $0xFFFF0000, v5  }
0x43e: {  	v14 =	vld [tilespmem:s19+$0xFFFFFFD0];
	v15 =	vmin.u32 v2, $0x10000;
	v2 =	vadd.s32 $0xFFFF0000, v6  }
0x43f: {  	v16 =	vld [tilespmem:s19+$0xFFFFFFE0];
	v4 =	vadd.s32 $0xFFFF0000, v7;
	v17 =	vmin.u32 v2, $0x10000  }
0x440: {  	v5 =	vmin.u32 v4, $0x10000;
	v6 =	vadd.s32 $0xFFFF0000, v8;
	v2 =	vld [tilespmem:s19+$0xFFFFFFF0];
	[tilespmem:v9+s1+$0x0] =	vst.idx.msk $0xffff, v1  }
0x441: {  	v3 =	vld [tilespmem:s19+$0x0];
	v7 =	vadd.s32 $0xFFFF0000, v10;
	v6 =	vmin.u32 v6, $0x10000;
	[tilespmem:v11+s1+$0x0] =	vst.idx.msk $0xffff, v1  }
0x442: {  	v4 =	vld [tilespmem:s19+$0x10];
	v7 =	vmin.u32 v7, $0x10000;
	v9 =	vadd.s32 $0xFFFF0000, v12;
	[tilespmem:v13+s1+$0x0] =	vst.idx.msk $0xffff, v1  }
0x443: {  	v8 =	vld [tilespmem:s19+$0x20];
	v11 =	vadd.s32 $0xFFFF0000, v14;
	v9 =	vmin.u32 v9, $0x10000;
	[tilespmem:v15+s1+$0x0] =	vst.idx.msk $0xffff, v1  }
0x444: {  	s18 =	simm.s32 $0x8;
	v10 =	vld [tilespmem:s19+$0xFFFFFFC0];
	s19 =	simm.s32 $0x101C0;
	v12 =	vadd.s32 $0xFFFF0000, v16;
	v11 =	vmin.u32 v11, $0x10000;
	[tilespmem:v17+s1+$0x0] =	vst.idx.msk $0xffff, v1  }
.LBB2_58:
0x445: {  	v13 =	vld [tilespmem:s19+$0x30];
	s18 =	sadd.s32 $0x8, s18;
	v12 =	vmin.u32 v12, $0x10000;
	v2 =	vadd.s32 $0xFFFF0000, v2;
	[tilespmem:v5+s1+$0x0] =	vst.idx.msk $0xffff, v1  }
0x446: {  	v14 =	vld [tilespmem:s19+$0xFFFFFFD0];
	p0 =	slt.u32 s18, $0x3F8;
	v15 =	vmin.u32 v2, $0x10000;
	v2 =	vadd.s32 $0xFFFF0000, v3;
	[tilespmem:v6+s1+$0x0] =	vst.idx.msk $0xffff, v1  }
0x447: {  	v16 =	vld [tilespmem:s19+$0xFFFFFFE0];
	v17 =	vmin.u32 v2, $0x10000;
	v3 =	vadd.s32 $0xFFFF0000, v4;
	[tilespmem:v7+s1+$0x0] =	vst.idx.msk $0xffff, v1  }
.Ltmp28:
0x448: {  	v2 =	vld [tilespmem:s19+$0xFFFFFFF0];
	v5 =	vmin.u32 v3, $0x10000;
	v4 =	vadd.s32 $0xFFFF0000, v8;
	[tilespmem:v9+s1+$0x0] =	vst.idx.msk $0xffff, v1;
	(pc) =	sbr.rel @p0 .LBB2_58-.Ltmp28, $4  }
0x449: {  	v3 =	vld [tilespmem:s19+$0x0];
	v7 =	vadd.s32 $0xFFFF0000, v10;
	[tilespmem:v11+s1+$0x0] =	vst.idx.msk $0xffff, v1;
	v6 =	vmin.u32 v4, $0x10000  }
0x44a: {  	v4 =	vld [tilespmem:s19+$0x10];
	v9 =	vadd.s32 $0xFFFF0000, v13;
	v7 =	vmin.u32 v7, $0x10000;
	[tilespmem:v12+s1+$0x0] =	vst.idx.msk $0xffff, v1  }
0x44b: {  	v11 =	vadd.s32 $0xFFFF0000, v14;
	v8 =	vld [tilespmem:s19+$0x20];
	v9 =	vmin.u32 v9, $0x10000;
	[tilespmem:v15+s1+$0x0] =	vst.idx.msk $0xffff, v1  }
0x44c: {  	v10 =	vld [tilespmem:s19+$0xFFFFFFC0];
	v11 =	vmin.u32 v11, $0x10000;
	v12 =	vadd.s32 $0xFFFF0000, v16;
	s19 =	sadd.s32 $0x80, s19;
	[tilespmem:v17+s1+$0x0] =	vst.idx.msk $0xffff, v1  }
0x44d: {  	_ =	sdelay $0x3  }
0x44e: {  	v12 =	vmin.u32 v12, $0x10000;
	v2 =	vadd.s32 $0xFFFF0000, v2;
	[tilespmem:v5+s1+$0x0] =	vst.idx.msk $0xffff, v1  }
0x44f: {  	[tilespmem:v6+s1+$0x0] =	vst.idx.msk $0xffff, v1;
	v2 =	vmin.u32 v2, $0x10000;
	v3 =	vadd.s32 $0xFFFF0000, v3  }
0x450: {  	[tilespmem:v7+s1+$0x0] =	vst.idx.msk $0xffff, v1;
	v3 =	vmin.u32 v3, $0x10000;
	v4 =	vadd.s32 $0xFFFF0000, v4  }
0x451: {  	[tilespmem:v9+s1+$0x0] =	vst.idx.msk $0xffff, v1;
	v4 =	vmin.u32 v4, $0x10000;
	v5 =	vadd.s32 $0xFFFF0000, v8  }
0x452: {  	[tilespmem:v11+s1+$0x0] =	vst.idx.msk $0xffff, v1;
	v6 =	vadd.s32 $0xFFFF0000, v10;
	v5 =	vmin.u32 v5, $0x10000  }
0x453: {  	v6 =	vmin.u32 v6, $0x10000;
	[tilespmem:v12+s1+$0x0] =	vst.idx.msk $0xffff, v1  }
0x454: {  	[tilespmem:v2+s1+$0x0] =	vst.idx.msk $0xffff, v1  }
0x455: {  	[tilespmem:v3+s1+$0x0] =	vst.idx.msk $0xffff, v1  }
0x456: {  	[tilespmem:v4+s1+$0x0] =	vst.idx.msk $0xffff, v1  }
0x457: {  	[tilespmem:v5+s1+$0x0] =	vst.idx.msk $0xffff, v1  }
0x458: {  	[tilespmem:v6+s1+$0x0] =	vst.idx.msk $0xffff, v1  }
0x459: {  	[tilespmem:s11], [sflag:$0x1] =	stream.strided.gather [hbm4b:s22+s8], $0x4000, s10, s8, $0x38;
	[tilespmem:$0x18080] =	vst v63  }
0x45a: {  	_ =	swait.ge [sflag:s14], $0x4000  }
0x45b: {  	[sflag:s14] =	ssyncset.done $0x0  }
0x45c: {  	s18 =	simm.s32 $0x140C0;
	[sflag:s14] =	ssyncadd.s32 $0xFFFFC000  }
0x45d: {  	v2 =	vld [tilespmem:s18+$0x30]  }
0x45e: {  	v3 =	vld [tilespmem:s18+$0xFFFFFFD0]  }
0x45f: {  	v4 =	vld [tilespmem:s18+$0xFFFFFFE0]  }
0x460: {  	v5 =	vld [tilespmem:s18+$0xFFFFFFF0]  }
0x461: {  	v6 =	vld [tilespmem:s18+$0x0]  }
0x462: {  	v7 =	vld [tilespmem:s18+$0x10];
	v2 =	vadd.s32 $0xFFFF0000, v2  }
0x463: {  	v8 =	vld [tilespmem:s18+$0x20];
	v3 =	vadd.s32 $0xFFFF0000, v3;
	v9 =	vmin.u32 v2, $0x10000  }
0x464: {  	s19 =	simm.s32 $0x14140;
	v10 =	vld [tilespmem:s18+$0xFFFFFFC0];
	v11 =	vmin.u32 v3, $0x10000;
	v2 =	vadd.s32 $0xFFFF0000, v4  }
0x465: {  	v12 =	vld [tilespmem:s19+$0x30];
	v13 =	vmin.u32 v2, $0x10000;
	v2 =	vadd.s32 $0xFFFF0000, v5  }
0x466: {  	v14 =	vld [tilespmem:s19+$0xFFFFFFD0];
	v15 =	vmin.u32 v2, $0x10000;
	v2 =	vadd.s32 $0xFFFF0000, v6  }
0x467: {  	v16 =	vld [tilespmem:s19+$0xFFFFFFE0];
	v4 =	vadd.s32 $0xFFFF0000, v7;
	v17 =	vmin.u32 v2, $0x10000  }
0x468: {  	v5 =	vmin.u32 v4, $0x10000;
	v6 =	vadd.s32 $0xFFFF0000, v8;
	v2 =	vld [tilespmem:s19+$0xFFFFFFF0];
	[tilespmem:v9+s1+$0x0] =	vst.idx.msk $0xffff, v1  }
0x469: {  	v3 =	vld [tilespmem:s19+$0x0];
	v7 =	vadd.s32 $0xFFFF0000, v10;
	v6 =	vmin.u32 v6, $0x10000;
	[tilespmem:v11+s1+$0x0] =	vst.idx.msk $0xffff, v1  }
0x46a: {  	v4 =	vld [tilespmem:s19+$0x10];
	v7 =	vmin.u32 v7, $0x10000;
	v9 =	vadd.s32 $0xFFFF0000, v12;
	[tilespmem:v13+s1+$0x0] =	vst.idx.msk $0xffff, v1  }
0x46b: {  	v8 =	vld [tilespmem:s19+$0x20];
	v11 =	vadd.s32 $0xFFFF0000, v14;
	v9 =	vmin.u32 v9, $0x10000;
	[tilespmem:v15+s1+$0x0] =	vst.idx.msk $0xffff, v1  }
0x46c: {  	s18 =	simm.s32 $0x8;
	v10 =	vld [tilespmem:s19+$0xFFFFFFC0];
	s19 =	simm.s32 $0x141C0;
	v12 =	vadd.s32 $0xFFFF0000, v16;
	v11 =	vmin.u32 v11, $0x10000;
	[tilespmem:v17+s1+$0x0] =	vst.idx.msk $0xffff, v1  }
.LBB2_60:
0x46d: {  	v13 =	vld [tilespmem:s19+$0x30];
	s18 =	sadd.s32 $0x8, s18;
	v12 =	vmin.u32 v12, $0x10000;
	v2 =	vadd.s32 $0xFFFF0000, v2;
	[tilespmem:v5+s1+$0x0] =	vst.idx.msk $0xffff, v1  }
0x46e: {  	v14 =	vld [tilespmem:s19+$0xFFFFFFD0];
	p0 =	slt.u32 s18, $0x3F8;
	v15 =	vmin.u32 v2, $0x10000;
	v2 =	vadd.s32 $0xFFFF0000, v3;
	[tilespmem:v6+s1+$0x0] =	vst.idx.msk $0xffff, v1  }
0x46f: {  	v16 =	vld [tilespmem:s19+$0xFFFFFFE0];
	v17 =	vmin.u32 v2, $0x10000;
	v3 =	vadd.s32 $0xFFFF0000, v4;
	[tilespmem:v7+s1+$0x0] =	vst.idx.msk $0xffff, v1  }
.Ltmp29:
0x470: {  	v2 =	vld [tilespmem:s19+$0xFFFFFFF0];
	v5 =	vmin.u32 v3, $0x10000;
	v4 =	vadd.s32 $0xFFFF0000, v8;
	[tilespmem:v9+s1+$0x0] =	vst.idx.msk $0xffff, v1;
	(pc) =	sbr.rel @p0 .LBB2_60-.Ltmp29, $4  }
0x471: {  	v3 =	vld [tilespmem:s19+$0x0];
	v7 =	vadd.s32 $0xFFFF0000, v10;
	[tilespmem:v11+s1+$0x0] =	vst.idx.msk $0xffff, v1;
	v6 =	vmin.u32 v4, $0x10000  }
0x472: {  	v4 =	vld [tilespmem:s19+$0x10];
	v9 =	vadd.s32 $0xFFFF0000, v13;
	v7 =	vmin.u32 v7, $0x10000;
	[tilespmem:v12+s1+$0x0] =	vst.idx.msk $0xffff, v1  }
0x473: {  	v11 =	vadd.s32 $0xFFFF0000, v14;
	v8 =	vld [tilespmem:s19+$0x20];
	v9 =	vmin.u32 v9, $0x10000;
	[tilespmem:v15+s1+$0x0] =	vst.idx.msk $0xffff, v1  }
0x474: {  	v10 =	vld [tilespmem:s19+$0xFFFFFFC0];
	v11 =	vmin.u32 v11, $0x10000;
	v12 =	vadd.s32 $0xFFFF0000, v16;
	s19 =	sadd.s32 $0x80, s19;
	[tilespmem:v17+s1+$0x0] =	vst.idx.msk $0xffff, v1  }
0x475: {  	_ =	sdelay $0x3  }
0x476: {  	v12 =	vmin.u32 v12, $0x10000;
	v2 =	vadd.s32 $0xFFFF0000, v2;
	[tilespmem:v5+s1+$0x0] =	vst.idx.msk $0xffff, v1  }
0x477: {  	[tilespmem:v6+s1+$0x0] =	vst.idx.msk $0xffff, v1;
	v2 =	vmin.u32 v2, $0x10000;
	v3 =	vadd.s32 $0xFFFF0000, v3  }
0x478: {  	[tilespmem:v7+s1+$0x0] =	vst.idx.msk $0xffff, v1;
	v3 =	vmin.u32 v3, $0x10000;
	v4 =	vadd.s32 $0xFFFF0000, v4  }
0x479: {  	[tilespmem:v9+s1+$0x0] =	vst.idx.msk $0xffff, v1;
	v4 =	vmin.u32 v4, $0x10000;
	v5 =	vadd.s32 $0xFFFF0000, v8  }
0x47a: {  	[tilespmem:v11+s1+$0x0] =	vst.idx.msk $0xffff, v1;
	v6 =	vadd.s32 $0xFFFF0000, v10;
	v5 =	vmin.u32 v5, $0x10000  }
0x47b: {  	v6 =	vmin.u32 v6, $0x10000;
	[tilespmem:v12+s1+$0x0] =	vst.idx.msk $0xffff, v1  }
0x47c: {  	[tilespmem:v2+s1+$0x0] =	vst.idx.msk $0xffff, v1  }
0x47d: {  	[tilespmem:v3+s1+$0x0] =	vst.idx.msk $0xffff, v1  }
0x47e: {  	[tilespmem:v4+s1+$0x0] =	vst.idx.msk $0xffff, v1  }
0x47f: {  	[tilespmem:v5+s1+$0x0] =	vst.idx.msk $0xffff, v1  }
0x480: {  	[tilespmem:v6+s1+$0x0] =	vst.idx.msk $0xffff, v1  }
0x481: {  	[tilespmem:s12], [sflag:$0x2] =	stream.strided.gather [hbm4b:s23+s8], $0x4000, s10, s8, $0x38;
	[tilespmem:$0x18080] =	vst v63  }
0x482: {  	_ =	swait.ge [sflag:s13], $0x4000  }
0x483: {  	[sflag:s13] =	ssyncset.done $0x0  }
0x484: {  	s18 =	simm.s32 $0x100C0;
	[sflag:s13] =	ssyncadd.s32 $0xFFFFC000  }
0x485: {  	v2 =	vld [tilespmem:s18+$0x30]  }
0x486: {  	v3 =	vld [tilespmem:s18+$0xFFFFFFD0]  }
0x487: {  	v4 =	vld [tilespmem:s18+$0xFFFFFFE0]  }
0x488: {  	v5 =	vld [tilespmem:s18+$0xFFFFFFF0]  }
0x489: {  	v6 =	vld [tilespmem:s18+$0x0]  }
0x48a: {  	v7 =	vld [tilespmem:s18+$0x10];
	v2 =	vadd.s32 $0xFFFF0000, v2  }
0x48b: {  	v8 =	vld [tilespmem:s18+$0x20];
	v3 =	vadd.s32 $0xFFFF0000, v3;
	v9 =	vmin.u32 v2, $0x10000  }
0x48c: {  	s19 =	simm.s32 $0x10140;
	v10 =	vld [tilespmem:s18+$0xFFFFFFC0];
	v11 =	vmin.u32 v3, $0x10000;
	v2 =	vadd.s32 $0xFFFF0000, v4  }
0x48d: {  	v12 =	vld [tilespmem:s19+$0x30];
	v13 =	vmin.u32 v2, $0x10000;
	v2 =	vadd.s32 $0xFFFF0000, v5  }
0x48e: {  	v14 =	vld [tilespmem:s19+$0xFFFFFFD0];
	v15 =	vmin.u32 v2, $0x10000;
	v2 =	vadd.s32 $0xFFFF0000, v6  }
0x48f: {  	v16 =	vld [tilespmem:s19+$0xFFFFFFE0];
	v4 =	vadd.s32 $0xFFFF0000, v7;
	v17 =	vmin.u32 v2, $0x10000  }
0x490: {  	v5 =	vmin.u32 v4, $0x10000;
	v6 =	vadd.s32 $0xFFFF0000, v8;
	v2 =	vld [tilespmem:s19+$0xFFFFFFF0];
	[tilespmem:v9+s1+$0x0] =	vst.idx.msk $0xffff, v1  }
0x491: {  	v3 =	vld [tilespmem:s19+$0x0];
	v7 =	vadd.s32 $0xFFFF0000, v10;
	v6 =	vmin.u32 v6, $0x10000;
	[tilespmem:v11+s1+$0x0] =	vst.idx.msk $0xffff, v1  }
0x492: {  	v4 =	vld [tilespmem:s19+$0x10];
	v7 =	vmin.u32 v7, $0x10000;
	v9 =	vadd.s32 $0xFFFF0000, v12;
	[tilespmem:v13+s1+$0x0] =	vst.idx.msk $0xffff, v1  }
0x493: {  	v8 =	vld [tilespmem:s19+$0x20];
	v11 =	vadd.s32 $0xFFFF0000, v14;
	v9 =	vmin.u32 v9, $0x10000;
	[tilespmem:v15+s1+$0x0] =	vst.idx.msk $0xffff, v1  }
0x494: {  	s18 =	simm.s32 $0x8;
	v10 =	vld [tilespmem:s19+$0xFFFFFFC0];
	s19 =	simm.s32 $0x101C0;
	v12 =	vadd.s32 $0xFFFF0000, v16;
	v11 =	vmin.u32 v11, $0x10000;
	[tilespmem:v17+s1+$0x0] =	vst.idx.msk $0xffff, v1  }
.LBB2_62:
0x495: {  	v13 =	vld [tilespmem:s19+$0x30];
	s18 =	sadd.s32 $0x8, s18;
	v12 =	vmin.u32 v12, $0x10000;
	v2 =	vadd.s32 $0xFFFF0000, v2;
	[tilespmem:v5+s1+$0x0] =	vst.idx.msk $0xffff, v1  }
0x496: {  	v14 =	vld [tilespmem:s19+$0xFFFFFFD0];
	p0 =	slt.u32 s18, $0x3F8;
	v15 =	vmin.u32 v2, $0x10000;
	v2 =	vadd.s32 $0xFFFF0000, v3;
	[tilespmem:v6+s1+$0x0] =	vst.idx.msk $0xffff, v1  }
0x497: {  	v16 =	vld [tilespmem:s19+$0xFFFFFFE0];
	v17 =	vmin.u32 v2, $0x10000;
	v3 =	vadd.s32 $0xFFFF0000, v4;
	[tilespmem:v7+s1+$0x0] =	vst.idx.msk $0xffff, v1  }
.Ltmp30:
0x498: {  	v2 =	vld [tilespmem:s19+$0xFFFFFFF0];
	v5 =	vmin.u32 v3, $0x10000;
	v4 =	vadd.s32 $0xFFFF0000, v8;
	[tilespmem:v9+s1+$0x0] =	vst.idx.msk $0xffff, v1;
	(pc) =	sbr.rel @p0 .LBB2_62-.Ltmp30, $4  }
0x499: {  	v3 =	vld [tilespmem:s19+$0x0];
	v7 =	vadd.s32 $0xFFFF0000, v10;
	[tilespmem:v11+s1+$0x0] =	vst.idx.msk $0xffff, v1;
	v6 =	vmin.u32 v4, $0x10000  }
0x49a: {  	v4 =	vld [tilespmem:s19+$0x10];
	v9 =	vadd.s32 $0xFFFF0000, v13;
	v7 =	vmin.u32 v7, $0x10000;
	[tilespmem:v12+s1+$0x0] =	vst.idx.msk $0xffff, v1  }
0x49b: {  	v11 =	vadd.s32 $0xFFFF0000, v14;
	v8 =	vld [tilespmem:s19+$0x20];
	v9 =	vmin.u32 v9, $0x10000;
	[tilespmem:v15+s1+$0x0] =	vst.idx.msk $0xffff, v1  }
0x49c: {  	v10 =	vld [tilespmem:s19+$0xFFFFFFC0];
	v11 =	vmin.u32 v11, $0x10000;
	v12 =	vadd.s32 $0xFFFF0000, v16;
	s19 =	sadd.s32 $0x80, s19;
	[tilespmem:v17+s1+$0x0] =	vst.idx.msk $0xffff, v1  }
0x49d: {  	_ =	sdelay $0x3  }
0x49e: {  	v12 =	vmin.u32 v12, $0x10000;
	v2 =	vadd.s32 $0xFFFF0000, v2;
	[tilespmem:v5+s1+$0x0] =	vst.idx.msk $0xffff, v1  }
0x49f: {  	[tilespmem:v6+s1+$0x0] =	vst.idx.msk $0xffff, v1;
	v2 =	vmin.u32 v2, $0x10000;
	v3 =	vadd.s32 $0xFFFF0000, v3  }
0x4a0: {  	[tilespmem:v7+s1+$0x0] =	vst.idx.msk $0xffff, v1;
	v3 =	vmin.u32 v3, $0x10000;
	v4 =	vadd.s32 $0xFFFF0000, v4  }
0x4a1: {  	[tilespmem:v9+s1+$0x0] =	vst.idx.msk $0xffff, v1;
	v4 =	vmin.u32 v4, $0x10000;
	v5 =	vadd.s32 $0xFFFF0000, v8  }
0x4a2: {  	[tilespmem:v11+s1+$0x0] =	vst.idx.msk $0xffff, v1;
	v6 =	vadd.s32 $0xFFFF0000, v10;
	v5 =	vmin.u32 v5, $0x10000  }
0x4a3: {  	v6 =	vmin.u32 v6, $0x10000;
	[tilespmem:v12+s1+$0x0] =	vst.idx.msk $0xffff, v1  }
0x4a4: {  	[tilespmem:v2+s1+$0x0] =	vst.idx.msk $0xffff, v1  }
0x4a5: {  	[tilespmem:v3+s1+$0x0] =	vst.idx.msk $0xffff, v1  }
0x4a6: {  	[tilespmem:v4+s1+$0x0] =	vst.idx.msk $0xffff, v1  }
0x4a7: {  	[tilespmem:v5+s1+$0x0] =	vst.idx.msk $0xffff, v1  }
0x4a8: {  	[tilespmem:v6+s1+$0x0] =	vst.idx.msk $0xffff, v1  }
0x4a9: {  	[tilespmem:s11], [sflag:$0x1] =	stream.strided.gather [hbm4b:s30+s8], $0x4000, s10, s8, $0x38;
	[tilespmem:$0x18080] =	vst v63  }
0x4aa: {  	_ =	swait.ge [sflag:s14], $0x4000  }
0x4ab: {  	[sflag:s14] =	ssyncset.done $0x0  }
0x4ac: {  	s18 =	simm.s32 $0x140C0;
	[sflag:s14] =	ssyncadd.s32 $0xFFFFC000  }
0x4ad: {  	v2 =	vld [tilespmem:s18+$0x30]  }
0x4ae: {  	v3 =	vld [tilespmem:s18+$0xFFFFFFD0]  }
0x4af: {  	v4 =	vld [tilespmem:s18+$0xFFFFFFE0]  }
0x4b0: {  	v5 =	vld [tilespmem:s18+$0xFFFFFFF0]  }
0x4b1: {  	v6 =	vld [tilespmem:s18+$0x0]  }
0x4b2: {  	v7 =	vld [tilespmem:s18+$0x10];
	v2 =	vadd.s32 $0xFFFF0000, v2  }
0x4b3: {  	v8 =	vld [tilespmem:s18+$0x20];
	v3 =	vadd.s32 $0xFFFF0000, v3;
	v9 =	vmin.u32 v2, $0x10000  }
0x4b4: {  	s19 =	simm.s32 $0x14140;
	v10 =	vld [tilespmem:s18+$0xFFFFFFC0];
	v11 =	vmin.u32 v3, $0x10000;
	v2 =	vadd.s32 $0xFFFF0000, v4  }
0x4b5: {  	v12 =	vld [tilespmem:s19+$0x30];
	v13 =	vmin.u32 v2, $0x10000;
	v2 =	vadd.s32 $0xFFFF0000, v5  }
0x4b6: {  	v14 =	vld [tilespmem:s19+$0xFFFFFFD0];
	v15 =	vmin.u32 v2, $0x10000;
	v2 =	vadd.s32 $0xFFFF0000, v6  }
0x4b7: {  	v16 =	vld [tilespmem:s19+$0xFFFFFFE0];
	v4 =	vadd.s32 $0xFFFF0000, v7;
	v17 =	vmin.u32 v2, $0x10000  }
0x4b8: {  	v5 =	vmin.u32 v4, $0x10000;
	v6 =	vadd.s32 $0xFFFF0000, v8;
	v2 =	vld [tilespmem:s19+$0xFFFFFFF0];
	[tilespmem:v9+s1+$0x0] =	vst.idx.msk $0xffff, v1  }
0x4b9: {  	v3 =	vld [tilespmem:s19+$0x0];
	v7 =	vadd.s32 $0xFFFF0000, v10;
	v6 =	vmin.u32 v6, $0x10000;
	[tilespmem:v11+s1+$0x0] =	vst.idx.msk $0xffff, v1  }
0x4ba: {  	v4 =	vld [tilespmem:s19+$0x10];
	v7 =	vmin.u32 v7, $0x10000;
	v9 =	vadd.s32 $0xFFFF0000, v12;
	[tilespmem:v13+s1+$0x0] =	vst.idx.msk $0xffff, v1  }
0x4bb: {  	v8 =	vld [tilespmem:s19+$0x20];
	v11 =	vadd.s32 $0xFFFF0000, v14;
	v9 =	vmin.u32 v9, $0x10000;
	[tilespmem:v15+s1+$0x0] =	vst.idx.msk $0xffff, v1  }
0x4bc: {  	s18 =	simm.s32 $0x8;
	v10 =	vld [tilespmem:s19+$0xFFFFFFC0];
	s19 =	simm.s32 $0x141C0;
	v12 =	vadd.s32 $0xFFFF0000, v16;
	v11 =	vmin.u32 v11, $0x10000;
	[tilespmem:v17+s1+$0x0] =	vst.idx.msk $0xffff, v1  }
.LBB2_64:
0x4bd: {  	v13 =	vld [tilespmem:s19+$0x30];
	s18 =	sadd.s32 $0x8, s18;
	v12 =	vmin.u32 v12, $0x10000;
	v2 =	vadd.s32 $0xFFFF0000, v2;
	[tilespmem:v5+s1+$0x0] =	vst.idx.msk $0xffff, v1  }
0x4be: {  	v14 =	vld [tilespmem:s19+$0xFFFFFFD0];
	p0 =	slt.u32 s18, $0x3F8;
	v15 =	vmin.u32 v2, $0x10000;
	v2 =	vadd.s32 $0xFFFF0000, v3;
	[tilespmem:v6+s1+$0x0] =	vst.idx.msk $0xffff, v1  }
0x4bf: {  	v16 =	vld [tilespmem:s19+$0xFFFFFFE0];
	v17 =	vmin.u32 v2, $0x10000;
	v3 =	vadd.s32 $0xFFFF0000, v4;
	[tilespmem:v7+s1+$0x0] =	vst.idx.msk $0xffff, v1  }
.Ltmp31:
0x4c0: {  	v2 =	vld [tilespmem:s19+$0xFFFFFFF0];
	v5 =	vmin.u32 v3, $0x10000;
	v4 =	vadd.s32 $0xFFFF0000, v8;
	[tilespmem:v9+s1+$0x0] =	vst.idx.msk $0xffff, v1;
	(pc) =	sbr.rel @p0 .LBB2_64-.Ltmp31, $4  }
0x4c1: {  	v3 =	vld [tilespmem:s19+$0x0];
	v7 =	vadd.s32 $0xFFFF0000, v10;
	[tilespmem:v11+s1+$0x0] =	vst.idx.msk $0xffff, v1;
	v6 =	vmin.u32 v4, $0x10000  }
0x4c2: {  	v4 =	vld [tilespmem:s19+$0x10];
	v9 =	vadd.s32 $0xFFFF0000, v13;
	v7 =	vmin.u32 v7, $0x10000;
	[tilespmem:v12+s1+$0x0] =	vst.idx.msk $0xffff, v1  }
0x4c3: {  	v11 =	vadd.s32 $0xFFFF0000, v14;
	v8 =	vld [tilespmem:s19+$0x20];
	v9 =	vmin.u32 v9, $0x10000;
	[tilespmem:v15+s1+$0x0] =	vst.idx.msk $0xffff, v1  }
0x4c4: {  	v10 =	vld [tilespmem:s19+$0xFFFFFFC0];
	v11 =	vmin.u32 v11, $0x10000;
	v12 =	vadd.s32 $0xFFFF0000, v16;
	s19 =	sadd.s32 $0x80, s19;
	[tilespmem:v17+s1+$0x0] =	vst.idx.msk $0xffff, v1  }
0x4c5: {  	_ =	sdelay $0x3  }
0x4c6: {  	v12 =	vmin.u32 v12, $0x10000;
	v2 =	vadd.s32 $0xFFFF0000, v2;
	[tilespmem:v5+s1+$0x0] =	vst.idx.msk $0xffff, v1  }
0x4c7: {  	[tilespmem:v6+s1+$0x0] =	vst.idx.msk $0xffff, v1;
	v2 =	vmin.u32 v2, $0x10000;
	v3 =	vadd.s32 $0xFFFF0000, v3  }
0x4c8: {  	[tilespmem:v7+s1+$0x0] =	vst.idx.msk $0xffff, v1;
	v3 =	vmin.u32 v3, $0x10000;
	v4 =	vadd.s32 $0xFFFF0000, v4  }
0x4c9: {  	[tilespmem:v9+s1+$0x0] =	vst.idx.msk $0xffff, v1;
	v4 =	vmin.u32 v4, $0x10000;
	v5 =	vadd.s32 $0xFFFF0000, v8  }
0x4ca: {  	[tilespmem:v11+s1+$0x0] =	vst.idx.msk $0xffff, v1;
	v6 =	vadd.s32 $0xFFFF0000, v10;
	v5 =	vmin.u32 v5, $0x10000  }
0x4cb: {  	v6 =	vmin.u32 v6, $0x10000;
	[tilespmem:v12+s1+$0x0] =	vst.idx.msk $0xffff, v1  }
0x4cc: {  	[tilespmem:v2+s1+$0x0] =	vst.idx.msk $0xffff, v1  }
0x4cd: {  	[tilespmem:v3+s1+$0x0] =	vst.idx.msk $0xffff, v1  }
0x4ce: {  	[tilespmem:v4+s1+$0x0] =	vst.idx.msk $0xffff, v1  }
0x4cf: {  	[tilespmem:v5+s1+$0x0] =	vst.idx.msk $0xffff, v1  }
0x4d0: {  	[tilespmem:v6+s1+$0x0] =	vst.idx.msk $0xffff, v1  }
0x4d1: {  	[tilespmem:s12], [sflag:$0x2] =	stream.strided.gather [hbm4b:s24+s8], $0x4000, s10, s8, $0x38;
	[tilespmem:$0x18080] =	vst v63  }
0x4d2: {  	_ =	swait.ge [sflag:s13], $0x4000  }
0x4d3: {  	[sflag:s13] =	ssyncset.done $0x0  }
0x4d4: {  	s18 =	simm.s32 $0x100C0;
	[sflag:s13] =	ssyncadd.s32 $0xFFFFC000  }
0x4d5: {  	v2 =	vld [tilespmem:s18+$0x30]  }
0x4d6: {  	v3 =	vld [tilespmem:s18+$0xFFFFFFD0]  }
0x4d7: {  	v4 =	vld [tilespmem:s18+$0xFFFFFFE0]  }
0x4d8: {  	v5 =	vld [tilespmem:s18+$0xFFFFFFF0]  }
0x4d9: {  	v6 =	vld [tilespmem:s18+$0x0]  }
0x4da: {  	v7 =	vld [tilespmem:s18+$0x10];
	v2 =	vadd.s32 $0xFFFF0000, v2  }
0x4db: {  	v8 =	vld [tilespmem:s18+$0x20];
	v3 =	vadd.s32 $0xFFFF0000, v3;
	v9 =	vmin.u32 v2, $0x10000  }
0x4dc: {  	s19 =	simm.s32 $0x10140;
	v10 =	vld [tilespmem:s18+$0xFFFFFFC0];
	v11 =	vmin.u32 v3, $0x10000;
	v2 =	vadd.s32 $0xFFFF0000, v4  }
0x4dd: {  	v12 =	vld [tilespmem:s19+$0x30];
	v13 =	vmin.u32 v2, $0x10000;
	v2 =	vadd.s32 $0xFFFF0000, v5  }
0x4de: {  	v14 =	vld [tilespmem:s19+$0xFFFFFFD0];
	v15 =	vmin.u32 v2, $0x10000;
	v2 =	vadd.s32 $0xFFFF0000, v6  }
0x4df: {  	v16 =	vld [tilespmem:s19+$0xFFFFFFE0];
	v4 =	vadd.s32 $0xFFFF0000, v7;
	v17 =	vmin.u32 v2, $0x10000  }
0x4e0: {  	v5 =	vmin.u32 v4, $0x10000;
	v6 =	vadd.s32 $0xFFFF0000, v8;
	v2 =	vld [tilespmem:s19+$0xFFFFFFF0];
	[tilespmem:v9+s1+$0x0] =	vst.idx.msk $0xffff, v1  }
0x4e1: {  	v3 =	vld [tilespmem:s19+$0x0];
	v7 =	vadd.s32 $0xFFFF0000, v10;
	v6 =	vmin.u32 v6, $0x10000;
	[tilespmem:v11+s1+$0x0] =	vst.idx.msk $0xffff, v1  }
0x4e2: {  	v4 =	vld [tilespmem:s19+$0x10];
	v7 =	vmin.u32 v7, $0x10000;
	v9 =	vadd.s32 $0xFFFF0000, v12;
	[tilespmem:v13+s1+$0x0] =	vst.idx.msk $0xffff, v1  }
0x4e3: {  	v8 =	vld [tilespmem:s19+$0x20];
	v11 =	vadd.s32 $0xFFFF0000, v14;
	v9 =	vmin.u32 v9, $0x10000;
	[tilespmem:v15+s1+$0x0] =	vst.idx.msk $0xffff, v1  }
0x4e4: {  	s18 =	simm.s32 $0x8;
	v10 =	vld [tilespmem:s19+$0xFFFFFFC0];
	s19 =	simm.s32 $0x101C0;
	v12 =	vadd.s32 $0xFFFF0000, v16;
	v11 =	vmin.u32 v11, $0x10000;
	[tilespmem:v17+s1+$0x0] =	vst.idx.msk $0xffff, v1  }
.LBB2_66:
0x4e5: {  	v13 =	vld [tilespmem:s19+$0x30];
	s18 =	sadd.s32 $0x8, s18;
	v12 =	vmin.u32 v12, $0x10000;
	v2 =	vadd.s32 $0xFFFF0000, v2;
	[tilespmem:v5+s1+$0x0] =	vst.idx.msk $0xffff, v1  }
0x4e6: {  	v14 =	vld [tilespmem:s19+$0xFFFFFFD0];
	p0 =	slt.u32 s18, $0x3F8;
	v15 =	vmin.u32 v2, $0x10000;
	v2 =	vadd.s32 $0xFFFF0000, v3;
	[tilespmem:v6+s1+$0x0] =	vst.idx.msk $0xffff, v1  }
0x4e7: {  	v16 =	vld [tilespmem:s19+$0xFFFFFFE0];
	v17 =	vmin.u32 v2, $0x10000;
	v3 =	vadd.s32 $0xFFFF0000, v4;
	[tilespmem:v7+s1+$0x0] =	vst.idx.msk $0xffff, v1  }
.Ltmp32:
0x4e8: {  	v2 =	vld [tilespmem:s19+$0xFFFFFFF0];
	v5 =	vmin.u32 v3, $0x10000;
	v4 =	vadd.s32 $0xFFFF0000, v8;
	[tilespmem:v9+s1+$0x0] =	vst.idx.msk $0xffff, v1;
	(pc) =	sbr.rel @p0 .LBB2_66-.Ltmp32, $4  }
0x4e9: {  	v3 =	vld [tilespmem:s19+$0x0];
	v7 =	vadd.s32 $0xFFFF0000, v10;
	[tilespmem:v11+s1+$0x0] =	vst.idx.msk $0xffff, v1;
	v6 =	vmin.u32 v4, $0x10000  }
0x4ea: {  	v4 =	vld [tilespmem:s19+$0x10];
	v9 =	vadd.s32 $0xFFFF0000, v13;
	v7 =	vmin.u32 v7, $0x10000;
	[tilespmem:v12+s1+$0x0] =	vst.idx.msk $0xffff, v1  }
0x4eb: {  	v11 =	vadd.s32 $0xFFFF0000, v14;
	v8 =	vld [tilespmem:s19+$0x20];
	v9 =	vmin.u32 v9, $0x10000;
	[tilespmem:v15+s1+$0x0] =	vst.idx.msk $0xffff, v1  }
0x4ec: {  	v10 =	vld [tilespmem:s19+$0xFFFFFFC0];
	v11 =	vmin.u32 v11, $0x10000;
	v12 =	vadd.s32 $0xFFFF0000, v16;
	s19 =	sadd.s32 $0x80, s19;
	[tilespmem:v17+s1+$0x0] =	vst.idx.msk $0xffff, v1  }
0x4ed: {  	_ =	sdelay $0x3  }
0x4ee: {  	v12 =	vmin.u32 v12, $0x10000;
	v2 =	vadd.s32 $0xFFFF0000, v2;
	[tilespmem:v5+s1+$0x0] =	vst.idx.msk $0xffff, v1  }
0x4ef: {  	[tilespmem:v6+s1+$0x0] =	vst.idx.msk $0xffff, v1;
	v2 =	vmin.u32 v2, $0x10000;
	v3 =	vadd.s32 $0xFFFF0000, v3  }
0x4f0: {  	[tilespmem:v7+s1+$0x0] =	vst.idx.msk $0xffff, v1;
	v3 =	vmin.u32 v3, $0x10000;
	v4 =	vadd.s32 $0xFFFF0000, v4  }
0x4f1: {  	[tilespmem:v9+s1+$0x0] =	vst.idx.msk $0xffff, v1;
	v4 =	vmin.u32 v4, $0x10000;
	v5 =	vadd.s32 $0xFFFF0000, v8  }
0x4f2: {  	[tilespmem:v11+s1+$0x0] =	vst.idx.msk $0xffff, v1;
	v6 =	vadd.s32 $0xFFFF0000, v10;
	v5 =	vmin.u32 v5, $0x10000  }
0x4f3: {  	v6 =	vmin.u32 v6, $0x10000;
	[tilespmem:v12+s1+$0x0] =	vst.idx.msk $0xffff, v1  }
0x4f4: {  	[tilespmem:v2+s1+$0x0] =	vst.idx.msk $0xffff, v1  }
0x4f5: {  	[tilespmem:v3+s1+$0x0] =	vst.idx.msk $0xffff, v1  }
0x4f6: {  	[tilespmem:v4+s1+$0x0] =	vst.idx.msk $0xffff, v1  }
0x4f7: {  	[tilespmem:v5+s1+$0x0] =	vst.idx.msk $0xffff, v1  }
0x4f8: {  	[tilespmem:v6+s1+$0x0] =	vst.idx.msk $0xffff, v1  }
0x4f9: {  	[tilespmem:s11], [sflag:$0x1] =	stream.strided.gather [hbm4b:s25+s8], $0x4000, s10, s8, $0x38;
	[tilespmem:$0x18080] =	vst v63  }
0x4fa: {  	_ =	swait.ge [sflag:s14], $0x4000  }
0x4fb: {  	[sflag:s14] =	ssyncset.done $0x0  }
0x4fc: {  	s18 =	simm.s32 $0x140C0;
	[sflag:s14] =	ssyncadd.s32 $0xFFFFC000  }
0x4fd: {  	v2 =	vld [tilespmem:s18+$0x30]  }
0x4fe: {  	v3 =	vld [tilespmem:s18+$0xFFFFFFD0]  }
0x4ff: {  	v4 =	vld [tilespmem:s18+$0xFFFFFFE0]  }
0x500: {  	v5 =	vld [tilespmem:s18+$0xFFFFFFF0]  }
0x501: {  	v6 =	vld [tilespmem:s18+$0x0]  }
0x502: {  	v7 =	vld [tilespmem:s18+$0x10];
	v2 =	vadd.s32 $0xFFFF0000, v2  }
0x503: {  	v8 =	vld [tilespmem:s18+$0x20];
	v3 =	vadd.s32 $0xFFFF0000, v3;
	v9 =	vmin.u32 v2, $0x10000  }
0x504: {  	s19 =	simm.s32 $0x14140;
	v10 =	vld [tilespmem:s18+$0xFFFFFFC0];
	v11 =	vmin.u32 v3, $0x10000;
	v2 =	vadd.s32 $0xFFFF0000, v4  }
0x505: {  	v12 =	vld [tilespmem:s19+$0x30];
	v13 =	vmin.u32 v2, $0x10000;
	v2 =	vadd.s32 $0xFFFF0000, v5  }
0x506: {  	v14 =	vld [tilespmem:s19+$0xFFFFFFD0];
	v15 =	vmin.u32 v2, $0x10000;
	v2 =	vadd.s32 $0xFFFF0000, v6  }
0x507: {  	v16 =	vld [tilespmem:s19+$0xFFFFFFE0];
	v4 =	vadd.s32 $0xFFFF0000, v7;
	v17 =	vmin.u32 v2, $0x10000  }
0x508: {  	v5 =	vmin.u32 v4, $0x10000;
	v6 =	vadd.s32 $0xFFFF0000, v8;
	v2 =	vld [tilespmem:s19+$0xFFFFFFF0];
	[tilespmem:v9+s1+$0x0] =	vst.idx.msk $0xffff, v1  }
0x509: {  	v3 =	vld [tilespmem:s19+$0x0];
	v7 =	vadd.s32 $0xFFFF0000, v10;
	v6 =	vmin.u32 v6, $0x10000;
	[tilespmem:v11+s1+$0x0] =	vst.idx.msk $0xffff, v1  }
0x50a: {  	v4 =	vld [tilespmem:s19+$0x10];
	v7 =	vmin.u32 v7, $0x10000;
	v9 =	vadd.s32 $0xFFFF0000, v12;
	[tilespmem:v13+s1+$0x0] =	vst.idx.msk $0xffff, v1  }
0x50b: {  	v8 =	vld [tilespmem:s19+$0x20];
	v11 =	vadd.s32 $0xFFFF0000, v14;
	v9 =	vmin.u32 v9, $0x10000;
	[tilespmem:v15+s1+$0x0] =	vst.idx.msk $0xffff, v1  }
0x50c: {  	s18 =	simm.s32 $0x8;
	v10 =	vld [tilespmem:s19+$0xFFFFFFC0];
	s19 =	simm.s32 $0x141C0;
	v12 =	vadd.s32 $0xFFFF0000, v16;
	v11 =	vmin.u32 v11, $0x10000;
	[tilespmem:v17+s1+$0x0] =	vst.idx.msk $0xffff, v1  }
.LBB2_68:
0x50d: {  	v13 =	vld [tilespmem:s19+$0x30];
	s18 =	sadd.s32 $0x8, s18;
	v12 =	vmin.u32 v12, $0x10000;
	v2 =	vadd.s32 $0xFFFF0000, v2;
	[tilespmem:v5+s1+$0x0] =	vst.idx.msk $0xffff, v1  }
0x50e: {  	v14 =	vld [tilespmem:s19+$0xFFFFFFD0];
	p0 =	slt.u32 s18, $0x3F8;
	v15 =	vmin.u32 v2, $0x10000;
	v2 =	vadd.s32 $0xFFFF0000, v3;
	[tilespmem:v6+s1+$0x0] =	vst.idx.msk $0xffff, v1  }
0x50f: {  	v16 =	vld [tilespmem:s19+$0xFFFFFFE0];
	v17 =	vmin.u32 v2, $0x10000;
	v3 =	vadd.s32 $0xFFFF0000, v4;
	[tilespmem:v7+s1+$0x0] =	vst.idx.msk $0xffff, v1  }
.Ltmp33:
0x510: {  	v2 =	vld [tilespmem:s19+$0xFFFFFFF0];
	v5 =	vmin.u32 v3, $0x10000;
	v4 =	vadd.s32 $0xFFFF0000, v8;
	[tilespmem:v9+s1+$0x0] =	vst.idx.msk $0xffff, v1;
	(pc) =	sbr.rel @p0 .LBB2_68-.Ltmp33, $4  }
0x511: {  	v3 =	vld [tilespmem:s19+$0x0];
	v7 =	vadd.s32 $0xFFFF0000, v10;
	[tilespmem:v11+s1+$0x0] =	vst.idx.msk $0xffff, v1;
	v6 =	vmin.u32 v4, $0x10000  }
0x512: {  	v4 =	vld [tilespmem:s19+$0x10];
	v9 =	vadd.s32 $0xFFFF0000, v13;
	v7 =	vmin.u32 v7, $0x10000;
	[tilespmem:v12+s1+$0x0] =	vst.idx.msk $0xffff, v1  }
0x513: {  	v11 =	vadd.s32 $0xFFFF0000, v14;
	v8 =	vld [tilespmem:s19+$0x20];
	v9 =	vmin.u32 v9, $0x10000;
	[tilespmem:v15+s1+$0x0] =	vst.idx.msk $0xffff, v1  }
0x514: {  	v10 =	vld [tilespmem:s19+$0xFFFFFFC0];
	v11 =	vmin.u32 v11, $0x10000;
	v12 =	vadd.s32 $0xFFFF0000, v16;
	s19 =	sadd.s32 $0x80, s19;
	[tilespmem:v17+s1+$0x0] =	vst.idx.msk $0xffff, v1  }
0x515: {  	_ =	sdelay $0x3  }
0x516: {  	v12 =	vmin.u32 v12, $0x10000;
	v2 =	vadd.s32 $0xFFFF0000, v2;
	[tilespmem:v5+s1+$0x0] =	vst.idx.msk $0xffff, v1  }
0x517: {  	[tilespmem:v6+s1+$0x0] =	vst.idx.msk $0xffff, v1;
	v2 =	vmin.u32 v2, $0x10000;
	v3 =	vadd.s32 $0xFFFF0000, v3  }
0x518: {  	[tilespmem:v7+s1+$0x0] =	vst.idx.msk $0xffff, v1;
	v3 =	vmin.u32 v3, $0x10000;
	v4 =	vadd.s32 $0xFFFF0000, v4  }
0x519: {  	[tilespmem:v9+s1+$0x0] =	vst.idx.msk $0xffff, v1;
	v4 =	vmin.u32 v4, $0x10000;
	v5 =	vadd.s32 $0xFFFF0000, v8  }
0x51a: {  	[tilespmem:v11+s1+$0x0] =	vst.idx.msk $0xffff, v1;
	v6 =	vadd.s32 $0xFFFF0000, v10;
	v5 =	vmin.u32 v5, $0x10000  }
0x51b: {  	v6 =	vmin.u32 v6, $0x10000;
	[tilespmem:v12+s1+$0x0] =	vst.idx.msk $0xffff, v1  }
0x51c: {  	[tilespmem:v2+s1+$0x0] =	vst.idx.msk $0xffff, v1  }
0x51d: {  	[tilespmem:v3+s1+$0x0] =	vst.idx.msk $0xffff, v1  }
0x51e: {  	[tilespmem:v4+s1+$0x0] =	vst.idx.msk $0xffff, v1  }
0x51f: {  	[tilespmem:v5+s1+$0x0] =	vst.idx.msk $0xffff, v1  }
0x520: {  	[tilespmem:v6+s1+$0x0] =	vst.idx.msk $0xffff, v1  }
0x521: {  	[tilespmem:s12], [sflag:$0x2] =	stream.strided.gather [hbm4b:s29+s8], $0x4000, s10, s8, $0x38;
	[tilespmem:$0x18080] =	vst v63  }
0x522: {  	_ =	swait.ge [sflag:s13], $0x4000  }
0x523: {  	[sflag:s13] =	ssyncset.done $0x0  }
0x524: {  	s18 =	simm.s32 $0x100C0;
	[sflag:s13] =	ssyncadd.s32 $0xFFFFC000  }
0x525: {  	v2 =	vld [tilespmem:s18+$0x30]  }
0x526: {  	v3 =	vld [tilespmem:s18+$0xFFFFFFD0]  }
0x527: {  	v4 =	vld [tilespmem:s18+$0xFFFFFFE0]  }
0x528: {  	v5 =	vld [tilespmem:s18+$0xFFFFFFF0]  }
0x529: {  	v6 =	vld [tilespmem:s18+$0x0]  }
0x52a: {  	v7 =	vld [tilespmem:s18+$0x10];
	v2 =	vadd.s32 $0xFFFF0000, v2  }
0x52b: {  	v8 =	vld [tilespmem:s18+$0x20];
	v3 =	vadd.s32 $0xFFFF0000, v3;
	v9 =	vmin.u32 v2, $0x10000  }
0x52c: {  	s19 =	simm.s32 $0x10140;
	v10 =	vld [tilespmem:s18+$0xFFFFFFC0];
	v11 =	vmin.u32 v3, $0x10000;
	v2 =	vadd.s32 $0xFFFF0000, v4  }
0x52d: {  	v12 =	vld [tilespmem:s19+$0x30];
	v13 =	vmin.u32 v2, $0x10000;
	v2 =	vadd.s32 $0xFFFF0000, v5  }
0x52e: {  	v14 =	vld [tilespmem:s19+$0xFFFFFFD0];
	v15 =	vmin.u32 v2, $0x10000;
	v2 =	vadd.s32 $0xFFFF0000, v6  }
0x52f: {  	v16 =	vld [tilespmem:s19+$0xFFFFFFE0];
	v4 =	vadd.s32 $0xFFFF0000, v7;
	v17 =	vmin.u32 v2, $0x10000  }
0x530: {  	v5 =	vmin.u32 v4, $0x10000;
	v6 =	vadd.s32 $0xFFFF0000, v8;
	v2 =	vld [tilespmem:s19+$0xFFFFFFF0];
	[tilespmem:v9+s1+$0x0] =	vst.idx.msk $0xffff, v1  }
0x531: {  	v3 =	vld [tilespmem:s19+$0x0];
	v7 =	vadd.s32 $0xFFFF0000, v10;
	v6 =	vmin.u32 v6, $0x10000;
	[tilespmem:v11+s1+$0x0] =	vst.idx.msk $0xffff, v1  }
0x532: {  	v4 =	vld [tilespmem:s19+$0x10];
	v7 =	vmin.u32 v7, $0x10000;
	v9 =	vadd.s32 $0xFFFF0000, v12;
	[tilespmem:v13+s1+$0x0] =	vst.idx.msk $0xffff, v1  }
0x533: {  	v8 =	vld [tilespmem:s19+$0x20];
	v11 =	vadd.s32 $0xFFFF0000, v14;
	v9 =	vmin.u32 v9, $0x10000;
	[tilespmem:v15+s1+$0x0] =	vst.idx.msk $0xffff, v1  }
0x534: {  	s18 =	simm.s32 $0x8;
	v10 =	vld [tilespmem:s19+$0xFFFFFFC0];
	s19 =	simm.s32 $0x101C0;
	v12 =	vadd.s32 $0xFFFF0000, v16;
	v11 =	vmin.u32 v11, $0x10000;
	[tilespmem:v17+s1+$0x0] =	vst.idx.msk $0xffff, v1  }
.LBB2_70:
0x535: {  	v13 =	vld [tilespmem:s19+$0x30];
	s18 =	sadd.s32 $0x8, s18;
	v12 =	vmin.u32 v12, $0x10000;
	v2 =	vadd.s32 $0xFFFF0000, v2;
	[tilespmem:v5+s1+$0x0] =	vst.idx.msk $0xffff, v1  }
0x536: {  	v14 =	vld [tilespmem:s19+$0xFFFFFFD0];
	p0 =	slt.u32 s18, $0x3F8;
	v15 =	vmin.u32 v2, $0x10000;
	v2 =	vadd.s32 $0xFFFF0000, v3;
	[tilespmem:v6+s1+$0x0] =	vst.idx.msk $0xffff, v1  }
0x537: {  	v16 =	vld [tilespmem:s19+$0xFFFFFFE0];
	v17 =	vmin.u32 v2, $0x10000;
	v3 =	vadd.s32 $0xFFFF0000, v4;
	[tilespmem:v7+s1+$0x0] =	vst.idx.msk $0xffff, v1  }
.Ltmp34:
0x538: {  	v2 =	vld [tilespmem:s19+$0xFFFFFFF0];
	v5 =	vmin.u32 v3, $0x10000;
	v4 =	vadd.s32 $0xFFFF0000, v8;
	[tilespmem:v9+s1+$0x0] =	vst.idx.msk $0xffff, v1;
	(pc) =	sbr.rel @p0 .LBB2_70-.Ltmp34, $4  }
0x539: {  	v3 =	vld [tilespmem:s19+$0x0];
	v7 =	vadd.s32 $0xFFFF0000, v10;
	[tilespmem:v11+s1+$0x0] =	vst.idx.msk $0xffff, v1;
	v6 =	vmin.u32 v4, $0x10000  }
0x53a: {  	v4 =	vld [tilespmem:s19+$0x10];
	v9 =	vadd.s32 $0xFFFF0000, v13;
	v7 =	vmin.u32 v7, $0x10000;
	[tilespmem:v12+s1+$0x0] =	vst.idx.msk $0xffff, v1  }
0x53b: {  	v11 =	vadd.s32 $0xFFFF0000, v14;
	v8 =	vld [tilespmem:s19+$0x20];
	v9 =	vmin.u32 v9, $0x10000;
	[tilespmem:v15+s1+$0x0] =	vst.idx.msk $0xffff, v1  }
0x53c: {  	v10 =	vld [tilespmem:s19+$0xFFFFFFC0];
	v11 =	vmin.u32 v11, $0x10000;
	v12 =	vadd.s32 $0xFFFF0000, v16;
	s19 =	sadd.s32 $0x80, s19;
	[tilespmem:v17+s1+$0x0] =	vst.idx.msk $0xffff, v1  }
0x53d: {  	_ =	sdelay $0x3  }
0x53e: {  	v12 =	vmin.u32 v12, $0x10000;
	v2 =	vadd.s32 $0xFFFF0000, v2;
	[tilespmem:v5+s1+$0x0] =	vst.idx.msk $0xffff, v1  }
0x53f: {  	[tilespmem:v6+s1+$0x0] =	vst.idx.msk $0xffff, v1;
	v2 =	vmin.u32 v2, $0x10000;
	v3 =	vadd.s32 $0xFFFF0000, v3  }
0x540: {  	[tilespmem:v7+s1+$0x0] =	vst.idx.msk $0xffff, v1;
	v3 =	vmin.u32 v3, $0x10000;
	v4 =	vadd.s32 $0xFFFF0000, v4  }
0x541: {  	[tilespmem:v9+s1+$0x0] =	vst.idx.msk $0xffff, v1;
	v4 =	vmin.u32 v4, $0x10000;
	v5 =	vadd.s32 $0xFFFF0000, v8  }
0x542: {  	[tilespmem:v11+s1+$0x0] =	vst.idx.msk $0xffff, v1;
	v6 =	vadd.s32 $0xFFFF0000, v10;
	v5 =	vmin.u32 v5, $0x10000  }
0x543: {  	v6 =	vmin.u32 v6, $0x10000;
	[tilespmem:v12+s1+$0x0] =	vst.idx.msk $0xffff, v1  }
0x544: {  	[tilespmem:v2+s1+$0x0] =	vst.idx.msk $0xffff, v1  }
0x545: {  	[tilespmem:v3+s1+$0x0] =	vst.idx.msk $0xffff, v1  }
0x546: {  	[tilespmem:v4+s1+$0x0] =	vst.idx.msk $0xffff, v1  }
0x547: {  	[tilespmem:v5+s1+$0x0] =	vst.idx.msk $0xffff, v1  }
0x548: {  	[tilespmem:v6+s1+$0x0] =	vst.idx.msk $0xffff, v1  }
0x549: {  	_ =	swait.ge [sflag:s14], $0x4000  }
0x54a: {  	[sflag:s14] =	ssyncset.done $0x0  }
0x54b: {  	s18 =	simm.s32 $0x140C0;
	[sflag:s14] =	ssyncadd.s32 $0xFFFFC000  }
0x54c: {  	v2 =	vld [tilespmem:s18+$0x30]  }
0x54d: {  	v3 =	vld [tilespmem:s18+$0xFFFFFFD0]  }
0x54e: {  	v4 =	vld [tilespmem:s18+$0xFFFFFFE0]  }
0x54f: {  	v5 =	vld [tilespmem:s18+$0xFFFFFFF0]  }
0x550: {  	v6 =	vld [tilespmem:s18+$0x0]  }
0x551: {  	v7 =	vld [tilespmem:s18+$0x10];
	v2 =	vadd.s32 $0xFFFF0000, v2  }
0x552: {  	v8 =	vld [tilespmem:s18+$0x20];
	v3 =	vadd.s32 $0xFFFF0000, v3;
	v9 =	vmin.u32 v2, $0x10000  }
0x553: {  	s19 =	simm.s32 $0x14140;
	v10 =	vld [tilespmem:s18+$0xFFFFFFC0];
	v11 =	vmin.u32 v3, $0x10000;
	v2 =	vadd.s32 $0xFFFF0000, v4  }
0x554: {  	v12 =	vld [tilespmem:s19+$0x30];
	v13 =	vmin.u32 v2, $0x10000;
	v2 =	vadd.s32 $0xFFFF0000, v5  }
0x555: {  	v14 =	vld [tilespmem:s19+$0xFFFFFFD0];
	v15 =	vmin.u32 v2, $0x10000;
	v2 =	vadd.s32 $0xFFFF0000, v6  }
0x556: {  	v16 =	vld [tilespmem:s19+$0xFFFFFFE0];
	v4 =	vadd.s32 $0xFFFF0000, v7;
	v17 =	vmin.u32 v2, $0x10000  }
0x557: {  	v5 =	vmin.u32 v4, $0x10000;
	v6 =	vadd.s32 $0xFFFF0000, v8;
	v2 =	vld [tilespmem:s19+$0xFFFFFFF0];
	[tilespmem:v9+s1+$0x0] =	vst.idx.msk $0xffff, v1  }
0x558: {  	v3 =	vld [tilespmem:s19+$0x0];
	v7 =	vadd.s32 $0xFFFF0000, v10;
	v6 =	vmin.u32 v6, $0x10000;
	[tilespmem:v11+s1+$0x0] =	vst.idx.msk $0xffff, v1  }
0x559: {  	v4 =	vld [tilespmem:s19+$0x10];
	v7 =	vmin.u32 v7, $0x10000;
	v9 =	vadd.s32 $0xFFFF0000, v12;
	[tilespmem:v13+s1+$0x0] =	vst.idx.msk $0xffff, v1  }
0x55a: {  	v8 =	vld [tilespmem:s19+$0x20];
	v11 =	vadd.s32 $0xFFFF0000, v14;
	v9 =	vmin.u32 v9, $0x10000;
	[tilespmem:v15+s1+$0x0] =	vst.idx.msk $0xffff, v1  }
0x55b: {  	s18 =	simm.s32 $0x8;
	v10 =	vld [tilespmem:s19+$0xFFFFFFC0];
	s19 =	simm.s32 $0x141C0;
	v12 =	vadd.s32 $0xFFFF0000, v16;
	v11 =	vmin.u32 v11, $0x10000;
	[tilespmem:v17+s1+$0x0] =	vst.idx.msk $0xffff, v1  }
.LBB2_72:
0x55c: {  	v13 =	vld [tilespmem:s19+$0x30];
	s18 =	sadd.s32 $0x8, s18;
	v12 =	vmin.u32 v12, $0x10000;
	v2 =	vadd.s32 $0xFFFF0000, v2;
	[tilespmem:v5+s1+$0x0] =	vst.idx.msk $0xffff, v1  }
0x55d: {  	v14 =	vld [tilespmem:s19+$0xFFFFFFD0];
	p0 =	slt.u32 s18, $0x3F8;
	v15 =	vmin.u32 v2, $0x10000;
	v2 =	vadd.s32 $0xFFFF0000, v3;
	[tilespmem:v6+s1+$0x0] =	vst.idx.msk $0xffff, v1  }
0x55e: {  	v16 =	vld [tilespmem:s19+$0xFFFFFFE0];
	v17 =	vmin.u32 v2, $0x10000;
	v3 =	vadd.s32 $0xFFFF0000, v4;
	[tilespmem:v7+s1+$0x0] =	vst.idx.msk $0xffff, v1  }
.Ltmp35:
0x55f: {  	v2 =	vld [tilespmem:s19+$0xFFFFFFF0];
	v5 =	vmin.u32 v3, $0x10000;
	v4 =	vadd.s32 $0xFFFF0000, v8;
	[tilespmem:v9+s1+$0x0] =	vst.idx.msk $0xffff, v1;
	(pc) =	sbr.rel @p0 .LBB2_72-.Ltmp35, $4  }
0x560: {  	v3 =	vld [tilespmem:s19+$0x0];
	v7 =	vadd.s32 $0xFFFF0000, v10;
	[tilespmem:v11+s1+$0x0] =	vst.idx.msk $0xffff, v1;
	v6 =	vmin.u32 v4, $0x10000  }
0x561: {  	v4 =	vld [tilespmem:s19+$0x10];
	v9 =	vadd.s32 $0xFFFF0000, v13;
	v7 =	vmin.u32 v7, $0x10000;
	[tilespmem:v12+s1+$0x0] =	vst.idx.msk $0xffff, v1  }
0x562: {  	v11 =	vadd.s32 $0xFFFF0000, v14;
	v8 =	vld [tilespmem:s19+$0x20];
	v9 =	vmin.u32 v9, $0x10000;
	[tilespmem:v15+s1+$0x0] =	vst.idx.msk $0xffff, v1  }
0x563: {  	v10 =	vld [tilespmem:s19+$0xFFFFFFC0];
	v11 =	vmin.u32 v11, $0x10000;
	v12 =	vadd.s32 $0xFFFF0000, v16;
	s19 =	sadd.s32 $0x80, s19;
	[tilespmem:v17+s1+$0x0] =	vst.idx.msk $0xffff, v1  }
0x564: {  	_ =	sdelay $0x3  }
0x565: {  	v12 =	vmin.u32 v12, $0x10000;
	v2 =	vadd.s32 $0xFFFF0000, v2;
	[tilespmem:v5+s1+$0x0] =	vst.idx.msk $0xffff, v1  }
0x566: {  	[tilespmem:v6+s1+$0x0] =	vst.idx.msk $0xffff, v1;
	v2 =	vmin.u32 v2, $0x10000;
	v3 =	vadd.s32 $0xFFFF0000, v3  }
0x567: {  	[tilespmem:v7+s1+$0x0] =	vst.idx.msk $0xffff, v1;
	v3 =	vmin.u32 v3, $0x10000;
	v4 =	vadd.s32 $0xFFFF0000, v4  }
0x568: {  	[tilespmem:v9+s1+$0x0] =	vst.idx.msk $0xffff, v1;
	v4 =	vmin.u32 v4, $0x10000;
	v62 =	vadd.s32 $0xFFFF0000, v8  }
0x569: {  	[tilespmem:v11+s1+$0x0] =	vst.idx.msk $0xffff, v1;
	v63 =	vadd.s32 $0xFFFF0000, v10;
	v5 =	vmin.u32 v62, $0x10000  }
0x56a: {  	v6 =	vmin.u32 v63, $0x10000;
	[tilespmem:v12+s1+$0x0] =	vst.idx.msk $0xffff, v1  }
0x56b: {  	[tilespmem:v2+s1+$0x0] =	vst.idx.msk $0xffff, v1  }
0x56c: {  	[tilespmem:v3+s1+$0x0] =	vst.idx.msk $0xffff, v1  }
0x56d: {  	s17 =	sadd.s32 $0x1, s17;
	[tilespmem:v4+s1+$0x0] =	vst.idx.msk $0xffff, v1  }
0x56e: {  	p0 =	sne.s32 s17, s26;
	[tilespmem:v5+s1+$0x0] =	vst.idx.msk $0xffff, v1  }
.Ltmp36:
0x56f: {  	[tilespmem:v6+s1+$0x0] =	vst.idx.msk $0xffff, v1;
	(pc) =	sbr.rel @p0 .LBB2_1-.Ltmp36, $4  }
0x570: {  	[hbm4b:s31+s8] =	stream.strided.scatter [tilespmem:s1], [sflag:$0x3], $0x10000, s10, s8, $0x38;
	[tilespmem:$0x18080] =	vst v63  }
0x571: {  	_ =	swait.ge [sflag:s16], $0x10000  }
0x572: {  	[sflag:s16] =	ssyncset.done $0x0  }
0x573: {  	[sflag:s16] =	ssyncadd.s32 $0xFFFF0000  }
0x574: {  	_ =	sfence.sel $0x180000  }
0x575: {  	[bflag:$0x0] =	sbarrier.arrive $0xFFFF  }
0x576: {  	_ =	strace $0x90000047  }
0x577: {  	s0 =	stileid.u32;
	[bflag:$0x2] =	sbarrier.arrive $0xFFFF  }
0x578: {  	p0 =	sne.s32 s0, $0x0;
	s0 =	rddreg [dreg:$0x2]  }
0x579: {  	s0 =	sadd.s32 @!p0 $0x100000, s0  }
0x57a: {  	[sflag:s0] =	ssyncadd.tile.s32 @!p0 $0x1;
	_ =	shalt  }
.Lfunc_end2:
_tile_overlayer_lowered:
.L_overlay_start_2:
0x57b: {  	(tag) =	ssettag $0x2  }
0x57c: {  	s0 =	rddreg [dreg:$0x0];
	s2 =	stileid.u32  }
0x57d: {  	s1 =	rddreg [dreg:$0x1];
	p0 =	sne.s32 s2, $0x0  }
0x57e: {  	s3 =	rddreg [dreg:$0x2];
	[bflag:$0x3] =	sbarrier.arrive $0xFFFF;
	s2 =	simm.s32 @!p0 $0x1C03  }
0x57f: {  	[timem:s3], [sflag:s2] =	dma.local @!p0 [hbm:s0], s1  }
0x580: {  	s0 =	simm.s32 @!p0 $0x3  }
0x581: {  	_ =	swait.ge @!p0 [sflag:s0], s1  }
0x582: {  	s1 =	ssub.s32 @!p0 $0x0, s1;
	[sflag:s0] =	ssyncset.done @!p0 $0x0  }
0x583: {  	[sflag:s0] =	ssyncadd.s32 @!p0 s1  }
0x584: {  	[bflag:$0x3] =	sbarrier.arrive $0xFFFF  }
0x585: {  	_ =	shalt  }

</sc_bundles>
